<compile_context>
chip_gen: v7x
topology: tpu7x:2x2x1
jax: 0.10.2.dev20260603
libtpu: 0.0.44.dev20260713+nightly
codegen_flags: <defaults>
</compile_context>

<pallas_src>
import jax
import jax.numpy as jnp
from jax import lax
from jax.experimental import pallas as pl
from jax.experimental.pallas import tpu as pltpu
from jax.experimental.pallas import tpu_sc as plsc

N = 10000
E = 320000
D_LAT = 128
D_EDGE = 16
D_HID = 128
D_OUT = 64

NC = 2
NS = 16
NW = NC * NS
L = 16

CHUNK = 128
HCH = CHUNK // 2
NCH = E // CHUNK
ITERS = (NCH + NW - 1) // NW
ITERS2 = (NCH + NS - 1) // NS
N_PAD = 10240
NHALF = N_PAD // 2
TROWS_T = NHALF // NS
ROWS_PER_TILE = N_PAD // NS
ZROWS = CHUNK


def _pre_body(hn_ref, wa_ref, wb_ref, b1_ref, t_ref):
    h = hn_ref[...]
    p1 = jnp.dot(h, wa_ref[...], preferred_element_type=jnp.float32) + b1_ref[...]
    p2 = jnp.dot(h, wb_ref[...], preferred_element_type=jnp.float32)
    u1 = jax.lax.bitcast_convert_type(p1, jnp.uint32)
    u2 = jax.lax.bitcast_convert_type(p2, jnp.uint32)
    r1 = (u1 + jnp.uint32(0x8000)) >> 16
    r2 = (u2 + jnp.uint32(0x8000)) & jnp.uint32(0xFFFF0000)
    t_ref[...] = jax.lax.bitcast_convert_type(r1 | r2, jnp.float32)


def _precompute(hn, we1a, we1b, be1):
    blk = 1000
    return pl.pallas_call(
        _pre_body,
        grid=(N // blk,),
        in_specs=[
            pl.BlockSpec((blk, D_LAT), lambda i: (i, 0)),
            pl.BlockSpec((D_LAT, D_HID), lambda i: (0, 0)),
            pl.BlockSpec((D_LAT, D_HID), lambda i: (0, 0)),
            pl.BlockSpec((1, D_HID), lambda i: (0, 0)),
        ],
        out_specs=pl.BlockSpec((blk, D_HID), lambda i: (i, 0)),
        out_shape=jax.ShapeDtypeStruct((N, D_HID), jnp.float32),
    )(hn, we1a, we1b, be1)


def _make_gather_body(c0, c1):
    iters = (c1 - c0 + NW - 1) // NW

    def _gather_body(src_hbm, dst_hbm, t_hbm, g_hbm,
                     i1a, i2a, b1a, b2a, bga, sga,
                     i1b, i2b, b1b, b2b, bgb, sgb):
        cid = lax.axis_index("c")
        sid = lax.axis_index("s")
        w = sid * NC + cid

        slots = ((i1a, i2a, b1a, b2a, bga, sga), (i1b, i2b, b1b, b2b, bgb, sgb))

        def start(i, slot):
            i1, i2, b1, b2, bg, sg = slot
            c = c0 + i * NW + w

            @pl.when(c < c1)
            def _():
                base = c * CHUNK
                pltpu.sync_copy(src_hbm.at[pl.ds(base, CHUNK)], i1)
                pltpu.sync_copy(dst_hbm.at[pl.ds(base, CHUNK)], i2)
                pltpu.async_copy(t_hbm.at[i1], b1, sg)
                pltpu.async_copy(t_hbm.at[i2], b2, sg)

        def finish(i, slot):
            i1, i2, b1, b2, bg, sg = slot
            c = c0 + i * NW + w

            @pl.when(c < c1)
            def _():
                pltpu.make_async_copy(t_hbm.at[i1], b1, sg).wait()
                pltpu.make_async_copy(t_hbm.at[i2], b2, sg).wait()

                M = jnp.uint32(0xFFFF0000)
                R = jnp.uint32(0x8000)

                def colsum(w1, w2):
                    u1 = jax.lax.bitcast_convert_type(w1, jnp.uint32)
                    u2 = jax.lax.bitcast_convert_type(w2, jnp.uint32)
                    return (jax.lax.bitcast_convert_type(u1 << 16, jnp.float32)
                            + jax.lax.bitcast_convert_type(u2 & M, jnp.float32))

                def pairrow(t, rcarry):
                    rb = t + HCH
                    for j in range(D_HID // L):
                        cs = pl.ds(j * L, L)
                        a = colsum(b1[t, cs], b2[t, cs])
                        b = colsum(b1[rb, cs], b2[rb, cs])
                        ua = (jax.lax.bitcast_convert_type(a, jnp.uint32) + R) >> 16
                        ub = (jax.lax.bitcast_convert_type(b, jnp.uint32) + R) & M
                        bg[t, cs] = jax.lax.bitcast_convert_type(ua | ub, jnp.float32)
                    return rcarry

                lax.fori_loop(0, HCH, pairrow, 0)
                pltpu.sync_copy(bg, g_hbm.at[pl.ds((c - c0) * HCH, HCH)])

        for b in range(2):
            start(b, slots[b])

        def pair(p, carry):
            for b in range(2):
                i = p * 2 + b
                finish(i, slots[b])
                start(i + 2, slots[b])
            return carry

        lax.fori_loop(0, (iters + 1) // 2, pair, 0)

    return _gather_body


def _gather(src, dst, tpk, c0, c1):
    slot = [
        pltpu.VMEM((CHUNK,), jnp.int32),
        pltpu.VMEM((CHUNK,), jnp.int32),
        pltpu.VMEM((CHUNK, D_HID), jnp.float32),
        pltpu.VMEM((CHUNK, D_HID), jnp.float32),
        pltpu.VMEM((HCH, D_HID), jnp.float32),
        pltpu.SemaphoreType.DMA,
    ]
    fn = pl.kernel(
        _make_gather_body(c0, c1),
        out_type=jax.ShapeDtypeStruct(((c1 - c0) * HCH, D_HID), jnp.float32),
        mesh=plsc.VectorSubcoreMesh(
            core_axis_name="c", subcore_axis_name="s",
            num_cores=NC, num_subcores=NS),
        scratch_types=slot + slot,
    )
    return fn(src, dst, tpk)


KPB = 20
BLK_E = KPB * CHUNK
BLK_G = KPB * HCH


def _unpack(g):
    u = jax.lax.bitcast_convert_type(g, jnp.uint32)
    lo = jax.lax.bitcast_convert_type(u << 16, jnp.float32)
    hi = jax.lax.bitcast_convert_type(u & jnp.uint32(0xFFFF0000), jnp.float32)
    return lo, hi


def _edge_body(g_ref, he_ref, wc_ref, w2_ref, b2_ref, out_ref):
    lo, hi = _unpack(g_ref[...])
    he_blk = he_ref[...]
    hea = jnp.concatenate(
        [he_blk[CHUNK * k:CHUNK * k + HCH] for k in range(KPB)], axis=0)
    heb = jnp.concatenate(
        [he_blk[CHUNK * k + HCH:CHUNK * (k + 1)] for k in range(KPB)], axis=0)
    xa = lo + jnp.dot(hea, wc_ref[...], preferred_element_type=jnp.float32)
    xb = hi + jnp.dot(heb, wc_ref[...], preferred_element_type=jnp.float32)
    sa = xa * jax.nn.sigmoid(xa)
    sb = xb * jax.nn.sigmoid(xb)
    oa = jnp.dot(sa, w2_ref[...], preferred_element_type=jnp.float32) + b2_ref[...]
    ob = jnp.dot(sb, w2_ref[...], preferred_element_type=jnp.float32) + b2_ref[...]
    for k in range(KPB):
        out_ref[pl.ds(CHUNK * k, HCH), :] = oa[HCH * k:HCH * (k + 1)]
        out_ref[pl.ds(CHUNK * k + HCH, HCH), :] = ob[HCH * k:HCH * (k + 1)]


def _edge_body_p1(g_ref, he_ref, wc_ref, w2_ref, b2_ref, prev_ref, out_ref):
    _edge_body(g_ref, he_ref, wc_ref, w2_ref, b2_ref, out_ref)


def _edge_mlp(g, he, we1c, we2, be2, part, prev=None):
    nb = E // BLK_E // 2
    off = part * nb
    in_specs = [
        pl.BlockSpec((BLK_G, D_HID), lambda i: (i, 0)),
        pl.BlockSpec((BLK_E, D_EDGE), lambda i: (i + off, 0)),
        pl.BlockSpec((D_EDGE, D_HID), lambda i: (0, 0)),
        pl.BlockSpec((D_HID, D_HID), lambda i: (0, 0)),
        pl.BlockSpec((1, D_HID), lambda i: (0, 0)),
    ]
    args = (g, he, we1c, we2, be2)
    body = _edge_body
    aliases = {}
    if part == 1:
        in_specs.append(pl.BlockSpec(memory_space=pltpu.MemorySpace.HBM))
        args = args + (prev,)
        body = _edge_body_p1
        aliases = {5: 0}
    return pl.pallas_call(
        body,
        grid=(nb,),
        in_specs=in_specs,
        out_specs=pl.BlockSpec((BLK_E, D_HID), lambda i: (i + off, 0)),
        out_shape=jax.ShapeDtypeStruct((E, D_HID), jnp.float32),
        input_output_aliases=aliases,
    )(*args)


def _scatter_body(dst_hbm, hen_hbm, agg_hbm,
                  ia, bufa, sa, ib, bufb, sb, agg_sh):
    cid = lax.axis_index("c")
    sid = lax.axis_index("s")
    w = sid * NC + cid
    slots = ((ia, bufa, sa), (ib, bufb, sb))

    zeros = jnp.zeros((L,), jnp.float32)

    def zrow(r, carry):
        for j in range(D_HID // L):
            bufa[r, pl.ds(j * L, L)] = zeros
        return carry

    lax.fori_loop(0, ZROWS, zrow, 0)
    for k in range(ROWS_PER_TILE // ZROWS):
        pltpu.sync_copy(bufa, agg_sh.at[pl.ds(sid * ROWS_PER_TILE + k * ZROWS, ZROWS)])
    plsc.subcore_barrier()

    def start(i, slot):
        idxv, buf, sem = slot
        c = i * NW + w

        @pl.when(c < NCH)
        def _():
            base = c * CHUNK
            pltpu.sync_copy(dst_hbm.at[pl.ds(base, CHUNK)], idxv)
            pltpu.async_copy(hen_hbm.at[pl.ds(base, CHUNK)], buf, sem)

    def finish(i, slot):
        idxv, buf, sem = slot
        c = i * NW + w

        @pl.when(c < NCH)
        def _():
            base = c * CHUNK
            pltpu.make_async_copy(hen_hbm.at[pl.ds(base, CHUNK)], buf, sem).wait()
            pltpu.sync_copy(buf, agg_sh.at[idxv], add=True)

    for b in range(2):
        start(b, slots[b])

    def pair(p, carry):
        for b in range(2):
            i = p * 2 + b
            finish(i, slots[b])
            start(i + 2, slots[b])
        return carry

    lax.fori_loop(0, (ITERS + 1) // 2, pair, 0)
    plsc.subcore_barrier()

    for k in range(ROWS_PER_TILE // ZROWS):
        r0 = sid * ROWS_PER_TILE + k * ZROWS
        pltpu.sync_copy(agg_sh.at[pl.ds(r0, ZROWS)], agg_hbm.at[cid, pl.ds(r0, ZROWS)])


def _scatter(dst, he_new):
    slot = [
        pltpu.VMEM((CHUNK,), jnp.int32),
        pltpu.VMEM((CHUNK, D_HID), jnp.float32),
        pltpu.SemaphoreType.DMA,
    ]
    fn = pl.kernel(
        _scatter_body,
        out_type=jax.ShapeDtypeStruct((NC, N_PAD, D_HID), jnp.float32),
        mesh=plsc.VectorSubcoreMesh(
            core_axis_name="c", subcore_axis_name="s",
            num_cores=NC, num_subcores=NS),
        scratch_types=slot + slot + [pltpu.VMEM_SHARED((N_PAD, D_HID), jnp.float32)],
    )
    return fn(dst, he_new)


def _node_body(hn_ref, a0_ref, a1_ref, wn1a_ref, wn1b_ref, bn1_ref,
               wn2_ref, bn2_ref, wp_ref, bp_ref, out_ref):
    agg = a0_ref[...] + a1_ref[...]
    u = (jnp.dot(hn_ref[...], wn1a_ref[...], preferred_element_type=jnp.float32)
         + jnp.dot(agg, wn1b_ref[...], preferred_element_type=jnp.float32)
         + bn1_ref[...])
    u = u * jax.nn.sigmoid(u)
    v = jnp.dot(u, wn2_ref[...], preferred_element_type=jnp.float32) + bn2_ref[...]
    out_ref[...] = jnp.dot(v, wp_ref[...], preferred_element_type=jnp.float32) + bp_ref[...]


def _node_mlp(hn, a0, a1, wn1a, wn1b, bn1, wn2, bn2, wp, bp):
    blk = 1000
    return pl.pallas_call(
        _node_body,
        grid=(N // blk,),
        in_specs=[
            pl.BlockSpec((blk, D_LAT), lambda i: (i, 0)),
            pl.BlockSpec((blk, D_HID), lambda i: (i, 0)),
            pl.BlockSpec((blk, D_HID), lambda i: (i, 0)),
            pl.BlockSpec((D_LAT, D_HID), lambda i: (0, 0)),
            pl.BlockSpec((D_HID, D_HID), lambda i: (0, 0)),
            pl.BlockSpec((1, D_HID), lambda i: (0, 0)),
            pl.BlockSpec((D_HID, D_HID), lambda i: (0, 0)),
            pl.BlockSpec((1, D_HID), lambda i: (0, 0)),
            pl.BlockSpec((D_HID, D_OUT), lambda i: (0, 0)),
            pl.BlockSpec((1, D_OUT), lambda i: (0, 0)),
        ],
        out_specs=pl.BlockSpec((blk, D_OUT), lambda i: (i, 0)),
        out_shape=jax.ShapeDtypeStruct((N, D_OUT), jnp.float32),
    )(hn, a0, a1, wn1a, wn1b, bn1, wn2, bn2, wp, bp)


def kernel(hn, he, edge_index, We1, be1, We2, be2, Wn1, bn1, Wn2, bn2, Wp, bp):
    src = edge_index[0]
    dst = edge_index[1]
    we1a = We1[:D_LAT]
    we1b = We1[D_LAT:2 * D_LAT]
    we1c = We1[2 * D_LAT:]

    tpk = _precompute(hn, we1a, we1b, be1.reshape(1, -1))
    g1 = _gather(src, dst, tpk, 0, NCH // 2)
    g2 = _gather(src, dst, tpk, NCH // 2, NCH)
    b2r = be2.reshape(1, -1)
    h1 = _edge_mlp(g1, he, we1c, We2, b2r, 0)
    he_new = _edge_mlp(g2, he, we1c, We2, b2r, 1, prev=h1)
    aggs = _scatter(dst, he_new)
    hn_out = _node_mlp(hn, aggs[0], aggs[1],
                       Wn1[:D_LAT], Wn1[D_LAT:], bn1.reshape(1, -1),
                       Wn2, bn2.reshape(1, -1), Wp, bp.reshape(1, -1))
    return hn_out, he_new

# --- scband reference (transcript-rebuilt; emitter-appended) ---
"""Pipeline reference for scband-decoder-29901562314955 (READ-ONLY COPY).

The authoritative reference and input builder live on the scoring server;
editing this copy changes nothing except your own understanding.
"""

import jax, jax.numpy as jnp
import numpy as np

N = 10000
E = 320000
D_LAT = 128
D_EDGE = 16
D_HID = 128
D_OUT = 64


def setup_inputs(seed: int = 0) -> dict:
    key = jax.random.key(seed)
    ks = jax.random.split(key, 12)
    hn = jax.random.normal(ks[0], (N, D_LAT), dtype=jnp.float32)
    he = jax.random.normal(ks[1], (E, D_EDGE), dtype=jnp.float32)
    edge_index = jax.random.randint(ks[2], (2, E), 0, N, dtype=jnp.int32)
    # nEq_NLMP parameters: edge MLP (2 layers) + node MLP (2 layers)
    We1 = jax.random.normal(ks[3], (2 * D_LAT + D_EDGE, D_HID), dtype=jnp.float32) * 0.05
    be1 = jnp.zeros((D_HID,), dtype=jnp.float32)
    We2 = jax.random.normal(ks[4], (D_HID, D_HID), dtype=jnp.float32) * 0.05
    be2 = jnp.zeros((D_HID,), dtype=jnp.float32)
    Wn1 = jax.random.normal(ks[5], (D_LAT + D_HID, D_HID), dtype=jnp.float32) * 0.05
    bn1 = jnp.zeros((D_HID,), dtype=jnp.float32)
    Wn2 = jax.random.normal(ks[6], (D_HID, D_HID), dtype=jnp.float32) * 0.05
    bn2 = jnp.zeros((D_HID,), dtype=jnp.float32)
    # node_proj: Linear(irreps_hidden.dim -> irreps_out.dim)
    Wp = jax.random.normal(ks[7], (D_HID, D_OUT), dtype=jnp.float32) * 0.05
    bp = jnp.zeros((D_OUT,), dtype=jnp.float32)
    return {
        "hn": hn, "he": he, "edge_index": edge_index,
        "We1": We1, "be1": be1, "We2": We2, "be2": be2,
        "Wn1": Wn1, "bn1": bn1, "Wn2": Wn2, "bn2": bn2,
        "Wp": Wp, "bp": bp,
    }


def reference(hn, he, edge_index, We1, be1, We2, be2, Wn1, bn1, Wn2, bn2, Wp, bp):
    # nEq_NLMP (non-equivariant nonlinear message passing):
    # 1) edge update: m_e = MLP_e([hn_src, hn_dst, he])
    src = edge_index[0]
    dst = edge_index[1]
    m = jnp.concatenate([hn[src], hn[dst], he], axis=-1)  # gather
    m = jax.nn.silu(m @ We1 + be1)
    he_new = m @ We2 + be2  # updated edge features
    # 2) aggregate messages to destination nodes (scatter-add)
    agg = jnp.zeros((hn.shape[0], he_new.shape[1]), dtype=hn.dtype).at[dst].add(he_new)
    # 3) node update: hn' = MLP_n([hn, agg])
    u = jnp.concatenate([hn, agg], axis=-1)
    u = jax.nn.silu(u @ Wn1 + bn1)
    hn_new = u @ Wn2 + bn2
    # 4) Decoder node projection: data.hn = node_proj(data.hn)
    hn_out = hn_new @ Wp + bp
    return hn_out, he_new

if __name__ == "__main__":
    import jax
    _d = setup_inputs()
    print(jax.jit(kernel)(*tuple(_d.values())))

</pallas_src>

<mosaic_0001>
#map = affine_map<(d0, d1) -> (0)>
#map1 = affine_map<(d0, d1) -> (0, 0)>
module attributes {stable_mosaic.version = 14 : i64} {
  func.func @_gather_body(%arg0: i32, %arg1: i32, %arg2: memref<320000xi32, #tpu.memory_space<hbm>>, %arg3: memref<320000xi32, #tpu.memory_space<hbm>>, %arg4: memref<10000x128xf32, #tpu.memory_space<hbm>>, %arg5: memref<80000x128xf32, #tpu.memory_space<hbm>>, %arg6: memref<128xi32, #tpu.memory_space<vmem>>, %arg7: memref<128xi32, #tpu.memory_space<vmem>>, %arg8: memref<128x128xf32, #tpu.memory_space<vmem>>, %arg9: memref<128x128xf32, #tpu.memory_space<vmem>>, %arg10: memref<64x128xf32, #tpu.memory_space<vmem>>, %arg11: memref<!tpu.dma_semaphore, #tpu.memory_space<semaphore_mem>>, %arg12: memref<128xi32, #tpu.memory_space<vmem>>, %arg13: memref<128xi32, #tpu.memory_space<vmem>>, %arg14: memref<128x128xf32, #tpu.memory_space<vmem>>, %arg15: memref<128x128xf32, #tpu.memory_space<vmem>>, %arg16: memref<64x128xf32, #tpu.memory_space<vmem>>, %arg17: memref<!tpu.dma_semaphore, #tpu.memory_space<semaphore_mem>>) attributes {dimension_semantics = [#tpu.dimension_semantics<core_parallel>, #tpu.dimension_semantics<subcore_parallel>], iteration_bounds = array<i64: 2, 16>, scalar_prefetch = 0 : i64, scratch_operands = 12 : i64, tpu.core_type = #tpu.core_type<sc_vector_subcore>, window_params = [{transform_indices = #map}, {transform_indices = #map}, {transform_indices = #map1}, {transform_indices = #map1}]} {
    %mul3A = arith.constant 2 : i32
    %mul3A_0 = arith.muli %arg1, %mul3A : i32
    %add3A = arith.addi %mul3A_0, %arg0 : i32
    %add3A_1 = arith.constant 0 : i32
    %add3A_2 = arith.addi %add3A_1, %add3A : i32
    %lt3A = arith.constant 1250 : i32
    %lt3A_3 = arith.cmpi slt, %add3A_2, %lt3A : i32
    %convert_element_type3A = arith.extui %lt3A_3 : i1 to i32
    %cond3A = arith.constant 0 : i32
    %cond3A_4 = arith.cmpi ne, %convert_element_type3A, %cond3A : i32
    scf.if %cond3A_4 {
      %mul3A_17 = arith.constant 128 : i32
      %mul3A_18 = arith.muli %add3A_2, %mul3A_17 : i32
      "tpu.region"() ({
        %run_scoped3A = tpu.sem_alloc : memref<!tpu.dma_semaphore, #tpu.memory_space<semaphore_mem>>
        %dma_start3A_24 = tpu.memref_slice %arg2[%mul3A_18] : memref<320000xi32, #tpu.memory_space<hbm>> -> memref<128xi32, #tpu.memory_space<hbm>>
        %dma_start3A_25 = tpu.memref_slice %arg2[%mul3A_18] : memref<320000xi32, #tpu.memory_space<hbm>> -> memref<128xi32, #tpu.memory_space<hbm>>
        tpu.enqueue_dma source(%dma_start3A_25 : memref<128xi32, #tpu.memory_space<hbm>>) target(%arg6 : memref<128xi32, #tpu.memory_space<vmem>>) target_semaphore(%run_scoped3A : memref<!tpu.dma_semaphore, #tpu.memory_space<semaphore_mem>>)
        %dma_wait3A = tpu.memref_slice %arg2[%mul3A_18] : memref<320000xi32, #tpu.memory_space<hbm>> -> memref<128xi32, #tpu.memory_space<hbm>>
        %dma_wait3A_26 = tpu.memref_slice %arg2[%mul3A_18] : memref<320000xi32, #tpu.memory_space<hbm>> -> memref<128xi32, #tpu.memory_space<hbm>>
        tpu.wait_dma2 semaphore(%run_scoped3A : memref<!tpu.dma_semaphore, #tpu.memory_space<semaphore_mem>>) src(%dma_wait3A_26 : memref<128xi32, #tpu.memory_space<hbm>>) dst(%arg6 : memref<128xi32, #tpu.memory_space<vmem>>)
        tpu.yield
      }) : () -> ()
      "tpu.region"() ({
        %run_scoped3A = tpu.sem_alloc : memref<!tpu.dma_semaphore, #tpu.memory_space<semaphore_mem>>
        %dma_start3A_24 = tpu.memref_slice %arg3[%mul3A_18] : memref<320000xi32, #tpu.memory_space<hbm>> -> memref<128xi32, #tpu.memory_space<hbm>>
        %dma_start3A_25 = tpu.memref_slice %arg3[%mul3A_18] : memref<320000xi32, #tpu.memory_space<hbm>> -> memref<128xi32, #tpu.memory_space<hbm>>
        tpu.enqueue_dma source(%dma_start3A_25 : memref<128xi32, #tpu.memory_space<hbm>>) target(%arg7 : memref<128xi32, #tpu.memory_space<vmem>>) target_semaphore(%run_scoped3A : memref<!tpu.dma_semaphore, #tpu.memory_space<semaphore_mem>>)
        %dma_wait3A = tpu.memref_slice %arg3[%mul3A_18] : memref<320000xi32, #tpu.memory_space<hbm>> -> memref<128xi32, #tpu.memory_space<hbm>>
        %dma_wait3A_26 = tpu.memref_slice %arg3[%mul3A_18] : memref<320000xi32, #tpu.memory_space<hbm>> -> memref<128xi32, #tpu.memory_space<hbm>>
        tpu.wait_dma2 semaphore(%run_scoped3A : memref<!tpu.dma_semaphore, #tpu.memory_space<semaphore_mem>>) src(%dma_wait3A_26 : memref<128xi32, #tpu.memory_space<hbm>>) dst(%arg7 : memref<128xi32, #tpu.memory_space<vmem>>)
        tpu.yield
      }) : () -> ()
      %dma_start3A = arith.constant 0 : i32
      %dma_start3A_19 = arith.constant 0 : i32
      %dma_start3A_20 = tpu.memref_slice %arg4[%dma_start3A, %dma_start3A_19] : memref<10000x128xf32, #tpu.memory_space<hbm>> -> memref<10000x128xf32, #tpu.memory_space<hbm>>
      tpu.enqueue_indirect_dma source(%dma_start3A_20 : memref<10000x128xf32, #tpu.memory_space<hbm>>) target(%arg8 : memref<128x128xf32, #tpu.memory_space<vmem>>) offsets(%arg6 : memref<128xi32, #tpu.memory_space<vmem>>) semaphore(%arg11 : memref<!tpu.dma_semaphore, #tpu.memory_space<semaphore_mem>>)
      %dma_start3A_21 = arith.constant 0 : i32
      %dma_start3A_22 = arith.constant 0 : i32
      %dma_start3A_23 = tpu.memref_slice %arg4[%dma_start3A_21, %dma_start3A_22] : memref<10000x128xf32, #tpu.memory_space<hbm>> -> memref<10000x128xf32, #tpu.memory_space<hbm>>
      tpu.enqueue_indirect_dma source(%dma_start3A_23 : memref<10000x128xf32, #tpu.memory_space<hbm>>) target(%arg9 : memref<128x128xf32, #tpu.memory_space<vmem>>) offsets(%arg7 : memref<128xi32, #tpu.memory_space<vmem>>) semaphore(%arg11 : memref<!tpu.dma_semaphore, #tpu.memory_space<semaphore_mem>>)
    } else {
    }
    %add3A_5 = arith.constant 32 : i32
    %add3A_6 = arith.addi %add3A_5, %add3A : i32
    %lt3A_7 = arith.constant 1250 : i32
    %lt3A_8 = arith.cmpi slt, %add3A_6, %lt3A_7 : i32
    %convert_element_type3A_9 = arith.extui %lt3A_8 : i1 to i32
    %cond3A_10 = arith.constant 0 : i32
    %cond3A_11 = arith.cmpi ne, %convert_element_type3A_9, %cond3A_10 : i32
    scf.if %cond3A_11 {
      %mul3A_17 = arith.constant 128 : i32
      %mul3A_18 = arith.muli %add3A_6, %mul3A_17 : i32
      "tpu.region"() ({
        %run_scoped3A = tpu.sem_alloc : memref<!tpu.dma_semaphore, #tpu.memory_space<semaphore_mem>>
        %dma_start3A_24 = tpu.memref_slice %arg2[%mul3A_18] : memref<320000xi32, #tpu.memory_space<hbm>> -> memref<128xi32, #tpu.memory_space<hbm>>
        %dma_start3A_25 = tpu.memref_slice %arg2[%mul3A_18] : memref<320000xi32, #tpu.memory_space<hbm>> -> memref<128xi32, #tpu.memory_space<hbm>>
        tpu.enqueue_dma source(%dma_start3A_25 : memref<128xi32, #tpu.memory_space<hbm>>) target(%arg12 : memref<128xi32, #tpu.memory_space<vmem>>) target_semaphore(%run_scoped3A : memref<!tpu.dma_semaphore, #tpu.memory_space<semaphore_mem>>)
        %dma_wait3A = tpu.memref_slice %arg2[%mul3A_18] : memref<320000xi32, #tpu.memory_space<hbm>> -> memref<128xi32, #tpu.memory_space<hbm>>
        %dma_wait3A_26 = tpu.memref_slice %arg2[%mul3A_18] : memref<320000xi32, #tpu.memory_space<hbm>> -> memref<128xi32, #tpu.memory_space<hbm>>
        tpu.wait_dma2 semaphore(%run_scoped3A : memref<!tpu.dma_semaphore, #tpu.memory_space<semaphore_mem>>) src(%dma_wait3A_26 : memref<128xi32, #tpu.memory_space<hbm>>) dst(%arg12 : memref<128xi32, #tpu.memory_space<vmem>>)
        tpu.yield
      }) : () -> ()
      "tpu.region"() ({
        %run_scoped3A = tpu.sem_alloc : memref<!tpu.dma_semaphore, #tpu.memory_space<semaphore_mem>>
        %dma_start3A_24 = tpu.memref_slice %arg3[%mul3A_18] : memref<320000xi32, #tpu.memory_space<hbm>> -> memref<128xi32, #tpu.memory_space<hbm>>
        %dma_start3A_25 = tpu.memref_slice %arg3[%mul3A_18] : memref<320000xi32, #tpu.memory_space<hbm>> -> memref<128xi32, #tpu.memory_space<hbm>>
        tpu.enqueue_dma source(%dma_start3A_25 : memref<128xi32, #tpu.memory_space<hbm>>) target(%arg13 : memref<128xi32, #tpu.memory_space<vmem>>) target_semaphore(%run_scoped3A : memref<!tpu.dma_semaphore, #tpu.memory_space<semaphore_mem>>)
        %dma_wait3A = tpu.memref_slice %arg3[%mul3A_18] : memref<320000xi32, #tpu.memory_space<hbm>> -> memref<128xi32, #tpu.memory_space<hbm>>
        %dma_wait3A_26 = tpu.memref_slice %arg3[%mul3A_18] : memref<320000xi32, #tpu.memory_space<hbm>> -> memref<128xi32, #tpu.memory_space<hbm>>
        tpu.wait_dma2 semaphore(%run_scoped3A : memref<!tpu.dma_semaphore, #tpu.memory_space<semaphore_mem>>) src(%dma_wait3A_26 : memref<128xi32, #tpu.memory_space<hbm>>) dst(%arg13 : memref<128xi32, #tpu.memory_space<vmem>>)
        tpu.yield
      }) : () -> ()
      %dma_start3A = arith.constant 0 : i32
      %dma_start3A_19 = arith.constant 0 : i32
      %dma_start3A_20 = tpu.memref_slice %arg4[%dma_start3A, %dma_start3A_19] : memref<10000x128xf32, #tpu.memory_space<hbm>> -> memref<10000x128xf32, #tpu.memory_space<hbm>>
      tpu.enqueue_indirect_dma source(%dma_start3A_20 : memref<10000x128xf32, #tpu.memory_space<hbm>>) target(%arg14 : memref<128x128xf32, #tpu.memory_space<vmem>>) offsets(%arg12 : memref<128xi32, #tpu.memory_space<vmem>>) semaphore(%arg17 : memref<!tpu.dma_semaphore, #tpu.memory_space<semaphore_mem>>)
      %dma_start3A_21 = arith.constant 0 : i32
      %dma_start3A_22 = arith.constant 0 : i32
      %dma_start3A_23 = tpu.memref_slice %arg4[%dma_start3A_21, %dma_start3A_22] : memref<10000x128xf32, #tpu.memory_space<hbm>> -> memref<10000x128xf32, #tpu.memory_space<hbm>>
      tpu.enqueue_indirect_dma source(%dma_start3A_23 : memref<10000x128xf32, #tpu.memory_space<hbm>>) target(%arg15 : memref<128x128xf32, #tpu.memory_space<vmem>>) offsets(%arg13 : memref<128xi32, #tpu.memory_space<vmem>>) semaphore(%arg17 : memref<!tpu.dma_semaphore, #tpu.memory_space<semaphore_mem>>)
    } else {
    }
    %scan3A = arith.constant 0 : i32
    %scan3A_12 = arith.constant 0 : i32
    %scan3A_13 = arith.constant 20 : i32
    %scan3A_14 = arith.addi %scan3A_12, %scan3A_13 : i32
    %scan3A_15 = arith.constant 1 : i32
    scf.for %scan3A_17 = %scan3A_12 to %scan3A_14 step %scan3A_15  : i32 {
      %mul3A_18 = arith.constant 2 : i32
      %mul3A_19 = arith.muli %scan3A_17, %mul3A_18 : i32
      %add3A_20 = arith.constant 0 : i32
      %add3A_21 = arith.addi %mul3A_19, %add3A_20 : i32
      %mul3A_22 = arith.constant 32 : i32
      %mul3A_23 = arith.muli %add3A_21, %mul3A_22 : i32
      %add3A_24 = arith.constant 0 : i32
      %add3A_25 = arith.addi %add3A_24, %mul3A_23 : i32
      %add3A_26 = arith.addi %add3A_25, %add3A : i32
      %lt3A_27 = arith.constant 1250 : i32
      %lt3A_28 = arith.cmpi slt, %add3A_26, %lt3A_27 : i32
      %convert_element_type3A_29 = arith.extui %lt3A_28 : i1 to i32
      %cond3A_30 = arith.constant 0 : i32
      %cond3A_31 = arith.cmpi ne, %convert_element_type3A_29, %cond3A_30 : i32
      scf.if %cond3A_31 {
        %dma_wait3A = arith.constant 0 : i32
        %dma_wait3A_70 = arith.constant 0 : i32
        %dma_wait3A_71 = tpu.memref_slice %arg4[%dma_wait3A, %dma_wait3A_70] : memref<10000x128xf32, #tpu.memory_space<hbm>> -> memref<10000x128xf32, #tpu.memory_space<hbm>>
        tpu.wait_indirect_dma semaphore(%arg11 : memref<!tpu.dma_semaphore, #tpu.memory_space<semaphore_mem>>) src(%dma_wait3A_71 : memref<10000x128xf32, #tpu.memory_space<hbm>>) dst(%arg8 : memref<128x128xf32, #tpu.memory_space<vmem>>)
        %dma_wait3A_72 = arith.constant 0 : i32
        %dma_wait3A_73 = arith.constant 0 : i32
        %dma_wait3A_74 = tpu.memref_slice %arg4[%dma_wait3A_72, %dma_wait3A_73] : memref<10000x128xf32, #tpu.memory_space<hbm>> -> memref<10000x128xf32, #tpu.memory_space<hbm>>
        tpu.wait_indirect_dma semaphore(%arg11 : memref<!tpu.dma_semaphore, #tpu.memory_space<semaphore_mem>>) src(%dma_wait3A_74 : memref<10000x128xf32, #tpu.memory_space<hbm>>) dst(%arg9 : memref<128x128xf32, #tpu.memory_space<vmem>>)
        %scan3A_75 = arith.constant 0 : i32
        %scan3A_76 = arith.constant -65536 : i32
        %scan3A_77 = arith.constant 32768 : i32
        %scan3A_78 = arith.constant 0 : i32
        %scan3A_79 = arith.constant 64 : i32
        %scan3A_80 = arith.addi %scan3A_78, %scan3A_79 : i32
        %scan3A_81 = arith.constant 1 : i32
        scf.for %scan3A_86 = %scan3A_78 to %scan3A_80 step %scan3A_81  : i32 {
          %add3A_87 = arith.constant 64 : i32
          %add3A_88 = arith.addi %scan3A_86, %add3A_87 : i32
          %get3A = arith.index_cast %scan3A_86 : i32 to index
          %get3A_89 = arith.constant 0 : index
          %get3A_90 = tpu.vector_load %arg8[%get3A, %get3A_89] {strides = array<i32>} : memref<128x128xf32, #tpu.memory_space<vmem>>, vector<1x16xf32>,
          %get3A_91 = vector.shape_cast %get3A_90 : vector<1x16xf32> to vector<16xf32>
          %get3A_92 = arith.index_cast %scan3A_86 : i32 to index
          %get3A_93 = arith.constant 0 : index
          %get3A_94 = tpu.vector_load %arg9[%get3A_92, %get3A_93] {strides = array<i32>} : memref<128x128xf32, #tpu.memory_space<vmem>>, vector<1x16xf32>,
          %get3A_95 = vector.shape_cast %get3A_94 : vector<1x16xf32> to vector<16xf32>
          %bitcast_convert_type3A = tpu.bitcast %get3A_91 : vector<16xf32> -> vector<16xi32>
          %bitcast_convert_type3A_96 = tpu.bitcast %get3A_95 : vector<16xf32> -> vector<16xi32>
          %shift_left3A = arith.constant 16 : i32
          %shift_left3A_97 = vector.broadcast %shift_left3A : i32 to vector<16xi32>
          %shift_left3A_98 = arith.shli %bitcast_convert_type3A, %shift_left3A_97 : vector<16xi32>
          %bitcast_convert_type3A_99 = tpu.bitcast %shift_left3A_98 : vector<16xi32> -> vector<16xf32>
          %and3A = vector.broadcast %scan3A_76 : i32 to vector<16xi32>
          %and3A_100 = arith.andi %bitcast_convert_type3A_96, %and3A : vector<16xi32>
          %bitcast_convert_type3A_101 = tpu.bitcast %and3A_100 : vector<16xi32> -> vector<16xf32>
          %add3A_102 = arith.addf %bitcast_convert_type3A_99, %bitcast_convert_type3A_101 : vector<16xf32>
          %get3A_103 = arith.index_cast %add3A_88 : i32 to index
          %get3A_104 = arith.constant 0 : index
          %get3A_105 = tpu.vector_load %arg8[%get3A_103, %get3A_104] {strides = array<i32>} : memref<128x128xf32, #tpu.memory_space<vmem>>, vector<1x16xf32>,
          %get3A_106 = vector.shape_cast %get3A_105 : vector<1x16xf32> to vector<16xf32>
          %get3A_107 = arith.index_cast %add3A_88 : i32 to index
          %get3A_108 = arith.constant 0 : index
          %get3A_109 = tpu.vector_load %arg9[%get3A_107, %get3A_108] {strides = array<i32>} : memref<128x128xf32, #tpu.memory_space<vmem>>, vector<1x16xf32>,
          %get3A_110 = vector.shape_cast %get3A_109 : vector<1x16xf32> to vector<16xf32>
          %bitcast_convert_type3A_111 = tpu.bitcast %get3A_106 : vector<16xf32> -> vector<16xi32>
          %bitcast_convert_type3A_112 = tpu.bitcast %get3A_110 : vector<16xf32> -> vector<16xi32>
          %shift_left3A_113 = arith.constant 16 : i32
          %shift_left3A_114 = vector.broadcast %shift_left3A_113 : i32 to vector<16xi32>
          %shift_left3A_115 = arith.shli %bitcast_convert_type3A_111, %shift_left3A_114 : vector<16xi32>
          %bitcast_convert_type3A_116 = tpu.bitcast %shift_left3A_115 : vector<16xi32> -> vector<16xf32>
          %and3A_117 = vector.broadcast %scan3A_76 : i32 to vector<16xi32>
          %and3A_118 = arith.andi %bitcast_convert_type3A_112, %and3A_117 : vector<16xi32>
          %bitcast_convert_type3A_119 = tpu.bitcast %and3A_118 : vector<16xi32> -> vector<16xf32>
          %add3A_120 = arith.addf %bitcast_convert_type3A_116, %bitcast_convert_type3A_119 : vector<16xf32>
          %bitcast_convert_type3A_121 = tpu.bitcast %add3A_102 : vector<16xf32> -> vector<16xi32>
          %add3A_122 = vector.broadcast %scan3A_77 : i32 to vector<16xi32>
          %add3A_123 = arith.addi %bitcast_convert_type3A_121, %add3A_122 : vector<16xi32>
          %shift_right_logical3A = arith.constant 16 : i32
          %shift_right_logical3A_124 = vector.broadcast %shift_right_logical3A : i32 to vector<16xi32>
          %shift_right_logical3A_125 = arith.shrui %add3A_123, %shift_right_logical3A_124 : vector<16xi32>
          %bitcast_convert_type3A_126 = tpu.bitcast %add3A_120 : vector<16xf32> -> vector<16xi32>
          %add3A_127 = vector.broadcast %scan3A_77 : i32 to vector<16xi32>
          %add3A_128 = arith.addi %bitcast_convert_type3A_126, %add3A_127 : vector<16xi32>
          %and3A_129 = vector.broadcast %scan3A_76 : i32 to vector<16xi32>
          %and3A_130 = arith.andi %add3A_128, %and3A_129 : vector<16xi32>
          %or3A = arith.ori %shift_right_logical3A_125, %and3A_130 : vector<16xi32>
          %bitcast_convert_type3A_131 = tpu.bitcast %or3A : vector<16xi32> -> vector<16xf32>
          %swap3A = arith.index_cast %scan3A_86 : i32 to index
          %swap3A_132 = arith.constant 0 : index
          %swap3A_133 = tpu.vector_load %arg10[%swap3A, %swap3A_132] {strides = array<i32>} : memref<64x128xf32, #tpu.memory_space<vmem>>, vector<1x16xf32>,
          %swap3A_134 = vector.shape_cast %swap3A_133 : vector<1x16xf32> to vector<16xf32>
          %swap3A_135 = vector.shape_cast %bitcast_convert_type3A_131 : vector<16xf32> to vector<1x16xf32>
          tpu.vector_store %arg10[%swap3A, %swap3A_132], %swap3A_135 {strides = array<i32>} : memref<64x128xf32, #tpu.memory_space<vmem>>, vector<1x16xf32>,
          %get3A_136 = arith.index_cast %scan3A_86 : i32 to index
          %get3A_137 = arith.constant 16 : index
          %get3A_138 = tpu.vector_load %arg8[%get3A_136, %get3A_137] {strides = array<i32>} : memref<128x128xf32, #tpu.memory_space<vmem>>, vector<1x16xf32>,
          %get3A_139 = vector.shape_cast %get3A_138 : vector<1x16xf32> to vector<16xf32>
          %get3A_140 = arith.index_cast %scan3A_86 : i32 to index
          %get3A_141 = arith.constant 16 : index
          %get3A_142 = tpu.vector_load %arg9[%get3A_140, %get3A_141] {strides = array<i32>} : memref<128x128xf32, #tpu.memory_space<vmem>>, vector<1x16xf32>,
          %get3A_143 = vector.shape_cast %get3A_142 : vector<1x16xf32> to vector<16xf32>
          %bitcast_convert_type3A_144 = tpu.bitcast %get3A_139 : vector<16xf32> -> vector<16xi32>
          %bitcast_convert_type3A_145 = tpu.bitcast %get3A_143 : vector<16xf32> -> vector<16xi32>
          %shift_left3A_146 = arith.constant 16 : i32
          %shift_left3A_147 = vector.broadcast %shift_left3A_146 : i32 to vector<16xi32>
          %shift_left3A_148 = arith.shli %bitcast_convert_type3A_144, %shift_left3A_147 : vector<16xi32>
          %bitcast_convert_type3A_149 = tpu.bitcast %shift_left3A_148 : vector<16xi32> -> vector<16xf32>
          %and3A_150 = vector.broadcast %scan3A_76 : i32 to vector<16xi32>
          %and3A_151 = arith.andi %bitcast_convert_type3A_145, %and3A_150 : vector<16xi32>
          %bitcast_convert_type3A_152 = tpu.bitcast %and3A_151 : vector<16xi32> -> vector<16xf32>
          %add3A_153 = arith.addf %bitcast_convert_type3A_149, %bitcast_convert_type3A_152 : vector<16xf32>
          %get3A_154 = arith.index_cast %add3A_88 : i32 to index
          %get3A_155 = arith.constant 16 : index
          %get3A_156 = tpu.vector_load %arg8[%get3A_154, %get3A_155] {strides = array<i32>} : memref<128x128xf32, #tpu.memory_space<vmem>>, vector<1x16xf32>,
          %get3A_157 = vector.shape_cast %get3A_156 : vector<1x16xf32> to vector<16xf32>
          %get3A_158 = arith.index_cast %add3A_88 : i32 to index
          %get3A_159 = arith.constant 16 : index
          %get3A_160 = tpu.vector_load %arg9[%get3A_158, %get3A_159] {strides = array<i32>} : memref<128x128xf32, #tpu.memory_space<vmem>>, vector<1x16xf32>,
          %get3A_161 = vector.shape_cast %get3A_160 : vector<1x16xf32> to vector<16xf32>
          %bitcast_convert_type3A_162 = tpu.bitcast %get3A_157 : vector<16xf32> -> vector<16xi32>
          %bitcast_convert_type3A_163 = tpu.bitcast %get3A_161 : vector<16xf32> -> vector<16xi32>
          %shift_left3A_164 = arith.constant 16 : i32
          %shift_left3A_165 = vector.broadcast %shift_left3A_164 : i32 to vector<16xi32>
          %shift_left3A_166 = arith.shli %bitcast_convert_type3A_162, %shift_left3A_165 : vector<16xi32>
          %bitcast_convert_type3A_167 = tpu.bitcast %shift_left3A_166 : vector<16xi32> -> vector<16xf32>
          %and3A_168 = vector.broadcast %scan3A_76 : i32 to vector<16xi32>
          %and3A_169 = arith.andi %bitcast_convert_type3A_163, %and3A_168 : vector<16xi32>
          %bitcast_convert_type3A_170 = tpu.bitcast %and3A_169 : vector<16xi32> -> vector<16xf32>
          %add3A_171 = arith.addf %bitcast_convert_type3A_167, %bitcast_convert_type3A_170 : vector<16xf32>
          %bitcast_convert_type3A_172 = tpu.bitcast %add3A_153 : vector<16xf32> -> vector<16xi32>
          %add3A_173 = vector.broadcast %scan3A_77 : i32 to vector<16xi32>
          %add3A_174 = arith.addi %bitcast_convert_type3A_172, %add3A_173 : vector<16xi32>
          %shift_right_logical3A_175 = arith.constant 16 : i32
          %shift_right_logical3A_176 = vector.broadcast %shift_right_logical3A_175 : i32 to vector<16xi32>
          %shift_right_logical3A_177 = arith.shrui %add3A_174, %shift_right_logical3A_176 : vector<16xi32>
          %bitcast_convert_type3A_178 = tpu.bitcast %add3A_171 : vector<16xf32> -> vector<16xi32>
          %add3A_179 = vector.broadcast %scan3A_77 : i32 to vector<16xi32>
          %add3A_180 = arith.addi %bitcast_convert_type3A_178, %add3A_179 : vector<16xi32>
          %and3A_181 = vector.broadcast %scan3A_76 : i32 to vector<16xi32>
          %and3A_182 = arith.andi %add3A_180, %and3A_181 : vector<16xi32>
          %or3A_183 = arith.ori %shift_right_logical3A_177, %and3A_182 : vector<16xi32>
          %bitcast_convert_type3A_184 = tpu.bitcast %or3A_183 : vector<16xi32> -> vector<16xf32>
          %swap3A_185 = arith.index_cast %scan3A_86 : i32 to index
          %swap3A_186 = arith.constant 16 : index
          %swap3A_187 = tpu.vector_load %arg10[%swap3A_185, %swap3A_186] {strides = array<i32>} : memref<64x128xf32, #tpu.memory_space<vmem>>, vector<1x16xf32>,
          %swap3A_188 = vector.shape_cast %swap3A_187 : vector<1x16xf32> to vector<16xf32>
          %swap3A_189 = vector.shape_cast %bitcast_convert_type3A_184 : vector<16xf32> to vector<1x16xf32>
          tpu.vector_store %arg10[%swap3A_185, %swap3A_186], %swap3A_189 {strides = array<i32>} : memref<64x128xf32, #tpu.memory_space<vmem>>, vector<1x16xf32>,
          %get3A_190 = arith.index_cast %scan3A_86 : i32 to index
          %get3A_191 = arith.constant 32 : index
          %get3A_192 = tpu.vector_load %arg8[%get3A_190, %get3A_191] {strides = array<i32>} : memref<128x128xf32, #tpu.memory_space<vmem>>, vector<1x16xf32>,
          %get3A_193 = vector.shape_cast %get3A_192 : vector<1x16xf32> to vector<16xf32>
          %get3A_194 = arith.index_cast %scan3A_86 : i32 to index
          %get3A_195 = arith.constant 32 : index
          %get3A_196 = tpu.vector_load %arg9[%get3A_194, %get3A_195] {strides = array<i32>} : memref<128x128xf32, #tpu.memory_space<vmem>>, vector<1x16xf32>,
          %get3A_197 = vector.shape_cast %get3A_196 : vector<1x16xf32> to vector<16xf32>
          %bitcast_convert_type3A_198 = tpu.bitcast %get3A_193 : vector<16xf32> -> vector<16xi32>
          %bitcast_convert_type3A_199 = tpu.bitcast %get3A_197 : vector<16xf32> -> vector<16xi32>
          %shift_left3A_200 = arith.constant 16 : i32
          %shift_left3A_201 = vector.broadcast %shift_left3A_200 : i32 to vector<16xi32>
          %shift_left3A_202 = arith.shli %bitcast_convert_type3A_198, %shift_left3A_201 : vector<16xi32>
          %bitcast_convert_type3A_203 = tpu.bitcast %shift_left3A_202 : vector<16xi32> -> vector<16xf32>
          %and3A_204 = vector.broadcast %scan3A_76 : i32 to vector<16xi32>
          %and3A_205 = arith.andi %bitcast_convert_type3A_199, %and3A_204 : vector<16xi32>
          %bitcast_convert_type3A_206 = tpu.bitcast %and3A_205 : vector<16xi32> -> vector<16xf32>
          %add3A_207 = arith.addf %bitcast_convert_type3A_203, %bitcast_convert_type3A_206 : vector<16xf32>
          %get3A_208 = arith.index_cast %add3A_88 : i32 to index
          %get3A_209 = arith.constant 32 : index
          %get3A_210 = tpu.vector_load %arg8[%get3A_208, %get3A_209] {strides = array<i32>} : memref<128x128xf32, #tpu.memory_space<vmem>>, vector<1x16xf32>,
          %get3A_211 = vector.shape_cast %get3A_210 : vector<1x16xf32> to vector<16xf32>
          %get3A_212 = arith.index_cast %add3A_88 : i32 to index
          %get3A_213 = arith.constant 32 : index
          %get3A_214 = tpu.vector_load %arg9[%get3A_212, %get3A_213] {strides = array<i32>} : memref<128x128xf32, #tpu.memory_space<vmem>>, vector<1x16xf32>,
          %get3A_215 = vector.shape_cast %get3A_214 : vector<1x16xf32> to vector<16xf32>
          %bitcast_convert_type3A_216 = tpu.bitcast %get3A_211 : vector<16xf32> -> vector<16xi32>
          %bitcast_convert_type3A_217 = tpu.bitcast %get3A_215 : vector<16xf32> -> vector<16xi32>
          %shift_left3A_218 = arith.constant 16 : i32
          %shift_left3A_219 = vector.broadcast %shift_left3A_218 : i32 to vector<16xi32>
          %shift_left3A_220 = arith.shli %bitcast_convert_type3A_216, %shift_left3A_219 : vector<16xi32>
          %bitcast_convert_type3A_221 = tpu.bitcast %shift_left3A_220 : vector<16xi32> -> vector<16xf32>
          %and3A_222 = vector.broadcast %scan3A_76 : i32 to vector<16xi32>
          %and3A_223 = arith.andi %bitcast_convert_type3A_217, %and3A_222 : vector<16xi32>
          %bitcast_convert_type3A_224 = tpu.bitcast %and3A_223 : vector<16xi32> -> vector<16xf32>
          %add3A_225 = arith.addf %bitcast_convert_type3A_221, %bitcast_convert_type3A_224 : vector<16xf32>
          %bitcast_convert_type3A_226 = tpu.bitcast %add3A_207 : vector<16xf32> -> vector<16xi32>
          %add3A_227 = vector.broadcast %scan3A_77 : i32 to vector<16xi32>
          %add3A_228 = arith.addi %bitcast_convert_type3A_226, %add3A_227 : vector<16xi32>
          %shift_right_logical3A_229 = arith.constant 16 : i32
          %shift_right_logical3A_230 = vector.broadcast %shift_right_logical3A_229 : i32 to vector<16xi32>
          %shift_right_logical3A_231 = arith.shrui %add3A_228, %shift_right_logical3A_230 : vector<16xi32>
          %bitcast_convert_type3A_232 = tpu.bitcast %add3A_225 : vector<16xf32> -> vector<16xi32>
          %add3A_233 = vector.broadcast %scan3A_77 : i32 to vector<16xi32>
          %add3A_234 = arith.addi %bitcast_convert_type3A_232, %add3A_233 : vector<16xi32>
          %and3A_235 = vector.broadcast %scan3A_76 : i32 to vector<16xi32>
          %and3A_236 = arith.andi %add3A_234, %and3A_235 : vector<16xi32>
          %or3A_237 = arith.ori %shift_right_logical3A_231, %and3A_236 : vector<16xi32>
          %bitcast_convert_type3A_238 = tpu.bitcast %or3A_237 : vector<16xi32> -> vector<16xf32>
          %swap3A_239 = arith.index_cast %scan3A_86 : i32 to index
          %swap3A_240 = arith.constant 32 : index
          %swap3A_241 = tpu.vector_load %arg10[%swap3A_239, %swap3A_240] {strides = array<i32>} : memref<64x128xf32, #tpu.memory_space<vmem>>, vector<1x16xf32>,
          %swap3A_242 = vector.shape_cast %swap3A_241 : vector<1x16xf32> to vector<16xf32>
          %swap3A_243 = vector.shape_cast %bitcast_convert_type3A_238 : vector<16xf32> to vector<1x16xf32>
          tpu.vector_store %arg10[%swap3A_239, %swap3A_240], %swap3A_243 {strides = array<i32>} : memref<64x128xf32, #tpu.memory_space<vmem>>, vector<1x16xf32>,
          %get3A_244 = arith.index_cast %scan3A_86 : i32 to index
          %get3A_245 = arith.constant 48 : index
          %get3A_246 = tpu.vector_load %arg8[%get3A_244, %get3A_245] {strides = array<i32>} : memref<128x128xf32, #tpu.memory_space<vmem>>, vector<1x16xf32>,
          %get3A_247 = vector.shape_cast %get3A_246 : vector<1x16xf32> to vector<16xf32>
          %get3A_248 = arith.index_cast %scan3A_86 : i32 to index
          %get3A_249 = arith.constant 48 : index
          %get3A_250 = tpu.vector_load %arg9[%get3A_248, %get3A_249] {strides = array<i32>} : memref<128x128xf32, #tpu.memory_space<vmem>>, vector<1x16xf32>,
          %get3A_251 = vector.shape_cast %get3A_250 : vector<1x16xf32> to vector<16xf32>
          %bitcast_convert_type3A_252 = tpu.bitcast %get3A_247 : vector<16xf32> -> vector<16xi32>
          %bitcast_convert_type3A_253 = tpu.bitcast %get3A_251 : vector<16xf32> -> vector<16xi32>
          %shift_left3A_254 = arith.constant 16 : i32
          %shift_left3A_255 = vector.broadcast %shift_left3A_254 : i32 to vector<16xi32>
          %shift_left3A_256 = arith.shli %bitcast_convert_type3A_252, %shift_left3A_255 : vector<16xi32>
          %bitcast_convert_type3A_257 = tpu.bitcast %shift_left3A_256 : vector<16xi32> -> vector<16xf32>
          %and3A_258 = vector.broadcast %scan3A_76 : i32 to vector<16xi32>
          %and3A_259 = arith.andi %bitcast_convert_type3A_253, %and3A_258 : vector<16xi32>
          %bitcast_convert_type3A_260 = tpu.bitcast %and3A_259 : vector<16xi32> -> vector<16xf32>
          %add3A_261 = arith.addf %bitcast_convert_type3A_257, %bitcast_convert_type3A_260 : vector<16xf32>
          %get3A_262 = arith.index_cast %add3A_88 : i32 to index
          %get3A_263 = arith.constant 48 : index
          %get3A_264 = tpu.vector_load %arg8[%get3A_262, %get3A_263] {strides = array<i32>} : memref<128x128xf32, #tpu.memory_space<vmem>>, vector<1x16xf32>,
          %get3A_265 = vector.shape_cast %get3A_264 : vector<1x16xf32> to vector<16xf32>
          %get3A_266 = arith.index_cast %add3A_88 : i32 to index
          %get3A_267 = arith.constant 48 : index
          %get3A_268 = tpu.vector_load %arg9[%get3A_266, %get3A_267] {strides = array<i32>} : memref<128x128xf32, #tpu.memory_space<vmem>>, vector<1x16xf32>,
          %get3A_269 = vector.shape_cast %get3A_268 : vector<1x16xf32> to vector<16xf32>
          %bitcast_convert_type3A_270 = tpu.bitcast %get3A_265 : vector<16xf32> -> vector<16xi32>
          %bitcast_convert_type3A_271 = tpu.bitcast %get3A_269 : vector<16xf32> -> vector<16xi32>
          %shift_left3A_272 = arith.constant 16 : i32
          %shift_left3A_273 = vector.broadcast %shift_left3A_272 : i32 to vector<16xi32>
          %shift_left3A_274 = arith.shli %bitcast_convert_type3A_270, %shift_left3A_273 : vector<16xi32>
          %bitcast_convert_type3A_275 = tpu.bitcast %shift_left3A_274 : vector<16xi32> -> vector<16xf32>
          %and3A_276 = vector.broadcast %scan3A_76 : i32 to vector<16xi32>
          %and3A_277 = arith.andi %bitcast_convert_type3A_271, %and3A_276 : vector<16xi32>
          %bitcast_convert_type3A_278 = tpu.bitcast %and3A_277 : vector<16xi32> -> vector<16xf32>
          %add3A_279 = arith.addf %bitcast_convert_type3A_275, %bitcast_convert_type3A_278 : vector<16xf32>
          %bitcast_convert_type3A_280 = tpu.bitcast %add3A_261 : vector<16xf32> -> vector<16xi32>
          %add3A_281 = vector.broadcast %scan3A_77 : i32 to vector<16xi32>
          %add3A_282 = arith.addi %bitcast_convert_type3A_280, %add3A_281 : vector<16xi32>
          %shift_right_logical3A_283 = arith.constant 16 : i32
          %shift_right_logical3A_284 = vector.broadcast %shift_right_logical3A_283 : i32 to vector<16xi32>
          %shift_right_logical3A_285 = arith.shrui %add3A_282, %shift_right_logical3A_284 : vector<16xi32>
          %bitcast_convert_type3A_286 = tpu.bitcast %add3A_279 : vector<16xf32> -> vector<16xi32>
          %add3A_287 = vector.broadcast %scan3A_77 : i32 to vector<16xi32>
          %add3A_288 = arith.addi %bitcast_convert_type3A_286, %add3A_287 : vector<16xi32>
          %and3A_289 = vector.broadcast %scan3A_76 : i32 to vector<16xi32>
          %and3A_290 = arith.andi %add3A_288, %and3A_289 : vector<16xi32>
          %or3A_291 = arith.ori %shift_right_logical3A_285, %and3A_290 : vector<16xi32>
          %bitcast_convert_type3A_292 = tpu.bitcast %or3A_291 : vector<16xi32> -> vector<16xf32>
          %swap3A_293 = arith.index_cast %scan3A_86 : i32 to index
          %swap3A_294 = arith.constant 48 : index
          %swap3A_295 = tpu.vector_load %arg10[%swap3A_293, %swap3A_294] {strides = array<i32>} : memref<64x128xf32, #tpu.memory_space<vmem>>, vector<1x16xf32>,
          %swap3A_296 = vector.shape_cast %swap3A_295 : vector<1x16xf32> to vector<16xf32>
          %swap3A_297 = vector.shape_cast %bitcast_convert_type3A_292 : vector<16xf32> to vector<1x16xf32>
          tpu.vector_store %arg10[%swap3A_293, %swap3A_294], %swap3A_297 {strides = array<i32>} : memref<64x128xf32, #tpu.memory_space<vmem>>, vector<1x16xf32>,
          %get3A_298 = arith.index_cast %scan3A_86 : i32 to index
          %get3A_299 = arith.constant 64 : index
          %get3A_300 = tpu.vector_load %arg8[%get3A_298, %get3A_299] {strides = array<i32>} : memref<128x128xf32, #tpu.memory_space<vmem>>, vector<1x16xf32>,
          %get3A_301 = vector.shape_cast %get3A_300 : vector<1x16xf32> to vector<16xf32>
          %get3A_302 = arith.index_cast %scan3A_86 : i32 to index
          %get3A_303 = arith.constant 64 : index
          %get3A_304 = tpu.vector_load %arg9[%get3A_302, %get3A_303] {strides = array<i32>} : memref<128x128xf32, #tpu.memory_space<vmem>>, vector<1x16xf32>,
          %get3A_305 = vector.shape_cast %get3A_304 : vector<1x16xf32> to vector<16xf32>
          %bitcast_convert_type3A_306 = tpu.bitcast %get3A_301 : vector<16xf32> -> vector<16xi32>
          %bitcast_convert_type3A_307 = tpu.bitcast %get3A_305 : vector<16xf32> -> vector<16xi32>
          %shift_left3A_308 = arith.constant 16 : i32
          %shift_left3A_309 = vector.broadcast %shift_left3A_308 : i32 to vector<16xi32>
          %shift_left3A_310 = arith.shli %bitcast_convert_type3A_306, %shift_left3A_309 : vector<16xi32>
          %bitcast_convert_type3A_311 = tpu.bitcast %shift_left3A_310 : vector<16xi32> -> vector<16xf32>
          %and3A_312 = vector.broadcast %scan3A_76 : i32 to vector<16xi32>
          %and3A_313 = arith.andi %bitcast_convert_type3A_307, %and3A_312 : vector<16xi32>
          %bitcast_convert_type3A_314 = tpu.bitcast %and3A_313 : vector<16xi32> -> vector<16xf32>
          %add3A_315 = arith.addf %bitcast_convert_type3A_311, %bitcast_convert_type3A_314 : vector<16xf32>
          %get3A_316 = arith.index_cast %add3A_88 : i32 to index
          %get3A_317 = arith.constant 64 : index
          %get3A_318 = tpu.vector_load %arg8[%get3A_316, %get3A_317] {strides = array<i32>} : memref<128x128xf32, #tpu.memory_space<vmem>>, vector<1x16xf32>,
          %get3A_319 = vector.shape_cast %get3A_318 : vector<1x16xf32> to vector<16xf32>
          %get3A_320 = arith.index_cast %add3A_88 : i32 to index
          %get3A_321 = arith.constant 64 : index
          %get3A_322 = tpu.vector_load %arg9[%get3A_320, %get3A_321] {strides = array<i32>} : memref<128x128xf32, #tpu.memory_space<vmem>>, vector<1x16xf32>,
          %get3A_323 = vector.shape_cast %get3A_322 : vector<1x16xf32> to vector<16xf32>
          %bitcast_convert_type3A_324 = tpu.bitcast %get3A_319 : vector<16xf32> -> vector<16xi32>
          %bitcast_convert_type3A_325 = tpu.bitcast %get3A_323 : vector<16xf32> -> vector<16xi32>
          %shift_left3A_326 = arith.constant 16 : i32
          %shift_left3A_327 = vector.broadcast %shift_left3A_326 : i32 to vector<16xi32>
          %shift_left3A_328 = arith.shli %bitcast_convert_type3A_324, %shift_left3A_327 : vector<16xi32>
          %bitcast_convert_type3A_329 = tpu.bitcast %shift_left3A_328 : vector<16xi32> -> vector<16xf32>
          %and3A_330 = vector.broadcast %scan3A_76 : i32 to vector<16xi32>
          %and3A_331 = arith.andi %bitcast_convert_type3A_325, %and3A_330 : vector<16xi32>
          %bitcast_convert_type3A_332 = tpu.bitcast %and3A_331 : vector<16xi32> -> vector<16xf32>
          %add3A_333 = arith.addf %bitcast_convert_type3A_329, %bitcast_convert_type3A_332 : vector<16xf32>
          %bitcast_convert_type3A_334 = tpu.bitcast %add3A_315 : vector<16xf32> -> vector<16xi32>
          %add3A_335 = vector.broadcast %scan3A_77 : i32 to vector<16xi32>
          %add3A_336 = arith.addi %bitcast_convert_type3A_334, %add3A_335 : vector<16xi32>
          %shift_right_logical3A_337 = arith.constant 16 : i32
          %shift_right_logical3A_338 = vector.broadcast %shift_right_logical3A_337 : i32 to vector<16xi32>
          %shift_right_logical3A_339 = arith.shrui %add3A_336, %shift_right_logical3A_338 : vector<16xi32>
          %bitcast_convert_type3A_340 = tpu.bitcast %add3A_333 : vector<16xf32> -> vector<16xi32>
          %add3A_341 = vector.broadcast %scan3A_77 : i32 to vector<16xi32>
          %add3A_342 = arith.addi %bitcast_convert_type3A_340, %add3A_341 : vector<16xi32>
          %and3A_343 = vector.broadcast %scan3A_76 : i32 to vector<16xi32>
          %and3A_344 = arith.andi %add3A_342, %and3A_343 : vector<16xi32>
          %or3A_345 = arith.ori %shift_right_logical3A_339, %and3A_344 : vector<16xi32>
          %bitcast_convert_type3A_346 = tpu.bitcast %or3A_345 : vector<16xi32> -> vector<16xf32>
          %swap3A_347 = arith.index_cast %scan3A_86 : i32 to index
          %swap3A_348 = arith.constant 64 : index
          %swap3A_349 = tpu.vector_load %arg10[%swap3A_347, %swap3A_348] {strides = array<i32>} : memref<64x128xf32, #tpu.memory_space<vmem>>, vector<1x16xf32>,
          %swap3A_350 = vector.shape_cast %swap3A_349 : vector<1x16xf32> to vector<16xf32>
          %swap3A_351 = vector.shape_cast %bitcast_convert_type3A_346 : vector<16xf32> to vector<1x16xf32>
          tpu.vector_store %arg10[%swap3A_347, %swap3A_348], %swap3A_351 {strides = array<i32>} : memref<64x128xf32, #tpu.memory_space<vmem>>, vector<1x16xf32>,
          %get3A_352 = arith.index_cast %scan3A_86 : i32 to index
          %get3A_353 = arith.constant 80 : index
          %get3A_354 = tpu.vector_load %arg8[%get3A_352, %get3A_353] {strides = array<i32>} : memref<128x128xf32, #tpu.memory_space<vmem>>, vector<1x16xf32>,
          %get3A_355 = vector.shape_cast %get3A_354 : vector<1x16xf32> to vector<16xf32>
          %get3A_356 = arith.index_cast %scan3A_86 : i32 to index
          %get3A_357 = arith.constant 80 : index
          %get3A_358 = tpu.vector_load %arg9[%get3A_356, %get3A_357] {strides = array<i32>} : memref<128x128xf32, #tpu.memory_space<vmem>>, vector<1x16xf32>,
          %get3A_359 = vector.shape_cast %get3A_358 : vector<1x16xf32> to vector<16xf32>
          %bitcast_convert_type3A_360 = tpu.bitcast %get3A_355 : vector<16xf32> -> vector<16xi32>
          %bitcast_convert_type3A_361 = tpu.bitcast %get3A_359 : vector<16xf32> -> vector<16xi32>
          %shift_left3A_362 = arith.constant 16 : i32
          %shift_left3A_363 = vector.broadcast %shift_left3A_362 : i32 to vector<16xi32>
          %shift_left3A_364 = arith.shli %bitcast_convert_type3A_360, %shift_left3A_363 : vector<16xi32>
          %bitcast_convert_type3A_365 = tpu.bitcast %shift_left3A_364 : vector<16xi32> -> vector<16xf32>
          %and3A_366 = vector.broadcast %scan3A_76 : i32 to vector<16xi32>
          %and3A_367 = arith.andi %bitcast_convert_type3A_361, %and3A_366 : vector<16xi32>
          %bitcast_convert_type3A_368 = tpu.bitcast %and3A_367 : vector<16xi32> -> vector<16xf32>
          %add3A_369 = arith.addf %bitcast_convert_type3A_365, %bitcast_convert_type3A_368 : vector<16xf32>
          %get3A_370 = arith.index_cast %add3A_88 : i32 to index
          %get3A_371 = arith.constant 80 : index
          %get3A_372 = tpu.vector_load %arg8[%get3A_370, %get3A_371] {strides = array<i32>} : memref<128x128xf32, #tpu.memory_space<vmem>>, vector<1x16xf32>,
          %get3A_373 = vector.shape_cast %get3A_372 : vector<1x16xf32> to vector<16xf32>
          %get3A_374 = arith.index_cast %add3A_88 : i32 to index
          %get3A_375 = arith.constant 80 : index
          %get3A_376 = tpu.vector_load %arg9[%get3A_374, %get3A_375] {strides = array<i32>} : memref<128x128xf32, #tpu.memory_space<vmem>>, vector<1x16xf32>,
          %get3A_377 = vector.shape_cast %get3A_376 : vector<1x16xf32> to vector<16xf32>
          %bitcast_convert_type3A_378 = tpu.bitcast %get3A_373 : vector<16xf32> -> vector<16xi32>
          %bitcast_convert_type3A_379 = tpu.bitcast %get3A_377 : vector<16xf32> -> vector<16xi32>
          %shift_left3A_380 = arith.constant 16 : i32
          %shift_left3A_381 = vector.broadcast %shift_left3A_380 : i32 to vector<16xi32>
          %shift_left3A_382 = arith.shli %bitcast_convert_type3A_378, %shift_left3A_381 : vector<16xi32>
          %bitcast_convert_type3A_383 = tpu.bitcast %shift_left3A_382 : vector<16xi32> -> vector<16xf32>
          %and3A_384 = vector.broadcast %scan3A_76 : i32 to vector<16xi32>
          %and3A_385 = arith.andi %bitcast_convert_type3A_379, %and3A_384 : vector<16xi32>
          %bitcast_convert_type3A_386 = tpu.bitcast %and3A_385 : vector<16xi32> -> vector<16xf32>
          %add3A_387 = arith.addf %bitcast_convert_type3A_383, %bitcast_convert_type3A_386 : vector<16xf32>
          %bitcast_convert_type3A_388 = tpu.bitcast %add3A_369 : vector<16xf32> -> vector<16xi32>
          %add3A_389 = vector.broadcast %scan3A_77 : i32 to vector<16xi32>
          %add3A_390 = arith.addi %bitcast_convert_type3A_388, %add3A_389 : vector<16xi32>
          %shift_right_logical3A_391 = arith.constant 16 : i32
          %shift_right_logical3A_392 = vector.broadcast %shift_right_logical3A_391 : i32 to vector<16xi32>
          %shift_right_logical3A_393 = arith.shrui %add3A_390, %shift_right_logical3A_392 : vector<16xi32>
          %bitcast_convert_type3A_394 = tpu.bitcast %add3A_387 : vector<16xf32> -> vector<16xi32>
          %add3A_395 = vector.broadcast %scan3A_77 : i32 to vector<16xi32>
          %add3A_396 = arith.addi %bitcast_convert_type3A_394, %add3A_395 : vector<16xi32>
          %and3A_397 = vector.broadcast %scan3A_76 : i32 to vector<16xi32>
          %and3A_398 = arith.andi %add3A_396, %and3A_397 : vector<16xi32>
          %or3A_399 = arith.ori %shift_right_logical3A_393, %and3A_398 : vector<16xi32>
          %bitcast_convert_type3A_400 = tpu.bitcast %or3A_399 : vector<16xi32> -> vector<16xf32>
          %swap3A_401 = arith.index_cast %scan3A_86 : i32 to index
          %swap3A_402 = arith.constant 80 : index
          %swap3A_403 = tpu.vector_load %arg10[%swap3A_401, %swap3A_402] {strides = array<i32>} : memref<64x128xf32, #tpu.memory_space<vmem>>, vector<1x16xf32>,
          %swap3A_404 = vector.shape_cast %swap3A_403 : vector<1x16xf32> to vector<16xf32>
          %swap3A_405 = vector.shape_cast %bitcast_convert_type3A_400 : vector<16xf32> to vector<1x16xf32>
          tpu.vector_store %arg10[%swap3A_401, %swap3A_402], %swap3A_405 {strides = array<i32>} : memref<64x128xf32, #tpu.memory_space<vmem>>, vector<1x16xf32>,
          %get3A_406 = arith.index_cast %scan3A_86 : i32 to index
          %get3A_407 = arith.constant 96 : index
          %get3A_408 = tpu.vector_load %arg8[%get3A_406, %get3A_407] {strides = array<i32>} : memref<128x128xf32, #tpu.memory_space<vmem>>, vector<1x16xf32>,
          %get3A_409 = vector.shape_cast %get3A_408 : vector<1x16xf32> to vector<16xf32>
          %get3A_410 = arith.index_cast %scan3A_86 : i32 to index
          %get3A_411 = arith.constant 96 : index
          %get3A_412 = tpu.vector_load %arg9[%get3A_410, %get3A_411] {strides = array<i32>} : memref<128x128xf32, #tpu.memory_space<vmem>>, vector<1x16xf32>,
          %get3A_413 = vector.shape_cast %get3A_412 : vector<1x16xf32> to vector<16xf32>
          %bitcast_convert_type3A_414 = tpu.bitcast %get3A_409 : vector<16xf32> -> vector<16xi32>
          %bitcast_convert_type3A_415 = tpu.bitcast %get3A_413 : vector<16xf32> -> vector<16xi32>
          %shift_left3A_416 = arith.constant 16 : i32
          %shift_left3A_417 = vector.broadcast %shift_left3A_416 : i32 to vector<16xi32>
          %shift_left3A_418 = arith.shli %bitcast_convert_type3A_414, %shift_left3A_417 : vector<16xi32>
          %bitcast_convert_type3A_419 = tpu.bitcast %shift_left3A_418 : vector<16xi32> -> vector<16xf32>
          %and3A_420 = vector.broadcast %scan3A_76 : i32 to vector<16xi32>
          %and3A_421 = arith.andi %bitcast_convert_type3A_415, %and3A_420 : vector<16xi32>
          %bitcast_convert_type3A_422 = tpu.bitcast %and3A_421 : vector<16xi32> -> vector<16xf32>
          %add3A_423 = arith.addf %bitcast_convert_type3A_419, %bitcast_convert_type3A_422 : vector<16xf32>
          %get3A_424 = arith.index_cast %add3A_88 : i32 to index
          %get3A_425 = arith.constant 96 : index
          %get3A_426 = tpu.vector_load %arg8[%get3A_424, %get3A_425] {strides = array<i32>} : memref<128x128xf32, #tpu.memory_space<vmem>>, vector<1x16xf32>,
          %get3A_427 = vector.shape_cast %get3A_426 : vector<1x16xf32> to vector<16xf32>
          %get3A_428 = arith.index_cast %add3A_88 : i32 to index
          %get3A_429 = arith.constant 96 : index
          %get3A_430 = tpu.vector_load %arg9[%get3A_428, %get3A_429] {strides = array<i32>} : memref<128x128xf32, #tpu.memory_space<vmem>>, vector<1x16xf32>,
          %get3A_431 = vector.shape_cast %get3A_430 : vector<1x16xf32> to vector<16xf32>
          %bitcast_convert_type3A_432 = tpu.bitcast %get3A_427 : vector<16xf32> -> vector<16xi32>
          %bitcast_convert_type3A_433 = tpu.bitcast %get3A_431 : vector<16xf32> -> vector<16xi32>
          %shift_left3A_434 = arith.constant 16 : i32
          %shift_left3A_435 = vector.broadcast %shift_left3A_434 : i32 to vector<16xi32>
          %shift_left3A_436 = arith.shli %bitcast_convert_type3A_432, %shift_left3A_435 : vector<16xi32>
          %bitcast_convert_type3A_437 = tpu.bitcast %shift_left3A_436 : vector<16xi32> -> vector<16xf32>
          %and3A_438 = vector.broadcast %scan3A_76 : i32 to vector<16xi32>
          %and3A_439 = arith.andi %bitcast_convert_type3A_433, %and3A_438 : vector<16xi32>
          %bitcast_convert_type3A_440 = tpu.bitcast %and3A_439 : vector<16xi32> -> vector<16xf32>
          %add3A_441 = arith.addf %bitcast_convert_type3A_437, %bitcast_convert_type3A_440 : vector<16xf32>
          %bitcast_convert_type3A_442 = tpu.bitcast %add3A_423 : vector<16xf32> -> vector<16xi32>
          %add3A_443 = vector.broadcast %scan3A_77 : i32 to vector<16xi32>
          %add3A_444 = arith.addi %bitcast_convert_type3A_442, %add3A_443 : vector<16xi32>
          %shift_right_logical3A_445 = arith.constant 16 : i32
          %shift_right_logical3A_446 = vector.broadcast %shift_right_logical3A_445 : i32 to vector<16xi32>
          %shift_right_logical3A_447 = arith.shrui %add3A_444, %shift_right_logical3A_446 : vector<16xi32>
          %bitcast_convert_type3A_448 = tpu.bitcast %add3A_441 : vector<16xf32> -> vector<16xi32>
          %add3A_449 = vector.broadcast %scan3A_77 : i32 to vector<16xi32>
          %add3A_450 = arith.addi %bitcast_convert_type3A_448, %add3A_449 : vector<16xi32>
          %and3A_451 = vector.broadcast %scan3A_76 : i32 to vector<16xi32>
          %and3A_452 = arith.andi %add3A_450, %and3A_451 : vector<16xi32>
          %or3A_453 = arith.ori %shift_right_logical3A_447, %and3A_452 : vector<16xi32>
          %bitcast_convert_type3A_454 = tpu.bitcast %or3A_453 : vector<16xi32> -> vector<16xf32>
          %swap3A_455 = arith.index_cast %scan3A_86 : i32 to index
          %swap3A_456 = arith.constant 96 : index
          %swap3A_457 = tpu.vector_load %arg10[%swap3A_455, %swap3A_456] {strides = array<i32>} : memref<64x128xf32, #tpu.memory_space<vmem>>, vector<1x16xf32>,
          %swap3A_458 = vector.shape_cast %swap3A_457 : vector<1x16xf32> to vector<16xf32>
          %swap3A_459 = vector.shape_cast %bitcast_convert_type3A_454 : vector<16xf32> to vector<1x16xf32>
          tpu.vector_store %arg10[%swap3A_455, %swap3A_456], %swap3A_459 {strides = array<i32>} : memref<64x128xf32, #tpu.memory_space<vmem>>, vector<1x16xf32>,
          %get3A_460 = arith.index_cast %scan3A_86 : i32 to index
          %get3A_461 = arith.constant 112 : index
          %get3A_462 = tpu.vector_load %arg8[%get3A_460, %get3A_461] {strides = array<i32>} : memref<128x128xf32, #tpu.memory_space<vmem>>, vector<1x16xf32>,
          %get3A_463 = vector.shape_cast %get3A_462 : vector<1x16xf32> to vector<16xf32>
          %get3A_464 = arith.index_cast %scan3A_86 : i32 to index
          %get3A_465 = arith.constant 112 : index
          %get3A_466 = tpu.vector_load %arg9[%get3A_464, %get3A_465] {strides = array<i32>} : memref<128x128xf32, #tpu.memory_space<vmem>>, vector<1x16xf32>,
          %get3A_467 = vector.shape_cast %get3A_466 : vector<1x16xf32> to vector<16xf32>
          %bitcast_convert_type3A_468 = tpu.bitcast %get3A_463 : vector<16xf32> -> vector<16xi32>
          %bitcast_convert_type3A_469 = tpu.bitcast %get3A_467 : vector<16xf32> -> vector<16xi32>
          %shift_left3A_470 = arith.constant 16 : i32
          %shift_left3A_471 = vector.broadcast %shift_left3A_470 : i32 to vector<16xi32>
          %shift_left3A_472 = arith.shli %bitcast_convert_type3A_468, %shift_left3A_471 : vector<16xi32>
          %bitcast_convert_type3A_473 = tpu.bitcast %shift_left3A_472 : vector<16xi32> -> vector<16xf32>
          %and3A_474 = vector.broadcast %scan3A_76 : i32 to vector<16xi32>
          %and3A_475 = arith.andi %bitcast_convert_type3A_469, %and3A_474 : vector<16xi32>
          %bitcast_convert_type3A_476 = tpu.bitcast %and3A_475 : vector<16xi32> -> vector<16xf32>
          %add3A_477 = arith.addf %bitcast_convert_type3A_473, %bitcast_convert_type3A_476 : vector<16xf32>
          %get3A_478 = arith.index_cast %add3A_88 : i32 to index
          %get3A_479 = arith.constant 112 : index
          %get3A_480 = tpu.vector_load %arg8[%get3A_478, %get3A_479] {strides = array<i32>} : memref<128x128xf32, #tpu.memory_space<vmem>>, vector<1x16xf32>,
          %get3A_481 = vector.shape_cast %get3A_480 : vector<1x16xf32> to vector<16xf32>
          %get3A_482 = arith.index_cast %add3A_88 : i32 to index
          %get3A_483 = arith.constant 112 : index
          %get3A_484 = tpu.vector_load %arg9[%get3A_482, %get3A_483] {strides = array<i32>} : memref<128x128xf32, #tpu.memory_space<vmem>>, vector<1x16xf32>,
          %get3A_485 = vector.shape_cast %get3A_484 : vector<1x16xf32> to vector<16xf32>
          %bitcast_convert_type3A_486 = tpu.bitcast %get3A_481 : vector<16xf32> -> vector<16xi32>
          %bitcast_convert_type3A_487 = tpu.bitcast %get3A_485 : vector<16xf32> -> vector<16xi32>
          %shift_left3A_488 = arith.constant 16 : i32
          %shift_left3A_489 = vector.broadcast %shift_left3A_488 : i32 to vector<16xi32>
          %shift_left3A_490 = arith.shli %bitcast_convert_type3A_486, %shift_left3A_489 : vector<16xi32>
          %bitcast_convert_type3A_491 = tpu.bitcast %shift_left3A_490 : vector<16xi32> -> vector<16xf32>
          %and3A_492 = vector.broadcast %scan3A_76 : i32 to vector<16xi32>
          %and3A_493 = arith.andi %bitcast_convert_type3A_487, %and3A_492 : vector<16xi32>
          %bitcast_convert_type3A_494 = tpu.bitcast %and3A_493 : vector<16xi32> -> vector<16xf32>
          %add3A_495 = arith.addf %bitcast_convert_type3A_491, %bitcast_convert_type3A_494 : vector<16xf32>
          %bitcast_convert_type3A_496 = tpu.bitcast %add3A_477 : vector<16xf32> -> vector<16xi32>
          %add3A_497 = vector.broadcast %scan3A_77 : i32 to vector<16xi32>
          %add3A_498 = arith.addi %bitcast_convert_type3A_496, %add3A_497 : vector<16xi32>
          %shift_right_logical3A_499 = arith.constant 16 : i32
          %shift_right_logical3A_500 = vector.broadcast %shift_right_logical3A_499 : i32 to vector<16xi32>
          %shift_right_logical3A_501 = arith.shrui %add3A_498, %shift_right_logical3A_500 : vector<16xi32>
          %bitcast_convert_type3A_502 = tpu.bitcast %add3A_495 : vector<16xf32> -> vector<16xi32>
          %add3A_503 = vector.broadcast %scan3A_77 : i32 to vector<16xi32>
          %add3A_504 = arith.addi %bitcast_convert_type3A_502, %add3A_503 : vector<16xi32>
          %and3A_505 = vector.broadcast %scan3A_76 : i32 to vector<16xi32>
          %and3A_506 = arith.andi %add3A_504, %and3A_505 : vector<16xi32>
          %or3A_507 = arith.ori %shift_right_logical3A_501, %and3A_506 : vector<16xi32>
          %bitcast_convert_type3A_508 = tpu.bitcast %or3A_507 : vector<16xi32> -> vector<16xf32>
          %swap3A_509 = arith.index_cast %scan3A_86 : i32 to index
          %swap3A_510 = arith.constant 112 : index
          %swap3A_511 = tpu.vector_load %arg10[%swap3A_509, %swap3A_510] {strides = array<i32>} : memref<64x128xf32, #tpu.memory_space<vmem>>, vector<1x16xf32>,
          %swap3A_512 = vector.shape_cast %swap3A_511 : vector<1x16xf32> to vector<16xf32>
          %swap3A_513 = vector.shape_cast %bitcast_convert_type3A_508 : vector<16xf32> to vector<1x16xf32>
          tpu.vector_store %arg10[%swap3A_509, %swap3A_510], %swap3A_513 {strides = array<i32>} : memref<64x128xf32, #tpu.memory_space<vmem>>, vector<1x16xf32>,
        }
        %scan3A_82 = arith.constant 64 : i32
        %sub3A = arith.constant 0 : i32
        %sub3A_83 = arith.subi %add3A_26, %sub3A : i32
        %mul3A_84 = arith.constant 64 : i32
        %mul3A_85 = arith.muli %sub3A_83, %mul3A_84 : i32
        "tpu.region"() ({
          %run_scoped3A = tpu.sem_alloc : memref<!tpu.dma_semaphore, #tpu.memory_space<semaphore_mem>>
          %dma_start3A = arith.constant 0 : i32
          %dma_start3A_86 = tpu.memref_slice %arg5[%mul3A_85, %dma_start3A] : memref<80000x128xf32, #tpu.memory_space<hbm>> -> memref<64x128xf32, #tpu.memory_space<hbm>>
          %dma_start3A_87 = arith.constant 0 : i32
          %dma_start3A_88 = tpu.memref_slice %arg5[%mul3A_85, %dma_start3A_87] : memref<80000x128xf32, #tpu.memory_space<hbm>> -> memref<64x128xf32, #tpu.memory_space<hbm>>
          tpu.enqueue_dma source(%arg10 : memref<64x128xf32, #tpu.memory_space<vmem>>) target(%dma_start3A_88 : memref<64x128xf32, #tpu.memory_space<hbm>>) target_semaphore(%run_scoped3A : memref<!tpu.dma_semaphore, #tpu.memory_space<semaphore_mem>>)
          %dma_wait3A_89 = arith.constant 0 : i32
          %dma_wait3A_90 = tpu.memref_slice %arg5[%mul3A_85, %dma_wait3A_89] : memref<80000x128xf32, #tpu.memory_space<hbm>> -> memref<64x128xf32, #tpu.memory_space<hbm>>
          %dma_wait3A_91 = arith.constant 0 : i32
          %dma_wait3A_92 = tpu.memref_slice %arg5[%mul3A_85, %dma_wait3A_91] : memref<80000x128xf32, #tpu.memory_space<hbm>> -> memref<64x128xf32, #tpu.memory_space<hbm>>
          tpu.wait_dma2 semaphore(%run_scoped3A : memref<!tpu.dma_semaphore, #tpu.memory_space<semaphore_mem>>) src(%arg10 : memref<64x128xf32, #tpu.memory_space<vmem>>) dst(%dma_wait3A_92 : memref<64x128xf32, #tpu.memory_space<hbm>>)
          tpu.yield
        }) : () -> ()
      } else {
      }
      %add3A_32 = arith.constant 2 : i32
      %add3A_33 = arith.addi %add3A_21, %add3A_32 : i32
      %mul3A_34 = arith.constant 32 : i32
      %mul3A_35 = arith.muli %add3A_33, %mul3A_34 : i32
      %add3A_36 = arith.constant 0 : i32
      %add3A_37 = arith.addi %add3A_36, %mul3A_35 : i32
      %add3A_38 = arith.addi %add3A_37, %add3A : i32
      %lt3A_39 = arith.constant 1250 : i32
      %lt3A_40 = arith.cmpi slt, %add3A_38, %lt3A_39 : i32
      %convert_element_type3A_41 = arith.extui %lt3A_40 : i1 to i32
      %cond3A_42 = arith.constant 0 : i32
      %cond3A_43 = arith.cmpi ne, %convert_element_type3A_41, %cond3A_42 : i32
      scf.if %cond3A_43 {
        %mul3A_70 = arith.constant 128 : i32
        %mul3A_71 = arith.muli %add3A_38, %mul3A_70 : i32
        "tpu.region"() ({
          %run_scoped3A = tpu.sem_alloc : memref<!tpu.dma_semaphore, #tpu.memory_space<semaphore_mem>>
          %dma_start3A_77 = tpu.memref_slice %arg2[%mul3A_71] : memref<320000xi32, #tpu.memory_space<hbm>> -> memref<128xi32, #tpu.memory_space<hbm>>
          %dma_start3A_78 = tpu.memref_slice %arg2[%mul3A_71] : memref<320000xi32, #tpu.memory_space<hbm>> -> memref<128xi32, #tpu.memory_space<hbm>>
          tpu.enqueue_dma source(%dma_start3A_78 : memref<128xi32, #tpu.memory_space<hbm>>) target(%arg6 : memref<128xi32, #tpu.memory_space<vmem>>) target_semaphore(%run_scoped3A : memref<!tpu.dma_semaphore, #tpu.memory_space<semaphore_mem>>)
          %dma_wait3A = tpu.memref_slice %arg2[%mul3A_71] : memref<320000xi32, #tpu.memory_space<hbm>> -> memref<128xi32, #tpu.memory_space<hbm>>
          %dma_wait3A_79 = tpu.memref_slice %arg2[%mul3A_71] : memref<320000xi32, #tpu.memory_space<hbm>> -> memref<128xi32, #tpu.memory_space<hbm>>
          tpu.wait_dma2 semaphore(%run_scoped3A : memref<!tpu.dma_semaphore, #tpu.memory_space<semaphore_mem>>) src(%dma_wait3A_79 : memref<128xi32, #tpu.memory_space<hbm>>) dst(%arg6 : memref<128xi32, #tpu.memory_space<vmem>>)
          tpu.yield
        }) : () -> ()
        "tpu.region"() ({
          %run_scoped3A = tpu.sem_alloc : memref<!tpu.dma_semaphore, #tpu.memory_space<semaphore_mem>>
          %dma_start3A_77 = tpu.memref_slice %arg3[%mul3A_71] : memref<320000xi32, #tpu.memory_space<hbm>> -> memref<128xi32, #tpu.memory_space<hbm>>
          %dma_start3A_78 = tpu.memref_slice %arg3[%mul3A_71] : memref<320000xi32, #tpu.memory_space<hbm>> -> memref<128xi32, #tpu.memory_space<hbm>>
          tpu.enqueue_dma source(%dma_start3A_78 : memref<128xi32, #tpu.memory_space<hbm>>) target(%arg7 : memref<128xi32, #tpu.memory_space<vmem>>) target_semaphore(%run_scoped3A : memref<!tpu.dma_semaphore, #tpu.memory_space<semaphore_mem>>)
          %dma_wait3A = tpu.memref_slice %arg3[%mul3A_71] : memref<320000xi32, #tpu.memory_space<hbm>> -> memref<128xi32, #tpu.memory_space<hbm>>
          %dma_wait3A_79 = tpu.memref_slice %arg3[%mul3A_71] : memref<320000xi32, #tpu.memory_space<hbm>> -> memref<128xi32, #tpu.memory_space<hbm>>
          tpu.wait_dma2 semaphore(%run_scoped3A : memref<!tpu.dma_semaphore, #tpu.memory_space<semaphore_mem>>) src(%dma_wait3A_79 : memref<128xi32, #tpu.memory_space<hbm>>) dst(%arg7 : memref<128xi32, #tpu.memory_space<vmem>>)
          tpu.yield
        }) : () -> ()
        %dma_start3A = arith.constant 0 : i32
        %dma_start3A_72 = arith.constant 0 : i32
        %dma_start3A_73 = tpu.memref_slice %arg4[%dma_start3A, %dma_start3A_72] : memref<10000x128xf32, #tpu.memory_space<hbm>> -> memref<10000x128xf32, #tpu.memory_space<hbm>>
        tpu.enqueue_indirect_dma source(%dma_start3A_73 : memref<10000x128xf32, #tpu.memory_space<hbm>>) target(%arg8 : memref<128x128xf32, #tpu.memory_space<vmem>>) offsets(%arg6 : memref<128xi32, #tpu.memory_space<vmem>>) semaphore(%arg11 : memref<!tpu.dma_semaphore, #tpu.memory_space<semaphore_mem>>)
        %dma_start3A_74 = arith.constant 0 : i32
        %dma_start3A_75 = arith.constant 0 : i32
        %dma_start3A_76 = tpu.memref_slice %arg4[%dma_start3A_74, %dma_start3A_75] : memref<10000x128xf32, #tpu.memory_space<hbm>> -> memref<10000x128xf32, #tpu.memory_space<hbm>>
        tpu.enqueue_indirect_dma source(%dma_start3A_76 : memref<10000x128xf32, #tpu.memory_space<hbm>>) target(%arg9 : memref<128x128xf32, #tpu.memory_space<vmem>>) offsets(%arg7 : memref<128xi32, #tpu.memory_space<vmem>>) semaphore(%arg11 : memref<!tpu.dma_semaphore, #tpu.memory_space<semaphore_mem>>)
      } else {
      }
      %mul3A_44 = arith.constant 2 : i32
      %mul3A_45 = arith.muli %scan3A_17, %mul3A_44 : i32
      %add3A_46 = arith.constant 1 : i32
      %add3A_47 = arith.addi %mul3A_45, %add3A_46 : i32
      %mul3A_48 = arith.constant 32 : i32
      %mul3A_49 = arith.muli %add3A_47, %mul3A_48 : i32
      %add3A_50 = arith.constant 0 : i32
      %add3A_51 = arith.addi %add3A_50, %mul3A_49 : i32
      %add3A_52 = arith.addi %add3A_51, %add3A : i32
      %lt3A_53 = arith.constant 1250 : i32
      %lt3A_54 = arith.cmpi slt, %add3A_52, %lt3A_53 : i32
      %convert_element_type3A_55 = arith.extui %lt3A_54 : i1 to i32
      %cond3A_56 = arith.constant 0 : i32
      %cond3A_57 = arith.cmpi ne, %convert_element_type3A_55, %cond3A_56 : i32
      scf.if %cond3A_57 {
        %dma_wait3A = arith.constant 0 : i32
        %dma_wait3A_70 = arith.constant 0 : i32
        %dma_wait3A_71 = tpu.memref_slice %arg4[%dma_wait3A, %dma_wait3A_70] : memref<10000x128xf32, #tpu.memory_space<hbm>> -> memref<10000x128xf32, #tpu.memory_space<hbm>>
        tpu.wait_indirect_dma semaphore(%arg17 : memref<!tpu.dma_semaphore, #tpu.memory_space<semaphore_mem>>) src(%dma_wait3A_71 : memref<10000x128xf32, #tpu.memory_space<hbm>>) dst(%arg14 : memref<128x128xf32, #tpu.memory_space<vmem>>)
        %dma_wait3A_72 = arith.constant 0 : i32
        %dma_wait3A_73 = arith.constant 0 : i32
        %dma_wait3A_74 = tpu.memref_slice %arg4[%dma_wait3A_72, %dma_wait3A_73] : memref<10000x128xf32, #tpu.memory_space<hbm>> -> memref<10000x128xf32, #tpu.memory_space<hbm>>
        tpu.wait_indirect_dma semaphore(%arg17 : memref<!tpu.dma_semaphore, #tpu.memory_space<semaphore_mem>>) src(%dma_wait3A_74 : memref<10000x128xf32, #tpu.memory_space<hbm>>) dst(%arg15 : memref<128x128xf32, #tpu.memory_space<vmem>>)
        %scan3A_75 = arith.constant 0 : i32
        %scan3A_76 = arith.constant -65536 : i32
        %scan3A_77 = arith.constant 32768 : i32
        %scan3A_78 = arith.constant 0 : i32
        %scan3A_79 = arith.constant 64 : i32
        %scan3A_80 = arith.addi %scan3A_78, %scan3A_79 : i32
        %scan3A_81 = arith.constant 1 : i32
        scf.for %scan3A_86 = %scan3A_78 to %scan3A_80 step %scan3A_81  : i32 {
          %add3A_87 = arith.constant 64 : i32
          %add3A_88 = arith.addi %scan3A_86, %add3A_87 : i32
          %get3A = arith.index_cast %scan3A_86 : i32 to index
          %get3A_89 = arith.constant 0 : index
          %get3A_90 = tpu.vector_load %arg14[%get3A, %get3A_89] {strides = array<i32>} : memref<128x128xf32, #tpu.memory_space<vmem>>, vector<1x16xf32>,
          %get3A_91 = vector.shape_cast %get3A_90 : vector<1x16xf32> to vector<16xf32>
          %get3A_92 = arith.index_cast %scan3A_86 : i32 to index
          %get3A_93 = arith.constant 0 : index
          %get3A_94 = tpu.vector_load %arg15[%get3A_92, %get3A_93] {strides = array<i32>} : memref<128x128xf32, #tpu.memory_space<vmem>>, vector<1x16xf32>,
          %get3A_95 = vector.shape_cast %get3A_94 : vector<1x16xf32> to vector<16xf32>
          %bitcast_convert_type3A = tpu.bitcast %get3A_91 : vector<16xf32> -> vector<16xi32>
          %bitcast_convert_type3A_96 = tpu.bitcast %get3A_95 : vector<16xf32> -> vector<16xi32>
          %shift_left3A = arith.constant 16 : i32
          %shift_left3A_97 = vector.broadcast %shift_left3A : i32 to vector<16xi32>
          %shift_left3A_98 = arith.shli %bitcast_convert_type3A, %shift_left3A_97 : vector<16xi32>
          %bitcast_convert_type3A_99 = tpu.bitcast %shift_left3A_98 : vector<16xi32> -> vector<16xf32>
          %and3A = vector.broadcast %scan3A_76 : i32 to vector<16xi32>
          %and3A_100 = arith.andi %bitcast_convert_type3A_96, %and3A : vector<16xi32>
          %bitcast_convert_type3A_101 = tpu.bitcast %and3A_100 : vector<16xi32> -> vector<16xf32>
          %add3A_102 = arith.addf %bitcast_convert_type3A_99, %bitcast_convert_type3A_101 : vector<16xf32>
          %get3A_103 = arith.index_cast %add3A_88 : i32 to index
          %get3A_104 = arith.constant 0 : index
          %get3A_105 = tpu.vector_load %arg14[%get3A_103, %get3A_104] {strides = array<i32>} : memref<128x128xf32, #tpu.memory_space<vmem>>, vector<1x16xf32>,
          %get3A_106 = vector.shape_cast %get3A_105 : vector<1x16xf32> to vector<16xf32>
          %get3A_107 = arith.index_cast %add3A_88 : i32 to index
          %get3A_108 = arith.constant 0 : index
          %get3A_109 = tpu.vector_load %arg15[%get3A_107, %get3A_108] {strides = array<i32>} : memref<128x128xf32, #tpu.memory_space<vmem>>, vector<1x16xf32>,
          %get3A_110 = vector.shape_cast %get3A_109 : vector<1x16xf32> to vector<16xf32>
          %bitcast_convert_type3A_111 = tpu.bitcast %get3A_106 : vector<16xf32> -> vector<16xi32>
          %bitcast_convert_type3A_112 = tpu.bitcast %get3A_110 : vector<16xf32> -> vector<16xi32>
          %shift_left3A_113 = arith.constant 16 : i32
          %shift_left3A_114 = vector.broadcast %shift_left3A_113 : i32 to vector<16xi32>
          %shift_left3A_115 = arith.shli %bitcast_convert_type3A_111, %shift_left3A_114 : vector<16xi32>
          %bitcast_convert_type3A_116 = tpu.bitcast %shift_left3A_115 : vector<16xi32> -> vector<16xf32>
          %and3A_117 = vector.broadcast %scan3A_76 : i32 to vector<16xi32>
          %and3A_118 = arith.andi %bitcast_convert_type3A_112, %and3A_117 : vector<16xi32>
          %bitcast_convert_type3A_119 = tpu.bitcast %and3A_118 : vector<16xi32> -> vector<16xf32>
          %add3A_120 = arith.addf %bitcast_convert_type3A_116, %bitcast_convert_type3A_119 : vector<16xf32>
          %bitcast_convert_type3A_121 = tpu.bitcast %add3A_102 : vector<16xf32> -> vector<16xi32>
          %add3A_122 = vector.broadcast %scan3A_77 : i32 to vector<16xi32>
          %add3A_123 = arith.addi %bitcast_convert_type3A_121, %add3A_122 : vector<16xi32>
          %shift_right_logical3A = arith.constant 16 : i32
          %shift_right_logical3A_124 = vector.broadcast %shift_right_logical3A : i32 to vector<16xi32>
          %shift_right_logical3A_125 = arith.shrui %add3A_123, %shift_right_logical3A_124 : vector<16xi32>
          %bitcast_convert_type3A_126 = tpu.bitcast %add3A_120 : vector<16xf32> -> vector<16xi32>
          %add3A_127 = vector.broadcast %scan3A_77 : i32 to vector<16xi32>
          %add3A_128 = arith.addi %bitcast_convert_type3A_126, %add3A_127 : vector<16xi32>
          %and3A_129 = vector.broadcast %scan3A_76 : i32 to vector<16xi32>
          %and3A_130 = arith.andi %add3A_128, %and3A_129 : vector<16xi32>
          %or3A = arith.ori %shift_right_logical3A_125, %and3A_130 : vector<16xi32>
          %bitcast_convert_type3A_131 = tpu.bitcast %or3A : vector<16xi32> -> vector<16xf32>
          %swap3A = arith.index_cast %scan3A_86 : i32 to index
          %swap3A_132 = arith.constant 0 : index
          %swap3A_133 = tpu.vector_load %arg16[%swap3A, %swap3A_132] {strides = array<i32>} : memref<64x128xf32, #tpu.memory_space<vmem>>, vector<1x16xf32>,
          %swap3A_134 = vector.shape_cast %swap3A_133 : vector<1x16xf32> to vector<16xf32>
          %swap3A_135 = vector.shape_cast %bitcast_convert_type3A_131 : vector<16xf32> to vector<1x16xf32>
          tpu.vector_store %arg16[%swap3A, %swap3A_132], %swap3A_135 {strides = array<i32>} : memref<64x128xf32, #tpu.memory_space<vmem>>, vector<1x16xf32>,
          %get3A_136 = arith.index_cast %scan3A_86 : i32 to index
          %get3A_137 = arith.constant 16 : index
          %get3A_138 = tpu.vector_load %arg14[%get3A_136, %get3A_137] {strides = array<i32>} : memref<128x128xf32, #tpu.memory_space<vmem>>, vector<1x16xf32>,
          %get3A_139 = vector.shape_cast %get3A_138 : vector<1x16xf32> to vector<16xf32>
          %get3A_140 = arith.index_cast %scan3A_86 : i32 to index
          %get3A_141 = arith.constant 16 : index
          %get3A_142 = tpu.vector_load %arg15[%get3A_140, %get3A_141] {strides = array<i32>} : memref<128x128xf32, #tpu.memory_space<vmem>>, vector<1x16xf32>,
          %get3A_143 = vector.shape_cast %get3A_142 : vector<1x16xf32> to vector<16xf32>
          %bitcast_convert_type3A_144 = tpu.bitcast %get3A_139 : vector<16xf32> -> vector<16xi32>
          %bitcast_convert_type3A_145 = tpu.bitcast %get3A_143 : vector<16xf32> -> vector<16xi32>
          %shift_left3A_146 = arith.constant 16 : i32
          %shift_left3A_147 = vector.broadcast %shift_left3A_146 : i32 to vector<16xi32>
          %shift_left3A_148 = arith.shli %bitcast_convert_type3A_144, %shift_left3A_147 : vector<16xi32>
          %bitcast_convert_type3A_149 = tpu.bitcast %shift_left3A_148 : vector<16xi32> -> vector<16xf32>
          %and3A_150 = vector.broadcast %scan3A_76 : i32 to vector<16xi32>
          %and3A_151 = arith.andi %bitcast_convert_type3A_145, %and3A_150 : vector<16xi32>
          %bitcast_convert_type3A_152 = tpu.bitcast %and3A_151 : vector<16xi32> -> vector<16xf32>
          %add3A_153 = arith.addf %bitcast_convert_type3A_149, %bitcast_convert_type3A_152 : vector<16xf32>
          %get3A_154 = arith.index_cast %add3A_88 : i32 to index
          %get3A_155 = arith.constant 16 : index
          %get3A_156 = tpu.vector_load %arg14[%get3A_154, %get3A_155] {strides = array<i32>} : memref<128x128xf32, #tpu.memory_space<vmem>>, vector<1x16xf32>,
          %get3A_157 = vector.shape_cast %get3A_156 : vector<1x16xf32> to vector<16xf32>
          %get3A_158 = arith.index_cast %add3A_88 : i32 to index
          %get3A_159 = arith.constant 16 : index
          %get3A_160 = tpu.vector_load %arg15[%get3A_158, %get3A_159] {strides = array<i32>} : memref<128x128xf32, #tpu.memory_space<vmem>>, vector<1x16xf32>,
          %get3A_161 = vector.shape_cast %get3A_160 : vector<1x16xf32> to vector<16xf32>
          %bitcast_convert_type3A_162 = tpu.bitcast %get3A_157 : vector<16xf32> -> vector<16xi32>
          %bitcast_convert_type3A_163 = tpu.bitcast %get3A_161 : vector<16xf32> -> vector<16xi32>
          %shift_left3A_164 = arith.constant 16 : i32
          %shift_left3A_165 = vector.broadcast %shift_left3A_164 : i32 to vector<16xi32>
          %shift_left3A_166 = arith.shli %bitcast_convert_type3A_162, %shift_left3A_165 : vector<16xi32>
          %bitcast_convert_type3A_167 = tpu.bitcast %shift_left3A_166 : vector<16xi32> -> vector<16xf32>
          %and3A_168 = vector.broadcast %scan3A_76 : i32 to vector<16xi32>
          %and3A_169 = arith.andi %bitcast_convert_type3A_163, %and3A_168 : vector<16xi32>
          %bitcast_convert_type3A_170 = tpu.bitcast %and3A_169 : vector<16xi32> -> vector<16xf32>
          %add3A_171 = arith.addf %bitcast_convert_type3A_167, %bitcast_convert_type3A_170 : vector<16xf32>
          %bitcast_convert_type3A_172 = tpu.bitcast %add3A_153 : vector<16xf32> -> vector<16xi32>
          %add3A_173 = vector.broadcast %scan3A_77 : i32 to vector<16xi32>
          %add3A_174 = arith.addi %bitcast_convert_type3A_172, %add3A_173 : vector<16xi32>
          %shift_right_logical3A_175 = arith.constant 16 : i32
          %shift_right_logical3A_176 = vector.broadcast %shift_right_logical3A_175 : i32 to vector<16xi32>
          %shift_right_logical3A_177 = arith.shrui %add3A_174, %shift_right_logical3A_176 : vector<16xi32>
          %bitcast_convert_type3A_178 = tpu.bitcast %add3A_171 : vector<16xf32> -> vector<16xi32>
          %add3A_179 = vector.broadcast %scan3A_77 : i32 to vector<16xi32>
          %add3A_180 = arith.addi %bitcast_convert_type3A_178, %add3A_179 : vector<16xi32>
          %and3A_181 = vector.broadcast %scan3A_76 : i32 to vector<16xi32>
          %and3A_182 = arith.andi %add3A_180, %and3A_181 : vector<16xi32>
          %or3A_183 = arith.ori %shift_right_logical3A_177, %and3A_182 : vector<16xi32>
          %bitcast_convert_type3A_184 = tpu.bitcast %or3A_183 : vector<16xi32> -> vector<16xf32>
          %swap3A_185 = arith.index_cast %scan3A_86 : i32 to index
          %swap3A_186 = arith.constant 16 : index
          %swap3A_187 = tpu.vector_load %arg16[%swap3A_185, %swap3A_186] {strides = array<i32>} : memref<64x128xf32, #tpu.memory_space<vmem>>, vector<1x16xf32>,
          %swap3A_188 = vector.shape_cast %swap3A_187 : vector<1x16xf32> to vector<16xf32>
          %swap3A_189 = vector.shape_cast %bitcast_convert_type3A_184 : vector<16xf32> to vector<1x16xf32>
          tpu.vector_store %arg16[%swap3A_185, %swap3A_186], %swap3A_189 {strides = array<i32>} : memref<64x128xf32, #tpu.memory_space<vmem>>, vector<1x16xf32>,
          %get3A_190 = arith.index_cast %scan3A_86 : i32 to index
          %get3A_191 = arith.constant 32 : index
          %get3A_192 = tpu.vector_load %arg14[%get3A_190, %get3A_191] {strides = array<i32>} : memref<128x128xf32, #tpu.memory_space<vmem>>, vector<1x16xf32>,
          %get3A_193 = vector.shape_cast %get3A_192 : vector<1x16xf32> to vector<16xf32>
          %get3A_194 = arith.index_cast %scan3A_86 : i32 to index
          %get3A_195 = arith.constant 32 : index
          %get3A_196 = tpu.vector_load %arg15[%get3A_194, %get3A_195] {strides = array<i32>} : memref<128x128xf32, #tpu.memory_space<vmem>>, vector<1x16xf32>,
          %get3A_197 = vector.shape_cast %get3A_196 : vector<1x16xf32> to vector<16xf32>
          %bitcast_convert_type3A_198 = tpu.bitcast %get3A_193 : vector<16xf32> -> vector<16xi32>
          %bitcast_convert_type3A_199 = tpu.bitcast %get3A_197 : vector<16xf32> -> vector<16xi32>
          %shift_left3A_200 = arith.constant 16 : i32
          %shift_left3A_201 = vector.broadcast %shift_left3A_200 : i32 to vector<16xi32>
          %shift_left3A_202 = arith.shli %bitcast_convert_type3A_198, %shift_left3A_201 : vector<16xi32>
          %bitcast_convert_type3A_203 = tpu.bitcast %shift_left3A_202 : vector<16xi32> -> vector<16xf32>
          %and3A_204 = vector.broadcast %scan3A_76 : i32 to vector<16xi32>
          %and3A_205 = arith.andi %bitcast_convert_type3A_199, %and3A_204 : vector<16xi32>
          %bitcast_convert_type3A_206 = tpu.bitcast %and3A_205 : vector<16xi32> -> vector<16xf32>
          %add3A_207 = arith.addf %bitcast_convert_type3A_203, %bitcast_convert_type3A_206 : vector<16xf32>
          %get3A_208 = arith.index_cast %add3A_88 : i32 to index
          %get3A_209 = arith.constant 32 : index
          %get3A_210 = tpu.vector_load %arg14[%get3A_208, %get3A_209] {strides = array<i32>} : memref<128x128xf32, #tpu.memory_space<vmem>>, vector<1x16xf32>,
          %get3A_211 = vector.shape_cast %get3A_210 : vector<1x16xf32> to vector<16xf32>
          %get3A_212 = arith.index_cast %add3A_88 : i32 to index
          %get3A_213 = arith.constant 32 : index
          %get3A_214 = tpu.vector_load %arg15[%get3A_212, %get3A_213] {strides = array<i32>} : memref<128x128xf32, #tpu.memory_space<vmem>>, vector<1x16xf32>,
          %get3A_215 = vector.shape_cast %get3A_214 : vector<1x16xf32> to vector<16xf32>
          %bitcast_convert_type3A_216 = tpu.bitcast %get3A_211 : vector<16xf32> -> vector<16xi32>
          %bitcast_convert_type3A_217 = tpu.bitcast %get3A_215 : vector<16xf32> -> vector<16xi32>
          %shift_left3A_218 = arith.constant 16 : i32
          %shift_left3A_219 = vector.broadcast %shift_left3A_218 : i32 to vector<16xi32>
          %shift_left3A_220 = arith.shli %bitcast_convert_type3A_216, %shift_left3A_219 : vector<16xi32>
          %bitcast_convert_type3A_221 = tpu.bitcast %shift_left3A_220 : vector<16xi32> -> vector<16xf32>
          %and3A_222 = vector.broadcast %scan3A_76 : i32 to vector<16xi32>
          %and3A_223 = arith.andi %bitcast_convert_type3A_217, %and3A_222 : vector<16xi32>
          %bitcast_convert_type3A_224 = tpu.bitcast %and3A_223 : vector<16xi32> -> vector<16xf32>
          %add3A_225 = arith.addf %bitcast_convert_type3A_221, %bitcast_convert_type3A_224 : vector<16xf32>
          %bitcast_convert_type3A_226 = tpu.bitcast %add3A_207 : vector<16xf32> -> vector<16xi32>
          %add3A_227 = vector.broadcast %scan3A_77 : i32 to vector<16xi32>
          %add3A_228 = arith.addi %bitcast_convert_type3A_226, %add3A_227 : vector<16xi32>
          %shift_right_logical3A_229 = arith.constant 16 : i32
          %shift_right_logical3A_230 = vector.broadcast %shift_right_logical3A_229 : i32 to vector<16xi32>
          %shift_right_logical3A_231 = arith.shrui %add3A_228, %shift_right_logical3A_230 : vector<16xi32>
          %bitcast_convert_type3A_232 = tpu.bitcast %add3A_225 : vector<16xf32> -> vector<16xi32>
          %add3A_233 = vector.broadcast %scan3A_77 : i32 to vector<16xi32>
          %add3A_234 = arith.addi %bitcast_convert_type3A_232, %add3A_233 : vector<16xi32>
          %and3A_235 = vector.broadcast %scan3A_76 : i32 to vector<16xi32>
          %and3A_236 = arith.andi %add3A_234, %and3A_235 : vector<16xi32>
          %or3A_237 = arith.ori %shift_right_logical3A_231, %and3A_236 : vector<16xi32>
          %bitcast_convert_type3A_238 = tpu.bitcast %or3A_237 : vector<16xi32> -> vector<16xf32>
          %swap3A_239 = arith.index_cast %scan3A_86 : i32 to index
          %swap3A_240 = arith.constant 32 : index
          %swap3A_241 = tpu.vector_load %arg16[%swap3A_239, %swap3A_240] {strides = array<i32>} : memref<64x128xf32, #tpu.memory_space<vmem>>, vector<1x16xf32>,
          %swap3A_242 = vector.shape_cast %swap3A_241 : vector<1x16xf32> to vector<16xf32>
          %swap3A_243 = vector.shape_cast %bitcast_convert_type3A_238 : vector<16xf32> to vector<1x16xf32>
          tpu.vector_store %arg16[%swap3A_239, %swap3A_240], %swap3A_243 {strides = array<i32>} : memref<64x128xf32, #tpu.memory_space<vmem>>, vector<1x16xf32>,
          %get3A_244 = arith.index_cast %scan3A_86 : i32 to index
          %get3A_245 = arith.constant 48 : index
          %get3A_246 = tpu.vector_load %arg14[%get3A_244, %get3A_245] {strides = array<i32>} : memref<128x128xf32, #tpu.memory_space<vmem>>, vector<1x16xf32>,
          %get3A_247 = vector.shape_cast %get3A_246 : vector<1x16xf32> to vector<16xf32>
          %get3A_248 = arith.index_cast %scan3A_86 : i32 to index
          %get3A_249 = arith.constant 48 : index
          %get3A_250 = tpu.vector_load %arg15[%get3A_248, %get3A_249] {strides = array<i32>} : memref<128x128xf32, #tpu.memory_space<vmem>>, vector<1x16xf32>,
          %get3A_251 = vector.shape_cast %get3A_250 : vector<1x16xf32> to vector<16xf32>
          %bitcast_convert_type3A_252 = tpu.bitcast %get3A_247 : vector<16xf32> -> vector<16xi32>
          %bitcast_convert_type3A_253 = tpu.bitcast %get3A_251 : vector<16xf32> -> vector<16xi32>
          %shift_left3A_254 = arith.constant 16 : i32
          %shift_left3A_255 = vector.broadcast %shift_left3A_254 : i32 to vector<16xi32>
          %shift_left3A_256 = arith.shli %bitcast_convert_type3A_252, %shift_left3A_255 : vector<16xi32>
          %bitcast_convert_type3A_257 = tpu.bitcast %shift_left3A_256 : vector<16xi32> -> vector<16xf32>
          %and3A_258 = vector.broadcast %scan3A_76 : i32 to vector<16xi32>
          %and3A_259 = arith.andi %bitcast_convert_type3A_253, %and3A_258 : vector<16xi32>
          %bitcast_convert_type3A_260 = tpu.bitcast %and3A_259 : vector<16xi32> -> vector<16xf32>
          %add3A_261 = arith.addf %bitcast_convert_type3A_257, %bitcast_convert_type3A_260 : vector<16xf32>
          %get3A_262 = arith.index_cast %add3A_88 : i32 to index
          %get3A_263 = arith.constant 48 : index
          %get3A_264 = tpu.vector_load %arg14[%get3A_262, %get3A_263] {strides = array<i32>} : memref<128x128xf32, #tpu.memory_space<vmem>>, vector<1x16xf32>,
          %get3A_265 = vector.shape_cast %get3A_264 : vector<1x16xf32> to vector<16xf32>
          %get3A_266 = arith.index_cast %add3A_88 : i32 to index
          %get3A_267 = arith.constant 48 : index
          %get3A_268 = tpu.vector_load %arg15[%get3A_266, %get3A_267] {strides = array<i32>} : memref<128x128xf32, #tpu.memory_space<vmem>>, vector<1x16xf32>,
          %get3A_269 = vector.shape_cast %get3A_268 : vector<1x16xf32> to vector<16xf32>
          %bitcast_convert_type3A_270 = tpu.bitcast %get3A_265 : vector<16xf32> -> vector<16xi32>
          %bitcast_convert_type3A_271 = tpu.bitcast %get3A_269 : vector<16xf32> -> vector<16xi32>
          %shift_left3A_272 = arith.constant 16 : i32
          %shift_left3A_273 = vector.broadcast %shift_left3A_272 : i32 to vector<16xi32>
          %shift_left3A_274 = arith.shli %bitcast_convert_type3A_270, %shift_left3A_273 : vector<16xi32>
          %bitcast_convert_type3A_275 = tpu.bitcast %shift_left3A_274 : vector<16xi32> -> vector<16xf32>
          %and3A_276 = vector.broadcast %scan3A_76 : i32 to vector<16xi32>
          %and3A_277 = arith.andi %bitcast_convert_type3A_271, %and3A_276 : vector<16xi32>
          %bitcast_convert_type3A_278 = tpu.bitcast %and3A_277 : vector<16xi32> -> vector<16xf32>
          %add3A_279 = arith.addf %bitcast_convert_type3A_275, %bitcast_convert_type3A_278 : vector<16xf32>
          %bitcast_convert_type3A_280 = tpu.bitcast %add3A_261 : vector<16xf32> -> vector<16xi32>
          %add3A_281 = vector.broadcast %scan3A_77 : i32 to vector<16xi32>
          %add3A_282 = arith.addi %bitcast_convert_type3A_280, %add3A_281 : vector<16xi32>
          %shift_right_logical3A_283 = arith.constant 16 : i32
          %shift_right_logical3A_284 = vector.broadcast %shift_right_logical3A_283 : i32 to vector<16xi32>
          %shift_right_logical3A_285 = arith.shrui %add3A_282, %shift_right_logical3A_284 : vector<16xi32>
          %bitcast_convert_type3A_286 = tpu.bitcast %add3A_279 : vector<16xf32> -> vector<16xi32>
          %add3A_287 = vector.broadcast %scan3A_77 : i32 to vector<16xi32>
          %add3A_288 = arith.addi %bitcast_convert_type3A_286, %add3A_287 : vector<16xi32>
          %and3A_289 = vector.broadcast %scan3A_76 : i32 to vector<16xi32>
          %and3A_290 = arith.andi %add3A_288, %and3A_289 : vector<16xi32>
          %or3A_291 = arith.ori %shift_right_logical3A_285, %and3A_290 : vector<16xi32>
          %bitcast_convert_type3A_292 = tpu.bitcast %or3A_291 : vector<16xi32> -> vector<16xf32>
          %swap3A_293 = arith.index_cast %scan3A_86 : i32 to index
          %swap3A_294 = arith.constant 48 : index
          %swap3A_295 = tpu.vector_load %arg16[%swap3A_293, %swap3A_294] {strides = array<i32>} : memref<64x128xf32, #tpu.memory_space<vmem>>, vector<1x16xf32>,
          %swap3A_296 = vector.shape_cast %swap3A_295 : vector<1x16xf32> to vector<16xf32>
          %swap3A_297 = vector.shape_cast %bitcast_convert_type3A_292 : vector<16xf32> to vector<1x16xf32>
          tpu.vector_store %arg16[%swap3A_293, %swap3A_294], %swap3A_297 {strides = array<i32>} : memref<64x128xf32, #tpu.memory_space<vmem>>, vector<1x16xf32>,
          %get3A_298 = arith.index_cast %scan3A_86 : i32 to index
          %get3A_299 = arith.constant 64 : index
          %get3A_300 = tpu.vector_load %arg14[%get3A_298, %get3A_299] {strides = array<i32>} : memref<128x128xf32, #tpu.memory_space<vmem>>, vector<1x16xf32>,
          %get3A_301 = vector.shape_cast %get3A_300 : vector<1x16xf32> to vector<16xf32>
          %get3A_302 = arith.index_cast %scan3A_86 : i32 to index
          %get3A_303 = arith.constant 64 : index
          %get3A_304 = tpu.vector_load %arg15[%get3A_302, %get3A_303] {strides = array<i32>} : memref<128x128xf32, #tpu.memory_space<vmem>>, vector<1x16xf32>,
          %get3A_305 = vector.shape_cast %get3A_304 : vector<1x16xf32> to vector<16xf32>
          %bitcast_convert_type3A_306 = tpu.bitcast %get3A_301 : vector<16xf32> -> vector<16xi32>
          %bitcast_convert_type3A_307 = tpu.bitcast %get3A_305 : vector<16xf32> -> vector<16xi32>
          %shift_left3A_308 = arith.constant 16 : i32
          %shift_left3A_309 = vector.broadcast %shift_left3A_308 : i32 to vector<16xi32>
          %shift_left3A_310 = arith.shli %bitcast_convert_type3A_306, %shift_left3A_309 : vector<16xi32>
          %bitcast_convert_type3A_311 = tpu.bitcast %shift_left3A_310 : vector<16xi32> -> vector<16xf32>
          %and3A_312 = vector.broadcast %scan3A_76 : i32 to vector<16xi32>
          %and3A_313 = arith.andi %bitcast_convert_type3A_307, %and3A_312 : vector<16xi32>
          %bitcast_convert_type3A_314 = tpu.bitcast %and3A_313 : vector<16xi32> -> vector<16xf32>
          %add3A_315 = arith.addf %bitcast_convert_type3A_311, %bitcast_convert_type3A_314 : vector<16xf32>
          %get3A_316 = arith.index_cast %add3A_88 : i32 to index
          %get3A_317 = arith.constant 64 : index
          %get3A_318 = tpu.vector_load %arg14[%get3A_316, %get3A_317] {strides = array<i32>} : memref<128x128xf32, #tpu.memory_space<vmem>>, vector<1x16xf32>,
          %get3A_319 = vector.shape_cast %get3A_318 : vector<1x16xf32> to vector<16xf32>
          %get3A_320 = arith.index_cast %add3A_88 : i32 to index
          %get3A_321 = arith.constant 64 : index
          %get3A_322 = tpu.vector_load %arg15[%get3A_320, %get3A_321] {strides = array<i32>} : memref<128x128xf32, #tpu.memory_space<vmem>>, vector<1x16xf32>,
          %get3A_323 = vector.shape_cast %get3A_322 : vector<1x16xf32> to vector<16xf32>
          %bitcast_convert_type3A_324 = tpu.bitcast %get3A_319 : vector<16xf32> -> vector<16xi32>
          %bitcast_convert_type3A_325 = tpu.bitcast %get3A_323 : vector<16xf32> -> vector<16xi32>
          %shift_left3A_326 = arith.constant 16 : i32
          %shift_left3A_327 = vector.broadcast %shift_left3A_326 : i32 to vector<16xi32>
          %shift_left3A_328 = arith.shli %bitcast_convert_type3A_324, %shift_left3A_327 : vector<16xi32>
          %bitcast_convert_type3A_329 = tpu.bitcast %shift_left3A_328 : vector<16xi32> -> vector<16xf32>
          %and3A_330 = vector.broadcast %scan3A_76 : i32 to vector<16xi32>
          %and3A_331 = arith.andi %bitcast_convert_type3A_325, %and3A_330 : vector<16xi32>
          %bitcast_convert_type3A_332 = tpu.bitcast %and3A_331 : vector<16xi32> -> vector<16xf32>
          %add3A_333 = arith.addf %bitcast_convert_type3A_329, %bitcast_convert_type3A_332 : vector<16xf32>
          %bitcast_convert_type3A_334 = tpu.bitcast %add3A_315 : vector<16xf32> -> vector<16xi32>
          %add3A_335 = vector.broadcast %scan3A_77 : i32 to vector<16xi32>
          %add3A_336 = arith.addi %bitcast_convert_type3A_334, %add3A_335 : vector<16xi32>
          %shift_right_logical3A_337 = arith.constant 16 : i32
          %shift_right_logical3A_338 = vector.broadcast %shift_right_logical3A_337 : i32 to vector<16xi32>
          %shift_right_logical3A_339 = arith.shrui %add3A_336, %shift_right_logical3A_338 : vector<16xi32>
          %bitcast_convert_type3A_340 = tpu.bitcast %add3A_333 : vector<16xf32> -> vector<16xi32>
          %add3A_341 = vector.broadcast %scan3A_77 : i32 to vector<16xi32>
          %add3A_342 = arith.addi %bitcast_convert_type3A_340, %add3A_341 : vector<16xi32>
          %and3A_343 = vector.broadcast %scan3A_76 : i32 to vector<16xi32>
          %and3A_344 = arith.andi %add3A_342, %and3A_343 : vector<16xi32>
          %or3A_345 = arith.ori %shift_right_logical3A_339, %and3A_344 : vector<16xi32>
          %bitcast_convert_type3A_346 = tpu.bitcast %or3A_345 : vector<16xi32> -> vector<16xf32>
          %swap3A_347 = arith.index_cast %scan3A_86 : i32 to index
          %swap3A_348 = arith.constant 64 : index
          %swap3A_349 = tpu.vector_load %arg16[%swap3A_347, %swap3A_348] {strides = array<i32>} : memref<64x128xf32, #tpu.memory_space<vmem>>, vector<1x16xf32>,
          %swap3A_350 = vector.shape_cast %swap3A_349 : vector<1x16xf32> to vector<16xf32>
          %swap3A_351 = vector.shape_cast %bitcast_convert_type3A_346 : vector<16xf32> to vector<1x16xf32>
          tpu.vector_store %arg16[%swap3A_347, %swap3A_348], %swap3A_351 {strides = array<i32>} : memref<64x128xf32, #tpu.memory_space<vmem>>, vector<1x16xf32>,
          %get3A_352 = arith.index_cast %scan3A_86 : i32 to index
          %get3A_353 = arith.constant 80 : index
          %get3A_354 = tpu.vector_load %arg14[%get3A_352, %get3A_353] {strides = array<i32>} : memref<128x128xf32, #tpu.memory_space<vmem>>, vector<1x16xf32>,
          %get3A_355 = vector.shape_cast %get3A_354 : vector<1x16xf32> to vector<16xf32>
          %get3A_356 = arith.index_cast %scan3A_86 : i32 to index
          %get3A_357 = arith.constant 80 : index
          %get3A_358 = tpu.vector_load %arg15[%get3A_356, %get3A_357] {strides = array<i32>} : memref<128x128xf32, #tpu.memory_space<vmem>>, vector<1x16xf32>,
          %get3A_359 = vector.shape_cast %get3A_358 : vector<1x16xf32> to vector<16xf32>
          %bitcast_convert_type3A_360 = tpu.bitcast %get3A_355 : vector<16xf32> -> vector<16xi32>
          %bitcast_convert_type3A_361 = tpu.bitcast %get3A_359 : vector<16xf32> -> vector<16xi32>
          %shift_left3A_362 = arith.constant 16 : i32
          %shift_left3A_363 = vector.broadcast %shift_left3A_362 : i32 to vector<16xi32>
          %shift_left3A_364 = arith.shli %bitcast_convert_type3A_360, %shift_left3A_363 : vector<16xi32>
          %bitcast_convert_type3A_365 = tpu.bitcast %shift_left3A_364 : vector<16xi32> -> vector<16xf32>
          %and3A_366 = vector.broadcast %scan3A_76 : i32 to vector<16xi32>
          %and3A_367 = arith.andi %bitcast_convert_type3A_361, %and3A_366 : vector<16xi32>
          %bitcast_convert_type3A_368 = tpu.bitcast %and3A_367 : vector<16xi32> -> vector<16xf32>
          %add3A_369 = arith.addf %bitcast_convert_type3A_365, %bitcast_convert_type3A_368 : vector<16xf32>
          %get3A_370 = arith.index_cast %add3A_88 : i32 to index
          %get3A_371 = arith.constant 80 : index
          %get3A_372 = tpu.vector_load %arg14[%get3A_370, %get3A_371] {strides = array<i32>} : memref<128x128xf32, #tpu.memory_space<vmem>>, vector<1x16xf32>,
          %get3A_373 = vector.shape_cast %get3A_372 : vector<1x16xf32> to vector<16xf32>
          %get3A_374 = arith.index_cast %add3A_88 : i32 to index
          %get3A_375 = arith.constant 80 : index
          %get3A_376 = tpu.vector_load %arg15[%get3A_374, %get3A_375] {strides = array<i32>} : memref<128x128xf32, #tpu.memory_space<vmem>>, vector<1x16xf32>,
          %get3A_377 = vector.shape_cast %get3A_376 : vector<1x16xf32> to vector<16xf32>
          %bitcast_convert_type3A_378 = tpu.bitcast %get3A_373 : vector<16xf32> -> vector<16xi32>
          %bitcast_convert_type3A_379 = tpu.bitcast %get3A_377 : vector<16xf32> -> vector<16xi32>
          %shift_left3A_380 = arith.constant 16 : i32
          %shift_left3A_381 = vector.broadcast %shift_left3A_380 : i32 to vector<16xi32>
          %shift_left3A_382 = arith.shli %bitcast_convert_type3A_378, %shift_left3A_381 : vector<16xi32>
          %bitcast_convert_type3A_383 = tpu.bitcast %shift_left3A_382 : vector<16xi32> -> vector<16xf32>
          %and3A_384 = vector.broadcast %scan3A_76 : i32 to vector<16xi32>
          %and3A_385 = arith.andi %bitcast_convert_type3A_379, %and3A_384 : vector<16xi32>
          %bitcast_convert_type3A_386 = tpu.bitcast %and3A_385 : vector<16xi32> -> vector<16xf32>
          %add3A_387 = arith.addf %bitcast_convert_type3A_383, %bitcast_convert_type3A_386 : vector<16xf32>
          %bitcast_convert_type3A_388 = tpu.bitcast %add3A_369 : vector<16xf32> -> vector<16xi32>
          %add3A_389 = vector.broadcast %scan3A_77 : i32 to vector<16xi32>
          %add3A_390 = arith.addi %bitcast_convert_type3A_388, %add3A_389 : vector<16xi32>
          %shift_right_logical3A_391 = arith.constant 16 : i32
          %shift_right_logical3A_392 = vector.broadcast %shift_right_logical3A_391 : i32 to vector<16xi32>
          %shift_right_logical3A_393 = arith.shrui %add3A_390, %shift_right_logical3A_392 : vector<16xi32>
          %bitcast_convert_type3A_394 = tpu.bitcast %add3A_387 : vector<16xf32> -> vector<16xi32>
          %add3A_395 = vector.broadcast %scan3A_77 : i32 to vector<16xi32>
          %add3A_396 = arith.addi %bitcast_convert_type3A_394, %add3A_395 : vector<16xi32>
          %and3A_397 = vector.broadcast %scan3A_76 : i32 to vector<16xi32>
          %and3A_398 = arith.andi %add3A_396, %and3A_397 : vector<16xi32>
          %or3A_399 = arith.ori %shift_right_logical3A_393, %and3A_398 : vector<16xi32>
          %bitcast_convert_type3A_400 = tpu.bitcast %or3A_399 : vector<16xi32> -> vector<16xf32>
          %swap3A_401 = arith.index_cast %scan3A_86 : i32 to index
          %swap3A_402 = arith.constant 80 : index
          %swap3A_403 = tpu.vector_load %arg16[%swap3A_401, %swap3A_402] {strides = array<i32>} : memref<64x128xf32, #tpu.memory_space<vmem>>, vector<1x16xf32>,
          %swap3A_404 = vector.shape_cast %swap3A_403 : vector<1x16xf32> to vector<16xf32>
          %swap3A_405 = vector.shape_cast %bitcast_convert_type3A_400 : vector<16xf32> to vector<1x16xf32>
          tpu.vector_store %arg16[%swap3A_401, %swap3A_402], %swap3A_405 {strides = array<i32>} : memref<64x128xf32, #tpu.memory_space<vmem>>, vector<1x16xf32>,
          %get3A_406 = arith.index_cast %scan3A_86 : i32 to index
          %get3A_407 = arith.constant 96 : index
          %get3A_408 = tpu.vector_load %arg14[%get3A_406, %get3A_407] {strides = array<i32>} : memref<128x128xf32, #tpu.memory_space<vmem>>, vector<1x16xf32>,
          %get3A_409 = vector.shape_cast %get3A_408 : vector<1x16xf32> to vector<16xf32>
          %get3A_410 = arith.index_cast %scan3A_86 : i32 to index
          %get3A_411 = arith.constant 96 : index
          %get3A_412 = tpu.vector_load %arg15[%get3A_410, %get3A_411] {strides = array<i32>} : memref<128x128xf32, #tpu.memory_space<vmem>>, vector<1x16xf32>,
          %get3A_413 = vector.shape_cast %get3A_412 : vector<1x16xf32> to vector<16xf32>
          %bitcast_convert_type3A_414 = tpu.bitcast %get3A_409 : vector<16xf32> -> vector<16xi32>
          %bitcast_convert_type3A_415 = tpu.bitcast %get3A_413 : vector<16xf32> -> vector<16xi32>
          %shift_left3A_416 = arith.constant 16 : i32
          %shift_left3A_417 = vector.broadcast %shift_left3A_416 : i32 to vector<16xi32>
          %shift_left3A_418 = arith.shli %bitcast_convert_type3A_414, %shift_left3A_417 : vector<16xi32>
          %bitcast_convert_type3A_419 = tpu.bitcast %shift_left3A_418 : vector<16xi32> -> vector<16xf32>
          %and3A_420 = vector.broadcast %scan3A_76 : i32 to vector<16xi32>
          %and3A_421 = arith.andi %bitcast_convert_type3A_415, %and3A_420 : vector<16xi32>
          %bitcast_convert_type3A_422 = tpu.bitcast %and3A_421 : vector<16xi32> -> vector<16xf32>
          %add3A_423 = arith.addf %bitcast_convert_type3A_419, %bitcast_convert_type3A_422 : vector<16xf32>
          %get3A_424 = arith.index_cast %add3A_88 : i32 to index
          %get3A_425 = arith.constant 96 : index
          %get3A_426 = tpu.vector_load %arg14[%get3A_424, %get3A_425] {strides = array<i32>} : memref<128x128xf32, #tpu.memory_space<vmem>>, vector<1x16xf32>,
          %get3A_427 = vector.shape_cast %get3A_426 : vector<1x16xf32> to vector<16xf32>
          %get3A_428 = arith.index_cast %add3A_88 : i32 to index
          %get3A_429 = arith.constant 96 : index
          %get3A_430 = tpu.vector_load %arg15[%get3A_428, %get3A_429] {strides = array<i32>} : memref<128x128xf32, #tpu.memory_space<vmem>>, vector<1x16xf32>,
          %get3A_431 = vector.shape_cast %get3A_430 : vector<1x16xf32> to vector<16xf32>
          %bitcast_convert_type3A_432 = tpu.bitcast %get3A_427 : vector<16xf32> -> vector<16xi32>
          %bitcast_convert_type3A_433 = tpu.bitcast %get3A_431 : vector<16xf32> -> vector<16xi32>
          %shift_left3A_434 = arith.constant 16 : i32
          %shift_left3A_435 = vector.broadcast %shift_left3A_434 : i32 to vector<16xi32>
          %shift_left3A_436 = arith.shli %bitcast_convert_type3A_432, %shift_left3A_435 : vector<16xi32>
          %bitcast_convert_type3A_437 = tpu.bitcast %shift_left3A_436 : vector<16xi32> -> vector<16xf32>
          %and3A_438 = vector.broadcast %scan3A_76 : i32 to vector<16xi32>
          %and3A_439 = arith.andi %bitcast_convert_type3A_433, %and3A_438 : vector<16xi32>
          %bitcast_convert_type3A_440 = tpu.bitcast %and3A_439 : vector<16xi32> -> vector<16xf32>
          %add3A_441 = arith.addf %bitcast_convert_type3A_437, %bitcast_convert_type3A_440 : vector<16xf32>
          %bitcast_convert_type3A_442 = tpu.bitcast %add3A_423 : vector<16xf32> -> vector<16xi32>
          %add3A_443 = vector.broadcast %scan3A_77 : i32 to vector<16xi32>
          %add3A_444 = arith.addi %bitcast_convert_type3A_442, %add3A_443 : vector<16xi32>
          %shift_right_logical3A_445 = arith.constant 16 : i32
          %shift_right_logical3A_446 = vector.broadcast %shift_right_logical3A_445 : i32 to vector<16xi32>
          %shift_right_logical3A_447 = arith.shrui %add3A_444, %shift_right_logical3A_446 : vector<16xi32>
          %bitcast_convert_type3A_448 = tpu.bitcast %add3A_441 : vector<16xf32> -> vector<16xi32>
          %add3A_449 = vector.broadcast %scan3A_77 : i32 to vector<16xi32>
          %add3A_450 = arith.addi %bitcast_convert_type3A_448, %add3A_449 : vector<16xi32>
          %and3A_451 = vector.broadcast %scan3A_76 : i32 to vector<16xi32>
          %and3A_452 = arith.andi %add3A_450, %and3A_451 : vector<16xi32>
          %or3A_453 = arith.ori %shift_right_logical3A_447, %and3A_452 : vector<16xi32>
          %bitcast_convert_type3A_454 = tpu.bitcast %or3A_453 : vector<16xi32> -> vector<16xf32>
          %swap3A_455 = arith.index_cast %scan3A_86 : i32 to index
          %swap3A_456 = arith.constant 96 : index
          %swap3A_457 = tpu.vector_load %arg16[%swap3A_455, %swap3A_456] {strides = array<i32>} : memref<64x128xf32, #tpu.memory_space<vmem>>, vector<1x16xf32>,
          %swap3A_458 = vector.shape_cast %swap3A_457 : vector<1x16xf32> to vector<16xf32>
          %swap3A_459 = vector.shape_cast %bitcast_convert_type3A_454 : vector<16xf32> to vector<1x16xf32>
          tpu.vector_store %arg16[%swap3A_455, %swap3A_456], %swap3A_459 {strides = array<i32>} : memref<64x128xf32, #tpu.memory_space<vmem>>, vector<1x16xf32>,
          %get3A_460 = arith.index_cast %scan3A_86 : i32 to index
          %get3A_461 = arith.constant 112 : index
          %get3A_462 = tpu.vector_load %arg14[%get3A_460, %get3A_461] {strides = array<i32>} : memref<128x128xf32, #tpu.memory_space<vmem>>, vector<1x16xf32>,
          %get3A_463 = vector.shape_cast %get3A_462 : vector<1x16xf32> to vector<16xf32>
          %get3A_464 = arith.index_cast %scan3A_86 : i32 to index
          %get3A_465 = arith.constant 112 : index
          %get3A_466 = tpu.vector_load %arg15[%get3A_464, %get3A_465] {strides = array<i32>} : memref<128x128xf32, #tpu.memory_space<vmem>>, vector<1x16xf32>,
          %get3A_467 = vector.shape_cast %get3A_466 : vector<1x16xf32> to vector<16xf32>
          %bitcast_convert_type3A_468 = tpu.bitcast %get3A_463 : vector<16xf32> -> vector<16xi32>
          %bitcast_convert_type3A_469 = tpu.bitcast %get3A_467 : vector<16xf32> -> vector<16xi32>
          %shift_left3A_470 = arith.constant 16 : i32
          %shift_left3A_471 = vector.broadcast %shift_left3A_470 : i32 to vector<16xi32>
          %shift_left3A_472 = arith.shli %bitcast_convert_type3A_468, %shift_left3A_471 : vector<16xi32>
          %bitcast_convert_type3A_473 = tpu.bitcast %shift_left3A_472 : vector<16xi32> -> vector<16xf32>
          %and3A_474 = vector.broadcast %scan3A_76 : i32 to vector<16xi32>
          %and3A_475 = arith.andi %bitcast_convert_type3A_469, %and3A_474 : vector<16xi32>
          %bitcast_convert_type3A_476 = tpu.bitcast %and3A_475 : vector<16xi32> -> vector<16xf32>
          %add3A_477 = arith.addf %bitcast_convert_type3A_473, %bitcast_convert_type3A_476 : vector<16xf32>
          %get3A_478 = arith.index_cast %add3A_88 : i32 to index
          %get3A_479 = arith.constant 112 : index
          %get3A_480 = tpu.vector_load %arg14[%get3A_478, %get3A_479] {strides = array<i32>} : memref<128x128xf32, #tpu.memory_space<vmem>>, vector<1x16xf32>,
          %get3A_481 = vector.shape_cast %get3A_480 : vector<1x16xf32> to vector<16xf32>
          %get3A_482 = arith.index_cast %add3A_88 : i32 to index
          %get3A_483 = arith.constant 112 : index
          %get3A_484 = tpu.vector_load %arg15[%get3A_482, %get3A_483] {strides = array<i32>} : memref<128x128xf32, #tpu.memory_space<vmem>>, vector<1x16xf32>,
          %get3A_485 = vector.shape_cast %get3A_484 : vector<1x16xf32> to vector<16xf32>
          %bitcast_convert_type3A_486 = tpu.bitcast %get3A_481 : vector<16xf32> -> vector<16xi32>
          %bitcast_convert_type3A_487 = tpu.bitcast %get3A_485 : vector<16xf32> -> vector<16xi32>
          %shift_left3A_488 = arith.constant 16 : i32
          %shift_left3A_489 = vector.broadcast %shift_left3A_488 : i32 to vector<16xi32>
          %shift_left3A_490 = arith.shli %bitcast_convert_type3A_486, %shift_left3A_489 : vector<16xi32>
          %bitcast_convert_type3A_491 = tpu.bitcast %shift_left3A_490 : vector<16xi32> -> vector<16xf32>
          %and3A_492 = vector.broadcast %scan3A_76 : i32 to vector<16xi32>
          %and3A_493 = arith.andi %bitcast_convert_type3A_487, %and3A_492 : vector<16xi32>
          %bitcast_convert_type3A_494 = tpu.bitcast %and3A_493 : vector<16xi32> -> vector<16xf32>
          %add3A_495 = arith.addf %bitcast_convert_type3A_491, %bitcast_convert_type3A_494 : vector<16xf32>
          %bitcast_convert_type3A_496 = tpu.bitcast %add3A_477 : vector<16xf32> -> vector<16xi32>
          %add3A_497 = vector.broadcast %scan3A_77 : i32 to vector<16xi32>
          %add3A_498 = arith.addi %bitcast_convert_type3A_496, %add3A_497 : vector<16xi32>
          %shift_right_logical3A_499 = arith.constant 16 : i32
          %shift_right_logical3A_500 = vector.broadcast %shift_right_logical3A_499 : i32 to vector<16xi32>
          %shift_right_logical3A_501 = arith.shrui %add3A_498, %shift_right_logical3A_500 : vector<16xi32>
          %bitcast_convert_type3A_502 = tpu.bitcast %add3A_495 : vector<16xf32> -> vector<16xi32>
          %add3A_503 = vector.broadcast %scan3A_77 : i32 to vector<16xi32>
          %add3A_504 = arith.addi %bitcast_convert_type3A_502, %add3A_503 : vector<16xi32>
          %and3A_505 = vector.broadcast %scan3A_76 : i32 to vector<16xi32>
          %and3A_506 = arith.andi %add3A_504, %and3A_505 : vector<16xi32>
          %or3A_507 = arith.ori %shift_right_logical3A_501, %and3A_506 : vector<16xi32>
          %bitcast_convert_type3A_508 = tpu.bitcast %or3A_507 : vector<16xi32> -> vector<16xf32>
          %swap3A_509 = arith.index_cast %scan3A_86 : i32 to index
          %swap3A_510 = arith.constant 112 : index
          %swap3A_511 = tpu.vector_load %arg16[%swap3A_509, %swap3A_510] {strides = array<i32>} : memref<64x128xf32, #tpu.memory_space<vmem>>, vector<1x16xf32>,
          %swap3A_512 = vector.shape_cast %swap3A_511 : vector<1x16xf32> to vector<16xf32>
          %swap3A_513 = vector.shape_cast %bitcast_convert_type3A_508 : vector<16xf32> to vector<1x16xf32>
          tpu.vector_store %arg16[%swap3A_509, %swap3A_510], %swap3A_513 {strides = array<i32>} : memref<64x128xf32, #tpu.memory_space<vmem>>, vector<1x16xf32>,
        }
        %scan3A_82 = arith.constant 64 : i32
        %sub3A = arith.constant 0 : i32
        %sub3A_83 = arith.subi %add3A_52, %sub3A : i32
        %mul3A_84 = arith.constant 64 : i32
        %mul3A_85 = arith.muli %sub3A_83, %mul3A_84 : i32
        "tpu.region"() ({
          %run_scoped3A = tpu.sem_alloc : memref<!tpu.dma_semaphore, #tpu.memory_space<semaphore_mem>>
          %dma_start3A = arith.constant 0 : i32
          %dma_start3A_86 = tpu.memref_slice %arg5[%mul3A_85, %dma_start3A] : memref<80000x128xf32, #tpu.memory_space<hbm>> -> memref<64x128xf32, #tpu.memory_space<hbm>>
          %dma_start3A_87 = arith.constant 0 : i32
          %dma_start3A_88 = tpu.memref_slice %arg5[%mul3A_85, %dma_start3A_87] : memref<80000x128xf32, #tpu.memory_space<hbm>> -> memref<64x128xf32, #tpu.memory_space<hbm>>
          tpu.enqueue_dma source(%arg16 : memref<64x128xf32, #tpu.memory_space<vmem>>) target(%dma_start3A_88 : memref<64x128xf32, #tpu.memory_space<hbm>>) target_semaphore(%run_scoped3A : memref<!tpu.dma_semaphore, #tpu.memory_space<semaphore_mem>>)
          %dma_wait3A_89 = arith.constant 0 : i32
          %dma_wait3A_90 = tpu.memref_slice %arg5[%mul3A_85, %dma_wait3A_89] : memref<80000x128xf32, #tpu.memory_space<hbm>> -> memref<64x128xf32, #tpu.memory_space<hbm>>
          %dma_wait3A_91 = arith.constant 0 : i32
          %dma_wait3A_92 = tpu.memref_slice %arg5[%mul3A_85, %dma_wait3A_91] : memref<80000x128xf32, #tpu.memory_space<hbm>> -> memref<64x128xf32, #tpu.memory_space<hbm>>
          tpu.wait_dma2 semaphore(%run_scoped3A : memref<!tpu.dma_semaphore, #tpu.memory_space<semaphore_mem>>) src(%arg16 : memref<64x128xf32, #tpu.memory_space<vmem>>) dst(%dma_wait3A_92 : memref<64x128xf32, #tpu.memory_space<hbm>>)
          tpu.yield
        }) : () -> ()
      } else {
      }
      %add3A_58 = arith.constant 2 : i32
      %add3A_59 = arith.addi %add3A_47, %add3A_58 : i32
      %mul3A_60 = arith.constant 32 : i32
      %mul3A_61 = arith.muli %add3A_59, %mul3A_60 : i32
      %add3A_62 = arith.constant 0 : i32
      %add3A_63 = arith.addi %add3A_62, %mul3A_61 : i32
      %add3A_64 = arith.addi %add3A_63, %add3A : i32
      %lt3A_65 = arith.constant 1250 : i32
      %lt3A_66 = arith.cmpi slt, %add3A_64, %lt3A_65 : i32
      %convert_element_type3A_67 = arith.extui %lt3A_66 : i1 to i32
      %cond3A_68 = arith.constant 0 : i32
      %cond3A_69 = arith.cmpi ne, %convert_element_type3A_67, %cond3A_68 : i32
      scf.if %cond3A_69 {
        %mul3A_70 = arith.constant 128 : i32
        %mul3A_71 = arith.muli %add3A_64, %mul3A_70 : i32
        "tpu.region"() ({
          %run_scoped3A = tpu.sem_alloc : memref<!tpu.dma_semaphore, #tpu.memory_space<semaphore_mem>>
          %dma_start3A_77 = tpu.memref_slice %arg2[%mul3A_71] : memref<320000xi32, #tpu.memory_space<hbm>> -> memref<128xi32, #tpu.memory_space<hbm>>
          %dma_start3A_78 = tpu.memref_slice %arg2[%mul3A_71] : memref<320000xi32, #tpu.memory_space<hbm>> -> memref<128xi32, #tpu.memory_space<hbm>>
          tpu.enqueue_dma source(%dma_start3A_78 : memref<128xi32, #tpu.memory_space<hbm>>) target(%arg12 : memref<128xi32, #tpu.memory_space<vmem>>) target_semaphore(%run_scoped3A : memref<!tpu.dma_semaphore, #tpu.memory_space<semaphore_mem>>)
          %dma_wait3A = tpu.memref_slice %arg2[%mul3A_71] : memref<320000xi32, #tpu.memory_space<hbm>> -> memref<128xi32, #tpu.memory_space<hbm>>
          %dma_wait3A_79 = tpu.memref_slice %arg2[%mul3A_71] : memref<320000xi32, #tpu.memory_space<hbm>> -> memref<128xi32, #tpu.memory_space<hbm>>
          tpu.wait_dma2 semaphore(%run_scoped3A : memref<!tpu.dma_semaphore, #tpu.memory_space<semaphore_mem>>) src(%dma_wait3A_79 : memref<128xi32, #tpu.memory_space<hbm>>) dst(%arg12 : memref<128xi32, #tpu.memory_space<vmem>>)
          tpu.yield
        }) : () -> ()
        "tpu.region"() ({
          %run_scoped3A = tpu.sem_alloc : memref<!tpu.dma_semaphore, #tpu.memory_space<semaphore_mem>>
          %dma_start3A_77 = tpu.memref_slice %arg3[%mul3A_71] : memref<320000xi32, #tpu.memory_space<hbm>> -> memref<128xi32, #tpu.memory_space<hbm>>
          %dma_start3A_78 = tpu.memref_slice %arg3[%mul3A_71] : memref<320000xi32, #tpu.memory_space<hbm>> -> memref<128xi32, #tpu.memory_space<hbm>>
          tpu.enqueue_dma source(%dma_start3A_78 : memref<128xi32, #tpu.memory_space<hbm>>) target(%arg13 : memref<128xi32, #tpu.memory_space<vmem>>) target_semaphore(%run_scoped3A : memref<!tpu.dma_semaphore, #tpu.memory_space<semaphore_mem>>)
          %dma_wait3A = tpu.memref_slice %arg3[%mul3A_71] : memref<320000xi32, #tpu.memory_space<hbm>> -> memref<128xi32, #tpu.memory_space<hbm>>
          %dma_wait3A_79 = tpu.memref_slice %arg3[%mul3A_71] : memref<320000xi32, #tpu.memory_space<hbm>> -> memref<128xi32, #tpu.memory_space<hbm>>
          tpu.wait_dma2 semaphore(%run_scoped3A : memref<!tpu.dma_semaphore, #tpu.memory_space<semaphore_mem>>) src(%dma_wait3A_79 : memref<128xi32, #tpu.memory_space<hbm>>) dst(%arg13 : memref<128xi32, #tpu.memory_space<vmem>>)
          tpu.yield
        }) : () -> ()
        %dma_start3A = arith.constant 0 : i32
        %dma_start3A_72 = arith.constant 0 : i32
        %dma_start3A_73 = tpu.memref_slice %arg4[%dma_start3A, %dma_start3A_72] : memref<10000x128xf32, #tpu.memory_space<hbm>> -> memref<10000x128xf32, #tpu.memory_space<hbm>>
        tpu.enqueue_indirect_dma source(%dma_start3A_73 : memref<10000x128xf32, #tpu.memory_space<hbm>>) target(%arg14 : memref<128x128xf32, #tpu.memory_space<vmem>>) offsets(%arg12 : memref<128xi32, #tpu.memory_space<vmem>>) semaphore(%arg17 : memref<!tpu.dma_semaphore, #tpu.memory_space<semaphore_mem>>)
        %dma_start3A_74 = arith.constant 0 : i32
        %dma_start3A_75 = arith.constant 0 : i32
        %dma_start3A_76 = tpu.memref_slice %arg4[%dma_start3A_74, %dma_start3A_75] : memref<10000x128xf32, #tpu.memory_space<hbm>> -> memref<10000x128xf32, #tpu.memory_space<hbm>>
        tpu.enqueue_indirect_dma source(%dma_start3A_76 : memref<10000x128xf32, #tpu.memory_space<hbm>>) target(%arg15 : memref<128x128xf32, #tpu.memory_space<vmem>>) offsets(%arg13 : memref<128xi32, #tpu.memory_space<vmem>>) semaphore(%arg17 : memref<!tpu.dma_semaphore, #tpu.memory_space<semaphore_mem>>)
      } else {
      }
    }
    %scan3A_16 = arith.constant 20 : i32
    return
  }
}

#map = affine_map<(d0, d1) -> (0)>
#map1 = affine_map<(d0, d1) -> (0, 0)>
#map2 = affine_map<(d0, d1) -> (0, 0, 0)>
module attributes {stable_mosaic.version = 14 : i64} {
  func.func @_scatter_body(%arg0: i32, %arg1: i32, %arg2: memref<320000xi32, #tpu.memory_space<hbm>>, %arg3: memref<320000x128xf32, #tpu.memory_space<hbm>>, %arg4: memref<2x10240x128xf32, #tpu.memory_space<hbm>>, %arg5: memref<128xi32, #tpu.memory_space<vmem>>, %arg6: memref<128x128xf32, #tpu.memory_space<vmem>>, %arg7: memref<!tpu.dma_semaphore, #tpu.memory_space<semaphore_mem>>, %arg8: memref<128xi32, #tpu.memory_space<vmem>>, %arg9: memref<128x128xf32, #tpu.memory_space<vmem>>, %arg10: memref<!tpu.dma_semaphore, #tpu.memory_space<semaphore_mem>>, %arg11: memref<10240x128xf32, #tpu.memory_space<vmem_shared>>) attributes {dimension_semantics = [#tpu.dimension_semantics<core_parallel>, #tpu.dimension_semantics<subcore_parallel>], iteration_bounds = array<i64: 2, 16>, scalar_prefetch = 0 : i64, scratch_operands = 7 : i64, tpu.core_type = #tpu.core_type<sc_vector_subcore>, window_params = [{transform_indices = #map}, {transform_indices = #map1}, {transform_indices = #map2}]} {
    %mul3A = arith.constant 2 : i32
    %mul3A_0 = arith.muli %arg1, %mul3A : i32
    %add3A = arith.addi %mul3A_0, %arg0 : i32
    %broadcast_in_dim3A = arith.constant 0.000000e+00 : f32
    %broadcast_in_dim3A_1 = vector.broadcast %broadcast_in_dim3A : f32 to vector<16xf32>
    %scan3A = arith.constant 0 : i32
    %scan3A_2 = arith.constant 0 : i32
    %scan3A_3 = arith.constant 128 : i32
    %scan3A_4 = arith.addi %scan3A_2, %scan3A_3 : i32
    %scan3A_5 = arith.constant 1 : i32
    scf.for %scan3A_65 = %scan3A_2 to %scan3A_4 step %scan3A_5  : i32 {
      %swap3A = arith.index_cast %scan3A_65 : i32 to index
      %swap3A_66 = arith.constant 0 : index
      %swap3A_67 = tpu.vector_load %arg6[%swap3A, %swap3A_66] {strides = array<i32>} : memref<128x128xf32, #tpu.memory_space<vmem>>, vector<1x16xf32>,
      %swap3A_68 = vector.shape_cast %swap3A_67 : vector<1x16xf32> to vector<16xf32>
      %swap3A_69 = vector.shape_cast %broadcast_in_dim3A_1 : vector<16xf32> to vector<1x16xf32>
      tpu.vector_store %arg6[%swap3A, %swap3A_66], %swap3A_69 {strides = array<i32>} : memref<128x128xf32, #tpu.memory_space<vmem>>, vector<1x16xf32>,
      %swap3A_70 = arith.index_cast %scan3A_65 : i32 to index
      %swap3A_71 = arith.constant 16 : index
      %swap3A_72 = tpu.vector_load %arg6[%swap3A_70, %swap3A_71] {strides = array<i32>} : memref<128x128xf32, #tpu.memory_space<vmem>>, vector<1x16xf32>,
      %swap3A_73 = vector.shape_cast %swap3A_72 : vector<1x16xf32> to vector<16xf32>
      %swap3A_74 = vector.shape_cast %broadcast_in_dim3A_1 : vector<16xf32> to vector<1x16xf32>
      tpu.vector_store %arg6[%swap3A_70, %swap3A_71], %swap3A_74 {strides = array<i32>} : memref<128x128xf32, #tpu.memory_space<vmem>>, vector<1x16xf32>,
      %swap3A_75 = arith.index_cast %scan3A_65 : i32 to index
      %swap3A_76 = arith.constant 32 : index
      %swap3A_77 = tpu.vector_load %arg6[%swap3A_75, %swap3A_76] {strides = array<i32>} : memref<128x128xf32, #tpu.memory_space<vmem>>, vector<1x16xf32>,
      %swap3A_78 = vector.shape_cast %swap3A_77 : vector<1x16xf32> to vector<16xf32>
      %swap3A_79 = vector.shape_cast %broadcast_in_dim3A_1 : vector<16xf32> to vector<1x16xf32>
      tpu.vector_store %arg6[%swap3A_75, %swap3A_76], %swap3A_79 {strides = array<i32>} : memref<128x128xf32, #tpu.memory_space<vmem>>, vector<1x16xf32>,
      %swap3A_80 = arith.index_cast %scan3A_65 : i32 to index
      %swap3A_81 = arith.constant 48 : index
      %swap3A_82 = tpu.vector_load %arg6[%swap3A_80, %swap3A_81] {strides = array<i32>} : memref<128x128xf32, #tpu.memory_space<vmem>>, vector<1x16xf32>,
      %swap3A_83 = vector.shape_cast %swap3A_82 : vector<1x16xf32> to vector<16xf32>
      %swap3A_84 = vector.shape_cast %broadcast_in_dim3A_1 : vector<16xf32> to vector<1x16xf32>
      tpu.vector_store %arg6[%swap3A_80, %swap3A_81], %swap3A_84 {strides = array<i32>} : memref<128x128xf32, #tpu.memory_space<vmem>>, vector<1x16xf32>,
      %swap3A_85 = arith.index_cast %scan3A_65 : i32 to index
      %swap3A_86 = arith.constant 64 : index
      %swap3A_87 = tpu.vector_load %arg6[%swap3A_85, %swap3A_86] {strides = array<i32>} : memref<128x128xf32, #tpu.memory_space<vmem>>, vector<1x16xf32>,
      %swap3A_88 = vector.shape_cast %swap3A_87 : vector<1x16xf32> to vector<16xf32>
      %swap3A_89 = vector.shape_cast %broadcast_in_dim3A_1 : vector<16xf32> to vector<1x16xf32>
      tpu.vector_store %arg6[%swap3A_85, %swap3A_86], %swap3A_89 {strides = array<i32>} : memref<128x128xf32, #tpu.memory_space<vmem>>, vector<1x16xf32>,
      %swap3A_90 = arith.index_cast %scan3A_65 : i32 to index
      %swap3A_91 = arith.constant 80 : index
      %swap3A_92 = tpu.vector_load %arg6[%swap3A_90, %swap3A_91] {strides = array<i32>} : memref<128x128xf32, #tpu.memory_space<vmem>>, vector<1x16xf32>,
      %swap3A_93 = vector.shape_cast %swap3A_92 : vector<1x16xf32> to vector<16xf32>
      %swap3A_94 = vector.shape_cast %broadcast_in_dim3A_1 : vector<16xf32> to vector<1x16xf32>
      tpu.vector_store %arg6[%swap3A_90, %swap3A_91], %swap3A_94 {strides = array<i32>} : memref<128x128xf32, #tpu.memory_space<vmem>>, vector<1x16xf32>,
      %swap3A_95 = arith.index_cast %scan3A_65 : i32 to index
      %swap3A_96 = arith.constant 96 : index
      %swap3A_97 = tpu.vector_load %arg6[%swap3A_95, %swap3A_96] {strides = array<i32>} : memref<128x128xf32, #tpu.memory_space<vmem>>, vector<1x16xf32>,
      %swap3A_98 = vector.shape_cast %swap3A_97 : vector<1x16xf32> to vector<16xf32>
      %swap3A_99 = vector.shape_cast %broadcast_in_dim3A_1 : vector<16xf32> to vector<1x16xf32>
      tpu.vector_store %arg6[%swap3A_95, %swap3A_96], %swap3A_99 {strides = array<i32>} : memref<128x128xf32, #tpu.memory_space<vmem>>, vector<1x16xf32>,
      %swap3A_100 = arith.index_cast %scan3A_65 : i32 to index
      %swap3A_101 = arith.constant 112 : index
      %swap3A_102 = tpu.vector_load %arg6[%swap3A_100, %swap3A_101] {strides = array<i32>} : memref<128x128xf32, #tpu.memory_space<vmem>>, vector<1x16xf32>,
      %swap3A_103 = vector.shape_cast %swap3A_102 : vector<1x16xf32> to vector<16xf32>
      %swap3A_104 = vector.shape_cast %broadcast_in_dim3A_1 : vector<16xf32> to vector<1x16xf32>
      tpu.vector_store %arg6[%swap3A_100, %swap3A_101], %swap3A_104 {strides = array<i32>} : memref<128x128xf32, #tpu.memory_space<vmem>>, vector<1x16xf32>,
    }
    %scan3A_6 = arith.constant 128 : i32
    %mul3A_7 = arith.constant 640 : i32
    %mul3A_8 = arith.muli %arg1, %mul3A_7 : i32
    %add3A_9 = arith.constant 0 : i32
    %add3A_10 = arith.addi %mul3A_8, %add3A_9 : i32
    "tpu.region"() ({
      %run_scoped3A = tpu.sem_alloc : memref<!tpu.dma_semaphore, #tpu.memory_space<semaphore_mem>>
      %dma_start3A = arith.constant 0 : i32
      %dma_start3A_65 = tpu.memref_slice %arg11[%add3A_10, %dma_start3A] : memref<10240x128xf32, #tpu.memory_space<vmem_shared>> -> memref<128x128xf32, #tpu.memory_space<vmem_shared>>
      %dma_start3A_66 = arith.constant 0 : i32
      %dma_start3A_67 = tpu.memref_slice %arg11[%add3A_10, %dma_start3A_66] : memref<10240x128xf32, #tpu.memory_space<vmem_shared>> -> memref<128x128xf32, #tpu.memory_space<vmem_shared>>
      tpu.enqueue_dma source(%arg6 : memref<128x128xf32, #tpu.memory_space<vmem>>) target(%dma_start3A_67 : memref<128x128xf32, #tpu.memory_space<vmem_shared>>) target_semaphore(%run_scoped3A : memref<!tpu.dma_semaphore, #tpu.memory_space<semaphore_mem>>)
      %dma_wait3A = arith.constant 0 : i32
      %dma_wait3A_68 = tpu.memref_slice %arg11[%add3A_10, %dma_wait3A] : memref<10240x128xf32, #tpu.memory_space<vmem_shared>> -> memref<128x128xf32, #tpu.memory_space<vmem_shared>>
      %dma_wait3A_69 = arith.constant 0 : i32
      %dma_wait3A_70 = tpu.memref_slice %arg11[%add3A_10, %dma_wait3A_69] : memref<10240x128xf32, #tpu.memory_space<vmem_shared>> -> memref<128x128xf32, #tpu.memory_space<vmem_shared>>
      tpu.wait_dma2 semaphore(%run_scoped3A : memref<!tpu.dma_semaphore, #tpu.memory_space<semaphore_mem>>) src(%arg6 : memref<128x128xf32, #tpu.memory_space<vmem>>) dst(%dma_wait3A_70 : memref<128x128xf32, #tpu.memory_space<vmem_shared>>)
      tpu.yield
    }) : () -> ()
    %mul3A_11 = arith.constant 640 : i32
    %mul3A_12 = arith.muli %arg1, %mul3A_11 : i32
    %add3A_13 = arith.constant 128 : i32
    %add3A_14 = arith.addi %mul3A_12, %add3A_13 : i32
    "tpu.region"() ({
      %run_scoped3A = tpu.sem_alloc : memref<!tpu.dma_semaphore, #tpu.memory_space<semaphore_mem>>
      %dma_start3A = arith.constant 0 : i32
      %dma_start3A_65 = tpu.memref_slice %arg11[%add3A_14, %dma_start3A] : memref<10240x128xf32, #tpu.memory_space<vmem_shared>> -> memref<128x128xf32, #tpu.memory_space<vmem_shared>>
      %dma_start3A_66 = arith.constant 0 : i32
      %dma_start3A_67 = tpu.memref_slice %arg11[%add3A_14, %dma_start3A_66] : memref<10240x128xf32, #tpu.memory_space<vmem_shared>> -> memref<128x128xf32, #tpu.memory_space<vmem_shared>>
      tpu.enqueue_dma source(%arg6 : memref<128x128xf32, #tpu.memory_space<vmem>>) target(%dma_start3A_67 : memref<128x128xf32, #tpu.memory_space<vmem_shared>>) target_semaphore(%run_scoped3A : memref<!tpu.dma_semaphore, #tpu.memory_space<semaphore_mem>>)
      %dma_wait3A = arith.constant 0 : i32
      %dma_wait3A_68 = tpu.memref_slice %arg11[%add3A_14, %dma_wait3A] : memref<10240x128xf32, #tpu.memory_space<vmem_shared>> -> memref<128x128xf32, #tpu.memory_space<vmem_shared>>
      %dma_wait3A_69 = arith.constant 0 : i32
      %dma_wait3A_70 = tpu.memref_slice %arg11[%add3A_14, %dma_wait3A_69] : memref<10240x128xf32, #tpu.memory_space<vmem_shared>> -> memref<128x128xf32, #tpu.memory_space<vmem_shared>>
      tpu.wait_dma2 semaphore(%run_scoped3A : memref<!tpu.dma_semaphore, #tpu.memory_space<semaphore_mem>>) src(%arg6 : memref<128x128xf32, #tpu.memory_space<vmem>>) dst(%dma_wait3A_70 : memref<128x128xf32, #tpu.memory_space<vmem_shared>>)
      tpu.yield
    }) : () -> ()
    %mul3A_15 = arith.constant 640 : i32
    %mul3A_16 = arith.muli %arg1, %mul3A_15 : i32
    %add3A_17 = arith.constant 256 : i32
    %add3A_18 = arith.addi %mul3A_16, %add3A_17 : i32
    "tpu.region"() ({
      %run_scoped3A = tpu.sem_alloc : memref<!tpu.dma_semaphore, #tpu.memory_space<semaphore_mem>>
      %dma_start3A = arith.constant 0 : i32
      %dma_start3A_65 = tpu.memref_slice %arg11[%add3A_18, %dma_start3A] : memref<10240x128xf32, #tpu.memory_space<vmem_shared>> -> memref<128x128xf32, #tpu.memory_space<vmem_shared>>
      %dma_start3A_66 = arith.constant 0 : i32
      %dma_start3A_67 = tpu.memref_slice %arg11[%add3A_18, %dma_start3A_66] : memref<10240x128xf32, #tpu.memory_space<vmem_shared>> -> memref<128x128xf32, #tpu.memory_space<vmem_shared>>
      tpu.enqueue_dma source(%arg6 : memref<128x128xf32, #tpu.memory_space<vmem>>) target(%dma_start3A_67 : memref<128x128xf32, #tpu.memory_space<vmem_shared>>) target_semaphore(%run_scoped3A : memref<!tpu.dma_semaphore, #tpu.memory_space<semaphore_mem>>)
      %dma_wait3A = arith.constant 0 : i32
      %dma_wait3A_68 = tpu.memref_slice %arg11[%add3A_18, %dma_wait3A] : memref<10240x128xf32, #tpu.memory_space<vmem_shared>> -> memref<128x128xf32, #tpu.memory_space<vmem_shared>>
      %dma_wait3A_69 = arith.constant 0 : i32
      %dma_wait3A_70 = tpu.memref_slice %arg11[%add3A_18, %dma_wait3A_69] : memref<10240x128xf32, #tpu.memory_space<vmem_shared>> -> memref<128x128xf32, #tpu.memory_space<vmem_shared>>
      tpu.wait_dma2 semaphore(%run_scoped3A : memref<!tpu.dma_semaphore, #tpu.memory_space<semaphore_mem>>) src(%arg6 : memref<128x128xf32, #tpu.memory_space<vmem>>) dst(%dma_wait3A_70 : memref<128x128xf32, #tpu.memory_space<vmem_shared>>)
      tpu.yield
    }) : () -> ()
    %mul3A_19 = arith.constant 640 : i32
    %mul3A_20 = arith.muli %arg1, %mul3A_19 : i32
    %add3A_21 = arith.constant 384 : i32
    %add3A_22 = arith.addi %mul3A_20, %add3A_21 : i32
    "tpu.region"() ({
      %run_scoped3A = tpu.sem_alloc : memref<!tpu.dma_semaphore, #tpu.memory_space<semaphore_mem>>
      %dma_start3A = arith.constant 0 : i32
      %dma_start3A_65 = tpu.memref_slice %arg11[%add3A_22, %dma_start3A] : memref<10240x128xf32, #tpu.memory_space<vmem_shared>> -> memref<128x128xf32, #tpu.memory_space<vmem_shared>>
      %dma_start3A_66 = arith.constant 0 : i32
      %dma_start3A_67 = tpu.memref_slice %arg11[%add3A_22, %dma_start3A_66] : memref<10240x128xf32, #tpu.memory_space<vmem_shared>> -> memref<128x128xf32, #tpu.memory_space<vmem_shared>>
      tpu.enqueue_dma source(%arg6 : memref<128x128xf32, #tpu.memory_space<vmem>>) target(%dma_start3A_67 : memref<128x128xf32, #tpu.memory_space<vmem_shared>>) target_semaphore(%run_scoped3A : memref<!tpu.dma_semaphore, #tpu.memory_space<semaphore_mem>>)
      %dma_wait3A = arith.constant 0 : i32
      %dma_wait3A_68 = tpu.memref_slice %arg11[%add3A_22, %dma_wait3A] : memref<10240x128xf32, #tpu.memory_space<vmem_shared>> -> memref<128x128xf32, #tpu.memory_space<vmem_shared>>
      %dma_wait3A_69 = arith.constant 0 : i32
      %dma_wait3A_70 = tpu.memref_slice %arg11[%add3A_22, %dma_wait3A_69] : memref<10240x128xf32, #tpu.memory_space<vmem_shared>> -> memref<128x128xf32, #tpu.memory_space<vmem_shared>>
      tpu.wait_dma2 semaphore(%run_scoped3A : memref<!tpu.dma_semaphore, #tpu.memory_space<semaphore_mem>>) src(%arg6 : memref<128x128xf32, #tpu.memory_space<vmem>>) dst(%dma_wait3A_70 : memref<128x128xf32, #tpu.memory_space<vmem_shared>>)
      tpu.yield
    }) : () -> ()
    %mul3A_23 = arith.constant 640 : i32
    %mul3A_24 = arith.muli %arg1, %mul3A_23 : i32
    %add3A_25 = arith.constant 512 : i32
    %add3A_26 = arith.addi %mul3A_24, %add3A_25 : i32
    "tpu.region"() ({
      %run_scoped3A = tpu.sem_alloc : memref<!tpu.dma_semaphore, #tpu.memory_space<semaphore_mem>>
      %dma_start3A = arith.constant 0 : i32
      %dma_start3A_65 = tpu.memref_slice %arg11[%add3A_26, %dma_start3A] : memref<10240x128xf32, #tpu.memory_space<vmem_shared>> -> memref<128x128xf32, #tpu.memory_space<vmem_shared>>
      %dma_start3A_66 = arith.constant 0 : i32
      %dma_start3A_67 = tpu.memref_slice %arg11[%add3A_26, %dma_start3A_66] : memref<10240x128xf32, #tpu.memory_space<vmem_shared>> -> memref<128x128xf32, #tpu.memory_space<vmem_shared>>
      tpu.enqueue_dma source(%arg6 : memref<128x128xf32, #tpu.memory_space<vmem>>) target(%dma_start3A_67 : memref<128x128xf32, #tpu.memory_space<vmem_shared>>) target_semaphore(%run_scoped3A : memref<!tpu.dma_semaphore, #tpu.memory_space<semaphore_mem>>)
      %dma_wait3A = arith.constant 0 : i32
      %dma_wait3A_68 = tpu.memref_slice %arg11[%add3A_26, %dma_wait3A] : memref<10240x128xf32, #tpu.memory_space<vmem_shared>> -> memref<128x128xf32, #tpu.memory_space<vmem_shared>>
      %dma_wait3A_69 = arith.constant 0 : i32
      %dma_wait3A_70 = tpu.memref_slice %arg11[%add3A_26, %dma_wait3A_69] : memref<10240x128xf32, #tpu.memory_space<vmem_shared>> -> memref<128x128xf32, #tpu.memory_space<vmem_shared>>
      tpu.wait_dma2 semaphore(%run_scoped3A : memref<!tpu.dma_semaphore, #tpu.memory_space<semaphore_mem>>) src(%arg6 : memref<128x128xf32, #tpu.memory_space<vmem>>) dst(%dma_wait3A_70 : memref<128x128xf32, #tpu.memory_space<vmem_shared>>)
      tpu.yield
    }) : () -> ()
    %barrier3A = arith.constant 0 : index
    tpu.barrier barrier_id(%barrier3A)
    %add3A_27 = arith.constant 0 : i32
    %add3A_28 = arith.addi %add3A_27, %add3A : i32
    %lt3A = arith.constant 2500 : i32
    %lt3A_29 = arith.cmpi slt, %add3A_28, %lt3A : i32
    %convert_element_type3A = arith.extui %lt3A_29 : i1 to i32
    %cond3A = arith.constant 0 : i32
    %cond3A_30 = arith.cmpi ne, %convert_element_type3A, %cond3A : i32
    scf.if %cond3A_30 {
      %mul3A_65 = arith.constant 128 : i32
      %mul3A_66 = arith.muli %add3A_28, %mul3A_65 : i32
      "tpu.region"() ({
        %run_scoped3A = tpu.sem_alloc : memref<!tpu.dma_semaphore, #tpu.memory_space<semaphore_mem>>
        %dma_start3A_70 = tpu.memref_slice %arg2[%mul3A_66] : memref<320000xi32, #tpu.memory_space<hbm>> -> memref<128xi32, #tpu.memory_space<hbm>>
        %dma_start3A_71 = tpu.memref_slice %arg2[%mul3A_66] : memref<320000xi32, #tpu.memory_space<hbm>> -> memref<128xi32, #tpu.memory_space<hbm>>
        tpu.enqueue_dma source(%dma_start3A_71 : memref<128xi32, #tpu.memory_space<hbm>>) target(%arg5 : memref<128xi32, #tpu.memory_space<vmem>>) target_semaphore(%run_scoped3A : memref<!tpu.dma_semaphore, #tpu.memory_space<semaphore_mem>>)
        %dma_wait3A = tpu.memref_slice %arg2[%mul3A_66] : memref<320000xi32, #tpu.memory_space<hbm>> -> memref<128xi32, #tpu.memory_space<hbm>>
        %dma_wait3A_72 = tpu.memref_slice %arg2[%mul3A_66] : memref<320000xi32, #tpu.memory_space<hbm>> -> memref<128xi32, #tpu.memory_space<hbm>>
        tpu.wait_dma2 semaphore(%run_scoped3A : memref<!tpu.dma_semaphore, #tpu.memory_space<semaphore_mem>>) src(%dma_wait3A_72 : memref<128xi32, #tpu.memory_space<hbm>>) dst(%arg5 : memref<128xi32, #tpu.memory_space<vmem>>)
        tpu.yield
      }) : () -> ()
      %dma_start3A = arith.constant 0 : i32
      %dma_start3A_67 = tpu.memref_slice %arg3[%mul3A_66, %dma_start3A] : memref<320000x128xf32, #tpu.memory_space<hbm>> -> memref<128x128xf32, #tpu.memory_space<hbm>>
      %dma_start3A_68 = arith.constant 0 : i32
      %dma_start3A_69 = tpu.memref_slice %arg3[%mul3A_66, %dma_start3A_68] : memref<320000x128xf32, #tpu.memory_space<hbm>> -> memref<128x128xf32, #tpu.memory_space<hbm>>
      tpu.enqueue_dma source(%dma_start3A_69 : memref<128x128xf32, #tpu.memory_space<hbm>>) target(%arg6 : memref<128x128xf32, #tpu.memory_space<vmem>>) target_semaphore(%arg7 : memref<!tpu.dma_semaphore, #tpu.memory_space<semaphore_mem>>)
    } else {
    }
    %add3A_31 = arith.constant 32 : i32
    %add3A_32 = arith.addi %add3A_31, %add3A : i32
    %lt3A_33 = arith.constant 2500 : i32
    %lt3A_34 = arith.cmpi slt, %add3A_32, %lt3A_33 : i32
    %convert_element_type3A_35 = arith.extui %lt3A_34 : i1 to i32
    %cond3A_36 = arith.constant 0 : i32
    %cond3A_37 = arith.cmpi ne, %convert_element_type3A_35, %cond3A_36 : i32
    scf.if %cond3A_37 {
      %mul3A_65 = arith.constant 128 : i32
      %mul3A_66 = arith.muli %add3A_32, %mul3A_65 : i32
      "tpu.region"() ({
        %run_scoped3A = tpu.sem_alloc : memref<!tpu.dma_semaphore, #tpu.memory_space<semaphore_mem>>
        %dma_start3A_70 = tpu.memref_slice %arg2[%mul3A_66] : memref<320000xi32, #tpu.memory_space<hbm>> -> memref<128xi32, #tpu.memory_space<hbm>>
        %dma_start3A_71 = tpu.memref_slice %arg2[%mul3A_66] : memref<320000xi32, #tpu.memory_space<hbm>> -> memref<128xi32, #tpu.memory_space<hbm>>
        tpu.enqueue_dma source(%dma_start3A_71 : memref<128xi32, #tpu.memory_space<hbm>>) target(%arg8 : memref<128xi32, #tpu.memory_space<vmem>>) target_semaphore(%run_scoped3A : memref<!tpu.dma_semaphore, #tpu.memory_space<semaphore_mem>>)
        %dma_wait3A = tpu.memref_slice %arg2[%mul3A_66] : memref<320000xi32, #tpu.memory_space<hbm>> -> memref<128xi32, #tpu.memory_space<hbm>>
        %dma_wait3A_72 = tpu.memref_slice %arg2[%mul3A_66] : memref<320000xi32, #tpu.memory_space<hbm>> -> memref<128xi32, #tpu.memory_space<hbm>>
        tpu.wait_dma2 semaphore(%run_scoped3A : memref<!tpu.dma_semaphore, #tpu.memory_space<semaphore_mem>>) src(%dma_wait3A_72 : memref<128xi32, #tpu.memory_space<hbm>>) dst(%arg8 : memref<128xi32, #tpu.memory_space<vmem>>)
        tpu.yield
      }) : () -> ()
      %dma_start3A = arith.constant 0 : i32
      %dma_start3A_67 = tpu.memref_slice %arg3[%mul3A_66, %dma_start3A] : memref<320000x128xf32, #tpu.memory_space<hbm>> -> memref<128x128xf32, #tpu.memory_space<hbm>>
      %dma_start3A_68 = arith.constant 0 : i32
      %dma_start3A_69 = tpu.memref_slice %arg3[%mul3A_66, %dma_start3A_68] : memref<320000x128xf32, #tpu.memory_space<hbm>> -> memref<128x128xf32, #tpu.memory_space<hbm>>
      tpu.enqueue_dma source(%dma_start3A_69 : memref<128x128xf32, #tpu.memory_space<hbm>>) target(%arg9 : memref<128x128xf32, #tpu.memory_space<vmem>>) target_semaphore(%arg10 : memref<!tpu.dma_semaphore, #tpu.memory_space<semaphore_mem>>)
    } else {
    }
    %scan3A_38 = arith.constant 0 : i32
    %scan3A_39 = arith.constant 0 : i32
    %scan3A_40 = arith.constant 40 : i32
    %scan3A_41 = arith.addi %scan3A_39, %scan3A_40 : i32
    %scan3A_42 = arith.constant 1 : i32
    scf.for %scan3A_65 = %scan3A_39 to %scan3A_41 step %scan3A_42  : i32 {
      %mul3A_66 = arith.constant 2 : i32
      %mul3A_67 = arith.muli %scan3A_65, %mul3A_66 : i32
      %add3A_68 = arith.constant 0 : i32
      %add3A_69 = arith.addi %mul3A_67, %add3A_68 : i32
      %mul3A_70 = arith.constant 32 : i32
      %mul3A_71 = arith.muli %add3A_69, %mul3A_70 : i32
      %add3A_72 = arith.addi %mul3A_71, %add3A : i32
      %lt3A_73 = arith.constant 2500 : i32
      %lt3A_74 = arith.cmpi slt, %add3A_72, %lt3A_73 : i32
      %convert_element_type3A_75 = arith.extui %lt3A_74 : i1 to i32
      %cond3A_76 = arith.constant 0 : i32
      %cond3A_77 = arith.cmpi ne, %convert_element_type3A_75, %cond3A_76 : i32
      scf.if %cond3A_77 {
        %mul3A_110 = arith.constant 128 : i32
        %mul3A_111 = arith.muli %add3A_72, %mul3A_110 : i32
        %dma_wait3A = arith.constant 0 : i32
        %dma_wait3A_112 = tpu.memref_slice %arg3[%mul3A_111, %dma_wait3A] : memref<320000x128xf32, #tpu.memory_space<hbm>> -> memref<128x128xf32, #tpu.memory_space<hbm>>
        %dma_wait3A_113 = arith.constant 0 : i32
        %dma_wait3A_114 = tpu.memref_slice %arg3[%mul3A_111, %dma_wait3A_113] : memref<320000x128xf32, #tpu.memory_space<hbm>> -> memref<128x128xf32, #tpu.memory_space<hbm>>
        tpu.wait_dma2 semaphore(%arg7 : memref<!tpu.dma_semaphore, #tpu.memory_space<semaphore_mem>>) src(%dma_wait3A_114 : memref<128x128xf32, #tpu.memory_space<hbm>>) dst(%arg6 : memref<128x128xf32, #tpu.memory_space<vmem>>)
        "tpu.region"() ({
          %run_scoped3A = tpu.sem_alloc : memref<!tpu.dma_semaphore, #tpu.memory_space<semaphore_mem>>
          %dma_start3A = arith.constant 0 : i32
          %dma_start3A_115 = arith.constant 0 : i32
          %dma_start3A_116 = tpu.memref_slice %arg11[%dma_start3A, %dma_start3A_115] : memref<10240x128xf32, #tpu.memory_space<vmem_shared>> -> memref<10240x128xf32, #tpu.memory_space<vmem_shared>>
          tpu.enqueue_indirect_dma source(%arg6 : memref<128x128xf32, #tpu.memory_space<vmem>>) target(%dma_start3A_116 : memref<10240x128xf32, #tpu.memory_space<vmem_shared>>) offsets(%arg5 : memref<128xi32, #tpu.memory_space<vmem>>) semaphore(%run_scoped3A : memref<!tpu.dma_semaphore, #tpu.memory_space<semaphore_mem>>) {add = true}
          %dma_wait3A_117 = arith.constant 0 : i32
          %dma_wait3A_118 = arith.constant 0 : i32
          %dma_wait3A_119 = tpu.memref_slice %arg11[%dma_wait3A_117, %dma_wait3A_118] : memref<10240x128xf32, #tpu.memory_space<vmem_shared>> -> memref<10240x128xf32, #tpu.memory_space<vmem_shared>>
          tpu.wait_indirect_dma semaphore(%run_scoped3A : memref<!tpu.dma_semaphore, #tpu.memory_space<semaphore_mem>>) src(%arg6 : memref<128x128xf32, #tpu.memory_space<vmem>>) dst(%dma_wait3A_119 : memref<10240x128xf32, #tpu.memory_space<vmem_shared>>)
          tpu.yield
        }) : () -> ()
      } else {
      }
      %add3A_78 = arith.constant 2 : i32
      %add3A_79 = arith.addi %add3A_69, %add3A_78 : i32
      %mul3A_80 = arith.constant 32 : i32
      %mul3A_81 = arith.muli %add3A_79, %mul3A_80 : i32
      %add3A_82 = arith.addi %mul3A_81, %add3A : i32
      %lt3A_83 = arith.constant 2500 : i32
      %lt3A_84 = arith.cmpi slt, %add3A_82, %lt3A_83 : i32
      %convert_element_type3A_85 = arith.extui %lt3A_84 : i1 to i32
      %cond3A_86 = arith.constant 0 : i32
      %cond3A_87 = arith.cmpi ne, %convert_element_type3A_85, %cond3A_86 : i32
      scf.if %cond3A_87 {
        %mul3A_110 = arith.constant 128 : i32
        %mul3A_111 = arith.muli %add3A_82, %mul3A_110 : i32
        "tpu.region"() ({
          %run_scoped3A = tpu.sem_alloc : memref<!tpu.dma_semaphore, #tpu.memory_space<semaphore_mem>>
          %dma_start3A_115 = tpu.memref_slice %arg2[%mul3A_111] : memref<320000xi32, #tpu.memory_space<hbm>> -> memref<128xi32, #tpu.memory_space<hbm>>
          %dma_start3A_116 = tpu.memref_slice %arg2[%mul3A_111] : memref<320000xi32, #tpu.memory_space<hbm>> -> memref<128xi32, #tpu.memory_space<hbm>>
          tpu.enqueue_dma source(%dma_start3A_116 : memref<128xi32, #tpu.memory_space<hbm>>) target(%arg5 : memref<128xi32, #tpu.memory_space<vmem>>) target_semaphore(%run_scoped3A : memref<!tpu.dma_semaphore, #tpu.memory_space<semaphore_mem>>)
          %dma_wait3A = tpu.memref_slice %arg2[%mul3A_111] : memref<320000xi32, #tpu.memory_space<hbm>> -> memref<128xi32, #tpu.memory_space<hbm>>
          %dma_wait3A_117 = tpu.memref_slice %arg2[%mul3A_111] : memref<320000xi32, #tpu.memory_space<hbm>> -> memref<128xi32, #tpu.memory_space<hbm>>
          tpu.wait_dma2 semaphore(%run_scoped3A : memref<!tpu.dma_semaphore, #tpu.memory_space<semaphore_mem>>) src(%dma_wait3A_117 : memref<128xi32, #tpu.memory_space<hbm>>) dst(%arg5 : memref<128xi32, #tpu.memory_space<vmem>>)
          tpu.yield
        }) : () -> ()
        %dma_start3A = arith.constant 0 : i32
        %dma_start3A_112 = tpu.memref_slice %arg3[%mul3A_111, %dma_start3A] : memref<320000x128xf32, #tpu.memory_space<hbm>> -> memref<128x128xf32, #tpu.memory_space<hbm>>
        %dma_start3A_113 = arith.constant 0 : i32
        %dma_start3A_114 = tpu.memref_slice %arg3[%mul3A_111, %dma_start3A_113] : memref<320000x128xf32, #tpu.memory_space<hbm>> -> memref<128x128xf32, #tpu.memory_space<hbm>>
        tpu.enqueue_dma source(%dma_start3A_114 : memref<128x128xf32, #tpu.memory_space<hbm>>) target(%arg6 : memref<128x128xf32, #tpu.memory_space<vmem>>) target_semaphore(%arg7 : memref<!tpu.dma_semaphore, #tpu.memory_space<semaphore_mem>>)
      } else {
      }
      %mul3A_88 = arith.constant 2 : i32
      %mul3A_89 = arith.muli %scan3A_65, %mul3A_88 : i32
      %add3A_90 = arith.constant 1 : i32
      %add3A_91 = arith.addi %mul3A_89, %add3A_90 : i32
      %mul3A_92 = arith.constant 32 : i32
      %mul3A_93 = arith.muli %add3A_91, %mul3A_92 : i32
      %add3A_94 = arith.addi %mul3A_93, %add3A : i32
      %lt3A_95 = arith.constant 2500 : i32
      %lt3A_96 = arith.cmpi slt, %add3A_94, %lt3A_95 : i32
      %convert_element_type3A_97 = arith.extui %lt3A_96 : i1 to i32
      %cond3A_98 = arith.constant 0 : i32
      %cond3A_99 = arith.cmpi ne, %convert_element_type3A_97, %cond3A_98 : i32
      scf.if %cond3A_99 {
        %mul3A_110 = arith.constant 128 : i32
        %mul3A_111 = arith.muli %add3A_94, %mul3A_110 : i32
        %dma_wait3A = arith.constant 0 : i32
        %dma_wait3A_112 = tpu.memref_slice %arg3[%mul3A_111, %dma_wait3A] : memref<320000x128xf32, #tpu.memory_space<hbm>> -> memref<128x128xf32, #tpu.memory_space<hbm>>
        %dma_wait3A_113 = arith.constant 0 : i32
        %dma_wait3A_114 = tpu.memref_slice %arg3[%mul3A_111, %dma_wait3A_113] : memref<320000x128xf32, #tpu.memory_space<hbm>> -> memref<128x128xf32, #tpu.memory_space<hbm>>
        tpu.wait_dma2 semaphore(%arg10 : memref<!tpu.dma_semaphore, #tpu.memory_space<semaphore_mem>>) src(%dma_wait3A_114 : memref<128x128xf32, #tpu.memory_space<hbm>>) dst(%arg9 : memref<128x128xf32, #tpu.memory_space<vmem>>)
        "tpu.region"() ({
          %run_scoped3A = tpu.sem_alloc : memref<!tpu.dma_semaphore, #tpu.memory_space<semaphore_mem>>
          %dma_start3A = arith.constant 0 : i32
          %dma_start3A_115 = arith.constant 0 : i32
          %dma_start3A_116 = tpu.memref_slice %arg11[%dma_start3A, %dma_start3A_115] : memref<10240x128xf32, #tpu.memory_space<vmem_shared>> -> memref<10240x128xf32, #tpu.memory_space<vmem_shared>>
          tpu.enqueue_indirect_dma source(%arg9 : memref<128x128xf32, #tpu.memory_space<vmem>>) target(%dma_start3A_116 : memref<10240x128xf32, #tpu.memory_space<vmem_shared>>) offsets(%arg8 : memref<128xi32, #tpu.memory_space<vmem>>) semaphore(%run_scoped3A : memref<!tpu.dma_semaphore, #tpu.memory_space<semaphore_mem>>) {add = true}
          %dma_wait3A_117 = arith.constant 0 : i32
          %dma_wait3A_118 = arith.constant 0 : i32
          %dma_wait3A_119 = tpu.memref_slice %arg11[%dma_wait3A_117, %dma_wait3A_118] : memref<10240x128xf32, #tpu.memory_space<vmem_shared>> -> memref<10240x128xf32, #tpu.memory_space<vmem_shared>>
          tpu.wait_indirect_dma semaphore(%run_scoped3A : memref<!tpu.dma_semaphore, #tpu.memory_space<semaphore_mem>>) src(%arg9 : memref<128x128xf32, #tpu.memory_space<vmem>>) dst(%dma_wait3A_119 : memref<10240x128xf32, #tpu.memory_space<vmem_shared>>)
          tpu.yield
        }) : () -> ()
      } else {
      }
      %add3A_100 = arith.constant 2 : i32
      %add3A_101 = arith.addi %add3A_91, %add3A_100 : i32
      %mul3A_102 = arith.constant 32 : i32
      %mul3A_103 = arith.muli %add3A_101, %mul3A_102 : i32
      %add3A_104 = arith.addi %mul3A_103, %add3A : i32
      %lt3A_105 = arith.constant 2500 : i32
      %lt3A_106 = arith.cmpi slt, %add3A_104, %lt3A_105 : i32
      %convert_element_type3A_107 = arith.extui %lt3A_106 : i1 to i32
      %cond3A_108 = arith.constant 0 : i32
      %cond3A_109 = arith.cmpi ne, %convert_element_type3A_107, %cond3A_108 : i32
      scf.if %cond3A_109 {
        %mul3A_110 = arith.constant 128 : i32
        %mul3A_111 = arith.muli %add3A_104, %mul3A_110 : i32
        "tpu.region"() ({
          %run_scoped3A = tpu.sem_alloc : memref<!tpu.dma_semaphore, #tpu.memory_space<semaphore_mem>>
          %dma_start3A_115 = tpu.memref_slice %arg2[%mul3A_111] : memref<320000xi32, #tpu.memory_space<hbm>> -> memref<128xi32, #tpu.memory_space<hbm>>
          %dma_start3A_116 = tpu.memref_slice %arg2[%mul3A_111] : memref<320000xi32, #tpu.memory_space<hbm>> -> memref<128xi32, #tpu.memory_space<hbm>>
          tpu.enqueue_dma source(%dma_start3A_116 : memref<128xi32, #tpu.memory_space<hbm>>) target(%arg8 : memref<128xi32, #tpu.memory_space<vmem>>) target_semaphore(%run_scoped3A : memref<!tpu.dma_semaphore, #tpu.memory_space<semaphore_mem>>)
          %dma_wait3A = tpu.memref_slice %arg2[%mul3A_111] : memref<320000xi32, #tpu.memory_space<hbm>> -> memref<128xi32, #tpu.memory_space<hbm>>
          %dma_wait3A_117 = tpu.memref_slice %arg2[%mul3A_111] : memref<320000xi32, #tpu.memory_space<hbm>> -> memref<128xi32, #tpu.memory_space<hbm>>
          tpu.wait_dma2 semaphore(%run_scoped3A : memref<!tpu.dma_semaphore, #tpu.memory_space<semaphore_mem>>) src(%dma_wait3A_117 : memref<128xi32, #tpu.memory_space<hbm>>) dst(%arg8 : memref<128xi32, #tpu.memory_space<vmem>>)
          tpu.yield
        }) : () -> ()
        %dma_start3A = arith.constant 0 : i32
        %dma_start3A_112 = tpu.memref_slice %arg3[%mul3A_111, %dma_start3A] : memref<320000x128xf32, #tpu.memory_space<hbm>> -> memref<128x128xf32, #tpu.memory_space<hbm>>
        %dma_start3A_113 = arith.constant 0 : i32
        %dma_start3A_114 = tpu.memref_slice %arg3[%mul3A_111, %dma_start3A_113] : memref<320000x128xf32, #tpu.memory_space<hbm>> -> memref<128x128xf32, #tpu.memory_space<hbm>>
        tpu.enqueue_dma source(%dma_start3A_114 : memref<128x128xf32, #tpu.memory_space<hbm>>) target(%arg9 : memref<128x128xf32, #tpu.memory_space<vmem>>) target_semaphore(%arg10 : memref<!tpu.dma_semaphore, #tpu.memory_space<semaphore_mem>>)
      } else {
      }
    }
    %scan3A_43 = arith.constant 40 : i32
    %barrier3A_44 = arith.constant 0 : index
    tpu.barrier barrier_id(%barrier3A_44)
    %mul3A_45 = arith.constant 640 : i32
    %mul3A_46 = arith.muli %arg1, %mul3A_45 : i32
    %add3A_47 = arith.constant 0 : i32
    %add3A_48 = arith.addi %mul3A_46, %add3A_47 : i32
    "tpu.region"() ({
      %run_scoped3A = tpu.sem_alloc : memref<!tpu.dma_semaphore, #tpu.memory_space<semaphore_mem>>
      %dma_start3A = arith.constant 0 : i32
      %dma_start3A_65 = tpu.memref_slice %arg4[%arg0, %add3A_48, %dma_start3A] : memref<2x10240x128xf32, #tpu.memory_space<hbm>> -> memref<1x128x128xf32, #tpu.memory_space<hbm>>
      %dma_start3A_66 = tpu.memref_squeeze %dma_start3A_65 : memref<1x128x128xf32, #tpu.memory_space<hbm>> -> memref<128x128xf32, #tpu.memory_space<hbm>>
      %dma_start3A_67 = arith.constant 0 : i32
      %dma_start3A_68 = tpu.memref_slice %arg11[%add3A_48, %dma_start3A_67] : memref<10240x128xf32, #tpu.memory_space<vmem_shared>> -> memref<128x128xf32, #tpu.memory_space<vmem_shared>>
      tpu.enqueue_dma source(%dma_start3A_68 : memref<128x128xf32, #tpu.memory_space<vmem_shared>>) target(%dma_start3A_66 : memref<128x128xf32, #tpu.memory_space<hbm>>) target_semaphore(%run_scoped3A : memref<!tpu.dma_semaphore, #tpu.memory_space<semaphore_mem>>)
      %dma_wait3A = arith.constant 0 : i32
      %dma_wait3A_69 = tpu.memref_slice %arg4[%arg0, %add3A_48, %dma_wait3A] : memref<2x10240x128xf32, #tpu.memory_space<hbm>> -> memref<1x128x128xf32, #tpu.memory_space<hbm>>
      %dma_wait3A_70 = tpu.memref_squeeze %dma_wait3A_69 : memref<1x128x128xf32, #tpu.memory_space<hbm>> -> memref<128x128xf32, #tpu.memory_space<hbm>>
      %dma_wait3A_71 = arith.constant 0 : i32
      %dma_wait3A_72 = tpu.memref_slice %arg11[%add3A_48, %dma_wait3A_71] : memref<10240x128xf32, #tpu.memory_space<vmem_shared>> -> memref<128x128xf32, #tpu.memory_space<vmem_shared>>
      tpu.wait_dma2 semaphore(%run_scoped3A : memref<!tpu.dma_semaphore, #tpu.memory_space<semaphore_mem>>) src(%dma_wait3A_72 : memref<128x128xf32, #tpu.memory_space<vmem_shared>>) dst(%dma_wait3A_70 : memref<128x128xf32, #tpu.memory_space<hbm>>)
      tpu.yield
    }) : () -> ()
    %mul3A_49 = arith.constant 640 : i32
    %mul3A_50 = arith.muli %arg1, %mul3A_49 : i32
    %add3A_51 = arith.constant 128 : i32
    %add3A_52 = arith.addi %mul3A_50, %add3A_51 : i32
    "tpu.region"() ({
      %run_scoped3A = tpu.sem_alloc : memref<!tpu.dma_semaphore, #tpu.memory_space<semaphore_mem>>
      %dma_start3A = arith.constant 0 : i32
      %dma_start3A_65 = tpu.memref_slice %arg4[%arg0, %add3A_52, %dma_start3A] : memref<2x10240x128xf32, #tpu.memory_space<hbm>> -> memref<1x128x128xf32, #tpu.memory_space<hbm>>
      %dma_start3A_66 = tpu.memref_squeeze %dma_start3A_65 : memref<1x128x128xf32, #tpu.memory_space<hbm>> -> memref<128x128xf32, #tpu.memory_space<hbm>>
      %dma_start3A_67 = arith.constant 0 : i32
      %dma_start3A_68 = tpu.memref_slice %arg11[%add3A_52, %dma_start3A_67] : memref<10240x128xf32, #tpu.memory_space<vmem_shared>> -> memref<128x128xf32, #tpu.memory_space<vmem_shared>>
      tpu.enqueue_dma source(%dma_start3A_68 : memref<128x128xf32, #tpu.memory_space<vmem_shared>>) target(%dma_start3A_66 : memref<128x128xf32, #tpu.memory_space<hbm>>) target_semaphore(%run_scoped3A : memref<!tpu.dma_semaphore, #tpu.memory_space<semaphore_mem>>)
      %dma_wait3A = arith.constant 0 : i32
      %dma_wait3A_69 = tpu.memref_slice %arg4[%arg0, %add3A_52, %dma_wait3A] : memref<2x10240x128xf32, #tpu.memory_space<hbm>> -> memref<1x128x128xf32, #tpu.memory_space<hbm>>
      %dma_wait3A_70 = tpu.memref_squeeze %dma_wait3A_69 : memref<1x128x128xf32, #tpu.memory_space<hbm>> -> memref<128x128xf32, #tpu.memory_space<hbm>>
      %dma_wait3A_71 = arith.constant 0 : i32
      %dma_wait3A_72 = tpu.memref_slice %arg11[%add3A_52, %dma_wait3A_71] : memref<10240x128xf32, #tpu.memory_space<vmem_shared>> -> memref<128x128xf32, #tpu.memory_space<vmem_shared>>
      tpu.wait_dma2 semaphore(%run_scoped3A : memref<!tpu.dma_semaphore, #tpu.memory_space<semaphore_mem>>) src(%dma_wait3A_72 : memref<128x128xf32, #tpu.memory_space<vmem_shared>>) dst(%dma_wait3A_70 : memref<128x128xf32, #tpu.memory_space<hbm>>)
      tpu.yield
    }) : () -> ()
    %mul3A_53 = arith.constant 640 : i32
    %mul3A_54 = arith.muli %arg1, %mul3A_53 : i32
    %add3A_55 = arith.constant 256 : i32
    %add3A_56 = arith.addi %mul3A_54, %add3A_55 : i32
    "tpu.region"() ({
      %run_scoped3A = tpu.sem_alloc : memref<!tpu.dma_semaphore, #tpu.memory_space<semaphore_mem>>
      %dma_start3A = arith.constant 0 : i32
      %dma_start3A_65 = tpu.memref_slice %arg4[%arg0, %add3A_56, %dma_start3A] : memref<2x10240x128xf32, #tpu.memory_space<hbm>> -> memref<1x128x128xf32, #tpu.memory_space<hbm>>
      %dma_start3A_66 = tpu.memref_squeeze %dma_start3A_65 : memref<1x128x128xf32, #tpu.memory_space<hbm>> -> memref<128x128xf32, #tpu.memory_space<hbm>>
      %dma_start3A_67 = arith.constant 0 : i32
      %dma_start3A_68 = tpu.memref_slice %arg11[%add3A_56, %dma_start3A_67] : memref<10240x128xf32, #tpu.memory_space<vmem_shared>> -> memref<128x128xf32, #tpu.memory_space<vmem_shared>>
      tpu.enqueue_dma source(%dma_start3A_68 : memref<128x128xf32, #tpu.memory_space<vmem_shared>>) target(%dma_start3A_66 : memref<128x128xf32, #tpu.memory_space<hbm>>) target_semaphore(%run_scoped3A : memref<!tpu.dma_semaphore, #tpu.memory_space<semaphore_mem>>)
      %dma_wait3A = arith.constant 0 : i32
      %dma_wait3A_69 = tpu.memref_slice %arg4[%arg0, %add3A_56, %dma_wait3A] : memref<2x10240x128xf32, #tpu.memory_space<hbm>> -> memref<1x128x128xf32, #tpu.memory_space<hbm>>
      %dma_wait3A_70 = tpu.memref_squeeze %dma_wait3A_69 : memref<1x128x128xf32, #tpu.memory_space<hbm>> -> memref<128x128xf32, #tpu.memory_space<hbm>>
      %dma_wait3A_71 = arith.constant 0 : i32
      %dma_wait3A_72 = tpu.memref_slice %arg11[%add3A_56, %dma_wait3A_71] : memref<10240x128xf32, #tpu.memory_space<vmem_shared>> -> memref<128x128xf32, #tpu.memory_space<vmem_shared>>
      tpu.wait_dma2 semaphore(%run_scoped3A : memref<!tpu.dma_semaphore, #tpu.memory_space<semaphore_mem>>) src(%dma_wait3A_72 : memref<128x128xf32, #tpu.memory_space<vmem_shared>>) dst(%dma_wait3A_70 : memref<128x128xf32, #tpu.memory_space<hbm>>)
      tpu.yield
    }) : () -> ()
    %mul3A_57 = arith.constant 640 : i32
    %mul3A_58 = arith.muli %arg1, %mul3A_57 : i32
    %add3A_59 = arith.constant 384 : i32
    %add3A_60 = arith.addi %mul3A_58, %add3A_59 : i32
    "tpu.region"() ({
      %run_scoped3A = tpu.sem_alloc : memref<!tpu.dma_semaphore, #tpu.memory_space<semaphore_mem>>
      %dma_start3A = arith.constant 0 : i32
      %dma_start3A_65 = tpu.memref_slice %arg4[%arg0, %add3A_60, %dma_start3A] : memref<2x10240x128xf32, #tpu.memory_space<hbm>> -> memref<1x128x128xf32, #tpu.memory_space<hbm>>
      %dma_start3A_66 = tpu.memref_squeeze %dma_start3A_65 : memref<1x128x128xf32, #tpu.memory_space<hbm>> -> memref<128x128xf32, #tpu.memory_space<hbm>>
      %dma_start3A_67 = arith.constant 0 : i32
      %dma_start3A_68 = tpu.memref_slice %arg11[%add3A_60, %dma_start3A_67] : memref<10240x128xf32, #tpu.memory_space<vmem_shared>> -> memref<128x128xf32, #tpu.memory_space<vmem_shared>>
      tpu.enqueue_dma source(%dma_start3A_68 : memref<128x128xf32, #tpu.memory_space<vmem_shared>>) target(%dma_start3A_66 : memref<128x128xf32, #tpu.memory_space<hbm>>) target_semaphore(%run_scoped3A : memref<!tpu.dma_semaphore, #tpu.memory_space<semaphore_mem>>)
      %dma_wait3A = arith.constant 0 : i32
      %dma_wait3A_69 = tpu.memref_slice %arg4[%arg0, %add3A_60, %dma_wait3A] : memref<2x10240x128xf32, #tpu.memory_space<hbm>> -> memref<1x128x128xf32, #tpu.memory_space<hbm>>
      %dma_wait3A_70 = tpu.memref_squeeze %dma_wait3A_69 : memref<1x128x128xf32, #tpu.memory_space<hbm>> -> memref<128x128xf32, #tpu.memory_space<hbm>>
      %dma_wait3A_71 = arith.constant 0 : i32
      %dma_wait3A_72 = tpu.memref_slice %arg11[%add3A_60, %dma_wait3A_71] : memref<10240x128xf32, #tpu.memory_space<vmem_shared>> -> memref<128x128xf32, #tpu.memory_space<vmem_shared>>
      tpu.wait_dma2 semaphore(%run_scoped3A : memref<!tpu.dma_semaphore, #tpu.memory_space<semaphore_mem>>) src(%dma_wait3A_72 : memref<128x128xf32, #tpu.memory_space<vmem_shared>>) dst(%dma_wait3A_70 : memref<128x128xf32, #tpu.memory_space<hbm>>)
      tpu.yield
    }) : () -> ()
    %mul3A_61 = arith.constant 640 : i32
    %mul3A_62 = arith.muli %arg1, %mul3A_61 : i32
    %add3A_63 = arith.constant 512 : i32
    %add3A_64 = arith.addi %mul3A_62, %add3A_63 : i32
    "tpu.region"() ({
      %run_scoped3A = tpu.sem_alloc : memref<!tpu.dma_semaphore, #tpu.memory_space<semaphore_mem>>
      %dma_start3A = arith.constant 0 : i32
      %dma_start3A_65 = tpu.memref_slice %arg4[%arg0, %add3A_64, %dma_start3A] : memref<2x10240x128xf32, #tpu.memory_space<hbm>> -> memref<1x128x128xf32, #tpu.memory_space<hbm>>
      %dma_start3A_66 = tpu.memref_squeeze %dma_start3A_65 : memref<1x128x128xf32, #tpu.memory_space<hbm>> -> memref<128x128xf32, #tpu.memory_space<hbm>>
      %dma_start3A_67 = arith.constant 0 : i32
      %dma_start3A_68 = tpu.memref_slice %arg11[%add3A_64, %dma_start3A_67] : memref<10240x128xf32, #tpu.memory_space<vmem_shared>> -> memref<128x128xf32, #tpu.memory_space<vmem_shared>>
      tpu.enqueue_dma source(%dma_start3A_68 : memref<128x128xf32, #tpu.memory_space<vmem_shared>>) target(%dma_start3A_66 : memref<128x128xf32, #tpu.memory_space<hbm>>) target_semaphore(%run_scoped3A : memref<!tpu.dma_semaphore, #tpu.memory_space<semaphore_mem>>)
      %dma_wait3A = arith.constant 0 : i32
      %dma_wait3A_69 = tpu.memref_slice %arg4[%arg0, %add3A_64, %dma_wait3A] : memref<2x10240x128xf32, #tpu.memory_space<hbm>> -> memref<1x128x128xf32, #tpu.memory_space<hbm>>
      %dma_wait3A_70 = tpu.memref_squeeze %dma_wait3A_69 : memref<1x128x128xf32, #tpu.memory_space<hbm>> -> memref<128x128xf32, #tpu.memory_space<hbm>>
      %dma_wait3A_71 = arith.constant 0 : i32
      %dma_wait3A_72 = tpu.memref_slice %arg11[%add3A_64, %dma_wait3A_71] : memref<10240x128xf32, #tpu.memory_space<vmem_shared>> -> memref<128x128xf32, #tpu.memory_space<vmem_shared>>
      tpu.wait_dma2 semaphore(%run_scoped3A : memref<!tpu.dma_semaphore, #tpu.memory_space<semaphore_mem>>) src(%dma_wait3A_72 : memref<128x128xf32, #tpu.memory_space<vmem_shared>>) dst(%dma_wait3A_70 : memref<128x128xf32, #tpu.memory_space<hbm>>)
      tpu.yield
    }) : () -> ()
    return
  }
}

#map = affine_map<(d0, d1) -> (0)>
#map1 = affine_map<(d0, d1) -> (0, 0)>
module attributes {stable_mosaic.version = 14 : i64} {
  func.func @_gather_body(%arg0: i32, %arg1: i32, %arg2: memref<320000xi32, #tpu.memory_space<hbm>>, %arg3: memref<320000xi32, #tpu.memory_space<hbm>>, %arg4: memref<10000x128xf32, #tpu.memory_space<hbm>>, %arg5: memref<80000x128xf32, #tpu.memory_space<hbm>>, %arg6: memref<128xi32, #tpu.memory_space<vmem>>, %arg7: memref<128xi32, #tpu.memory_space<vmem>>, %arg8: memref<128x128xf32, #tpu.memory_space<vmem>>, %arg9: memref<128x128xf32, #tpu.memory_space<vmem>>, %arg10: memref<64x128xf32, #tpu.memory_space<vmem>>, %arg11: memref<!tpu.dma_semaphore, #tpu.memory_space<semaphore_mem>>, %arg12: memref<128xi32, #tpu.memory_space<vmem>>, %arg13: memref<128xi32, #tpu.memory_space<vmem>>, %arg14: memref<128x128xf32, #tpu.memory_space<vmem>>, %arg15: memref<128x128xf32, #tpu.memory_space<vmem>>, %arg16: memref<64x128xf32, #tpu.memory_space<vmem>>, %arg17: memref<!tpu.dma_semaphore, #tpu.memory_space<semaphore_mem>>) attributes {dimension_semantics = [#tpu.dimension_semantics<core_parallel>, #tpu.dimension_semantics<subcore_parallel>], iteration_bounds = array<i64: 2, 16>, scalar_prefetch = 0 : i64, scratch_operands = 12 : i64, tpu.core_type = #tpu.core_type<sc_vector_subcore>, window_params = [{transform_indices = #map}, {transform_indices = #map}, {transform_indices = #map1}, {transform_indices = #map1}]} {
    %mul3A = arith.constant 2 : i32
    %mul3A_0 = arith.muli %arg1, %mul3A : i32
    %add3A = arith.addi %mul3A_0, %arg0 : i32
    %add3A_1 = arith.constant 1250 : i32
    %add3A_2 = arith.addi %add3A_1, %add3A : i32
    %lt3A = arith.constant 2500 : i32
    %lt3A_3 = arith.cmpi slt, %add3A_2, %lt3A : i32
    %convert_element_type3A = arith.extui %lt3A_3 : i1 to i32
    %cond3A = arith.constant 0 : i32
    %cond3A_4 = arith.cmpi ne, %convert_element_type3A, %cond3A : i32
    scf.if %cond3A_4 {
      %mul3A_17 = arith.constant 128 : i32
      %mul3A_18 = arith.muli %add3A_2, %mul3A_17 : i32
      "tpu.region"() ({
        %run_scoped3A = tpu.sem_alloc : memref<!tpu.dma_semaphore, #tpu.memory_space<semaphore_mem>>
        %dma_start3A_24 = tpu.memref_slice %arg2[%mul3A_18] : memref<320000xi32, #tpu.memory_space<hbm>> -> memref<128xi32, #tpu.memory_space<hbm>>
        %dma_start3A_25 = tpu.memref_slice %arg2[%mul3A_18] : memref<320000xi32, #tpu.memory_space<hbm>> -> memref<128xi32, #tpu.memory_space<hbm>>
        tpu.enqueue_dma source(%dma_start3A_25 : memref<128xi32, #tpu.memory_space<hbm>>) target(%arg6 : memref<128xi32, #tpu.memory_space<vmem>>) target_semaphore(%run_scoped3A : memref<!tpu.dma_semaphore, #tpu.memory_space<semaphore_mem>>)
        %dma_wait3A = tpu.memref_slice %arg2[%mul3A_18] : memref<320000xi32, #tpu.memory_space<hbm>> -> memref<128xi32, #tpu.memory_space<hbm>>
        %dma_wait3A_26 = tpu.memref_slice %arg2[%mul3A_18] : memref<320000xi32, #tpu.memory_space<hbm>> -> memref<128xi32, #tpu.memory_space<hbm>>
        tpu.wait_dma2 semaphore(%run_scoped3A : memref<!tpu.dma_semaphore, #tpu.memory_space<semaphore_mem>>) src(%dma_wait3A_26 : memref<128xi32, #tpu.memory_space<hbm>>) dst(%arg6 : memref<128xi32, #tpu.memory_space<vmem>>)
        tpu.yield
      }) : () -> ()
      "tpu.region"() ({
        %run_scoped3A = tpu.sem_alloc : memref<!tpu.dma_semaphore, #tpu.memory_space<semaphore_mem>>
        %dma_start3A_24 = tpu.memref_slice %arg3[%mul3A_18] : memref<320000xi32, #tpu.memory_space<hbm>> -> memref<128xi32, #tpu.memory_space<hbm>>
        %dma_start3A_25 = tpu.memref_slice %arg3[%mul3A_18] : memref<320000xi32, #tpu.memory_space<hbm>> -> memref<128xi32, #tpu.memory_space<hbm>>
        tpu.enqueue_dma source(%dma_start3A_25 : memref<128xi32, #tpu.memory_space<hbm>>) target(%arg7 : memref<128xi32, #tpu.memory_space<vmem>>) target_semaphore(%run_scoped3A : memref<!tpu.dma_semaphore, #tpu.memory_space<semaphore_mem>>)
        %dma_wait3A = tpu.memref_slice %arg3[%mul3A_18] : memref<320000xi32, #tpu.memory_space<hbm>> -> memref<128xi32, #tpu.memory_space<hbm>>
        %dma_wait3A_26 = tpu.memref_slice %arg3[%mul3A_18] : memref<320000xi32, #tpu.memory_space<hbm>> -> memref<128xi32, #tpu.memory_space<hbm>>
        tpu.wait_dma2 semaphore(%run_scoped3A : memref<!tpu.dma_semaphore, #tpu.memory_space<semaphore_mem>>) src(%dma_wait3A_26 : memref<128xi32, #tpu.memory_space<hbm>>) dst(%arg7 : memref<128xi32, #tpu.memory_space<vmem>>)
        tpu.yield
      }) : () -> ()
      %dma_start3A = arith.constant 0 : i32
      %dma_start3A_19 = arith.constant 0 : i32
      %dma_start3A_20 = tpu.memref_slice %arg4[%dma_start3A, %dma_start3A_19] : memref<10000x128xf32, #tpu.memory_space<hbm>> -> memref<10000x128xf32, #tpu.memory_space<hbm>>
      tpu.enqueue_indirect_dma source(%dma_start3A_20 : memref<10000x128xf32, #tpu.memory_space<hbm>>) target(%arg8 : memref<128x128xf32, #tpu.memory_space<vmem>>) offsets(%arg6 : memref<128xi32, #tpu.memory_space<vmem>>) semaphore(%arg11 : memref<!tpu.dma_semaphore, #tpu.memory_space<semaphore_mem>>)
      %dma_start3A_21 = arith.constant 0 : i32
      %dma_start3A_22 = arith.constant 0 : i32
      %dma_start3A_23 = tpu.memref_slice %arg4[%dma_start3A_21, %dma_start3A_22] : memref<10000x128xf32, #tpu.memory_space<hbm>> -> memref<10000x128xf32, #tpu.memory_space<hbm>>
      tpu.enqueue_indirect_dma source(%dma_start3A_23 : memref<10000x128xf32, #tpu.memory_space<hbm>>) target(%arg9 : memref<128x128xf32, #tpu.memory_space<vmem>>) offsets(%arg7 : memref<128xi32, #tpu.memory_space<vmem>>) semaphore(%arg11 : memref<!tpu.dma_semaphore, #tpu.memory_space<semaphore_mem>>)
    } else {
    }
    %add3A_5 = arith.constant 1282 : i32
    %add3A_6 = arith.addi %add3A_5, %add3A : i32
    %lt3A_7 = arith.constant 2500 : i32
    %lt3A_8 = arith.cmpi slt, %add3A_6, %lt3A_7 : i32
    %convert_element_type3A_9 = arith.extui %lt3A_8 : i1 to i32
    %cond3A_10 = arith.constant 0 : i32
    %cond3A_11 = arith.cmpi ne, %convert_element_type3A_9, %cond3A_10 : i32
    scf.if %cond3A_11 {
      %mul3A_17 = arith.constant 128 : i32
      %mul3A_18 = arith.muli %add3A_6, %mul3A_17 : i32
      "tpu.region"() ({
        %run_scoped3A = tpu.sem_alloc : memref<!tpu.dma_semaphore, #tpu.memory_space<semaphore_mem>>
        %dma_start3A_24 = tpu.memref_slice %arg2[%mul3A_18] : memref<320000xi32, #tpu.memory_space<hbm>> -> memref<128xi32, #tpu.memory_space<hbm>>
        %dma_start3A_25 = tpu.memref_slice %arg2[%mul3A_18] : memref<320000xi32, #tpu.memory_space<hbm>> -> memref<128xi32, #tpu.memory_space<hbm>>
        tpu.enqueue_dma source(%dma_start3A_25 : memref<128xi32, #tpu.memory_space<hbm>>) target(%arg12 : memref<128xi32, #tpu.memory_space<vmem>>) target_semaphore(%run_scoped3A : memref<!tpu.dma_semaphore, #tpu.memory_space<semaphore_mem>>)
        %dma_wait3A = tpu.memref_slice %arg2[%mul3A_18] : memref<320000xi32, #tpu.memory_space<hbm>> -> memref<128xi32, #tpu.memory_space<hbm>>
        %dma_wait3A_26 = tpu.memref_slice %arg2[%mul3A_18] : memref<320000xi32, #tpu.memory_space<hbm>> -> memref<128xi32, #tpu.memory_space<hbm>>
        tpu.wait_dma2 semaphore(%run_scoped3A : memref<!tpu.dma_semaphore, #tpu.memory_space<semaphore_mem>>) src(%dma_wait3A_26 : memref<128xi32, #tpu.memory_space<hbm>>) dst(%arg12 : memref<128xi32, #tpu.memory_space<vmem>>)
        tpu.yield
      }) : () -> ()
      "tpu.region"() ({
        %run_scoped3A = tpu.sem_alloc : memref<!tpu.dma_semaphore, #tpu.memory_space<semaphore_mem>>
        %dma_start3A_24 = tpu.memref_slice %arg3[%mul3A_18] : memref<320000xi32, #tpu.memory_space<hbm>> -> memref<128xi32, #tpu.memory_space<hbm>>
        %dma_start3A_25 = tpu.memref_slice %arg3[%mul3A_18] : memref<320000xi32, #tpu.memory_space<hbm>> -> memref<128xi32, #tpu.memory_space<hbm>>
        tpu.enqueue_dma source(%dma_start3A_25 : memref<128xi32, #tpu.memory_space<hbm>>) target(%arg13 : memref<128xi32, #tpu.memory_space<vmem>>) target_semaphore(%run_scoped3A : memref<!tpu.dma_semaphore, #tpu.memory_space<semaphore_mem>>)
        %dma_wait3A = tpu.memref_slice %arg3[%mul3A_18] : memref<320000xi32, #tpu.memory_space<hbm>> -> memref<128xi32, #tpu.memory_space<hbm>>
        %dma_wait3A_26 = tpu.memref_slice %arg3[%mul3A_18] : memref<320000xi32, #tpu.memory_space<hbm>> -> memref<128xi32, #tpu.memory_space<hbm>>
        tpu.wait_dma2 semaphore(%run_scoped3A : memref<!tpu.dma_semaphore, #tpu.memory_space<semaphore_mem>>) src(%dma_wait3A_26 : memref<128xi32, #tpu.memory_space<hbm>>) dst(%arg13 : memref<128xi32, #tpu.memory_space<vmem>>)
        tpu.yield
      }) : () -> ()
      %dma_start3A = arith.constant 0 : i32
      %dma_start3A_19 = arith.constant 0 : i32
      %dma_start3A_20 = tpu.memref_slice %arg4[%dma_start3A, %dma_start3A_19] : memref<10000x128xf32, #tpu.memory_space<hbm>> -> memref<10000x128xf32, #tpu.memory_space<hbm>>
      tpu.enqueue_indirect_dma source(%dma_start3A_20 : memref<10000x128xf32, #tpu.memory_space<hbm>>) target(%arg14 : memref<128x128xf32, #tpu.memory_space<vmem>>) offsets(%arg12 : memref<128xi32, #tpu.memory_space<vmem>>) semaphore(%arg17 : memref<!tpu.dma_semaphore, #tpu.memory_space<semaphore_mem>>)
      %dma_start3A_21 = arith.constant 0 : i32
      %dma_start3A_22 = arith.constant 0 : i32
      %dma_start3A_23 = tpu.memref_slice %arg4[%dma_start3A_21, %dma_start3A_22] : memref<10000x128xf32, #tpu.memory_space<hbm>> -> memref<10000x128xf32, #tpu.memory_space<hbm>>
      tpu.enqueue_indirect_dma source(%dma_start3A_23 : memref<10000x128xf32, #tpu.memory_space<hbm>>) target(%arg15 : memref<128x128xf32, #tpu.memory_space<vmem>>) offsets(%arg13 : memref<128xi32, #tpu.memory_space<vmem>>) semaphore(%arg17 : memref<!tpu.dma_semaphore, #tpu.memory_space<semaphore_mem>>)
    } else {
    }
    %scan3A = arith.constant 0 : i32
    %scan3A_12 = arith.constant 0 : i32
    %scan3A_13 = arith.constant 20 : i32
    %scan3A_14 = arith.addi %scan3A_12, %scan3A_13 : i32
    %scan3A_15 = arith.constant 1 : i32
    scf.for %scan3A_17 = %scan3A_12 to %scan3A_14 step %scan3A_15  : i32 {
      %mul3A_18 = arith.constant 2 : i32
      %mul3A_19 = arith.muli %scan3A_17, %mul3A_18 : i32
      %add3A_20 = arith.constant 0 : i32
      %add3A_21 = arith.addi %mul3A_19, %add3A_20 : i32
      %mul3A_22 = arith.constant 32 : i32
      %mul3A_23 = arith.muli %add3A_21, %mul3A_22 : i32
      %add3A_24 = arith.constant 1250 : i32
      %add3A_25 = arith.addi %add3A_24, %mul3A_23 : i32
      %add3A_26 = arith.addi %add3A_25, %add3A : i32
      %lt3A_27 = arith.constant 2500 : i32
      %lt3A_28 = arith.cmpi slt, %add3A_26, %lt3A_27 : i32
      %convert_element_type3A_29 = arith.extui %lt3A_28 : i1 to i32
      %cond3A_30 = arith.constant 0 : i32
      %cond3A_31 = arith.cmpi ne, %convert_element_type3A_29, %cond3A_30 : i32
      scf.if %cond3A_31 {
        %dma_wait3A = arith.constant 0 : i32
        %dma_wait3A_70 = arith.constant 0 : i32
        %dma_wait3A_71 = tpu.memref_slice %arg4[%dma_wait3A, %dma_wait3A_70] : memref<10000x128xf32, #tpu.memory_space<hbm>> -> memref<10000x128xf32, #tpu.memory_space<hbm>>
        tpu.wait_indirect_dma semaphore(%arg11 : memref<!tpu.dma_semaphore, #tpu.memory_space<semaphore_mem>>) src(%dma_wait3A_71 : memref<10000x128xf32, #tpu.memory_space<hbm>>) dst(%arg8 : memref<128x128xf32, #tpu.memory_space<vmem>>)
        %dma_wait3A_72 = arith.constant 0 : i32
        %dma_wait3A_73 = arith.constant 0 : i32
        %dma_wait3A_74 = tpu.memref_slice %arg4[%dma_wait3A_72, %dma_wait3A_73] : memref<10000x128xf32, #tpu.memory_space<hbm>> -> memref<10000x128xf32, #tpu.memory_space<hbm>>
        tpu.wait_indirect_dma semaphore(%arg11 : memref<!tpu.dma_semaphore, #tpu.memory_space<semaphore_mem>>) src(%dma_wait3A_74 : memref<10000x128xf32, #tpu.memory_space<hbm>>) dst(%arg9 : memref<128x128xf32, #tpu.memory_space<vmem>>)
        %scan3A_75 = arith.constant 0 : i32
        %scan3A_76 = arith.constant -65536 : i32
        %scan3A_77 = arith.constant 32768 : i32
        %scan3A_78 = arith.constant 0 : i32
        %scan3A_79 = arith.constant 64 : i32
        %scan3A_80 = arith.addi %scan3A_78, %scan3A_79 : i32
        %scan3A_81 = arith.constant 1 : i32
        scf.for %scan3A_86 = %scan3A_78 to %scan3A_80 step %scan3A_81  : i32 {
          %add3A_87 = arith.constant 64 : i32
          %add3A_88 = arith.addi %scan3A_86, %add3A_87 : i32
          %get3A = arith.index_cast %scan3A_86 : i32 to index
          %get3A_89 = arith.constant 0 : index
          %get3A_90 = tpu.vector_load %arg8[%get3A, %get3A_89] {strides = array<i32>} : memref<128x128xf32, #tpu.memory_space<vmem>>, vector<1x16xf32>,
          %get3A_91 = vector.shape_cast %get3A_90 : vector<1x16xf32> to vector<16xf32>
          %get3A_92 = arith.index_cast %scan3A_86 : i32 to index
          %get3A_93 = arith.constant 0 : index
          %get3A_94 = tpu.vector_load %arg9[%get3A_92, %get3A_93] {strides = array<i32>} : memref<128x128xf32, #tpu.memory_space<vmem>>, vector<1x16xf32>,
          %get3A_95 = vector.shape_cast %get3A_94 : vector<1x16xf32> to vector<16xf32>
          %bitcast_convert_type3A = tpu.bitcast %get3A_91 : vector<16xf32> -> vector<16xi32>
          %bitcast_convert_type3A_96 = tpu.bitcast %get3A_95 : vector<16xf32> -> vector<16xi32>
          %shift_left3A = arith.constant 16 : i32
          %shift_left3A_97 = vector.broadcast %shift_left3A : i32 to vector<16xi32>
          %shift_left3A_98 = arith.shli %bitcast_convert_type3A, %shift_left3A_97 : vector<16xi32>
          %bitcast_convert_type3A_99 = tpu.bitcast %shift_left3A_98 : vector<16xi32> -> vector<16xf32>
          %and3A = vector.broadcast %scan3A_76 : i32 to vector<16xi32>
          %and3A_100 = arith.andi %bitcast_convert_type3A_96, %and3A : vector<16xi32>
          %bitcast_convert_type3A_101 = tpu.bitcast %and3A_100 : vector<16xi32> -> vector<16xf32>
          %add3A_102 = arith.addf %bitcast_convert_type3A_99, %bitcast_convert_type3A_101 : vector<16xf32>
          %get3A_103 = arith.index_cast %add3A_88 : i32 to index
          %get3A_104 = arith.constant 0 : index
          %get3A_105 = tpu.vector_load %arg8[%get3A_103, %get3A_104] {strides = array<i32>} : memref<128x128xf32, #tpu.memory_space<vmem>>, vector<1x16xf32>,
          %get3A_106 = vector.shape_cast %get3A_105 : vector<1x16xf32> to vector<16xf32>
          %get3A_107 = arith.index_cast %add3A_88 : i32 to index
          %get3A_108 = arith.constant 0 : index
          %get3A_109 = tpu.vector_load %arg9[%get3A_107, %get3A_108] {strides = array<i32>} : memref<128x128xf32, #tpu.memory_space<vmem>>, vector<1x16xf32>,
          %get3A_110 = vector.shape_cast %get3A_109 : vector<1x16xf32> to vector<16xf32>
          %bitcast_convert_type3A_111 = tpu.bitcast %get3A_106 : vector<16xf32> -> vector<16xi32>
          %bitcast_convert_type3A_112 = tpu.bitcast %get3A_110 : vector<16xf32> -> vector<16xi32>
          %shift_left3A_113 = arith.constant 16 : i32
          %shift_left3A_114 = vector.broadcast %shift_left3A_113 : i32 to vector<16xi32>
          %shift_left3A_115 = arith.shli %bitcast_convert_type3A_111, %shift_left3A_114 : vector<16xi32>
          %bitcast_convert_type3A_116 = tpu.bitcast %shift_left3A_115 : vector<16xi32> -> vector<16xf32>
          %and3A_117 = vector.broadcast %scan3A_76 : i32 to vector<16xi32>
          %and3A_118 = arith.andi %bitcast_convert_type3A_112, %and3A_117 : vector<16xi32>
          %bitcast_convert_type3A_119 = tpu.bitcast %and3A_118 : vector<16xi32> -> vector<16xf32>
          %add3A_120 = arith.addf %bitcast_convert_type3A_116, %bitcast_convert_type3A_119 : vector<16xf32>
          %bitcast_convert_type3A_121 = tpu.bitcast %add3A_102 : vector<16xf32> -> vector<16xi32>
          %add3A_122 = vector.broadcast %scan3A_77 : i32 to vector<16xi32>
          %add3A_123 = arith.addi %bitcast_convert_type3A_121, %add3A_122 : vector<16xi32>
          %shift_right_logical3A = arith.constant 16 : i32
          %shift_right_logical3A_124 = vector.broadcast %shift_right_logical3A : i32 to vector<16xi32>
          %shift_right_logical3A_125 = arith.shrui %add3A_123, %shift_right_logical3A_124 : vector<16xi32>
          %bitcast_convert_type3A_126 = tpu.bitcast %add3A_120 : vector<16xf32> -> vector<16xi32>
          %add3A_127 = vector.broadcast %scan3A_77 : i32 to vector<16xi32>
          %add3A_128 = arith.addi %bitcast_convert_type3A_126, %add3A_127 : vector<16xi32>
          %and3A_129 = vector.broadcast %scan3A_76 : i32 to vector<16xi32>
          %and3A_130 = arith.andi %add3A_128, %and3A_129 : vector<16xi32>
          %or3A = arith.ori %shift_right_logical3A_125, %and3A_130 : vector<16xi32>
          %bitcast_convert_type3A_131 = tpu.bitcast %or3A : vector<16xi32> -> vector<16xf32>
          %swap3A = arith.index_cast %scan3A_86 : i32 to index
          %swap3A_132 = arith.constant 0 : index
          %swap3A_133 = tpu.vector_load %arg10[%swap3A, %swap3A_132] {strides = array<i32>} : memref<64x128xf32, #tpu.memory_space<vmem>>, vector<1x16xf32>,
          %swap3A_134 = vector.shape_cast %swap3A_133 : vector<1x16xf32> to vector<16xf32>
          %swap3A_135 = vector.shape_cast %bitcast_convert_type3A_131 : vector<16xf32> to vector<1x16xf32>
          tpu.vector_store %arg10[%swap3A, %swap3A_132], %swap3A_135 {strides = array<i32>} : memref<64x128xf32, #tpu.memory_space<vmem>>, vector<1x16xf32>,
          %get3A_136 = arith.index_cast %scan3A_86 : i32 to index
          %get3A_137 = arith.constant 16 : index
          %get3A_138 = tpu.vector_load %arg8[%get3A_136, %get3A_137] {strides = array<i32>} : memref<128x128xf32, #tpu.memory_space<vmem>>, vector<1x16xf32>,
          %get3A_139 = vector.shape_cast %get3A_138 : vector<1x16xf32> to vector<16xf32>
          %get3A_140 = arith.index_cast %scan3A_86 : i32 to index
          %get3A_141 = arith.constant 16 : index
          %get3A_142 = tpu.vector_load %arg9[%get3A_140, %get3A_141] {strides = array<i32>} : memref<128x128xf32, #tpu.memory_space<vmem>>, vector<1x16xf32>,
          %get3A_143 = vector.shape_cast %get3A_142 : vector<1x16xf32> to vector<16xf32>
          %bitcast_convert_type3A_144 = tpu.bitcast %get3A_139 : vector<16xf32> -> vector<16xi32>
          %bitcast_convert_type3A_145 = tpu.bitcast %get3A_143 : vector<16xf32> -> vector<16xi32>
          %shift_left3A_146 = arith.constant 16 : i32
          %shift_left3A_147 = vector.broadcast %shift_left3A_146 : i32 to vector<16xi32>
          %shift_left3A_148 = arith.shli %bitcast_convert_type3A_144, %shift_left3A_147 : vector<16xi32>
          %bitcast_convert_type3A_149 = tpu.bitcast %shift_left3A_148 : vector<16xi32> -> vector<16xf32>
          %and3A_150 = vector.broadcast %scan3A_76 : i32 to vector<16xi32>
          %and3A_151 = arith.andi %bitcast_convert_type3A_145, %and3A_150 : vector<16xi32>
          %bitcast_convert_type3A_152 = tpu.bitcast %and3A_151 : vector<16xi32> -> vector<16xf32>
          %add3A_153 = arith.addf %bitcast_convert_type3A_149, %bitcast_convert_type3A_152 : vector<16xf32>
          %get3A_154 = arith.index_cast %add3A_88 : i32 to index
          %get3A_155 = arith.constant 16 : index
          %get3A_156 = tpu.vector_load %arg8[%get3A_154, %get3A_155] {strides = array<i32>} : memref<128x128xf32, #tpu.memory_space<vmem>>, vector<1x16xf32>,
          %get3A_157 = vector.shape_cast %get3A_156 : vector<1x16xf32> to vector<16xf32>
          %get3A_158 = arith.index_cast %add3A_88 : i32 to index
          %get3A_159 = arith.constant 16 : index
          %get3A_160 = tpu.vector_load %arg9[%get3A_158, %get3A_159] {strides = array<i32>} : memref<128x128xf32, #tpu.memory_space<vmem>>, vector<1x16xf32>,
          %get3A_161 = vector.shape_cast %get3A_160 : vector<1x16xf32> to vector<16xf32>
          %bitcast_convert_type3A_162 = tpu.bitcast %get3A_157 : vector<16xf32> -> vector<16xi32>
          %bitcast_convert_type3A_163 = tpu.bitcast %get3A_161 : vector<16xf32> -> vector<16xi32>
          %shift_left3A_164 = arith.constant 16 : i32
          %shift_left3A_165 = vector.broadcast %shift_left3A_164 : i32 to vector<16xi32>
          %shift_left3A_166 = arith.shli %bitcast_convert_type3A_162, %shift_left3A_165 : vector<16xi32>
          %bitcast_convert_type3A_167 = tpu.bitcast %shift_left3A_166 : vector<16xi32> -> vector<16xf32>
          %and3A_168 = vector.broadcast %scan3A_76 : i32 to vector<16xi32>
          %and3A_169 = arith.andi %bitcast_convert_type3A_163, %and3A_168 : vector<16xi32>
          %bitcast_convert_type3A_170 = tpu.bitcast %and3A_169 : vector<16xi32> -> vector<16xf32>
          %add3A_171 = arith.addf %bitcast_convert_type3A_167, %bitcast_convert_type3A_170 : vector<16xf32>
          %bitcast_convert_type3A_172 = tpu.bitcast %add3A_153 : vector<16xf32> -> vector<16xi32>
          %add3A_173 = vector.broadcast %scan3A_77 : i32 to vector<16xi32>
          %add3A_174 = arith.addi %bitcast_convert_type3A_172, %add3A_173 : vector<16xi32>
          %shift_right_logical3A_175 = arith.constant 16 : i32
          %shift_right_logical3A_176 = vector.broadcast %shift_right_logical3A_175 : i32 to vector<16xi32>
          %shift_right_logical3A_177 = arith.shrui %add3A_174, %shift_right_logical3A_176 : vector<16xi32>
          %bitcast_convert_type3A_178 = tpu.bitcast %add3A_171 : vector<16xf32> -> vector<16xi32>
          %add3A_179 = vector.broadcast %scan3A_77 : i32 to vector<16xi32>
          %add3A_180 = arith.addi %bitcast_convert_type3A_178, %add3A_179 : vector<16xi32>
          %and3A_181 = vector.broadcast %scan3A_76 : i32 to vector<16xi32>
          %and3A_182 = arith.andi %add3A_180, %and3A_181 : vector<16xi32>
          %or3A_183 = arith.ori %shift_right_logical3A_177, %and3A_182 : vector<16xi32>
          %bitcast_convert_type3A_184 = tpu.bitcast %or3A_183 : vector<16xi32> -> vector<16xf32>
          %swap3A_185 = arith.index_cast %scan3A_86 : i32 to index
          %swap3A_186 = arith.constant 16 : index
          %swap3A_187 = tpu.vector_load %arg10[%swap3A_185, %swap3A_186] {strides = array<i32>} : memref<64x128xf32, #tpu.memory_space<vmem>>, vector<1x16xf32>,
          %swap3A_188 = vector.shape_cast %swap3A_187 : vector<1x16xf32> to vector<16xf32>
          %swap3A_189 = vector.shape_cast %bitcast_convert_type3A_184 : vector<16xf32> to vector<1x16xf32>
          tpu.vector_store %arg10[%swap3A_185, %swap3A_186], %swap3A_189 {strides = array<i32>} : memref<64x128xf32, #tpu.memory_space<vmem>>, vector<1x16xf32>,
          %get3A_190 = arith.index_cast %scan3A_86 : i32 to index
          %get3A_191 = arith.constant 32 : index
          %get3A_192 = tpu.vector_load %arg8[%get3A_190, %get3A_191] {strides = array<i32>} : memref<128x128xf32, #tpu.memory_space<vmem>>, vector<1x16xf32>,
          %get3A_193 = vector.shape_cast %get3A_192 : vector<1x16xf32> to vector<16xf32>
          %get3A_194 = arith.index_cast %scan3A_86 : i32 to index
          %get3A_195 = arith.constant 32 : index
          %get3A_196 = tpu.vector_load %arg9[%get3A_194, %get3A_195] {strides = array<i32>} : memref<128x128xf32, #tpu.memory_space<vmem>>, vector<1x16xf32>,
          %get3A_197 = vector.shape_cast %get3A_196 : vector<1x16xf32> to vector<16xf32>
          %bitcast_convert_type3A_198 = tpu.bitcast %get3A_193 : vector<16xf32> -> vector<16xi32>
          %bitcast_convert_type3A_199 = tpu.bitcast %get3A_197 : vector<16xf32> -> vector<16xi32>
          %shift_left3A_200 = arith.constant 16 : i32
          %shift_left3A_201 = vector.broadcast %shift_left3A_200 : i32 to vector<16xi32>
          %shift_left3A_202 = arith.shli %bitcast_convert_type3A_198, %shift_left3A_201 : vector<16xi32>
          %bitcast_convert_type3A_203 = tpu.bitcast %shift_left3A_202 : vector<16xi32> -> vector<16xf32>
          %and3A_204 = vector.broadcast %scan3A_76 : i32 to vector<16xi32>
          %and3A_205 = arith.andi %bitcast_convert_type3A_199, %and3A_204 : vector<16xi32>
          %bitcast_convert_type3A_206 = tpu.bitcast %and3A_205 : vector<16xi32> -> vector<16xf32>
          %add3A_207 = arith.addf %bitcast_convert_type3A_203, %bitcast_convert_type3A_206 : vector<16xf32>
          %get3A_208 = arith.index_cast %add3A_88 : i32 to index
          %get3A_209 = arith.constant 32 : index
          %get3A_210 = tpu.vector_load %arg8[%get3A_208, %get3A_209] {strides = array<i32>} : memref<128x128xf32, #tpu.memory_space<vmem>>, vector<1x16xf32>,
          %get3A_211 = vector.shape_cast %get3A_210 : vector<1x16xf32> to vector<16xf32>
          %get3A_212 = arith.index_cast %add3A_88 : i32 to index
          %get3A_213 = arith.constant 32 : index
          %get3A_214 = tpu.vector_load %arg9[%get3A_212, %get3A_213] {strides = array<i32>} : memref<128x128xf32, #tpu.memory_space<vmem>>, vector<1x16xf32>,
          %get3A_215 = vector.shape_cast %get3A_214 : vector<1x16xf32> to vector<16xf32>
          %bitcast_convert_type3A_216 = tpu.bitcast %get3A_211 : vector<16xf32> -> vector<16xi32>
          %bitcast_convert_type3A_217 = tpu.bitcast %get3A_215 : vector<16xf32> -> vector<16xi32>
          %shift_left3A_218 = arith.constant 16 : i32
          %shift_left3A_219 = vector.broadcast %shift_left3A_218 : i32 to vector<16xi32>
          %shift_left3A_220 = arith.shli %bitcast_convert_type3A_216, %shift_left3A_219 : vector<16xi32>
          %bitcast_convert_type3A_221 = tpu.bitcast %shift_left3A_220 : vector<16xi32> -> vector<16xf32>
          %and3A_222 = vector.broadcast %scan3A_76 : i32 to vector<16xi32>
          %and3A_223 = arith.andi %bitcast_convert_type3A_217, %and3A_222 : vector<16xi32>
          %bitcast_convert_type3A_224 = tpu.bitcast %and3A_223 : vector<16xi32> -> vector<16xf32>
          %add3A_225 = arith.addf %bitcast_convert_type3A_221, %bitcast_convert_type3A_224 : vector<16xf32>
          %bitcast_convert_type3A_226 = tpu.bitcast %add3A_207 : vector<16xf32> -> vector<16xi32>
          %add3A_227 = vector.broadcast %scan3A_77 : i32 to vector<16xi32>
          %add3A_228 = arith.addi %bitcast_convert_type3A_226, %add3A_227 : vector<16xi32>
          %shift_right_logical3A_229 = arith.constant 16 : i32
          %shift_right_logical3A_230 = vector.broadcast %shift_right_logical3A_229 : i32 to vector<16xi32>
          %shift_right_logical3A_231 = arith.shrui %add3A_228, %shift_right_logical3A_230 : vector<16xi32>
          %bitcast_convert_type3A_232 = tpu.bitcast %add3A_225 : vector<16xf32> -> vector<16xi32>
          %add3A_233 = vector.broadcast %scan3A_77 : i32 to vector<16xi32>
          %add3A_234 = arith.addi %bitcast_convert_type3A_232, %add3A_233 : vector<16xi32>
          %and3A_235 = vector.broadcast %scan3A_76 : i32 to vector<16xi32>
          %and3A_236 = arith.andi %add3A_234, %and3A_235 : vector<16xi32>
          %or3A_237 = arith.ori %shift_right_logical3A_231, %and3A_236 : vector<16xi32>
          %bitcast_convert_type3A_238 = tpu.bitcast %or3A_237 : vector<16xi32> -> vector<16xf32>
          %swap3A_239 = arith.index_cast %scan3A_86 : i32 to index
          %swap3A_240 = arith.constant 32 : index
          %swap3A_241 = tpu.vector_load %arg10[%swap3A_239, %swap3A_240] {strides = array<i32>} : memref<64x128xf32, #tpu.memory_space<vmem>>, vector<1x16xf32>,
          %swap3A_242 = vector.shape_cast %swap3A_241 : vector<1x16xf32> to vector<16xf32>
          %swap3A_243 = vector.shape_cast %bitcast_convert_type3A_238 : vector<16xf32> to vector<1x16xf32>
          tpu.vector_store %arg10[%swap3A_239, %swap3A_240], %swap3A_243 {strides = array<i32>} : memref<64x128xf32, #tpu.memory_space<vmem>>, vector<1x16xf32>,
          %get3A_244 = arith.index_cast %scan3A_86 : i32 to index
          %get3A_245 = arith.constant 48 : index
          %get3A_246 = tpu.vector_load %arg8[%get3A_244, %get3A_245] {strides = array<i32>} : memref<128x128xf32, #tpu.memory_space<vmem>>, vector<1x16xf32>,
          %get3A_247 = vector.shape_cast %get3A_246 : vector<1x16xf32> to vector<16xf32>
          %get3A_248 = arith.index_cast %scan3A_86 : i32 to index
          %get3A_249 = arith.constant 48 : index
          %get3A_250 = tpu.vector_load %arg9[%get3A_248, %get3A_249] {strides = array<i32>} : memref<128x128xf32, #tpu.memory_space<vmem>>, vector<1x16xf32>,
          %get3A_251 = vector.shape_cast %get3A_250 : vector<1x16xf32> to vector<16xf32>
          %bitcast_convert_type3A_252 = tpu.bitcast %get3A_247 : vector<16xf32> -> vector<16xi32>
          %bitcast_convert_type3A_253 = tpu.bitcast %get3A_251 : vector<16xf32> -> vector<16xi32>
          %shift_left3A_254 = arith.constant 16 : i32
          %shift_left3A_255 = vector.broadcast %shift_left3A_254 : i32 to vector<16xi32>
          %shift_left3A_256 = arith.shli %bitcast_convert_type3A_252, %shift_left3A_255 : vector<16xi32>
          %bitcast_convert_type3A_257 = tpu.bitcast %shift_left3A_256 : vector<16xi32> -> vector<16xf32>
          %and3A_258 = vector.broadcast %scan3A_76 : i32 to vector<16xi32>
          %and3A_259 = arith.andi %bitcast_convert_type3A_253, %and3A_258 : vector<16xi32>
          %bitcast_convert_type3A_260 = tpu.bitcast %and3A_259 : vector<16xi32> -> vector<16xf32>
          %add3A_261 = arith.addf %bitcast_convert_type3A_257, %bitcast_convert_type3A_260 : vector<16xf32>
          %get3A_262 = arith.index_cast %add3A_88 : i32 to index
          %get3A_263 = arith.constant 48 : index
          %get3A_264 = tpu.vector_load %arg8[%get3A_262, %get3A_263] {strides = array<i32>} : memref<128x128xf32, #tpu.memory_space<vmem>>, vector<1x16xf32>,
          %get3A_265 = vector.shape_cast %get3A_264 : vector<1x16xf32> to vector<16xf32>
          %get3A_266 = arith.index_cast %add3A_88 : i32 to index
          %get3A_267 = arith.constant 48 : index
          %get3A_268 = tpu.vector_load %arg9[%get3A_266, %get3A_267] {strides = array<i32>} : memref<128x128xf32, #tpu.memory_space<vmem>>, vector<1x16xf32>,
          %get3A_269 = vector.shape_cast %get3A_268 : vector<1x16xf32> to vector<16xf32>
          %bitcast_convert_type3A_270 = tpu.bitcast %get3A_265 : vector<16xf32> -> vector<16xi32>
          %bitcast_convert_type3A_271 = tpu.bitcast %get3A_269 : vector<16xf32> -> vector<16xi32>
          %shift_left3A_272 = arith.constant 16 : i32
          %shift_left3A_273 = vector.broadcast %shift_left3A_272 : i32 to vector<16xi32>
          %shift_left3A_274 = arith.shli %bitcast_convert_type3A_270, %shift_left3A_273 : vector<16xi32>
          %bitcast_convert_type3A_275 = tpu.bitcast %shift_left3A_274 : vector<16xi32> -> vector<16xf32>
          %and3A_276 = vector.broadcast %scan3A_76 : i32 to vector<16xi32>
          %and3A_277 = arith.andi %bitcast_convert_type3A_271, %and3A_276 : vector<16xi32>
          %bitcast_convert_type3A_278 = tpu.bitcast %and3A_277 : vector<16xi32> -> vector<16xf32>
          %add3A_279 = arith.addf %bitcast_convert_type3A_275, %bitcast_convert_type3A_278 : vector<16xf32>
          %bitcast_convert_type3A_280 = tpu.bitcast %add3A_261 : vector<16xf32> -> vector<16xi32>
          %add3A_281 = vector.broadcast %scan3A_77 : i32 to vector<16xi32>
          %add3A_282 = arith.addi %bitcast_convert_type3A_280, %add3A_281 : vector<16xi32>
          %shift_right_logical3A_283 = arith.constant 16 : i32
          %shift_right_logical3A_284 = vector.broadcast %shift_right_logical3A_283 : i32 to vector<16xi32>
          %shift_right_logical3A_285 = arith.shrui %add3A_282, %shift_right_logical3A_284 : vector<16xi32>
          %bitcast_convert_type3A_286 = tpu.bitcast %add3A_279 : vector<16xf32> -> vector<16xi32>
          %add3A_287 = vector.broadcast %scan3A_77 : i32 to vector<16xi32>
          %add3A_288 = arith.addi %bitcast_convert_type3A_286, %add3A_287 : vector<16xi32>
          %and3A_289 = vector.broadcast %scan3A_76 : i32 to vector<16xi32>
          %and3A_290 = arith.andi %add3A_288, %and3A_289 : vector<16xi32>
          %or3A_291 = arith.ori %shift_right_logical3A_285, %and3A_290 : vector<16xi32>
          %bitcast_convert_type3A_292 = tpu.bitcast %or3A_291 : vector<16xi32> -> vector<16xf32>
          %swap3A_293 = arith.index_cast %scan3A_86 : i32 to index
          %swap3A_294 = arith.constant 48 : index
          %swap3A_295 = tpu.vector_load %arg10[%swap3A_293, %swap3A_294] {strides = array<i32>} : memref<64x128xf32, #tpu.memory_space<vmem>>, vector<1x16xf32>,
          %swap3A_296 = vector.shape_cast %swap3A_295 : vector<1x16xf32> to vector<16xf32>
          %swap3A_297 = vector.shape_cast %bitcast_convert_type3A_292 : vector<16xf32> to vector<1x16xf32>
          tpu.vector_store %arg10[%swap3A_293, %swap3A_294], %swap3A_297 {strides = array<i32>} : memref<64x128xf32, #tpu.memory_space<vmem>>, vector<1x16xf32>,
          %get3A_298 = arith.index_cast %scan3A_86 : i32 to index
          %get3A_299 = arith.constant 64 : index
          %get3A_300 = tpu.vector_load %arg8[%get3A_298, %get3A_299] {strides = array<i32>} : memref<128x128xf32, #tpu.memory_space<vmem>>, vector<1x16xf32>,
          %get3A_301 = vector.shape_cast %get3A_300 : vector<1x16xf32> to vector<16xf32>
          %get3A_302 = arith.index_cast %scan3A_86 : i32 to index
          %get3A_303 = arith.constant 64 : index
          %get3A_304 = tpu.vector_load %arg9[%get3A_302, %get3A_303] {strides = array<i32>} : memref<128x128xf32, #tpu.memory_space<vmem>>, vector<1x16xf32>,
          %get3A_305 = vector.shape_cast %get3A_304 : vector<1x16xf32> to vector<16xf32>
          %bitcast_convert_type3A_306 = tpu.bitcast %get3A_301 : vector<16xf32> -> vector<16xi32>
          %bitcast_convert_type3A_307 = tpu.bitcast %get3A_305 : vector<16xf32> -> vector<16xi32>
          %shift_left3A_308 = arith.constant 16 : i32
          %shift_left3A_309 = vector.broadcast %shift_left3A_308 : i32 to vector<16xi32>
          %shift_left3A_310 = arith.shli %bitcast_convert_type3A_306, %shift_left3A_309 : vector<16xi32>
          %bitcast_convert_type3A_311 = tpu.bitcast %shift_left3A_310 : vector<16xi32> -> vector<16xf32>
          %and3A_312 = vector.broadcast %scan3A_76 : i32 to vector<16xi32>
          %and3A_313 = arith.andi %bitcast_convert_type3A_307, %and3A_312 : vector<16xi32>
          %bitcast_convert_type3A_314 = tpu.bitcast %and3A_313 : vector<16xi32> -> vector<16xf32>
          %add3A_315 = arith.addf %bitcast_convert_type3A_311, %bitcast_convert_type3A_314 : vector<16xf32>
          %get3A_316 = arith.index_cast %add3A_88 : i32 to index
          %get3A_317 = arith.constant 64 : index
          %get3A_318 = tpu.vector_load %arg8[%get3A_316, %get3A_317] {strides = array<i32>} : memref<128x128xf32, #tpu.memory_space<vmem>>, vector<1x16xf32>,
          %get3A_319 = vector.shape_cast %get3A_318 : vector<1x16xf32> to vector<16xf32>
          %get3A_320 = arith.index_cast %add3A_88 : i32 to index
          %get3A_321 = arith.constant 64 : index
          %get3A_322 = tpu.vector_load %arg9[%get3A_320, %get3A_321] {strides = array<i32>} : memref<128x128xf32, #tpu.memory_space<vmem>>, vector<1x16xf32>,
          %get3A_323 = vector.shape_cast %get3A_322 : vector<1x16xf32> to vector<16xf32>
          %bitcast_convert_type3A_324 = tpu.bitcast %get3A_319 : vector<16xf32> -> vector<16xi32>
          %bitcast_convert_type3A_325 = tpu.bitcast %get3A_323 : vector<16xf32> -> vector<16xi32>
          %shift_left3A_326 = arith.constant 16 : i32
          %shift_left3A_327 = vector.broadcast %shift_left3A_326 : i32 to vector<16xi32>
          %shift_left3A_328 = arith.shli %bitcast_convert_type3A_324, %shift_left3A_327 : vector<16xi32>
          %bitcast_convert_type3A_329 = tpu.bitcast %shift_left3A_328 : vector<16xi32> -> vector<16xf32>
          %and3A_330 = vector.broadcast %scan3A_76 : i32 to vector<16xi32>
          %and3A_331 = arith.andi %bitcast_convert_type3A_325, %and3A_330 : vector<16xi32>
          %bitcast_convert_type3A_332 = tpu.bitcast %and3A_331 : vector<16xi32> -> vector<16xf32>
          %add3A_333 = arith.addf %bitcast_convert_type3A_329, %bitcast_convert_type3A_332 : vector<16xf32>
          %bitcast_convert_type3A_334 = tpu.bitcast %add3A_315 : vector<16xf32> -> vector<16xi32>
          %add3A_335 = vector.broadcast %scan3A_77 : i32 to vector<16xi32>
          %add3A_336 = arith.addi %bitcast_convert_type3A_334, %add3A_335 : vector<16xi32>
          %shift_right_logical3A_337 = arith.constant 16 : i32
          %shift_right_logical3A_338 = vector.broadcast %shift_right_logical3A_337 : i32 to vector<16xi32>
          %shift_right_logical3A_339 = arith.shrui %add3A_336, %shift_right_logical3A_338 : vector<16xi32>
          %bitcast_convert_type3A_340 = tpu.bitcast %add3A_333 : vector<16xf32> -> vector<16xi32>
          %add3A_341 = vector.broadcast %scan3A_77 : i32 to vector<16xi32>
          %add3A_342 = arith.addi %bitcast_convert_type3A_340, %add3A_341 : vector<16xi32>
          %and3A_343 = vector.broadcast %scan3A_76 : i32 to vector<16xi32>
          %and3A_344 = arith.andi %add3A_342, %and3A_343 : vector<16xi32>
          %or3A_345 = arith.ori %shift_right_logical3A_339, %and3A_344 : vector<16xi32>
          %bitcast_convert_type3A_346 = tpu.bitcast %or3A_345 : vector<16xi32> -> vector<16xf32>
          %swap3A_347 = arith.index_cast %scan3A_86 : i32 to index
          %swap3A_348 = arith.constant 64 : index
          %swap3A_349 = tpu.vector_load %arg10[%swap3A_347, %swap3A_348] {strides = array<i32>} : memref<64x128xf32, #tpu.memory_space<vmem>>, vector<1x16xf32>,
          %swap3A_350 = vector.shape_cast %swap3A_349 : vector<1x16xf32> to vector<16xf32>
          %swap3A_351 = vector.shape_cast %bitcast_convert_type3A_346 : vector<16xf32> to vector<1x16xf32>
          tpu.vector_store %arg10[%swap3A_347, %swap3A_348], %swap3A_351 {strides = array<i32>} : memref<64x128xf32, #tpu.memory_space<vmem>>, vector<1x16xf32>,
          %get3A_352 = arith.index_cast %scan3A_86 : i32 to index
          %get3A_353 = arith.constant 80 : index
          %get3A_354 = tpu.vector_load %arg8[%get3A_352, %get3A_353] {strides = array<i32>} : memref<128x128xf32, #tpu.memory_space<vmem>>, vector<1x16xf32>,
          %get3A_355 = vector.shape_cast %get3A_354 : vector<1x16xf32> to vector<16xf32>
          %get3A_356 = arith.index_cast %scan3A_86 : i32 to index
          %get3A_357 = arith.constant 80 : index
          %get3A_358 = tpu.vector_load %arg9[%get3A_356, %get3A_357] {strides = array<i32>} : memref<128x128xf32, #tpu.memory_space<vmem>>, vector<1x16xf32>,
          %get3A_359 = vector.shape_cast %get3A_358 : vector<1x16xf32> to vector<16xf32>
          %bitcast_convert_type3A_360 = tpu.bitcast %get3A_355 : vector<16xf32> -> vector<16xi32>
          %bitcast_convert_type3A_361 = tpu.bitcast %get3A_359 : vector<16xf32> -> vector<16xi32>
          %shift_left3A_362 = arith.constant 16 : i32
          %shift_left3A_363 = vector.broadcast %shift_left3A_362 : i32 to vector<16xi32>
          %shift_left3A_364 = arith.shli %bitcast_convert_type3A_360, %shift_left3A_363 : vector<16xi32>
          %bitcast_convert_type3A_365 = tpu.bitcast %shift_left3A_364 : vector<16xi32> -> vector<16xf32>
          %and3A_366 = vector.broadcast %scan3A_76 : i32 to vector<16xi32>
          %and3A_367 = arith.andi %bitcast_convert_type3A_361, %and3A_366 : vector<16xi32>
          %bitcast_convert_type3A_368 = tpu.bitcast %and3A_367 : vector<16xi32> -> vector<16xf32>
          %add3A_369 = arith.addf %bitcast_convert_type3A_365, %bitcast_convert_type3A_368 : vector<16xf32>
          %get3A_370 = arith.index_cast %add3A_88 : i32 to index
          %get3A_371 = arith.constant 80 : index
          %get3A_372 = tpu.vector_load %arg8[%get3A_370, %get3A_371] {strides = array<i32>} : memref<128x128xf32, #tpu.memory_space<vmem>>, vector<1x16xf32>,
          %get3A_373 = vector.shape_cast %get3A_372 : vector<1x16xf32> to vector<16xf32>
          %get3A_374 = arith.index_cast %add3A_88 : i32 to index
          %get3A_375 = arith.constant 80 : index
          %get3A_376 = tpu.vector_load %arg9[%get3A_374, %get3A_375] {strides = array<i32>} : memref<128x128xf32, #tpu.memory_space<vmem>>, vector<1x16xf32>,
          %get3A_377 = vector.shape_cast %get3A_376 : vector<1x16xf32> to vector<16xf32>
          %bitcast_convert_type3A_378 = tpu.bitcast %get3A_373 : vector<16xf32> -> vector<16xi32>
          %bitcast_convert_type3A_379 = tpu.bitcast %get3A_377 : vector<16xf32> -> vector<16xi32>
          %shift_left3A_380 = arith.constant 16 : i32
          %shift_left3A_381 = vector.broadcast %shift_left3A_380 : i32 to vector<16xi32>
          %shift_left3A_382 = arith.shli %bitcast_convert_type3A_378, %shift_left3A_381 : vector<16xi32>
          %bitcast_convert_type3A_383 = tpu.bitcast %shift_left3A_382 : vector<16xi32> -> vector<16xf32>
          %and3A_384 = vector.broadcast %scan3A_76 : i32 to vector<16xi32>
          %and3A_385 = arith.andi %bitcast_convert_type3A_379, %and3A_384 : vector<16xi32>
          %bitcast_convert_type3A_386 = tpu.bitcast %and3A_385 : vector<16xi32> -> vector<16xf32>
          %add3A_387 = arith.addf %bitcast_convert_type3A_383, %bitcast_convert_type3A_386 : vector<16xf32>
          %bitcast_convert_type3A_388 = tpu.bitcast %add3A_369 : vector<16xf32> -> vector<16xi32>
          %add3A_389 = vector.broadcast %scan3A_77 : i32 to vector<16xi32>
          %add3A_390 = arith.addi %bitcast_convert_type3A_388, %add3A_389 : vector<16xi32>
          %shift_right_logical3A_391 = arith.constant 16 : i32
          %shift_right_logical3A_392 = vector.broadcast %shift_right_logical3A_391 : i32 to vector<16xi32>
          %shift_right_logical3A_393 = arith.shrui %add3A_390, %shift_right_logical3A_392 : vector<16xi32>
          %bitcast_convert_type3A_394 = tpu.bitcast %add3A_387 : vector<16xf32> -> vector<16xi32>
          %add3A_395 = vector.broadcast %scan3A_77 : i32 to vector<16xi32>
          %add3A_396 = arith.addi %bitcast_convert_type3A_394, %add3A_395 : vector<16xi32>
          %and3A_397 = vector.broadcast %scan3A_76 : i32 to vector<16xi32>
          %and3A_398 = arith.andi %add3A_396, %and3A_397 : vector<16xi32>
          %or3A_399 = arith.ori %shift_right_logical3A_393, %and3A_398 : vector<16xi32>
          %bitcast_convert_type3A_400 = tpu.bitcast %or3A_399 : vector<16xi32> -> vector<16xf32>
          %swap3A_401 = arith.index_cast %scan3A_86 : i32 to index
          %swap3A_402 = arith.constant 80 : index
          %swap3A_403 = tpu.vector_load %arg10[%swap3A_401, %swap3A_402] {strides = array<i32>} : memref<64x128xf32, #tpu.memory_space<vmem>>, vector<1x16xf32>,
          %swap3A_404 = vector.shape_cast %swap3A_403 : vector<1x16xf32> to vector<16xf32>
          %swap3A_405 = vector.shape_cast %bitcast_convert_type3A_400 : vector<16xf32> to vector<1x16xf32>
          tpu.vector_store %arg10[%swap3A_401, %swap3A_402], %swap3A_405 {strides = array<i32>} : memref<64x128xf32, #tpu.memory_space<vmem>>, vector<1x16xf32>,
          %get3A_406 = arith.index_cast %scan3A_86 : i32 to index
          %get3A_407 = arith.constant 96 : index
          %get3A_408 = tpu.vector_load %arg8[%get3A_406, %get3A_407] {strides = array<i32>} : memref<128x128xf32, #tpu.memory_space<vmem>>, vector<1x16xf32>,
          %get3A_409 = vector.shape_cast %get3A_408 : vector<1x16xf32> to vector<16xf32>
          %get3A_410 = arith.index_cast %scan3A_86 : i32 to index
          %get3A_411 = arith.constant 96 : index
          %get3A_412 = tpu.vector_load %arg9[%get3A_410, %get3A_411] {strides = array<i32>} : memref<128x128xf32, #tpu.memory_space<vmem>>, vector<1x16xf32>,
          %get3A_413 = vector.shape_cast %get3A_412 : vector<1x16xf32> to vector<16xf32>
          %bitcast_convert_type3A_414 = tpu.bitcast %get3A_409 : vector<16xf32> -> vector<16xi32>
          %bitcast_convert_type3A_415 = tpu.bitcast %get3A_413 : vector<16xf32> -> vector<16xi32>
          %shift_left3A_416 = arith.constant 16 : i32
          %shift_left3A_417 = vector.broadcast %shift_left3A_416 : i32 to vector<16xi32>
          %shift_left3A_418 = arith.shli %bitcast_convert_type3A_414, %shift_left3A_417 : vector<16xi32>
          %bitcast_convert_type3A_419 = tpu.bitcast %shift_left3A_418 : vector<16xi32> -> vector<16xf32>
          %and3A_420 = vector.broadcast %scan3A_76 : i32 to vector<16xi32>
          %and3A_421 = arith.andi %bitcast_convert_type3A_415, %and3A_420 : vector<16xi32>
          %bitcast_convert_type3A_422 = tpu.bitcast %and3A_421 : vector<16xi32> -> vector<16xf32>
          %add3A_423 = arith.addf %bitcast_convert_type3A_419, %bitcast_convert_type3A_422 : vector<16xf32>
          %get3A_424 = arith.index_cast %add3A_88 : i32 to index
          %get3A_425 = arith.constant 96 : index
          %get3A_426 = tpu.vector_load %arg8[%get3A_424, %get3A_425] {strides = array<i32>} : memref<128x128xf32, #tpu.memory_space<vmem>>, vector<1x16xf32>,
          %get3A_427 = vector.shape_cast %get3A_426 : vector<1x16xf32> to vector<16xf32>
          %get3A_428 = arith.index_cast %add3A_88 : i32 to index
          %get3A_429 = arith.constant 96 : index
          %get3A_430 = tpu.vector_load %arg9[%get3A_428, %get3A_429] {strides = array<i32>} : memref<128x128xf32, #tpu.memory_space<vmem>>, vector<1x16xf32>,
          %get3A_431 = vector.shape_cast %get3A_430 : vector<1x16xf32> to vector<16xf32>
          %bitcast_convert_type3A_432 = tpu.bitcast %get3A_427 : vector<16xf32> -> vector<16xi32>
          %bitcast_convert_type3A_433 = tpu.bitcast %get3A_431 : vector<16xf32> -> vector<16xi32>
          %shift_left3A_434 = arith.constant 16 : i32
          %shift_left3A_435 = vector.broadcast %shift_left3A_434 : i32 to vector<16xi32>
          %shift_left3A_436 = arith.shli %bitcast_convert_type3A_432, %shift_left3A_435 : vector<16xi32>
          %bitcast_convert_type3A_437 = tpu.bitcast %shift_left3A_436 : vector<16xi32> -> vector<16xf32>
          %and3A_438 = vector.broadcast %scan3A_76 : i32 to vector<16xi32>
          %and3A_439 = arith.andi %bitcast_convert_type3A_433, %and3A_438 : vector<16xi32>
          %bitcast_convert_type3A_440 = tpu.bitcast %and3A_439 : vector<16xi32> -> vector<16xf32>
          %add3A_441 = arith.addf %bitcast_convert_type3A_437, %bitcast_convert_type3A_440 : vector<16xf32>
          %bitcast_convert_type3A_442 = tpu.bitcast %add3A_423 : vector<16xf32> -> vector<16xi32>
          %add3A_443 = vector.broadcast %scan3A_77 : i32 to vector<16xi32>
          %add3A_444 = arith.addi %bitcast_convert_type3A_442, %add3A_443 : vector<16xi32>
          %shift_right_logical3A_445 = arith.constant 16 : i32
          %shift_right_logical3A_446 = vector.broadcast %shift_right_logical3A_445 : i32 to vector<16xi32>
          %shift_right_logical3A_447 = arith.shrui %add3A_444, %shift_right_logical3A_446 : vector<16xi32>
          %bitcast_convert_type3A_448 = tpu.bitcast %add3A_441 : vector<16xf32> -> vector<16xi32>
          %add3A_449 = vector.broadcast %scan3A_77 : i32 to vector<16xi32>
          %add3A_450 = arith.addi %bitcast_convert_type3A_448, %add3A_449 : vector<16xi32>
          %and3A_451 = vector.broadcast %scan3A_76 : i32 to vector<16xi32>
          %and3A_452 = arith.andi %add3A_450, %and3A_451 : vector<16xi32>
          %or3A_453 = arith.ori %shift_right_logical3A_447, %and3A_452 : vector<16xi32>
          %bitcast_convert_type3A_454 = tpu.bitcast %or3A_453 : vector<16xi32> -> vector<16xf32>
          %swap3A_455 = arith.index_cast %scan3A_86 : i32 to index
          %swap3A_456 = arith.constant 96 : index
          %swap3A_457 = tpu.vector_load %arg10[%swap3A_455, %swap3A_456] {strides = array<i32>} : memref<64x128xf32, #tpu.memory_space<vmem>>, vector<1x16xf32>,
          %swap3A_458 = vector.shape_cast %swap3A_457 : vector<1x16xf32> to vector<16xf32>
          %swap3A_459 = vector.shape_cast %bitcast_convert_type3A_454 : vector<16xf32> to vector<1x16xf32>
          tpu.vector_store %arg10[%swap3A_455, %swap3A_456], %swap3A_459 {strides = array<i32>} : memref<64x128xf32, #tpu.memory_space<vmem>>, vector<1x16xf32>,
          %get3A_460 = arith.index_cast %scan3A_86 : i32 to index
          %get3A_461 = arith.constant 112 : index
          %get3A_462 = tpu.vector_load %arg8[%get3A_460, %get3A_461] {strides = array<i32>} : memref<128x128xf32, #tpu.memory_space<vmem>>, vector<1x16xf32>,
          %get3A_463 = vector.shape_cast %get3A_462 : vector<1x16xf32> to vector<16xf32>
          %get3A_464 = arith.index_cast %scan3A_86 : i32 to index
          %get3A_465 = arith.constant 112 : index
          %get3A_466 = tpu.vector_load %arg9[%get3A_464, %get3A_465] {strides = array<i32>} : memref<128x128xf32, #tpu.memory_space<vmem>>, vector<1x16xf32>,
          %get3A_467 = vector.shape_cast %get3A_466 : vector<1x16xf32> to vector<16xf32>
          %bitcast_convert_type3A_468 = tpu.bitcast %get3A_463 : vector<16xf32> -> vector<16xi32>
          %bitcast_convert_type3A_469 = tpu.bitcast %get3A_467 : vector<16xf32> -> vector<16xi32>
          %shift_left3A_470 = arith.constant 16 : i32
          %shift_left3A_471 = vector.broadcast %shift_left3A_470 : i32 to vector<16xi32>
          %shift_left3A_472 = arith.shli %bitcast_convert_type3A_468, %shift_left3A_471 : vector<16xi32>
          %bitcast_convert_type3A_473 = tpu.bitcast %shift_left3A_472 : vector<16xi32> -> vector<16xf32>
          %and3A_474 = vector.broadcast %scan3A_76 : i32 to vector<16xi32>
          %and3A_475 = arith.andi %bitcast_convert_type3A_469, %and3A_474 : vector<16xi32>
          %bitcast_convert_type3A_476 = tpu.bitcast %and3A_475 : vector<16xi32> -> vector<16xf32>
          %add3A_477 = arith.addf %bitcast_convert_type3A_473, %bitcast_convert_type3A_476 : vector<16xf32>
          %get3A_478 = arith.index_cast %add3A_88 : i32 to index
          %get3A_479 = arith.constant 112 : index
          %get3A_480 = tpu.vector_load %arg8[%get3A_478, %get3A_479] {strides = array<i32>} : memref<128x128xf32, #tpu.memory_space<vmem>>, vector<1x16xf32>,
          %get3A_481 = vector.shape_cast %get3A_480 : vector<1x16xf32> to vector<16xf32>
          %get3A_482 = arith.index_cast %add3A_88 : i32 to index
          %get3A_483 = arith.constant 112 : index
          %get3A_484 = tpu.vector_load %arg9[%get3A_482, %get3A_483] {strides = array<i32>} : memref<128x128xf32, #tpu.memory_space<vmem>>, vector<1x16xf32>,
          %get3A_485 = vector.shape_cast %get3A_484 : vector<1x16xf32> to vector<16xf32>
          %bitcast_convert_type3A_486 = tpu.bitcast %get3A_481 : vector<16xf32> -> vector<16xi32>
          %bitcast_convert_type3A_487 = tpu.bitcast %get3A_485 : vector<16xf32> -> vector<16xi32>
          %shift_left3A_488 = arith.constant 16 : i32
          %shift_left3A_489 = vector.broadcast %shift_left3A_488 : i32 to vector<16xi32>
          %shift_left3A_490 = arith.shli %bitcast_convert_type3A_486, %shift_left3A_489 : vector<16xi32>
          %bitcast_convert_type3A_491 = tpu.bitcast %shift_left3A_490 : vector<16xi32> -> vector<16xf32>
          %and3A_492 = vector.broadcast %scan3A_76 : i32 to vector<16xi32>
          %and3A_493 = arith.andi %bitcast_convert_type3A_487, %and3A_492 : vector<16xi32>
          %bitcast_convert_type3A_494 = tpu.bitcast %and3A_493 : vector<16xi32> -> vector<16xf32>
          %add3A_495 = arith.addf %bitcast_convert_type3A_491, %bitcast_convert_type3A_494 : vector<16xf32>
          %bitcast_convert_type3A_496 = tpu.bitcast %add3A_477 : vector<16xf32> -> vector<16xi32>
          %add3A_497 = vector.broadcast %scan3A_77 : i32 to vector<16xi32>
          %add3A_498 = arith.addi %bitcast_convert_type3A_496, %add3A_497 : vector<16xi32>
          %shift_right_logical3A_499 = arith.constant 16 : i32
          %shift_right_logical3A_500 = vector.broadcast %shift_right_logical3A_499 : i32 to vector<16xi32>
          %shift_right_logical3A_501 = arith.shrui %add3A_498, %shift_right_logical3A_500 : vector<16xi32>
          %bitcast_convert_type3A_502 = tpu.bitcast %add3A_495 : vector<16xf32> -> vector<16xi32>
          %add3A_503 = vector.broadcast %scan3A_77 : i32 to vector<16xi32>
          %add3A_504 = arith.addi %bitcast_convert_type3A_502, %add3A_503 : vector<16xi32>
          %and3A_505 = vector.broadcast %scan3A_76 : i32 to vector<16xi32>
          %and3A_506 = arith.andi %add3A_504, %and3A_505 : vector<16xi32>
          %or3A_507 = arith.ori %shift_right_logical3A_501, %and3A_506 : vector<16xi32>
          %bitcast_convert_type3A_508 = tpu.bitcast %or3A_507 : vector<16xi32> -> vector<16xf32>
          %swap3A_509 = arith.index_cast %scan3A_86 : i32 to index
          %swap3A_510 = arith.constant 112 : index
          %swap3A_511 = tpu.vector_load %arg10[%swap3A_509, %swap3A_510] {strides = array<i32>} : memref<64x128xf32, #tpu.memory_space<vmem>>, vector<1x16xf32>,
          %swap3A_512 = vector.shape_cast %swap3A_511 : vector<1x16xf32> to vector<16xf32>
          %swap3A_513 = vector.shape_cast %bitcast_convert_type3A_508 : vector<16xf32> to vector<1x16xf32>
          tpu.vector_store %arg10[%swap3A_509, %swap3A_510], %swap3A_513 {strides = array<i32>} : memref<64x128xf32, #tpu.memory_space<vmem>>, vector<1x16xf32>,
        }
        %scan3A_82 = arith.constant 64 : i32
        %sub3A = arith.constant 1250 : i32
        %sub3A_83 = arith.subi %add3A_26, %sub3A : i32
        %mul3A_84 = arith.constant 64 : i32
        %mul3A_85 = arith.muli %sub3A_83, %mul3A_84 : i32
        "tpu.region"() ({
          %run_scoped3A = tpu.sem_alloc : memref<!tpu.dma_semaphore, #tpu.memory_space<semaphore_mem>>
          %dma_start3A = arith.constant 0 : i32
          %dma_start3A_86 = tpu.memref_slice %arg5[%mul3A_85, %dma_start3A] : memref<80000x128xf32, #tpu.memory_space<hbm>> -> memref<64x128xf32, #tpu.memory_space<hbm>>
          %dma_start3A_87 = arith.constant 0 : i32
          %dma_start3A_88 = tpu.memref_slice %arg5[%mul3A_85, %dma_start3A_87] : memref<80000x128xf32, #tpu.memory_space<hbm>> -> memref<64x128xf32, #tpu.memory_space<hbm>>
          tpu.enqueue_dma source(%arg10 : memref<64x128xf32, #tpu.memory_space<vmem>>) target(%dma_start3A_88 : memref<64x128xf32, #tpu.memory_space<hbm>>) target_semaphore(%run_scoped3A : memref<!tpu.dma_semaphore, #tpu.memory_space<semaphore_mem>>)
          %dma_wait3A_89 = arith.constant 0 : i32
          %dma_wait3A_90 = tpu.memref_slice %arg5[%mul3A_85, %dma_wait3A_89] : memref<80000x128xf32, #tpu.memory_space<hbm>> -> memref<64x128xf32, #tpu.memory_space<hbm>>
          %dma_wait3A_91 = arith.constant 0 : i32
          %dma_wait3A_92 = tpu.memref_slice %arg5[%mul3A_85, %dma_wait3A_91] : memref<80000x128xf32, #tpu.memory_space<hbm>> -> memref<64x128xf32, #tpu.memory_space<hbm>>
          tpu.wait_dma2 semaphore(%run_scoped3A : memref<!tpu.dma_semaphore, #tpu.memory_space<semaphore_mem>>) src(%arg10 : memref<64x128xf32, #tpu.memory_space<vmem>>) dst(%dma_wait3A_92 : memref<64x128xf32, #tpu.memory_space<hbm>>)
          tpu.yield
        }) : () -> ()
      } else {
      }
      %add3A_32 = arith.constant 2 : i32
      %add3A_33 = arith.addi %add3A_21, %add3A_32 : i32
      %mul3A_34 = arith.constant 32 : i32
      %mul3A_35 = arith.muli %add3A_33, %mul3A_34 : i32
      %add3A_36 = arith.constant 1250 : i32
      %add3A_37 = arith.addi %add3A_36, %mul3A_35 : i32
      %add3A_38 = arith.addi %add3A_37, %add3A : i32
      %lt3A_39 = arith.constant 2500 : i32
      %lt3A_40 = arith.cmpi slt, %add3A_38, %lt3A_39 : i32
      %convert_element_type3A_41 = arith.extui %lt3A_40 : i1 to i32
      %cond3A_42 = arith.constant 0 : i32
      %cond3A_43 = arith.cmpi ne, %convert_element_type3A_41, %cond3A_42 : i32
      scf.if %cond3A_43 {
        %mul3A_70 = arith.constant 128 : i32
        %mul3A_71 = arith.muli %add3A_38, %mul3A_70 : i32
        "tpu.region"() ({
          %run_scoped3A = tpu.sem_alloc : memref<!tpu.dma_semaphore, #tpu.memory_space<semaphore_mem>>
          %dma_start3A_77 = tpu.memref_slice %arg2[%mul3A_71] : memref<320000xi32, #tpu.memory_space<hbm>> -> memref<128xi32, #tpu.memory_space<hbm>>
          %dma_start3A_78 = tpu.memref_slice %arg2[%mul3A_71] : memref<320000xi32, #tpu.memory_space<hbm>> -> memref<128xi32, #tpu.memory_space<hbm>>
          tpu.enqueue_dma source(%dma_start3A_78 : memref<128xi32, #tpu.memory_space<hbm>>) target(%arg6 : memref<128xi32, #tpu.memory_space<vmem>>) target_semaphore(%run_scoped3A : memref<!tpu.dma_semaphore, #tpu.memory_space<semaphore_mem>>)
          %dma_wait3A = tpu.memref_slice %arg2[%mul3A_71] : memref<320000xi32, #tpu.memory_space<hbm>> -> memref<128xi32, #tpu.memory_space<hbm>>
          %dma_wait3A_79 = tpu.memref_slice %arg2[%mul3A_71] : memref<320000xi32, #tpu.memory_space<hbm>> -> memref<128xi32, #tpu.memory_space<hbm>>
          tpu.wait_dma2 semaphore(%run_scoped3A : memref<!tpu.dma_semaphore, #tpu.memory_space<semaphore_mem>>) src(%dma_wait3A_79 : memref<128xi32, #tpu.memory_space<hbm>>) dst(%arg6 : memref<128xi32, #tpu.memory_space<vmem>>)
          tpu.yield
        }) : () -> ()
        "tpu.region"() ({
          %run_scoped3A = tpu.sem_alloc : memref<!tpu.dma_semaphore, #tpu.memory_space<semaphore_mem>>
          %dma_start3A_77 = tpu.memref_slice %arg3[%mul3A_71] : memref<320000xi32, #tpu.memory_space<hbm>> -> memref<128xi32, #tpu.memory_space<hbm>>
          %dma_start3A_78 = tpu.memref_slice %arg3[%mul3A_71] : memref<320000xi32, #tpu.memory_space<hbm>> -> memref<128xi32, #tpu.memory_space<hbm>>
          tpu.enqueue_dma source(%dma_start3A_78 : memref<128xi32, #tpu.memory_space<hbm>>) target(%arg7 : memref<128xi32, #tpu.memory_space<vmem>>) target_semaphore(%run_scoped3A : memref<!tpu.dma_semaphore, #tpu.memory_space<semaphore_mem>>)
          %dma_wait3A = tpu.memref_slice %arg3[%mul3A_71] : memref<320000xi32, #tpu.memory_space<hbm>> -> memref<128xi32, #tpu.memory_space<hbm>>
          %dma_wait3A_79 = tpu.memref_slice %arg3[%mul3A_71] : memref<320000xi32, #tpu.memory_space<hbm>> -> memref<128xi32, #tpu.memory_space<hbm>>
          tpu.wait_dma2 semaphore(%run_scoped3A : memref<!tpu.dma_semaphore, #tpu.memory_space<semaphore_mem>>) src(%dma_wait3A_79 : memref<128xi32, #tpu.memory_space<hbm>>) dst(%arg7 : memref<128xi32, #tpu.memory_space<vmem>>)
          tpu.yield
        }) : () -> ()
        %dma_start3A = arith.constant 0 : i32
        %dma_start3A_72 = arith.constant 0 : i32
        %dma_start3A_73 = tpu.memref_slice %arg4[%dma_start3A, %dma_start3A_72] : memref<10000x128xf32, #tpu.memory_space<hbm>> -> memref<10000x128xf32, #tpu.memory_space<hbm>>
        tpu.enqueue_indirect_dma source(%dma_start3A_73 : memref<10000x128xf32, #tpu.memory_space<hbm>>) target(%arg8 : memref<128x128xf32, #tpu.memory_space<vmem>>) offsets(%arg6 : memref<128xi32, #tpu.memory_space<vmem>>) semaphore(%arg11 : memref<!tpu.dma_semaphore, #tpu.memory_space<semaphore_mem>>)
        %dma_start3A_74 = arith.constant 0 : i32
        %dma_start3A_75 = arith.constant 0 : i32
        %dma_start3A_76 = tpu.memref_slice %arg4[%dma_start3A_74, %dma_start3A_75] : memref<10000x128xf32, #tpu.memory_space<hbm>> -> memref<10000x128xf32, #tpu.memory_space<hbm>>
        tpu.enqueue_indirect_dma source(%dma_start3A_76 : memref<10000x128xf32, #tpu.memory_space<hbm>>) target(%arg9 : memref<128x128xf32, #tpu.memory_space<vmem>>) offsets(%arg7 : memref<128xi32, #tpu.memory_space<vmem>>) semaphore(%arg11 : memref<!tpu.dma_semaphore, #tpu.memory_space<semaphore_mem>>)
      } else {
      }
      %mul3A_44 = arith.constant 2 : i32
      %mul3A_45 = arith.muli %scan3A_17, %mul3A_44 : i32
      %add3A_46 = arith.constant 1 : i32
      %add3A_47 = arith.addi %mul3A_45, %add3A_46 : i32
      %mul3A_48 = arith.constant 32 : i32
      %mul3A_49 = arith.muli %add3A_47, %mul3A_48 : i32
      %add3A_50 = arith.constant 1250 : i32
      %add3A_51 = arith.addi %add3A_50, %mul3A_49 : i32
      %add3A_52 = arith.addi %add3A_51, %add3A : i32
      %lt3A_53 = arith.constant 2500 : i32
      %lt3A_54 = arith.cmpi slt, %add3A_52, %lt3A_53 : i32
      %convert_element_type3A_55 = arith.extui %lt3A_54 : i1 to i32
      %cond3A_56 = arith.constant 0 : i32
      %cond3A_57 = arith.cmpi ne, %convert_element_type3A_55, %cond3A_56 : i32
      scf.if %cond3A_57 {
        %dma_wait3A = arith.constant 0 : i32
        %dma_wait3A_70 = arith.constant 0 : i32
        %dma_wait3A_71 = tpu.memref_slice %arg4[%dma_wait3A, %dma_wait3A_70] : memref<10000x128xf32, #tpu.memory_space<hbm>> -> memref<10000x128xf32, #tpu.memory_space<hbm>>
        tpu.wait_indirect_dma semaphore(%arg17 : memref<!tpu.dma_semaphore, #tpu.memory_space<semaphore_mem>>) src(%dma_wait3A_71 : memref<10000x128xf32, #tpu.memory_space<hbm>>) dst(%arg14 : memref<128x128xf32, #tpu.memory_space<vmem>>)
        %dma_wait3A_72 = arith.constant 0 : i32
        %dma_wait3A_73 = arith.constant 0 : i32
        %dma_wait3A_74 = tpu.memref_slice %arg4[%dma_wait3A_72, %dma_wait3A_73] : memref<10000x128xf32, #tpu.memory_space<hbm>> -> memref<10000x128xf32, #tpu.memory_space<hbm>>
        tpu.wait_indirect_dma semaphore(%arg17 : memref<!tpu.dma_semaphore, #tpu.memory_space<semaphore_mem>>) src(%dma_wait3A_74 : memref<10000x128xf32, #tpu.memory_space<hbm>>) dst(%arg15 : memref<128x128xf32, #tpu.memory_space<vmem>>)
        %scan3A_75 = arith.constant 0 : i32
        %scan3A_76 = arith.constant -65536 : i32
        %scan3A_77 = arith.constant 32768 : i32
        %scan3A_78 = arith.constant 0 : i32
        %scan3A_79 = arith.constant 64 : i32
        %scan3A_80 = arith.addi %scan3A_78, %scan3A_79 : i32
        %scan3A_81 = arith.constant 1 : i32
        scf.for %scan3A_86 = %scan3A_78 to %scan3A_80 step %scan3A_81  : i32 {
          %add3A_87 = arith.constant 64 : i32
          %add3A_88 = arith.addi %scan3A_86, %add3A_87 : i32
          %get3A = arith.index_cast %scan3A_86 : i32 to index
          %get3A_89 = arith.constant 0 : index
          %get3A_90 = tpu.vector_load %arg14[%get3A, %get3A_89] {strides = array<i32>} : memref<128x128xf32, #tpu.memory_space<vmem>>, vector<1x16xf32>,
          %get3A_91 = vector.shape_cast %get3A_90 : vector<1x16xf32> to vector<16xf32>
          %get3A_92 = arith.index_cast %scan3A_86 : i32 to index
          %get3A_93 = arith.constant 0 : index
          %get3A_94 = tpu.vector_load %arg15[%get3A_92, %get3A_93] {strides = array<i32>} : memref<128x128xf32, #tpu.memory_space<vmem>>, vector<1x16xf32>,
          %get3A_95 = vector.shape_cast %get3A_94 : vector<1x16xf32> to vector<16xf32>
          %bitcast_convert_type3A = tpu.bitcast %get3A_91 : vector<16xf32> -> vector<16xi32>
          %bitcast_convert_type3A_96 = tpu.bitcast %get3A_95 : vector<16xf32> -> vector<16xi32>
          %shift_left3A = arith.constant 16 : i32
          %shift_left3A_97 = vector.broadcast %shift_left3A : i32 to vector<16xi32>
          %shift_left3A_98 = arith.shli %bitcast_convert_type3A, %shift_left3A_97 : vector<16xi32>
          %bitcast_convert_type3A_99 = tpu.bitcast %shift_left3A_98 : vector<16xi32> -> vector<16xf32>
          %and3A = vector.broadcast %scan3A_76 : i32 to vector<16xi32>
          %and3A_100 = arith.andi %bitcast_convert_type3A_96, %and3A : vector<16xi32>
          %bitcast_convert_type3A_101 = tpu.bitcast %and3A_100 : vector<16xi32> -> vector<16xf32>
          %add3A_102 = arith.addf %bitcast_convert_type3A_99, %bitcast_convert_type3A_101 : vector<16xf32>
          %get3A_103 = arith.index_cast %add3A_88 : i32 to index
          %get3A_104 = arith.constant 0 : index
          %get3A_105 = tpu.vector_load %arg14[%get3A_103, %get3A_104] {strides = array<i32>} : memref<128x128xf32, #tpu.memory_space<vmem>>, vector<1x16xf32>,
          %get3A_106 = vector.shape_cast %get3A_105 : vector<1x16xf32> to vector<16xf32>
          %get3A_107 = arith.index_cast %add3A_88 : i32 to index
          %get3A_108 = arith.constant 0 : index
          %get3A_109 = tpu.vector_load %arg15[%get3A_107, %get3A_108] {strides = array<i32>} : memref<128x128xf32, #tpu.memory_space<vmem>>, vector<1x16xf32>,
          %get3A_110 = vector.shape_cast %get3A_109 : vector<1x16xf32> to vector<16xf32>
          %bitcast_convert_type3A_111 = tpu.bitcast %get3A_106 : vector<16xf32> -> vector<16xi32>
          %bitcast_convert_type3A_112 = tpu.bitcast %get3A_110 : vector<16xf32> -> vector<16xi32>
          %shift_left3A_113 = arith.constant 16 : i32
          %shift_left3A_114 = vector.broadcast %shift_left3A_113 : i32 to vector<16xi32>
          %shift_left3A_115 = arith.shli %bitcast_convert_type3A_111, %shift_left3A_114 : vector<16xi32>
          %bitcast_convert_type3A_116 = tpu.bitcast %shift_left3A_115 : vector<16xi32> -> vector<16xf32>
          %and3A_117 = vector.broadcast %scan3A_76 : i32 to vector<16xi32>
          %and3A_118 = arith.andi %bitcast_convert_type3A_112, %and3A_117 : vector<16xi32>
          %bitcast_convert_type3A_119 = tpu.bitcast %and3A_118 : vector<16xi32> -> vector<16xf32>
          %add3A_120 = arith.addf %bitcast_convert_type3A_116, %bitcast_convert_type3A_119 : vector<16xf32>
          %bitcast_convert_type3A_121 = tpu.bitcast %add3A_102 : vector<16xf32> -> vector<16xi32>
          %add3A_122 = vector.broadcast %scan3A_77 : i32 to vector<16xi32>
          %add3A_123 = arith.addi %bitcast_convert_type3A_121, %add3A_122 : vector<16xi32>
          %shift_right_logical3A = arith.constant 16 : i32
          %shift_right_logical3A_124 = vector.broadcast %shift_right_logical3A : i32 to vector<16xi32>
          %shift_right_logical3A_125 = arith.shrui %add3A_123, %shift_right_logical3A_124 : vector<16xi32>
          %bitcast_convert_type3A_126 = tpu.bitcast %add3A_120 : vector<16xf32> -> vector<16xi32>
          %add3A_127 = vector.broadcast %scan3A_77 : i32 to vector<16xi32>
          %add3A_128 = arith.addi %bitcast_convert_type3A_126, %add3A_127 : vector<16xi32>
          %and3A_129 = vector.broadcast %scan3A_76 : i32 to vector<16xi32>
          %and3A_130 = arith.andi %add3A_128, %and3A_129 : vector<16xi32>
          %or3A = arith.ori %shift_right_logical3A_125, %and3A_130 : vector<16xi32>
          %bitcast_convert_type3A_131 = tpu.bitcast %or3A : vector<16xi32> -> vector<16xf32>
          %swap3A = arith.index_cast %scan3A_86 : i32 to index
          %swap3A_132 = arith.constant 0 : index
          %swap3A_133 = tpu.vector_load %arg16[%swap3A, %swap3A_132] {strides = array<i32>} : memref<64x128xf32, #tpu.memory_space<vmem>>, vector<1x16xf32>,
          %swap3A_134 = vector.shape_cast %swap3A_133 : vector<1x16xf32> to vector<16xf32>
          %swap3A_135 = vector.shape_cast %bitcast_convert_type3A_131 : vector<16xf32> to vector<1x16xf32>
          tpu.vector_store %arg16[%swap3A, %swap3A_132], %swap3A_135 {strides = array<i32>} : memref<64x128xf32, #tpu.memory_space<vmem>>, vector<1x16xf32>,
          %get3A_136 = arith.index_cast %scan3A_86 : i32 to index
          %get3A_137 = arith.constant 16 : index
          %get3A_138 = tpu.vector_load %arg14[%get3A_136, %get3A_137] {strides = array<i32>} : memref<128x128xf32, #tpu.memory_space<vmem>>, vector<1x16xf32>,
          %get3A_139 = vector.shape_cast %get3A_138 : vector<1x16xf32> to vector<16xf32>
          %get3A_140 = arith.index_cast %scan3A_86 : i32 to index
          %get3A_141 = arith.constant 16 : index
          %get3A_142 = tpu.vector_load %arg15[%get3A_140, %get3A_141] {strides = array<i32>} : memref<128x128xf32, #tpu.memory_space<vmem>>, vector<1x16xf32>,
          %get3A_143 = vector.shape_cast %get3A_142 : vector<1x16xf32> to vector<16xf32>
          %bitcast_convert_type3A_144 = tpu.bitcast %get3A_139 : vector<16xf32> -> vector<16xi32>
          %bitcast_convert_type3A_145 = tpu.bitcast %get3A_143 : vector<16xf32> -> vector<16xi32>
          %shift_left3A_146 = arith.constant 16 : i32
          %shift_left3A_147 = vector.broadcast %shift_left3A_146 : i32 to vector<16xi32>
          %shift_left3A_148 = arith.shli %bitcast_convert_type3A_144, %shift_left3A_147 : vector<16xi32>
          %bitcast_convert_type3A_149 = tpu.bitcast %shift_left3A_148 : vector<16xi32> -> vector<16xf32>
          %and3A_150 = vector.broadcast %scan3A_76 : i32 to vector<16xi32>
          %and3A_151 = arith.andi %bitcast_convert_type3A_145, %and3A_150 : vector<16xi32>
          %bitcast_convert_type3A_152 = tpu.bitcast %and3A_151 : vector<16xi32> -> vector<16xf32>
          %add3A_153 = arith.addf %bitcast_convert_type3A_149, %bitcast_convert_type3A_152 : vector<16xf32>
          %get3A_154 = arith.index_cast %add3A_88 : i32 to index
          %get3A_155 = arith.constant 16 : index
          %get3A_156 = tpu.vector_load %arg14[%get3A_154, %get3A_155] {strides = array<i32>} : memref<128x128xf32, #tpu.memory_space<vmem>>, vector<1x16xf32>,
          %get3A_157 = vector.shape_cast %get3A_156 : vector<1x16xf32> to vector<16xf32>
          %get3A_158 = arith.index_cast %add3A_88 : i32 to index
          %get3A_159 = arith.constant 16 : index
          %get3A_160 = tpu.vector_load %arg15[%get3A_158, %get3A_159] {strides = array<i32>} : memref<128x128xf32, #tpu.memory_space<vmem>>, vector<1x16xf32>,
          %get3A_161 = vector.shape_cast %get3A_160 : vector<1x16xf32> to vector<16xf32>
          %bitcast_convert_type3A_162 = tpu.bitcast %get3A_157 : vector<16xf32> -> vector<16xi32>
          %bitcast_convert_type3A_163 = tpu.bitcast %get3A_161 : vector<16xf32> -> vector<16xi32>
          %shift_left3A_164 = arith.constant 16 : i32
          %shift_left3A_165 = vector.broadcast %shift_left3A_164 : i32 to vector<16xi32>
          %shift_left3A_166 = arith.shli %bitcast_convert_type3A_162, %shift_left3A_165 : vector<16xi32>
          %bitcast_convert_type3A_167 = tpu.bitcast %shift_left3A_166 : vector<16xi32> -> vector<16xf32>
          %and3A_168 = vector.broadcast %scan3A_76 : i32 to vector<16xi32>
          %and3A_169 = arith.andi %bitcast_convert_type3A_163, %and3A_168 : vector<16xi32>
          %bitcast_convert_type3A_170 = tpu.bitcast %and3A_169 : vector<16xi32> -> vector<16xf32>
          %add3A_171 = arith.addf %bitcast_convert_type3A_167, %bitcast_convert_type3A_170 : vector<16xf32>
          %bitcast_convert_type3A_172 = tpu.bitcast %add3A_153 : vector<16xf32> -> vector<16xi32>
          %add3A_173 = vector.broadcast %scan3A_77 : i32 to vector<16xi32>
          %add3A_174 = arith.addi %bitcast_convert_type3A_172, %add3A_173 : vector<16xi32>
          %shift_right_logical3A_175 = arith.constant 16 : i32
          %shift_right_logical3A_176 = vector.broadcast %shift_right_logical3A_175 : i32 to vector<16xi32>
          %shift_right_logical3A_177 = arith.shrui %add3A_174, %shift_right_logical3A_176 : vector<16xi32>
          %bitcast_convert_type3A_178 = tpu.bitcast %add3A_171 : vector<16xf32> -> vector<16xi32>
          %add3A_179 = vector.broadcast %scan3A_77 : i32 to vector<16xi32>
          %add3A_180 = arith.addi %bitcast_convert_type3A_178, %add3A_179 : vector<16xi32>
          %and3A_181 = vector.broadcast %scan3A_76 : i32 to vector<16xi32>
          %and3A_182 = arith.andi %add3A_180, %and3A_181 : vector<16xi32>
          %or3A_183 = arith.ori %shift_right_logical3A_177, %and3A_182 : vector<16xi32>
          %bitcast_convert_type3A_184 = tpu.bitcast %or3A_183 : vector<16xi32> -> vector<16xf32>
          %swap3A_185 = arith.index_cast %scan3A_86 : i32 to index
          %swap3A_186 = arith.constant 16 : index
          %swap3A_187 = tpu.vector_load %arg16[%swap3A_185, %swap3A_186] {strides = array<i32>} : memref<64x128xf32, #tpu.memory_space<vmem>>, vector<1x16xf32>,
          %swap3A_188 = vector.shape_cast %swap3A_187 : vector<1x16xf32> to vector<16xf32>
          %swap3A_189 = vector.shape_cast %bitcast_convert_type3A_184 : vector<16xf32> to vector<1x16xf32>
          tpu.vector_store %arg16[%swap3A_185, %swap3A_186], %swap3A_189 {strides = array<i32>} : memref<64x128xf32, #tpu.memory_space<vmem>>, vector<1x16xf32>,
          %get3A_190 = arith.index_cast %scan3A_86 : i32 to index
          %get3A_191 = arith.constant 32 : index
          %get3A_192 = tpu.vector_load %arg14[%get3A_190, %get3A_191] {strides = array<i32>} : memref<128x128xf32, #tpu.memory_space<vmem>>, vector<1x16xf32>,
          %get3A_193 = vector.shape_cast %get3A_192 : vector<1x16xf32> to vector<16xf32>
          %get3A_194 = arith.index_cast %scan3A_86 : i32 to index
          %get3A_195 = arith.constant 32 : index
          %get3A_196 = tpu.vector_load %arg15[%get3A_194, %get3A_195] {strides = array<i32>} : memref<128x128xf32, #tpu.memory_space<vmem>>, vector<1x16xf32>,
          %get3A_197 = vector.shape_cast %get3A_196 : vector<1x16xf32> to vector<16xf32>
          %bitcast_convert_type3A_198 = tpu.bitcast %get3A_193 : vector<16xf32> -> vector<16xi32>
          %bitcast_convert_type3A_199 = tpu.bitcast %get3A_197 : vector<16xf32> -> vector<16xi32>
          %shift_left3A_200 = arith.constant 16 : i32
          %shift_left3A_201 = vector.broadcast %shift_left3A_200 : i32 to vector<16xi32>
          %shift_left3A_202 = arith.shli %bitcast_convert_type3A_198, %shift_left3A_201 : vector<16xi32>
          %bitcast_convert_type3A_203 = tpu.bitcast %shift_left3A_202 : vector<16xi32> -> vector<16xf32>
          %and3A_204 = vector.broadcast %scan3A_76 : i32 to vector<16xi32>
          %and3A_205 = arith.andi %bitcast_convert_type3A_199, %and3A_204 : vector<16xi32>
          %bitcast_convert_type3A_206 = tpu.bitcast %and3A_205 : vector<16xi32> -> vector<16xf32>
          %add3A_207 = arith.addf %bitcast_convert_type3A_203, %bitcast_convert_type3A_206 : vector<16xf32>
          %get3A_208 = arith.index_cast %add3A_88 : i32 to index
          %get3A_209 = arith.constant 32 : index
          %get3A_210 = tpu.vector_load %arg14[%get3A_208, %get3A_209] {strides = array<i32>} : memref<128x128xf32, #tpu.memory_space<vmem>>, vector<1x16xf32>,
          %get3A_211 = vector.shape_cast %get3A_210 : vector<1x16xf32> to vector<16xf32>
          %get3A_212 = arith.index_cast %add3A_88 : i32 to index
          %get3A_213 = arith.constant 32 : index
          %get3A_214 = tpu.vector_load %arg15[%get3A_212, %get3A_213] {strides = array<i32>} : memref<128x128xf32, #tpu.memory_space<vmem>>, vector<1x16xf32>,
          %get3A_215 = vector.shape_cast %get3A_214 : vector<1x16xf32> to vector<16xf32>
          %bitcast_convert_type3A_216 = tpu.bitcast %get3A_211 : vector<16xf32> -> vector<16xi32>
          %bitcast_convert_type3A_217 = tpu.bitcast %get3A_215 : vector<16xf32> -> vector<16xi32>
          %shift_left3A_218 = arith.constant 16 : i32
          %shift_left3A_219 = vector.broadcast %shift_left3A_218 : i32 to vector<16xi32>
          %shift_left3A_220 = arith.shli %bitcast_convert_type3A_216, %shift_left3A_219 : vector<16xi32>
          %bitcast_convert_type3A_221 = tpu.bitcast %shift_left3A_220 : vector<16xi32> -> vector<16xf32>
          %and3A_222 = vector.broadcast %scan3A_76 : i32 to vector<16xi32>
          %and3A_223 = arith.andi %bitcast_convert_type3A_217, %and3A_222 : vector<16xi32>
          %bitcast_convert_type3A_224 = tpu.bitcast %and3A_223 : vector<16xi32> -> vector<16xf32>
          %add3A_225 = arith.addf %bitcast_convert_type3A_221, %bitcast_convert_type3A_224 : vector<16xf32>
          %bitcast_convert_type3A_226 = tpu.bitcast %add3A_207 : vector<16xf32> -> vector<16xi32>
          %add3A_227 = vector.broadcast %scan3A_77 : i32 to vector<16xi32>
          %add3A_228 = arith.addi %bitcast_convert_type3A_226, %add3A_227 : vector<16xi32>
          %shift_right_logical3A_229 = arith.constant 16 : i32
          %shift_right_logical3A_230 = vector.broadcast %shift_right_logical3A_229 : i32 to vector<16xi32>
          %shift_right_logical3A_231 = arith.shrui %add3A_228, %shift_right_logical3A_230 : vector<16xi32>
          %bitcast_convert_type3A_232 = tpu.bitcast %add3A_225 : vector<16xf32> -> vector<16xi32>
          %add3A_233 = vector.broadcast %scan3A_77 : i32 to vector<16xi32>
          %add3A_234 = arith.addi %bitcast_convert_type3A_232, %add3A_233 : vector<16xi32>
          %and3A_235 = vector.broadcast %scan3A_76 : i32 to vector<16xi32>
          %and3A_236 = arith.andi %add3A_234, %and3A_235 : vector<16xi32>
          %or3A_237 = arith.ori %shift_right_logical3A_231, %and3A_236 : vector<16xi32>
          %bitcast_convert_type3A_238 = tpu.bitcast %or3A_237 : vector<16xi32> -> vector<16xf32>
          %swap3A_239 = arith.index_cast %scan3A_86 : i32 to index
          %swap3A_240 = arith.constant 32 : index
          %swap3A_241 = tpu.vector_load %arg16[%swap3A_239, %swap3A_240] {strides = array<i32>} : memref<64x128xf32, #tpu.memory_space<vmem>>, vector<1x16xf32>,
          %swap3A_242 = vector.shape_cast %swap3A_241 : vector<1x16xf32> to vector<16xf32>
          %swap3A_243 = vector.shape_cast %bitcast_convert_type3A_238 : vector<16xf32> to vector<1x16xf32>
          tpu.vector_store %arg16[%swap3A_239, %swap3A_240], %swap3A_243 {strides = array<i32>} : memref<64x128xf32, #tpu.memory_space<vmem>>, vector<1x16xf32>,
          %get3A_244 = arith.index_cast %scan3A_86 : i32 to index
          %get3A_245 = arith.constant 48 : index
          %get3A_246 = tpu.vector_load %arg14[%get3A_244, %get3A_245] {strides = array<i32>} : memref<128x128xf32, #tpu.memory_space<vmem>>, vector<1x16xf32>,
          %get3A_247 = vector.shape_cast %get3A_246 : vector<1x16xf32> to vector<16xf32>
          %get3A_248 = arith.index_cast %scan3A_86 : i32 to index
          %get3A_249 = arith.constant 48 : index
          %get3A_250 = tpu.vector_load %arg15[%get3A_248, %get3A_249] {strides = array<i32>} : memref<128x128xf32, #tpu.memory_space<vmem>>, vector<1x16xf32>,
          %get3A_251 = vector.shape_cast %get3A_250 : vector<1x16xf32> to vector<16xf32>
          %bitcast_convert_type3A_252 = tpu.bitcast %get3A_247 : vector<16xf32> -> vector<16xi32>
          %bitcast_convert_type3A_253 = tpu.bitcast %get3A_251 : vector<16xf32> -> vector<16xi32>
          %shift_left3A_254 = arith.constant 16 : i32
          %shift_left3A_255 = vector.broadcast %shift_left3A_254 : i32 to vector<16xi32>
          %shift_left3A_256 = arith.shli %bitcast_convert_type3A_252, %shift_left3A_255 : vector<16xi32>
          %bitcast_convert_type3A_257 = tpu.bitcast %shift_left3A_256 : vector<16xi32> -> vector<16xf32>
          %and3A_258 = vector.broadcast %scan3A_76 : i32 to vector<16xi32>
          %and3A_259 = arith.andi %bitcast_convert_type3A_253, %and3A_258 : vector<16xi32>
          %bitcast_convert_type3A_260 = tpu.bitcast %and3A_259 : vector<16xi32> -> vector<16xf32>
          %add3A_261 = arith.addf %bitcast_convert_type3A_257, %bitcast_convert_type3A_260 : vector<16xf32>
          %get3A_262 = arith.index_cast %add3A_88 : i32 to index
          %get3A_263 = arith.constant 48 : index
          %get3A_264 = tpu.vector_load %arg14[%get3A_262, %get3A_263] {strides = array<i32>} : memref<128x128xf32, #tpu.memory_space<vmem>>, vector<1x16xf32>,
          %get3A_265 = vector.shape_cast %get3A_264 : vector<1x16xf32> to vector<16xf32>
          %get3A_266 = arith.index_cast %add3A_88 : i32 to index
          %get3A_267 = arith.constant 48 : index
          %get3A_268 = tpu.vector_load %arg15[%get3A_266, %get3A_267] {strides = array<i32>} : memref<128x128xf32, #tpu.memory_space<vmem>>, vector<1x16xf32>,
          %get3A_269 = vector.shape_cast %get3A_268 : vector<1x16xf32> to vector<16xf32>
          %bitcast_convert_type3A_270 = tpu.bitcast %get3A_265 : vector<16xf32> -> vector<16xi32>
          %bitcast_convert_type3A_271 = tpu.bitcast %get3A_269 : vector<16xf32> -> vector<16xi32>
          %shift_left3A_272 = arith.constant 16 : i32
          %shift_left3A_273 = vector.broadcast %shift_left3A_272 : i32 to vector<16xi32>
          %shift_left3A_274 = arith.shli %bitcast_convert_type3A_270, %shift_left3A_273 : vector<16xi32>
          %bitcast_convert_type3A_275 = tpu.bitcast %shift_left3A_274 : vector<16xi32> -> vector<16xf32>
          %and3A_276 = vector.broadcast %scan3A_76 : i32 to vector<16xi32>
          %and3A_277 = arith.andi %bitcast_convert_type3A_271, %and3A_276 : vector<16xi32>
          %bitcast_convert_type3A_278 = tpu.bitcast %and3A_277 : vector<16xi32> -> vector<16xf32>
          %add3A_279 = arith.addf %bitcast_convert_type3A_275, %bitcast_convert_type3A_278 : vector<16xf32>
          %bitcast_convert_type3A_280 = tpu.bitcast %add3A_261 : vector<16xf32> -> vector<16xi32>
          %add3A_281 = vector.broadcast %scan3A_77 : i32 to vector<16xi32>
          %add3A_282 = arith.addi %bitcast_convert_type3A_280, %add3A_281 : vector<16xi32>
          %shift_right_logical3A_283 = arith.constant 16 : i32
          %shift_right_logical3A_284 = vector.broadcast %shift_right_logical3A_283 : i32 to vector<16xi32>
          %shift_right_logical3A_285 = arith.shrui %add3A_282, %shift_right_logical3A_284 : vector<16xi32>
          %bitcast_convert_type3A_286 = tpu.bitcast %add3A_279 : vector<16xf32> -> vector<16xi32>
          %add3A_287 = vector.broadcast %scan3A_77 : i32 to vector<16xi32>
          %add3A_288 = arith.addi %bitcast_convert_type3A_286, %add3A_287 : vector<16xi32>
          %and3A_289 = vector.broadcast %scan3A_76 : i32 to vector<16xi32>
          %and3A_290 = arith.andi %add3A_288, %and3A_289 : vector<16xi32>
          %or3A_291 = arith.ori %shift_right_logical3A_285, %and3A_290 : vector<16xi32>
          %bitcast_convert_type3A_292 = tpu.bitcast %or3A_291 : vector<16xi32> -> vector<16xf32>
          %swap3A_293 = arith.index_cast %scan3A_86 : i32 to index
          %swap3A_294 = arith.constant 48 : index
          %swap3A_295 = tpu.vector_load %arg16[%swap3A_293, %swap3A_294] {strides = array<i32>} : memref<64x128xf32, #tpu.memory_space<vmem>>, vector<1x16xf32>,
          %swap3A_296 = vector.shape_cast %swap3A_295 : vector<1x16xf32> to vector<16xf32>
          %swap3A_297 = vector.shape_cast %bitcast_convert_type3A_292 : vector<16xf32> to vector<1x16xf32>
          tpu.vector_store %arg16[%swap3A_293, %swap3A_294], %swap3A_297 {strides = array<i32>} : memref<64x128xf32, #tpu.memory_space<vmem>>, vector<1x16xf32>,
          %get3A_298 = arith.index_cast %scan3A_86 : i32 to index
          %get3A_299 = arith.constant 64 : index
          %get3A_300 = tpu.vector_load %arg14[%get3A_298, %get3A_299] {strides = array<i32>} : memref<128x128xf32, #tpu.memory_space<vmem>>, vector<1x16xf32>,
          %get3A_301 = vector.shape_cast %get3A_300 : vector<1x16xf32> to vector<16xf32>
          %get3A_302 = arith.index_cast %scan3A_86 : i32 to index
          %get3A_303 = arith.constant 64 : index
          %get3A_304 = tpu.vector_load %arg15[%get3A_302, %get3A_303] {strides = array<i32>} : memref<128x128xf32, #tpu.memory_space<vmem>>, vector<1x16xf32>,
          %get3A_305 = vector.shape_cast %get3A_304 : vector<1x16xf32> to vector<16xf32>
          %bitcast_convert_type3A_306 = tpu.bitcast %get3A_301 : vector<16xf32> -> vector<16xi32>
          %bitcast_convert_type3A_307 = tpu.bitcast %get3A_305 : vector<16xf32> -> vector<16xi32>
          %shift_left3A_308 = arith.constant 16 : i32
          %shift_left3A_309 = vector.broadcast %shift_left3A_308 : i32 to vector<16xi32>
          %shift_left3A_310 = arith.shli %bitcast_convert_type3A_306, %shift_left3A_309 : vector<16xi32>
          %bitcast_convert_type3A_311 = tpu.bitcast %shift_left3A_310 : vector<16xi32> -> vector<16xf32>
          %and3A_312 = vector.broadcast %scan3A_76 : i32 to vector<16xi32>
          %and3A_313 = arith.andi %bitcast_convert_type3A_307, %and3A_312 : vector<16xi32>
          %bitcast_convert_type3A_314 = tpu.bitcast %and3A_313 : vector<16xi32> -> vector<16xf32>
          %add3A_315 = arith.addf %bitcast_convert_type3A_311, %bitcast_convert_type3A_314 : vector<16xf32>
          %get3A_316 = arith.index_cast %add3A_88 : i32 to index
          %get3A_317 = arith.constant 64 : index
          %get3A_318 = tpu.vector_load %arg14[%get3A_316, %get3A_317] {strides = array<i32>} : memref<128x128xf32, #tpu.memory_space<vmem>>, vector<1x16xf32>,
          %get3A_319 = vector.shape_cast %get3A_318 : vector<1x16xf32> to vector<16xf32>
          %get3A_320 = arith.index_cast %add3A_88 : i32 to index
          %get3A_321 = arith.constant 64 : index
          %get3A_322 = tpu.vector_load %arg15[%get3A_320, %get3A_321] {strides = array<i32>} : memref<128x128xf32, #tpu.memory_space<vmem>>, vector<1x16xf32>,
          %get3A_323 = vector.shape_cast %get3A_322 : vector<1x16xf32> to vector<16xf32>
          %bitcast_convert_type3A_324 = tpu.bitcast %get3A_319 : vector<16xf32> -> vector<16xi32>
          %bitcast_convert_type3A_325 = tpu.bitcast %get3A_323 : vector<16xf32> -> vector<16xi32>
          %shift_left3A_326 = arith.constant 16 : i32
          %shift_left3A_327 = vector.broadcast %shift_left3A_326 : i32 to vector<16xi32>
          %shift_left3A_328 = arith.shli %bitcast_convert_type3A_324, %shift_left3A_327 : vector<16xi32>
          %bitcast_convert_type3A_329 = tpu.bitcast %shift_left3A_328 : vector<16xi32> -> vector<16xf32>
          %and3A_330 = vector.broadcast %scan3A_76 : i32 to vector<16xi32>
          %and3A_331 = arith.andi %bitcast_convert_type3A_325, %and3A_330 : vector<16xi32>
          %bitcast_convert_type3A_332 = tpu.bitcast %and3A_331 : vector<16xi32> -> vector<16xf32>
          %add3A_333 = arith.addf %bitcast_convert_type3A_329, %bitcast_convert_type3A_332 : vector<16xf32>
          %bitcast_convert_type3A_334 = tpu.bitcast %add3A_315 : vector<16xf32> -> vector<16xi32>
          %add3A_335 = vector.broadcast %scan3A_77 : i32 to vector<16xi32>
          %add3A_336 = arith.addi %bitcast_convert_type3A_334, %add3A_335 : vector<16xi32>
          %shift_right_logical3A_337 = arith.constant 16 : i32
          %shift_right_logical3A_338 = vector.broadcast %shift_right_logical3A_337 : i32 to vector<16xi32>
          %shift_right_logical3A_339 = arith.shrui %add3A_336, %shift_right_logical3A_338 : vector<16xi32>
          %bitcast_convert_type3A_340 = tpu.bitcast %add3A_333 : vector<16xf32> -> vector<16xi32>
          %add3A_341 = vector.broadcast %scan3A_77 : i32 to vector<16xi32>
          %add3A_342 = arith.addi %bitcast_convert_type3A_340, %add3A_341 : vector<16xi32>
          %and3A_343 = vector.broadcast %scan3A_76 : i32 to vector<16xi32>
          %and3A_344 = arith.andi %add3A_342, %and3A_343 : vector<16xi32>
          %or3A_345 = arith.ori %shift_right_logical3A_339, %and3A_344 : vector<16xi32>
          %bitcast_convert_type3A_346 = tpu.bitcast %or3A_345 : vector<16xi32> -> vector<16xf32>
          %swap3A_347 = arith.index_cast %scan3A_86 : i32 to index
          %swap3A_348 = arith.constant 64 : index
          %swap3A_349 = tpu.vector_load %arg16[%swap3A_347, %swap3A_348] {strides = array<i32>} : memref<64x128xf32, #tpu.memory_space<vmem>>, vector<1x16xf32>,
          %swap3A_350 = vector.shape_cast %swap3A_349 : vector<1x16xf32> to vector<16xf32>
          %swap3A_351 = vector.shape_cast %bitcast_convert_type3A_346 : vector<16xf32> to vector<1x16xf32>
          tpu.vector_store %arg16[%swap3A_347, %swap3A_348], %swap3A_351 {strides = array<i32>} : memref<64x128xf32, #tpu.memory_space<vmem>>, vector<1x16xf32>,
          %get3A_352 = arith.index_cast %scan3A_86 : i32 to index
          %get3A_353 = arith.constant 80 : index
          %get3A_354 = tpu.vector_load %arg14[%get3A_352, %get3A_353] {strides = array<i32>} : memref<128x128xf32, #tpu.memory_space<vmem>>, vector<1x16xf32>,
          %get3A_355 = vector.shape_cast %get3A_354 : vector<1x16xf32> to vector<16xf32>
          %get3A_356 = arith.index_cast %scan3A_86 : i32 to index
          %get3A_357 = arith.constant 80 : index
          %get3A_358 = tpu.vector_load %arg15[%get3A_356, %get3A_357] {strides = array<i32>} : memref<128x128xf32, #tpu.memory_space<vmem>>, vector<1x16xf32>,
          %get3A_359 = vector.shape_cast %get3A_358 : vector<1x16xf32> to vector<16xf32>
          %bitcast_convert_type3A_360 = tpu.bitcast %get3A_355 : vector<16xf32> -> vector<16xi32>
          %bitcast_convert_type3A_361 = tpu.bitcast %get3A_359 : vector<16xf32> -> vector<16xi32>
          %shift_left3A_362 = arith.constant 16 : i32
          %shift_left3A_363 = vector.broadcast %shift_left3A_362 : i32 to vector<16xi32>
          %shift_left3A_364 = arith.shli %bitcast_convert_type3A_360, %shift_left3A_363 : vector<16xi32>
          %bitcast_convert_type3A_365 = tpu.bitcast %shift_left3A_364 : vector<16xi32> -> vector<16xf32>
          %and3A_366 = vector.broadcast %scan3A_76 : i32 to vector<16xi32>
          %and3A_367 = arith.andi %bitcast_convert_type3A_361, %and3A_366 : vector<16xi32>
          %bitcast_convert_type3A_368 = tpu.bitcast %and3A_367 : vector<16xi32> -> vector<16xf32>
          %add3A_369 = arith.addf %bitcast_convert_type3A_365, %bitcast_convert_type3A_368 : vector<16xf32>
          %get3A_370 = arith.index_cast %add3A_88 : i32 to index
          %get3A_371 = arith.constant 80 : index
          %get3A_372 = tpu.vector_load %arg14[%get3A_370, %get3A_371] {strides = array<i32>} : memref<128x128xf32, #tpu.memory_space<vmem>>, vector<1x16xf32>,
          %get3A_373 = vector.shape_cast %get3A_372 : vector<1x16xf32> to vector<16xf32>
          %get3A_374 = arith.index_cast %add3A_88 : i32 to index
          %get3A_375 = arith.constant 80 : index
          %get3A_376 = tpu.vector_load %arg15[%get3A_374, %get3A_375] {strides = array<i32>} : memref<128x128xf32, #tpu.memory_space<vmem>>, vector<1x16xf32>,
          %get3A_377 = vector.shape_cast %get3A_376 : vector<1x16xf32> to vector<16xf32>
          %bitcast_convert_type3A_378 = tpu.bitcast %get3A_373 : vector<16xf32> -> vector<16xi32>
          %bitcast_convert_type3A_379 = tpu.bitcast %get3A_377 : vector<16xf32> -> vector<16xi32>
          %shift_left3A_380 = arith.constant 16 : i32
          %shift_left3A_381 = vector.broadcast %shift_left3A_380 : i32 to vector<16xi32>
          %shift_left3A_382 = arith.shli %bitcast_convert_type3A_378, %shift_left3A_381 : vector<16xi32>
          %bitcast_convert_type3A_383 = tpu.bitcast %shift_left3A_382 : vector<16xi32> -> vector<16xf32>
          %and3A_384 = vector.broadcast %scan3A_76 : i32 to vector<16xi32>
          %and3A_385 = arith.andi %bitcast_convert_type3A_379, %and3A_384 : vector<16xi32>
          %bitcast_convert_type3A_386 = tpu.bitcast %and3A_385 : vector<16xi32> -> vector<16xf32>
          %add3A_387 = arith.addf %bitcast_convert_type3A_383, %bitcast_convert_type3A_386 : vector<16xf32>
          %bitcast_convert_type3A_388 = tpu.bitcast %add3A_369 : vector<16xf32> -> vector<16xi32>
          %add3A_389 = vector.broadcast %scan3A_77 : i32 to vector<16xi32>
          %add3A_390 = arith.addi %bitcast_convert_type3A_388, %add3A_389 : vector<16xi32>
          %shift_right_logical3A_391 = arith.constant 16 : i32
          %shift_right_logical3A_392 = vector.broadcast %shift_right_logical3A_391 : i32 to vector<16xi32>
          %shift_right_logical3A_393 = arith.shrui %add3A_390, %shift_right_logical3A_392 : vector<16xi32>
          %bitcast_convert_type3A_394 = tpu.bitcast %add3A_387 : vector<16xf32> -> vector<16xi32>
          %add3A_395 = vector.broadcast %scan3A_77 : i32 to vector<16xi32>
          %add3A_396 = arith.addi %bitcast_convert_type3A_394, %add3A_395 : vector<16xi32>
          %and3A_397 = vector.broadcast %scan3A_76 : i32 to vector<16xi32>
          %and3A_398 = arith.andi %add3A_396, %and3A_397 : vector<16xi32>
          %or3A_399 = arith.ori %shift_right_logical3A_393, %and3A_398 : vector<16xi32>
          %bitcast_convert_type3A_400 = tpu.bitcast %or3A_399 : vector<16xi32> -> vector<16xf32>
          %swap3A_401 = arith.index_cast %scan3A_86 : i32 to index
          %swap3A_402 = arith.constant 80 : index
          %swap3A_403 = tpu.vector_load %arg16[%swap3A_401, %swap3A_402] {strides = array<i32>} : memref<64x128xf32, #tpu.memory_space<vmem>>, vector<1x16xf32>,
          %swap3A_404 = vector.shape_cast %swap3A_403 : vector<1x16xf32> to vector<16xf32>
          %swap3A_405 = vector.shape_cast %bitcast_convert_type3A_400 : vector<16xf32> to vector<1x16xf32>
          tpu.vector_store %arg16[%swap3A_401, %swap3A_402], %swap3A_405 {strides = array<i32>} : memref<64x128xf32, #tpu.memory_space<vmem>>, vector<1x16xf32>,
          %get3A_406 = arith.index_cast %scan3A_86 : i32 to index
          %get3A_407 = arith.constant 96 : index
          %get3A_408 = tpu.vector_load %arg14[%get3A_406, %get3A_407] {strides = array<i32>} : memref<128x128xf32, #tpu.memory_space<vmem>>, vector<1x16xf32>,
          %get3A_409 = vector.shape_cast %get3A_408 : vector<1x16xf32> to vector<16xf32>
          %get3A_410 = arith.index_cast %scan3A_86 : i32 to index
          %get3A_411 = arith.constant 96 : index
          %get3A_412 = tpu.vector_load %arg15[%get3A_410, %get3A_411] {strides = array<i32>} : memref<128x128xf32, #tpu.memory_space<vmem>>, vector<1x16xf32>,
          %get3A_413 = vector.shape_cast %get3A_412 : vector<1x16xf32> to vector<16xf32>
          %bitcast_convert_type3A_414 = tpu.bitcast %get3A_409 : vector<16xf32> -> vector<16xi32>
          %bitcast_convert_type3A_415 = tpu.bitcast %get3A_413 : vector<16xf32> -> vector<16xi32>
          %shift_left3A_416 = arith.constant 16 : i32
          %shift_left3A_417 = vector.broadcast %shift_left3A_416 : i32 to vector<16xi32>
          %shift_left3A_418 = arith.shli %bitcast_convert_type3A_414, %shift_left3A_417 : vector<16xi32>
          %bitcast_convert_type3A_419 = tpu.bitcast %shift_left3A_418 : vector<16xi32> -> vector<16xf32>
          %and3A_420 = vector.broadcast %scan3A_76 : i32 to vector<16xi32>
          %and3A_421 = arith.andi %bitcast_convert_type3A_415, %and3A_420 : vector<16xi32>
          %bitcast_convert_type3A_422 = tpu.bitcast %and3A_421 : vector<16xi32> -> vector<16xf32>
          %add3A_423 = arith.addf %bitcast_convert_type3A_419, %bitcast_convert_type3A_422 : vector<16xf32>
          %get3A_424 = arith.index_cast %add3A_88 : i32 to index
          %get3A_425 = arith.constant 96 : index
          %get3A_426 = tpu.vector_load %arg14[%get3A_424, %get3A_425] {strides = array<i32>} : memref<128x128xf32, #tpu.memory_space<vmem>>, vector<1x16xf32>,
          %get3A_427 = vector.shape_cast %get3A_426 : vector<1x16xf32> to vector<16xf32>
          %get3A_428 = arith.index_cast %add3A_88 : i32 to index
          %get3A_429 = arith.constant 96 : index
          %get3A_430 = tpu.vector_load %arg15[%get3A_428, %get3A_429] {strides = array<i32>} : memref<128x128xf32, #tpu.memory_space<vmem>>, vector<1x16xf32>,
          %get3A_431 = vector.shape_cast %get3A_430 : vector<1x16xf32> to vector<16xf32>
          %bitcast_convert_type3A_432 = tpu.bitcast %get3A_427 : vector<16xf32> -> vector<16xi32>
          %bitcast_convert_type3A_433 = tpu.bitcast %get3A_431 : vector<16xf32> -> vector<16xi32>
          %shift_left3A_434 = arith.constant 16 : i32
          %shift_left3A_435 = vector.broadcast %shift_left3A_434 : i32 to vector<16xi32>
          %shift_left3A_436 = arith.shli %bitcast_convert_type3A_432, %shift_left3A_435 : vector<16xi32>
          %bitcast_convert_type3A_437 = tpu.bitcast %shift_left3A_436 : vector<16xi32> -> vector<16xf32>
          %and3A_438 = vector.broadcast %scan3A_76 : i32 to vector<16xi32>
          %and3A_439 = arith.andi %bitcast_convert_type3A_433, %and3A_438 : vector<16xi32>
          %bitcast_convert_type3A_440 = tpu.bitcast %and3A_439 : vector<16xi32> -> vector<16xf32>
          %add3A_441 = arith.addf %bitcast_convert_type3A_437, %bitcast_convert_type3A_440 : vector<16xf32>
          %bitcast_convert_type3A_442 = tpu.bitcast %add3A_423 : vector<16xf32> -> vector<16xi32>
          %add3A_443 = vector.broadcast %scan3A_77 : i32 to vector<16xi32>
          %add3A_444 = arith.addi %bitcast_convert_type3A_442, %add3A_443 : vector<16xi32>
          %shift_right_logical3A_445 = arith.constant 16 : i32
          %shift_right_logical3A_446 = vector.broadcast %shift_right_logical3A_445 : i32 to vector<16xi32>
          %shift_right_logical3A_447 = arith.shrui %add3A_444, %shift_right_logical3A_446 : vector<16xi32>
          %bitcast_convert_type3A_448 = tpu.bitcast %add3A_441 : vector<16xf32> -> vector<16xi32>
          %add3A_449 = vector.broadcast %scan3A_77 : i32 to vector<16xi32>
          %add3A_450 = arith.addi %bitcast_convert_type3A_448, %add3A_449 : vector<16xi32>
          %and3A_451 = vector.broadcast %scan3A_76 : i32 to vector<16xi32>
          %and3A_452 = arith.andi %add3A_450, %and3A_451 : vector<16xi32>
          %or3A_453 = arith.ori %shift_right_logical3A_447, %and3A_452 : vector<16xi32>
          %bitcast_convert_type3A_454 = tpu.bitcast %or3A_453 : vector<16xi32> -> vector<16xf32>
          %swap3A_455 = arith.index_cast %scan3A_86 : i32 to index
          %swap3A_456 = arith.constant 96 : index
          %swap3A_457 = tpu.vector_load %arg16[%swap3A_455, %swap3A_456] {strides = array<i32>} : memref<64x128xf32, #tpu.memory_space<vmem>>, vector<1x16xf32>,
          %swap3A_458 = vector.shape_cast %swap3A_457 : vector<1x16xf32> to vector<16xf32>
          %swap3A_459 = vector.shape_cast %bitcast_convert_type3A_454 : vector<16xf32> to vector<1x16xf32>
          tpu.vector_store %arg16[%swap3A_455, %swap3A_456], %swap3A_459 {strides = array<i32>} : memref<64x128xf32, #tpu.memory_space<vmem>>, vector<1x16xf32>,
          %get3A_460 = arith.index_cast %scan3A_86 : i32 to index
          %get3A_461 = arith.constant 112 : index
          %get3A_462 = tpu.vector_load %arg14[%get3A_460, %get3A_461] {strides = array<i32>} : memref<128x128xf32, #tpu.memory_space<vmem>>, vector<1x16xf32>,
          %get3A_463 = vector.shape_cast %get3A_462 : vector<1x16xf32> to vector<16xf32>
          %get3A_464 = arith.index_cast %scan3A_86 : i32 to index
          %get3A_465 = arith.constant 112 : index
          %get3A_466 = tpu.vector_load %arg15[%get3A_464, %get3A_465] {strides = array<i32>} : memref<128x128xf32, #tpu.memory_space<vmem>>, vector<1x16xf32>,
          %get3A_467 = vector.shape_cast %get3A_466 : vector<1x16xf32> to vector<16xf32>
          %bitcast_convert_type3A_468 = tpu.bitcast %get3A_463 : vector<16xf32> -> vector<16xi32>
          %bitcast_convert_type3A_469 = tpu.bitcast %get3A_467 : vector<16xf32> -> vector<16xi32>
          %shift_left3A_470 = arith.constant 16 : i32
          %shift_left3A_471 = vector.broadcast %shift_left3A_470 : i32 to vector<16xi32>
          %shift_left3A_472 = arith.shli %bitcast_convert_type3A_468, %shift_left3A_471 : vector<16xi32>
          %bitcast_convert_type3A_473 = tpu.bitcast %shift_left3A_472 : vector<16xi32> -> vector<16xf32>
          %and3A_474 = vector.broadcast %scan3A_76 : i32 to vector<16xi32>
          %and3A_475 = arith.andi %bitcast_convert_type3A_469, %and3A_474 : vector<16xi32>
          %bitcast_convert_type3A_476 = tpu.bitcast %and3A_475 : vector<16xi32> -> vector<16xf32>
          %add3A_477 = arith.addf %bitcast_convert_type3A_473, %bitcast_convert_type3A_476 : vector<16xf32>
          %get3A_478 = arith.index_cast %add3A_88 : i32 to index
          %get3A_479 = arith.constant 112 : index
          %get3A_480 = tpu.vector_load %arg14[%get3A_478, %get3A_479] {strides = array<i32>} : memref<128x128xf32, #tpu.memory_space<vmem>>, vector<1x16xf32>,
          %get3A_481 = vector.shape_cast %get3A_480 : vector<1x16xf32> to vector<16xf32>
          %get3A_482 = arith.index_cast %add3A_88 : i32 to index
          %get3A_483 = arith.constant 112 : index
          %get3A_484 = tpu.vector_load %arg15[%get3A_482, %get3A_483] {strides = array<i32>} : memref<128x128xf32, #tpu.memory_space<vmem>>, vector<1x16xf32>,
          %get3A_485 = vector.shape_cast %get3A_484 : vector<1x16xf32> to vector<16xf32>
          %bitcast_convert_type3A_486 = tpu.bitcast %get3A_481 : vector<16xf32> -> vector<16xi32>
          %bitcast_convert_type3A_487 = tpu.bitcast %get3A_485 : vector<16xf32> -> vector<16xi32>
          %shift_left3A_488 = arith.constant 16 : i32
          %shift_left3A_489 = vector.broadcast %shift_left3A_488 : i32 to vector<16xi32>
          %shift_left3A_490 = arith.shli %bitcast_convert_type3A_486, %shift_left3A_489 : vector<16xi32>
          %bitcast_convert_type3A_491 = tpu.bitcast %shift_left3A_490 : vector<16xi32> -> vector<16xf32>
          %and3A_492 = vector.broadcast %scan3A_76 : i32 to vector<16xi32>
          %and3A_493 = arith.andi %bitcast_convert_type3A_487, %and3A_492 : vector<16xi32>
          %bitcast_convert_type3A_494 = tpu.bitcast %and3A_493 : vector<16xi32> -> vector<16xf32>
          %add3A_495 = arith.addf %bitcast_convert_type3A_491, %bitcast_convert_type3A_494 : vector<16xf32>
          %bitcast_convert_type3A_496 = tpu.bitcast %add3A_477 : vector<16xf32> -> vector<16xi32>
          %add3A_497 = vector.broadcast %scan3A_77 : i32 to vector<16xi32>
          %add3A_498 = arith.addi %bitcast_convert_type3A_496, %add3A_497 : vector<16xi32>
          %shift_right_logical3A_499 = arith.constant 16 : i32
          %shift_right_logical3A_500 = vector.broadcast %shift_right_logical3A_499 : i32 to vector<16xi32>
          %shift_right_logical3A_501 = arith.shrui %add3A_498, %shift_right_logical3A_500 : vector<16xi32>
          %bitcast_convert_type3A_502 = tpu.bitcast %add3A_495 : vector<16xf32> -> vector<16xi32>
          %add3A_503 = vector.broadcast %scan3A_77 : i32 to vector<16xi32>
          %add3A_504 = arith.addi %bitcast_convert_type3A_502, %add3A_503 : vector<16xi32>
          %and3A_505 = vector.broadcast %scan3A_76 : i32 to vector<16xi32>
          %and3A_506 = arith.andi %add3A_504, %and3A_505 : vector<16xi32>
          %or3A_507 = arith.ori %shift_right_logical3A_501, %and3A_506 : vector<16xi32>
          %bitcast_convert_type3A_508 = tpu.bitcast %or3A_507 : vector<16xi32> -> vector<16xf32>
          %swap3A_509 = arith.index_cast %scan3A_86 : i32 to index
          %swap3A_510 = arith.constant 112 : index
          %swap3A_511 = tpu.vector_load %arg16[%swap3A_509, %swap3A_510] {strides = array<i32>} : memref<64x128xf32, #tpu.memory_space<vmem>>, vector<1x16xf32>,
          %swap3A_512 = vector.shape_cast %swap3A_511 : vector<1x16xf32> to vector<16xf32>
          %swap3A_513 = vector.shape_cast %bitcast_convert_type3A_508 : vector<16xf32> to vector<1x16xf32>
          tpu.vector_store %arg16[%swap3A_509, %swap3A_510], %swap3A_513 {strides = array<i32>} : memref<64x128xf32, #tpu.memory_space<vmem>>, vector<1x16xf32>,
        }
        %scan3A_82 = arith.constant 64 : i32
        %sub3A = arith.constant 1250 : i32
        %sub3A_83 = arith.subi %add3A_52, %sub3A : i32
        %mul3A_84 = arith.constant 64 : i32
        %mul3A_85 = arith.muli %sub3A_83, %mul3A_84 : i32
        "tpu.region"() ({
          %run_scoped3A = tpu.sem_alloc : memref<!tpu.dma_semaphore, #tpu.memory_space<semaphore_mem>>
          %dma_start3A = arith.constant 0 : i32
          %dma_start3A_86 = tpu.memref_slice %arg5[%mul3A_85, %dma_start3A] : memref<80000x128xf32, #tpu.memory_space<hbm>> -> memref<64x128xf32, #tpu.memory_space<hbm>>
          %dma_start3A_87 = arith.constant 0 : i32
          %dma_start3A_88 = tpu.memref_slice %arg5[%mul3A_85, %dma_start3A_87] : memref<80000x128xf32, #tpu.memory_space<hbm>> -> memref<64x128xf32, #tpu.memory_space<hbm>>
          tpu.enqueue_dma source(%arg16 : memref<64x128xf32, #tpu.memory_space<vmem>>) target(%dma_start3A_88 : memref<64x128xf32, #tpu.memory_space<hbm>>) target_semaphore(%run_scoped3A : memref<!tpu.dma_semaphore, #tpu.memory_space<semaphore_mem>>)
          %dma_wait3A_89 = arith.constant 0 : i32
          %dma_wait3A_90 = tpu.memref_slice %arg5[%mul3A_85, %dma_wait3A_89] : memref<80000x128xf32, #tpu.memory_space<hbm>> -> memref<64x128xf32, #tpu.memory_space<hbm>>
          %dma_wait3A_91 = arith.constant 0 : i32
          %dma_wait3A_92 = tpu.memref_slice %arg5[%mul3A_85, %dma_wait3A_91] : memref<80000x128xf32, #tpu.memory_space<hbm>> -> memref<64x128xf32, #tpu.memory_space<hbm>>
          tpu.wait_dma2 semaphore(%run_scoped3A : memref<!tpu.dma_semaphore, #tpu.memory_space<semaphore_mem>>) src(%arg16 : memref<64x128xf32, #tpu.memory_space<vmem>>) dst(%dma_wait3A_92 : memref<64x128xf32, #tpu.memory_space<hbm>>)
          tpu.yield
        }) : () -> ()
      } else {
      }
      %add3A_58 = arith.constant 2 : i32
      %add3A_59 = arith.addi %add3A_47, %add3A_58 : i32
      %mul3A_60 = arith.constant 32 : i32
      %mul3A_61 = arith.muli %add3A_59, %mul3A_60 : i32
      %add3A_62 = arith.constant 1250 : i32
      %add3A_63 = arith.addi %add3A_62, %mul3A_61 : i32
      %add3A_64 = arith.addi %add3A_63, %add3A : i32
      %lt3A_65 = arith.constant 2500 : i32
      %lt3A_66 = arith.cmpi slt, %add3A_64, %lt3A_65 : i32
      %convert_element_type3A_67 = arith.extui %lt3A_66 : i1 to i32
      %cond3A_68 = arith.constant 0 : i32
      %cond3A_69 = arith.cmpi ne, %convert_element_type3A_67, %cond3A_68 : i32
      scf.if %cond3A_69 {
        %mul3A_70 = arith.constant 128 : i32
        %mul3A_71 = arith.muli %add3A_64, %mul3A_70 : i32
        "tpu.region"() ({
          %run_scoped3A = tpu.sem_alloc : memref<!tpu.dma_semaphore, #tpu.memory_space<semaphore_mem>>
          %dma_start3A_77 = tpu.memref_slice %arg2[%mul3A_71] : memref<320000xi32, #tpu.memory_space<hbm>> -> memref<128xi32, #tpu.memory_space<hbm>>
          %dma_start3A_78 = tpu.memref_slice %arg2[%mul3A_71] : memref<320000xi32, #tpu.memory_space<hbm>> -> memref<128xi32, #tpu.memory_space<hbm>>
          tpu.enqueue_dma source(%dma_start3A_78 : memref<128xi32, #tpu.memory_space<hbm>>) target(%arg12 : memref<128xi32, #tpu.memory_space<vmem>>) target_semaphore(%run_scoped3A : memref<!tpu.dma_semaphore, #tpu.memory_space<semaphore_mem>>)
          %dma_wait3A = tpu.memref_slice %arg2[%mul3A_71] : memref<320000xi32, #tpu.memory_space<hbm>> -> memref<128xi32, #tpu.memory_space<hbm>>
          %dma_wait3A_79 = tpu.memref_slice %arg2[%mul3A_71] : memref<320000xi32, #tpu.memory_space<hbm>> -> memref<128xi32, #tpu.memory_space<hbm>>
          tpu.wait_dma2 semaphore(%run_scoped3A : memref<!tpu.dma_semaphore, #tpu.memory_space<semaphore_mem>>) src(%dma_wait3A_79 : memref<128xi32, #tpu.memory_space<hbm>>) dst(%arg12 : memref<128xi32, #tpu.memory_space<vmem>>)
          tpu.yield
        }) : () -> ()
        "tpu.region"() ({
          %run_scoped3A = tpu.sem_alloc : memref<!tpu.dma_semaphore, #tpu.memory_space<semaphore_mem>>
          %dma_start3A_77 = tpu.memref_slice %arg3[%mul3A_71] : memref<320000xi32, #tpu.memory_space<hbm>> -> memref<128xi32, #tpu.memory_space<hbm>>
          %dma_start3A_78 = tpu.memref_slice %arg3[%mul3A_71] : memref<320000xi32, #tpu.memory_space<hbm>> -> memref<128xi32, #tpu.memory_space<hbm>>
          tpu.enqueue_dma source(%dma_start3A_78 : memref<128xi32, #tpu.memory_space<hbm>>) target(%arg13 : memref<128xi32, #tpu.memory_space<vmem>>) target_semaphore(%run_scoped3A : memref<!tpu.dma_semaphore, #tpu.memory_space<semaphore_mem>>)
          %dma_wait3A = tpu.memref_slice %arg3[%mul3A_71] : memref<320000xi32, #tpu.memory_space<hbm>> -> memref<128xi32, #tpu.memory_space<hbm>>
          %dma_wait3A_79 = tpu.memref_slice %arg3[%mul3A_71] : memref<320000xi32, #tpu.memory_space<hbm>> -> memref<128xi32, #tpu.memory_space<hbm>>
          tpu.wait_dma2 semaphore(%run_scoped3A : memref<!tpu.dma_semaphore, #tpu.memory_space<semaphore_mem>>) src(%dma_wait3A_79 : memref<128xi32, #tpu.memory_space<hbm>>) dst(%arg13 : memref<128xi32, #tpu.memory_space<vmem>>)
          tpu.yield
        }) : () -> ()
        %dma_start3A = arith.constant 0 : i32
        %dma_start3A_72 = arith.constant 0 : i32
        %dma_start3A_73 = tpu.memref_slice %arg4[%dma_start3A, %dma_start3A_72] : memref<10000x128xf32, #tpu.memory_space<hbm>> -> memref<10000x128xf32, #tpu.memory_space<hbm>>
        tpu.enqueue_indirect_dma source(%dma_start3A_73 : memref<10000x128xf32, #tpu.memory_space<hbm>>) target(%arg14 : memref<128x128xf32, #tpu.memory_space<vmem>>) offsets(%arg12 : memref<128xi32, #tpu.memory_space<vmem>>) semaphore(%arg17 : memref<!tpu.dma_semaphore, #tpu.memory_space<semaphore_mem>>)
        %dma_start3A_74 = arith.constant 0 : i32
        %dma_start3A_75 = arith.constant 0 : i32
        %dma_start3A_76 = tpu.memref_slice %arg4[%dma_start3A_74, %dma_start3A_75] : memref<10000x128xf32, #tpu.memory_space<hbm>> -> memref<10000x128xf32, #tpu.memory_space<hbm>>
        tpu.enqueue_indirect_dma source(%dma_start3A_76 : memref<10000x128xf32, #tpu.memory_space<hbm>>) target(%arg15 : memref<128x128xf32, #tpu.memory_space<vmem>>) offsets(%arg13 : memref<128xi32, #tpu.memory_space<vmem>>) semaphore(%arg17 : memref<!tpu.dma_semaphore, #tpu.memory_space<semaphore_mem>>)
      } else {
      }
    }
    %scan3A_16 = arith.constant 20 : i32
    return
  }
}

module attributes {stable_mosaic.version = 14 : i64} {
  func.func @_pre_body(%arg0: i32, %arg1: memref<1000x128xf32, #tpu.memory_space<vmem>>, %arg2: memref<128x128xf32, #tpu.memory_space<vmem>>, %arg3: memref<128x128xf32, #tpu.memory_space<vmem>>, %arg4: memref<1x128xf32, #tpu.memory_space<vmem>>, %arg5: memref<1000x128xf32, #tpu.memory_space<vmem>>) attributes {dimension_semantics = [#tpu.dimension_semantics<arbitrary>], iteration_bounds = array<i64: 10>, scalar_prefetch = 0 : i64, scratch_operands = 0 : i64, tpu.core_type = #tpu.core_type<tc>, window_params = [{transform_indices = @transform_0, window_bounds = array<i64: 1000, 128>}, {pipeline_mode = #tpu.pipeline_mode<synchronous>, transform_indices = @transform_1, window_bounds = array<i64: 128, 128>}, {pipeline_mode = #tpu.pipeline_mode<synchronous>, transform_indices = @transform_2, window_bounds = array<i64: 128, 128>}, {pipeline_mode = #tpu.pipeline_mode<synchronous>, transform_indices = @transform_3, window_bounds = array<i64: 1, 128>}, {transform_indices = @transform_4, window_bounds = array<i64: 1000, 128>}]} {
    %get3A = arith.constant 0 : index
    %get3A_0 = arith.constant 0 : index
    %get3A_1 = vector.load %arg1[%get3A, %get3A_0] : memref<1000x128xf32, #tpu.memory_space<vmem>>, vector<1000x128xf32>
    %get3A_2 = arith.constant 0 : index
    %get3A_3 = arith.constant 0 : index
    %get3A_4 = vector.load %arg2[%get3A_2, %get3A_3] : memref<128x128xf32, #tpu.memory_space<vmem>>, vector<128x128xf32>
    %dot_general3A = arith.constant dense<0.000000e+00> : vector<1000x128xf32>
    %dot_general3A_5 = tpu.matmul %get3A_1, %get3A_4, %dot_general3A {dimension_numbers = #tpu.dot_dimension_numbers<[1], [0], [0], [1], [0, 0, 1, 1], [], []>, transpose_lhs_hint = false} : vector<1000x128xf32>, vector<128x128xf32>, vector<1000x128xf32> -> vector<1000x128xf32>
    %get3A_6 = arith.constant 0 : index
    %get3A_7 = arith.constant 0 : index
    %get3A_8 = vector.load %arg4[%get3A_6, %get3A_7] : memref<1x128xf32, #tpu.memory_space<vmem>>, vector<1x128xf32>
    %add3A = vector.broadcast %get3A_8 : vector<1x128xf32> to vector<1000x128xf32>
    %add3A_9 = arith.addf %dot_general3A_5, %add3A : vector<1000x128xf32>
    %get3A_10 = arith.constant 0 : index
    %get3A_11 = arith.constant 0 : index
    %get3A_12 = vector.load %arg3[%get3A_10, %get3A_11] : memref<128x128xf32, #tpu.memory_space<vmem>>, vector<128x128xf32>
    %dot_general3A_13 = arith.constant dense<0.000000e+00> : vector<1000x128xf32>
    %dot_general3A_14 = tpu.matmul %get3A_1, %get3A_12, %dot_general3A_13 {dimension_numbers = #tpu.dot_dimension_numbers<[1], [0], [0], [1], [0, 0, 1, 1], [], []>, transpose_lhs_hint = false} : vector<1000x128xf32>, vector<128x128xf32>, vector<1000x128xf32> -> vector<1000x128xf32>
    %bitcast_convert_type3A = tpu.bitcast %add3A_9 : vector<1000x128xf32> -> vector<1000x128xi32>
    %bitcast_convert_type3A_15 = tpu.bitcast %dot_general3A_14 : vector<1000x128xf32> -> vector<1000x128xi32>
    %add3A_16 = arith.constant 32768 : i32
    %add3A_17 = vector.broadcast %add3A_16 : i32 to vector<1000x128xi32>
    %add3A_18 = arith.addi %bitcast_convert_type3A, %add3A_17 : vector<1000x128xi32>
    %shift_right_logical3A = arith.constant 16 : i32
    %shift_right_logical3A_19 = vector.broadcast %shift_right_logical3A : i32 to vector<1000x128xi32>
    %shift_right_logical3A_20 = arith.shrui %add3A_18, %shift_right_logical3A_19 : vector<1000x128xi32>
    %add3A_21 = arith.constant 32768 : i32
    %add3A_22 = vector.broadcast %add3A_21 : i32 to vector<1000x128xi32>
    %add3A_23 = arith.addi %bitcast_convert_type3A_15, %add3A_22 : vector<1000x128xi32>
    %and3A = arith.constant -65536 : i32
    %and3A_24 = vector.broadcast %and3A : i32 to vector<1000x128xi32>
    %and3A_25 = arith.andi %add3A_23, %and3A_24 : vector<1000x128xi32>
    %or3A = arith.ori %shift_right_logical3A_20, %and3A_25 : vector<1000x128xi32>
    %bitcast_convert_type3A_26 = tpu.bitcast %or3A : vector<1000x128xi32> -> vector<1000x128xf32>
    %swap3A = arith.constant 0 : index
    %swap3A_27 = arith.constant 0 : index
    %swap3A_28 = vector.load %arg5[%swap3A, %swap3A_27] : memref<1000x128xf32, #tpu.memory_space<vmem>>, vector<1000x128xf32>
    tpu.vector_store %arg5[%swap3A, %swap3A_27], %bitcast_convert_type3A_26 {strides = array<i32>} : memref<1000x128xf32, #tpu.memory_space<vmem>>, vector<1000x128xf32>,
    return
  }
  func.func @transform_0(%arg0: i32) -> (i32, i32) {
    %c0_i32 = arith.constant 0 : i32
    %c0_i32_0 = arith.constant 0 : i32
    return %arg0, %c0_i32 : i32, i32
  }
  func.func @transform_1(%arg0: i32) -> (i32, i32) {
    %c0_i32 = arith.constant 0 : i32
    %c0_i32_0 = arith.constant 0 : i32
    %c0_i32_1 = arith.constant 0 : i32
    return %c0_i32, %c0_i32_0 : i32, i32
  }
  func.func @transform_2(%arg0: i32) -> (i32, i32) {
    %c0_i32 = arith.constant 0 : i32
    %c0_i32_0 = arith.constant 0 : i32
    %c0_i32_1 = arith.constant 0 : i32
    return %c0_i32, %c0_i32_0 : i32, i32
  }
  func.func @transform_3(%arg0: i32) -> (i32, i32) {
    %c0_i32 = arith.constant 0 : i32
    %c0_i32_0 = arith.constant 0 : i32
    %c0_i32_1 = arith.constant 0 : i32
    return %c0_i32, %c0_i32_0 : i32, i32
  }
  func.func @transform_4(%arg0: i32) -> (i32, i32) {
    %c0_i32 = arith.constant 0 : i32
    %c0_i32_0 = arith.constant 0 : i32
    return %arg0, %c0_i32 : i32, i32
  }
}

module attributes {stable_mosaic.version = 14 : i64} {
  func.func @_edge_body(%arg0: i32, %arg1: memref<1280x128xf32, #tpu.memory_space<vmem>>, %arg2: memref<2560x16xf32, #tpu.memory_space<vmem>>, %arg3: memref<16x128xf32, #tpu.memory_space<vmem>>, %arg4: memref<128x128xf32, #tpu.memory_space<vmem>>, %arg5: memref<1x128xf32, #tpu.memory_space<vmem>>, %arg6: memref<2560x128xf32, #tpu.memory_space<vmem>>) attributes {dimension_semantics = [#tpu.dimension_semantics<arbitrary>], iteration_bounds = array<i64: 62>, scalar_prefetch = 0 : i64, scratch_operands = 0 : i64, tpu.core_type = #tpu.core_type<tc>, window_params = [{transform_indices = @transform_0, window_bounds = array<i64: 1280, 128>}, {transform_indices = @transform_1, window_bounds = array<i64: 2560, 16>}, {pipeline_mode = #tpu.pipeline_mode<synchronous>, transform_indices = @transform_2, window_bounds = array<i64: 16, 128>}, {pipeline_mode = #tpu.pipeline_mode<synchronous>, transform_indices = @transform_3, window_bounds = array<i64: 128, 128>}, {pipeline_mode = #tpu.pipeline_mode<synchronous>, transform_indices = @transform_4, window_bounds = array<i64: 1, 128>}, {transform_indices = @transform_5, window_bounds = array<i64: 2560, 128>}]} {
    %get3A = arith.constant 0 : index
    %get3A_0 = arith.constant 0 : index
    %get3A_1 = vector.load %arg1[%get3A, %get3A_0] : memref<1280x128xf32, #tpu.memory_space<vmem>>, vector<1280x128xf32>
    %bitcast_convert_type3A = tpu.bitcast %get3A_1 : vector<1280x128xf32> -> vector<1280x128xi32>
    %shift_left3A = arith.constant 16 : i32
    %shift_left3A_2 = vector.broadcast %shift_left3A : i32 to vector<1280x128xi32>
    %shift_left3A_3 = arith.shli %bitcast_convert_type3A, %shift_left3A_2 : vector<1280x128xi32>
    %bitcast_convert_type3A_4 = tpu.bitcast %shift_left3A_3 : vector<1280x128xi32> -> vector<1280x128xf32>
    %and3A = arith.constant -65536 : i32
    %and3A_5 = vector.broadcast %and3A : i32 to vector<1280x128xi32>
    %and3A_6 = arith.andi %bitcast_convert_type3A, %and3A_5 : vector<1280x128xi32>
    %bitcast_convert_type3A_7 = tpu.bitcast %and3A_6 : vector<1280x128xi32> -> vector<1280x128xf32>
    %get3A_8 = arith.constant 0 : index
    %get3A_9 = arith.constant 0 : index
    %get3A_10 = vector.load %arg2[%get3A_8, %get3A_9] : memref<2560x16xf32, #tpu.memory_space<vmem>>, vector<2560x16xf32>
    %slice3A = vector.extract_strided_slice %get3A_10 {offsets = [0, 0], sizes = [64, 16], strides = [1, 1]} : vector<2560x16xf32> to vector<64x16xf32>
    %slice3A_11 = vector.extract_strided_slice %get3A_10 {offsets = [128, 0], sizes = [64, 16], strides = [1, 1]} : vector<2560x16xf32> to vector<64x16xf32>
    %slice3A_12 = vector.extract_strided_slice %get3A_10 {offsets = [256, 0], sizes = [64, 16], strides = [1, 1]} : vector<2560x16xf32> to vector<64x16xf32>
    %slice3A_13 = vector.extract_strided_slice %get3A_10 {offsets = [384, 0], sizes = [64, 16], strides = [1, 1]} : vector<2560x16xf32> to vector<64x16xf32>
    %slice3A_14 = vector.extract_strided_slice %get3A_10 {offsets = [512, 0], sizes = [64, 16], strides = [1, 1]} : vector<2560x16xf32> to vector<64x16xf32>
    %slice3A_15 = vector.extract_strided_slice %get3A_10 {offsets = [640, 0], sizes = [64, 16], strides = [1, 1]} : vector<2560x16xf32> to vector<64x16xf32>
    %slice3A_16 = vector.extract_strided_slice %get3A_10 {offsets = [768, 0], sizes = [64, 16], strides = [1, 1]} : vector<2560x16xf32> to vector<64x16xf32>
    %slice3A_17 = vector.extract_strided_slice %get3A_10 {offsets = [896, 0], sizes = [64, 16], strides = [1, 1]} : vector<2560x16xf32> to vector<64x16xf32>
    %slice3A_18 = vector.extract_strided_slice %get3A_10 {offsets = [1024, 0], sizes = [64, 16], strides = [1, 1]} : vector<2560x16xf32> to vector<64x16xf32>
    %slice3A_19 = vector.extract_strided_slice %get3A_10 {offsets = [1152, 0], sizes = [64, 16], strides = [1, 1]} : vector<2560x16xf32> to vector<64x16xf32>
    %slice3A_20 = vector.extract_strided_slice %get3A_10 {offsets = [1280, 0], sizes = [64, 16], strides = [1, 1]} : vector<2560x16xf32> to vector<64x16xf32>
    %slice3A_21 = vector.extract_strided_slice %get3A_10 {offsets = [1408, 0], sizes = [64, 16], strides = [1, 1]} : vector<2560x16xf32> to vector<64x16xf32>
    %slice3A_22 = vector.extract_strided_slice %get3A_10 {offsets = [1536, 0], sizes = [64, 16], strides = [1, 1]} : vector<2560x16xf32> to vector<64x16xf32>
    %slice3A_23 = vector.extract_strided_slice %get3A_10 {offsets = [1664, 0], sizes = [64, 16], strides = [1, 1]} : vector<2560x16xf32> to vector<64x16xf32>
    %slice3A_24 = vector.extract_strided_slice %get3A_10 {offsets = [1792, 0], sizes = [64, 16], strides = [1, 1]} : vector<2560x16xf32> to vector<64x16xf32>
    %slice3A_25 = vector.extract_strided_slice %get3A_10 {offsets = [1920, 0], sizes = [64, 16], strides = [1, 1]} : vector<2560x16xf32> to vector<64x16xf32>
    %slice3A_26 = vector.extract_strided_slice %get3A_10 {offsets = [2048, 0], sizes = [64, 16], strides = [1, 1]} : vector<2560x16xf32> to vector<64x16xf32>
    %slice3A_27 = vector.extract_strided_slice %get3A_10 {offsets = [2176, 0], sizes = [64, 16], strides = [1, 1]} : vector<2560x16xf32> to vector<64x16xf32>
    %slice3A_28 = vector.extract_strided_slice %get3A_10 {offsets = [2304, 0], sizes = [64, 16], strides = [1, 1]} : vector<2560x16xf32> to vector<64x16xf32>
    %slice3A_29 = vector.extract_strided_slice %get3A_10 {offsets = [2432, 0], sizes = [64, 16], strides = [1, 1]} : vector<2560x16xf32> to vector<64x16xf32>
    %concatenate3A = tpu.concatenate %slice3A, %slice3A_11, %slice3A_12, %slice3A_13, %slice3A_14, %slice3A_15, %slice3A_16, %slice3A_17, %slice3A_18, %slice3A_19, %slice3A_20, %slice3A_21, %slice3A_22, %slice3A_23, %slice3A_24, %slice3A_25, %slice3A_26, %slice3A_27, %slice3A_28, %slice3A_29 in 0 : vector<64x16xf32>, vector<64x16xf32>, vector<64x16xf32>, vector<64x16xf32>, vector<64x16xf32>, vector<64x16xf32>, vector<64x16xf32>, vector<64x16xf32>, vector<64x16xf32>, vector<64x16xf32>, vector<64x16xf32>, vector<64x16xf32>, vector<64x16xf32>, vector<64x16xf32>, vector<64x16xf32>, vector<64x16xf32>, vector<64x16xf32>, vector<64x16xf32>, vector<64x16xf32>, vector<64x16xf32> -> vector<1280x16xf32>
    %slice3A_30 = vector.extract_strided_slice %get3A_10 {offsets = [64, 0], sizes = [64, 16], strides = [1, 1]} : vector<2560x16xf32> to vector<64x16xf32>
    %slice3A_31 = vector.extract_strided_slice %get3A_10 {offsets = [192, 0], sizes = [64, 16], strides = [1, 1]} : vector<2560x16xf32> to vector<64x16xf32>
    %slice3A_32 = vector.extract_strided_slice %get3A_10 {offsets = [320, 0], sizes = [64, 16], strides = [1, 1]} : vector<2560x16xf32> to vector<64x16xf32>
    %slice3A_33 = vector.extract_strided_slice %get3A_10 {offsets = [448, 0], sizes = [64, 16], strides = [1, 1]} : vector<2560x16xf32> to vector<64x16xf32>
    %slice3A_34 = vector.extract_strided_slice %get3A_10 {offsets = [576, 0], sizes = [64, 16], strides = [1, 1]} : vector<2560x16xf32> to vector<64x16xf32>
    %slice3A_35 = vector.extract_strided_slice %get3A_10 {offsets = [704, 0], sizes = [64, 16], strides = [1, 1]} : vector<2560x16xf32> to vector<64x16xf32>
    %slice3A_36 = vector.extract_strided_slice %get3A_10 {offsets = [832, 0], sizes = [64, 16], strides = [1, 1]} : vector<2560x16xf32> to vector<64x16xf32>
    %slice3A_37 = vector.extract_strided_slice %get3A_10 {offsets = [960, 0], sizes = [64, 16], strides = [1, 1]} : vector<2560x16xf32> to vector<64x16xf32>
    %slice3A_38 = vector.extract_strided_slice %get3A_10 {offsets = [1088, 0], sizes = [64, 16], strides = [1, 1]} : vector<2560x16xf32> to vector<64x16xf32>
    %slice3A_39 = vector.extract_strided_slice %get3A_10 {offsets = [1216, 0], sizes = [64, 16], strides = [1, 1]} : vector<2560x16xf32> to vector<64x16xf32>
    %slice3A_40 = vector.extract_strided_slice %get3A_10 {offsets = [1344, 0], sizes = [64, 16], strides = [1, 1]} : vector<2560x16xf32> to vector<64x16xf32>
    %slice3A_41 = vector.extract_strided_slice %get3A_10 {offsets = [1472, 0], sizes = [64, 16], strides = [1, 1]} : vector<2560x16xf32> to vector<64x16xf32>
    %slice3A_42 = vector.extract_strided_slice %get3A_10 {offsets = [1600, 0], sizes = [64, 16], strides = [1, 1]} : vector<2560x16xf32> to vector<64x16xf32>
    %slice3A_43 = vector.extract_strided_slice %get3A_10 {offsets = [1728, 0], sizes = [64, 16], strides = [1, 1]} : vector<2560x16xf32> to vector<64x16xf32>
    %slice3A_44 = vector.extract_strided_slice %get3A_10 {offsets = [1856, 0], sizes = [64, 16], strides = [1, 1]} : vector<2560x16xf32> to vector<64x16xf32>
    %slice3A_45 = vector.extract_strided_slice %get3A_10 {offsets = [1984, 0], sizes = [64, 16], strides = [1, 1]} : vector<2560x16xf32> to vector<64x16xf32>
    %slice3A_46 = vector.extract_strided_slice %get3A_10 {offsets = [2112, 0], sizes = [64, 16], strides = [1, 1]} : vector<2560x16xf32> to vector<64x16xf32>
    %slice3A_47 = vector.extract_strided_slice %get3A_10 {offsets = [2240, 0], sizes = [64, 16], strides = [1, 1]} : vector<2560x16xf32> to vector<64x16xf32>
    %slice3A_48 = vector.extract_strided_slice %get3A_10 {offsets = [2368, 0], sizes = [64, 16], strides = [1, 1]} : vector<2560x16xf32> to vector<64x16xf32>
    %slice3A_49 = vector.extract_strided_slice %get3A_10 {offsets = [2496, 0], sizes = [64, 16], strides = [1, 1]} : vector<2560x16xf32> to vector<64x16xf32>
    %concatenate3A_50 = tpu.concatenate %slice3A_30, %slice3A_31, %slice3A_32, %slice3A_33, %slice3A_34, %slice3A_35, %slice3A_36, %slice3A_37, %slice3A_38, %slice3A_39, %slice3A_40, %slice3A_41, %slice3A_42, %slice3A_43, %slice3A_44, %slice3A_45, %slice3A_46, %slice3A_47, %slice3A_48, %slice3A_49 in 0 : vector<64x16xf32>, vector<64x16xf32>, vector<64x16xf32>, vector<64x16xf32>, vector<64x16xf32>, vector<64x16xf32>, vector<64x16xf32>, vector<64x16xf32>, vector<64x16xf32>, vector<64x16xf32>, vector<64x16xf32>, vector<64x16xf32>, vector<64x16xf32>, vector<64x16xf32>, vector<64x16xf32>, vector<64x16xf32>, vector<64x16xf32>, vector<64x16xf32>, vector<64x16xf32>, vector<64x16xf32> -> vector<1280x16xf32>
    %get3A_51 = arith.constant 0 : index
    %get3A_52 = arith.constant 0 : index
    %get3A_53 = vector.load %arg3[%get3A_51, %get3A_52] : memref<16x128xf32, #tpu.memory_space<vmem>>, vector<16x128xf32>
    %dot_general3A = arith.constant dense<0.000000e+00> : vector<1280x128xf32>
    %dot_general3A_54 = tpu.matmul %concatenate3A, %get3A_53, %dot_general3A {dimension_numbers = #tpu.dot_dimension_numbers<[1], [0], [0], [1], [0, 0, 1, 1], [], []>, transpose_lhs_hint = false} : vector<1280x16xf32>, vector<16x128xf32>, vector<1280x128xf32> -> vector<1280x128xf32>
    %add3A = arith.addf %bitcast_convert_type3A_4, %dot_general3A_54 : vector<1280x128xf32>
    %get3A_55 = arith.constant 0 : index
    %get3A_56 = arith.constant 0 : index
    %get3A_57 = vector.load %arg3[%get3A_55, %get3A_56] : memref<16x128xf32, #tpu.memory_space<vmem>>, vector<16x128xf32>
    %dot_general3A_58 = arith.constant dense<0.000000e+00> : vector<1280x128xf32>
    %dot_general3A_59 = tpu.matmul %concatenate3A_50, %get3A_57, %dot_general3A_58 {dimension_numbers = #tpu.dot_dimension_numbers<[1], [0], [0], [1], [0, 0, 1, 1], [], []>, transpose_lhs_hint = false} : vector<1280x16xf32>, vector<16x128xf32>, vector<1280x128xf32> -> vector<1280x128xf32>
    %add3A_60 = arith.addf %bitcast_convert_type3A_7, %dot_general3A_59 : vector<1280x128xf32>
    %logistic3A = arith.negf %add3A : vector<1280x128xf32>
    %logistic3A_61 = math.exp %logistic3A : vector<1280x128xf32>
    %logistic3A_62 = arith.constant 1.000000e+00 : f32
    %logistic3A_63 = vector.broadcast %logistic3A_62 : f32 to vector<1280x128xf32>
    %logistic3A_64 = arith.addf %logistic3A_63, %logistic3A_61 : vector<1280x128xf32>
    %logistic3A_65 = arith.divf %logistic3A_63, %logistic3A_64 : vector<1280x128xf32>
    %mul3A = arith.mulf %add3A, %logistic3A_65 : vector<1280x128xf32>
    %logistic3A_66 = arith.negf %add3A_60 : vector<1280x128xf32>
    %logistic3A_67 = math.exp %logistic3A_66 : vector<1280x128xf32>
    %logistic3A_68 = arith.constant 1.000000e+00 : f32
    %logistic3A_69 = vector.broadcast %logistic3A_68 : f32 to vector<1280x128xf32>
    %logistic3A_70 = arith.addf %logistic3A_69, %logistic3A_67 : vector<1280x128xf32>
    %logistic3A_71 = arith.divf %logistic3A_69, %logistic3A_70 : vector<1280x128xf32>
    %mul3A_72 = arith.mulf %add3A_60, %logistic3A_71 : vector<1280x128xf32>
    %get3A_73 = arith.constant 0 : index
    %get3A_74 = arith.constant 0 : index
    %get3A_75 = vector.load %arg4[%get3A_73, %get3A_74] : memref<128x128xf32, #tpu.memory_space<vmem>>, vector<128x128xf32>
    %dot_general3A_76 = arith.constant dense<0.000000e+00> : vector<1280x128xf32>
    %dot_general3A_77 = tpu.matmul %mul3A, %get3A_75, %dot_general3A_76 {dimension_numbers = #tpu.dot_dimension_numbers<[1], [0], [0], [1], [0, 0, 1, 1], [], []>, transpose_lhs_hint = false} : vector<1280x128xf32>, vector<128x128xf32>, vector<1280x128xf32> -> vector<1280x128xf32>
    %get3A_78 = arith.constant 0 : index
    %get3A_79 = arith.constant 0 : index
    %get3A_80 = vector.load %arg5[%get3A_78, %get3A_79] : memref<1x128xf32, #tpu.memory_space<vmem>>, vector<1x128xf32>
    %add3A_81 = vector.broadcast %get3A_80 : vector<1x128xf32> to vector<1280x128xf32>
    %add3A_82 = arith.addf %dot_general3A_77, %add3A_81 : vector<1280x128xf32>
    %get3A_83 = arith.constant 0 : index
    %get3A_84 = arith.constant 0 : index
    %get3A_85 = vector.load %arg4[%get3A_83, %get3A_84] : memref<128x128xf32, #tpu.memory_space<vmem>>, vector<128x128xf32>
    %dot_general3A_86 = arith.constant dense<0.000000e+00> : vector<1280x128xf32>
    %dot_general3A_87 = tpu.matmul %mul3A_72, %get3A_85, %dot_general3A_86 {dimension_numbers = #tpu.dot_dimension_numbers<[1], [0], [0], [1], [0, 0, 1, 1], [], []>, transpose_lhs_hint = false} : vector<1280x128xf32>, vector<128x128xf32>, vector<1280x128xf32> -> vector<1280x128xf32>
    %get3A_88 = arith.constant 0 : index
    %get3A_89 = arith.constant 0 : index
    %get3A_90 = vector.load %arg5[%get3A_88, %get3A_89] : memref<1x128xf32, #tpu.memory_space<vmem>>, vector<1x128xf32>
    %add3A_91 = vector.broadcast %get3A_90 : vector<1x128xf32> to vector<1280x128xf32>
    %add3A_92 = arith.addf %dot_general3A_87, %add3A_91 : vector<1280x128xf32>
    %slice3A_93 = vector.extract_strided_slice %add3A_82 {offsets = [0, 0], sizes = [64, 128], strides = [1, 1]} : vector<1280x128xf32> to vector<64x128xf32>
    %swap3A = arith.constant 0 : index
    %swap3A_94 = arith.constant 0 : index
    %swap3A_95 = vector.load %arg6[%swap3A, %swap3A_94] : memref<2560x128xf32, #tpu.memory_space<vmem>>, vector<64x128xf32>
    tpu.vector_store %arg6[%swap3A, %swap3A_94], %slice3A_93 {strides = array<i32>} : memref<2560x128xf32, #tpu.memory_space<vmem>>, vector<64x128xf32>,
    %slice3A_96 = vector.extract_strided_slice %add3A_92 {offsets = [0, 0], sizes = [64, 128], strides = [1, 1]} : vector<1280x128xf32> to vector<64x128xf32>
    %swap3A_97 = arith.constant 64 : index
    %swap3A_98 = arith.constant 0 : index
    %swap3A_99 = vector.load %arg6[%swap3A_97, %swap3A_98] : memref<2560x128xf32, #tpu.memory_space<vmem>>, vector<64x128xf32>
    tpu.vector_store %arg6[%swap3A_97, %swap3A_98], %slice3A_96 {strides = array<i32>} : memref<2560x128xf32, #tpu.memory_space<vmem>>, vector<64x128xf32>,
    %slice3A_100 = vector.extract_strided_slice %add3A_82 {offsets = [64, 0], sizes = [64, 128], strides = [1, 1]} : vector<1280x128xf32> to vector<64x128xf32>
    %swap3A_101 = arith.constant 128 : index
    %swap3A_102 = arith.constant 0 : index
    %swap3A_103 = vector.load %arg6[%swap3A_101, %swap3A_102] : memref<2560x128xf32, #tpu.memory_space<vmem>>, vector<64x128xf32>
    tpu.vector_store %arg6[%swap3A_101, %swap3A_102], %slice3A_100 {strides = array<i32>} : memref<2560x128xf32, #tpu.memory_space<vmem>>, vector<64x128xf32>,
    %slice3A_104 = vector.extract_strided_slice %add3A_92 {offsets = [64, 0], sizes = [64, 128], strides = [1, 1]} : vector<1280x128xf32> to vector<64x128xf32>
    %swap3A_105 = arith.constant 192 : index
    %swap3A_106 = arith.constant 0 : index
    %swap3A_107 = vector.load %arg6[%swap3A_105, %swap3A_106] : memref<2560x128xf32, #tpu.memory_space<vmem>>, vector<64x128xf32>
    tpu.vector_store %arg6[%swap3A_105, %swap3A_106], %slice3A_104 {strides = array<i32>} : memref<2560x128xf32, #tpu.memory_space<vmem>>, vector<64x128xf32>,
    %slice3A_108 = vector.extract_strided_slice %add3A_82 {offsets = [128, 0], sizes = [64, 128], strides = [1, 1]} : vector<1280x128xf32> to vector<64x128xf32>
    %swap3A_109 = arith.constant 256 : index
    %swap3A_110 = arith.constant 0 : index
    %swap3A_111 = vector.load %arg6[%swap3A_109, %swap3A_110] : memref<2560x128xf32, #tpu.memory_space<vmem>>, vector<64x128xf32>
    tpu.vector_store %arg6[%swap3A_109, %swap3A_110], %slice3A_108 {strides = array<i32>} : memref<2560x128xf32, #tpu.memory_space<vmem>>, vector<64x128xf32>,
    %slice3A_112 = vector.extract_strided_slice %add3A_92 {offsets = [128, 0], sizes = [64, 128], strides = [1, 1]} : vector<1280x128xf32> to vector<64x128xf32>
    %swap3A_113 = arith.constant 320 : index
    %swap3A_114 = arith.constant 0 : index
    %swap3A_115 = vector.load %arg6[%swap3A_113, %swap3A_114] : memref<2560x128xf32, #tpu.memory_space<vmem>>, vector<64x128xf32>
    tpu.vector_store %arg6[%swap3A_113, %swap3A_114], %slice3A_112 {strides = array<i32>} : memref<2560x128xf32, #tpu.memory_space<vmem>>, vector<64x128xf32>,
    %slice3A_116 = vector.extract_strided_slice %add3A_82 {offsets = [192, 0], sizes = [64, 128], strides = [1, 1]} : vector<1280x128xf32> to vector<64x128xf32>
    %swap3A_117 = arith.constant 384 : index
    %swap3A_118 = arith.constant 0 : index
    %swap3A_119 = vector.load %arg6[%swap3A_117, %swap3A_118] : memref<2560x128xf32, #tpu.memory_space<vmem>>, vector<64x128xf32>
    tpu.vector_store %arg6[%swap3A_117, %swap3A_118], %slice3A_116 {strides = array<i32>} : memref<2560x128xf32, #tpu.memory_space<vmem>>, vector<64x128xf32>,
    %slice3A_120 = vector.extract_strided_slice %add3A_92 {offsets = [192, 0], sizes = [64, 128], strides = [1, 1]} : vector<1280x128xf32> to vector<64x128xf32>
    %swap3A_121 = arith.constant 448 : index
    %swap3A_122 = arith.constant 0 : index
    %swap3A_123 = vector.load %arg6[%swap3A_121, %swap3A_122] : memref<2560x128xf32, #tpu.memory_space<vmem>>, vector<64x128xf32>
    tpu.vector_store %arg6[%swap3A_121, %swap3A_122], %slice3A_120 {strides = array<i32>} : memref<2560x128xf32, #tpu.memory_space<vmem>>, vector<64x128xf32>,
    %slice3A_124 = vector.extract_strided_slice %add3A_82 {offsets = [256, 0], sizes = [64, 128], strides = [1, 1]} : vector<1280x128xf32> to vector<64x128xf32>
    %swap3A_125 = arith.constant 512 : index
    %swap3A_126 = arith.constant 0 : index
    %swap3A_127 = vector.load %arg6[%swap3A_125, %swap3A_126] : memref<2560x128xf32, #tpu.memory_space<vmem>>, vector<64x128xf32>
    tpu.vector_store %arg6[%swap3A_125, %swap3A_126], %slice3A_124 {strides = array<i32>} : memref<2560x128xf32, #tpu.memory_space<vmem>>, vector<64x128xf32>,
    %slice3A_128 = vector.extract_strided_slice %add3A_92 {offsets = [256, 0], sizes = [64, 128], strides = [1, 1]} : vector<1280x128xf32> to vector<64x128xf32>
    %swap3A_129 = arith.constant 576 : index
    %swap3A_130 = arith.constant 0 : index
    %swap3A_131 = vector.load %arg6[%swap3A_129, %swap3A_130] : memref<2560x128xf32, #tpu.memory_space<vmem>>, vector<64x128xf32>
    tpu.vector_store %arg6[%swap3A_129, %swap3A_130], %slice3A_128 {strides = array<i32>} : memref<2560x128xf32, #tpu.memory_space<vmem>>, vector<64x128xf32>,
    %slice3A_132 = vector.extract_strided_slice %add3A_82 {offsets = [320, 0], sizes = [64, 128], strides = [1, 1]} : vector<1280x128xf32> to vector<64x128xf32>
    %swap3A_133 = arith.constant 640 : index
    %swap3A_134 = arith.constant 0 : index
    %swap3A_135 = vector.load %arg6[%swap3A_133, %swap3A_134] : memref<2560x128xf32, #tpu.memory_space<vmem>>, vector<64x128xf32>
    tpu.vector_store %arg6[%swap3A_133, %swap3A_134], %slice3A_132 {strides = array<i32>} : memref<2560x128xf32, #tpu.memory_space<vmem>>, vector<64x128xf32>,
    %slice3A_136 = vector.extract_strided_slice %add3A_92 {offsets = [320, 0], sizes = [64, 128], strides = [1, 1]} : vector<1280x128xf32> to vector<64x128xf32>
    %swap3A_137 = arith.constant 704 : index
    %swap3A_138 = arith.constant 0 : index
    %swap3A_139 = vector.load %arg6[%swap3A_137, %swap3A_138] : memref<2560x128xf32, #tpu.memory_space<vmem>>, vector<64x128xf32>
    tpu.vector_store %arg6[%swap3A_137, %swap3A_138], %slice3A_136 {strides = array<i32>} : memref<2560x128xf32, #tpu.memory_space<vmem>>, vector<64x128xf32>,
    %slice3A_140 = vector.extract_strided_slice %add3A_82 {offsets = [384, 0], sizes = [64, 128], strides = [1, 1]} : vector<1280x128xf32> to vector<64x128xf32>
    %swap3A_141 = arith.constant 768 : index
    %swap3A_142 = arith.constant 0 : index
    %swap3A_143 = vector.load %arg6[%swap3A_141, %swap3A_142] : memref<2560x128xf32, #tpu.memory_space<vmem>>, vector<64x128xf32>
    tpu.vector_store %arg6[%swap3A_141, %swap3A_142], %slice3A_140 {strides = array<i32>} : memref<2560x128xf32, #tpu.memory_space<vmem>>, vector<64x128xf32>,
    %slice3A_144 = vector.extract_strided_slice %add3A_92 {offsets = [384, 0], sizes = [64, 128], strides = [1, 1]} : vector<1280x128xf32> to vector<64x128xf32>
    %swap3A_145 = arith.constant 832 : index
    %swap3A_146 = arith.constant 0 : index
    %swap3A_147 = vector.load %arg6[%swap3A_145, %swap3A_146] : memref<2560x128xf32, #tpu.memory_space<vmem>>, vector<64x128xf32>
    tpu.vector_store %arg6[%swap3A_145, %swap3A_146], %slice3A_144 {strides = array<i32>} : memref<2560x128xf32, #tpu.memory_space<vmem>>, vector<64x128xf32>,
    %slice3A_148 = vector.extract_strided_slice %add3A_82 {offsets = [448, 0], sizes = [64, 128], strides = [1, 1]} : vector<1280x128xf32> to vector<64x128xf32>
    %swap3A_149 = arith.constant 896 : index
    %swap3A_150 = arith.constant 0 : index
    %swap3A_151 = vector.load %arg6[%swap3A_149, %swap3A_150] : memref<2560x128xf32, #tpu.memory_space<vmem>>, vector<64x128xf32>
    tpu.vector_store %arg6[%swap3A_149, %swap3A_150], %slice3A_148 {strides = array<i32>} : memref<2560x128xf32, #tpu.memory_space<vmem>>, vector<64x128xf32>,
    %slice3A_152 = vector.extract_strided_slice %add3A_92 {offsets = [448, 0], sizes = [64, 128], strides = [1, 1]} : vector<1280x128xf32> to vector<64x128xf32>
    %swap3A_153 = arith.constant 960 : index
    %swap3A_154 = arith.constant 0 : index
    %swap3A_155 = vector.load %arg6[%swap3A_153, %swap3A_154] : memref<2560x128xf32, #tpu.memory_space<vmem>>, vector<64x128xf32>
    tpu.vector_store %arg6[%swap3A_153, %swap3A_154], %slice3A_152 {strides = array<i32>} : memref<2560x128xf32, #tpu.memory_space<vmem>>, vector<64x128xf32>,
    %slice3A_156 = vector.extract_strided_slice %add3A_82 {offsets = [512, 0], sizes = [64, 128], strides = [1, 1]} : vector<1280x128xf32> to vector<64x128xf32>
    %swap3A_157 = arith.constant 1024 : index
    %swap3A_158 = arith.constant 0 : index
    %swap3A_159 = vector.load %arg6[%swap3A_157, %swap3A_158] : memref<2560x128xf32, #tpu.memory_space<vmem>>, vector<64x128xf32>
    tpu.vector_store %arg6[%swap3A_157, %swap3A_158], %slice3A_156 {strides = array<i32>} : memref<2560x128xf32, #tpu.memory_space<vmem>>, vector<64x128xf32>,
    %slice3A_160 = vector.extract_strided_slice %add3A_92 {offsets = [512, 0], sizes = [64, 128], strides = [1, 1]} : vector<1280x128xf32> to vector<64x128xf32>
    %swap3A_161 = arith.constant 1088 : index
    %swap3A_162 = arith.constant 0 : index
    %swap3A_163 = vector.load %arg6[%swap3A_161, %swap3A_162] : memref<2560x128xf32, #tpu.memory_space<vmem>>, vector<64x128xf32>
    tpu.vector_store %arg6[%swap3A_161, %swap3A_162], %slice3A_160 {strides = array<i32>} : memref<2560x128xf32, #tpu.memory_space<vmem>>, vector<64x128xf32>,
    %slice3A_164 = vector.extract_strided_slice %add3A_82 {offsets = [576, 0], sizes = [64, 128], strides = [1, 1]} : vector<1280x128xf32> to vector<64x128xf32>
    %swap3A_165 = arith.constant 1152 : index
    %swap3A_166 = arith.constant 0 : index
    %swap3A_167 = vector.load %arg6[%swap3A_165, %swap3A_166] : memref<2560x128xf32, #tpu.memory_space<vmem>>, vector<64x128xf32>
    tpu.vector_store %arg6[%swap3A_165, %swap3A_166], %slice3A_164 {strides = array<i32>} : memref<2560x128xf32, #tpu.memory_space<vmem>>, vector<64x128xf32>,
    %slice3A_168 = vector.extract_strided_slice %add3A_92 {offsets = [576, 0], sizes = [64, 128], strides = [1, 1]} : vector<1280x128xf32> to vector<64x128xf32>
    %swap3A_169 = arith.constant 1216 : index
    %swap3A_170 = arith.constant 0 : index
    %swap3A_171 = vector.load %arg6[%swap3A_169, %swap3A_170] : memref<2560x128xf32, #tpu.memory_space<vmem>>, vector<64x128xf32>
    tpu.vector_store %arg6[%swap3A_169, %swap3A_170], %slice3A_168 {strides = array<i32>} : memref<2560x128xf32, #tpu.memory_space<vmem>>, vector<64x128xf32>,
    %slice3A_172 = vector.extract_strided_slice %add3A_82 {offsets = [640, 0], sizes = [64, 128], strides = [1, 1]} : vector<1280x128xf32> to vector<64x128xf32>
    %swap3A_173 = arith.constant 1280 : index
    %swap3A_174 = arith.constant 0 : index
    %swap3A_175 = vector.load %arg6[%swap3A_173, %swap3A_174] : memref<2560x128xf32, #tpu.memory_space<vmem>>, vector<64x128xf32>
    tpu.vector_store %arg6[%swap3A_173, %swap3A_174], %slice3A_172 {strides = array<i32>} : memref<2560x128xf32, #tpu.memory_space<vmem>>, vector<64x128xf32>,
    %slice3A_176 = vector.extract_strided_slice %add3A_92 {offsets = [640, 0], sizes = [64, 128], strides = [1, 1]} : vector<1280x128xf32> to vector<64x128xf32>
    %swap3A_177 = arith.constant 1344 : index
    %swap3A_178 = arith.constant 0 : index
    %swap3A_179 = vector.load %arg6[%swap3A_177, %swap3A_178] : memref<2560x128xf32, #tpu.memory_space<vmem>>, vector<64x128xf32>
    tpu.vector_store %arg6[%swap3A_177, %swap3A_178], %slice3A_176 {strides = array<i32>} : memref<2560x128xf32, #tpu.memory_space<vmem>>, vector<64x128xf32>,
    %slice3A_180 = vector.extract_strided_slice %add3A_82 {offsets = [704, 0], sizes = [64, 128], strides = [1, 1]} : vector<1280x128xf32> to vector<64x128xf32>
    %swap3A_181 = arith.constant 1408 : index
    %swap3A_182 = arith.constant 0 : index
    %swap3A_183 = vector.load %arg6[%swap3A_181, %swap3A_182] : memref<2560x128xf32, #tpu.memory_space<vmem>>, vector<64x128xf32>
    tpu.vector_store %arg6[%swap3A_181, %swap3A_182], %slice3A_180 {strides = array<i32>} : memref<2560x128xf32, #tpu.memory_space<vmem>>, vector<64x128xf32>,
    %slice3A_184 = vector.extract_strided_slice %add3A_92 {offsets = [704, 0], sizes = [64, 128], strides = [1, 1]} : vector<1280x128xf32> to vector<64x128xf32>
    %swap3A_185 = arith.constant 1472 : index
    %swap3A_186 = arith.constant 0 : index
    %swap3A_187 = vector.load %arg6[%swap3A_185, %swap3A_186] : memref<2560x128xf32, #tpu.memory_space<vmem>>, vector<64x128xf32>
    tpu.vector_store %arg6[%swap3A_185, %swap3A_186], %slice3A_184 {strides = array<i32>} : memref<2560x128xf32, #tpu.memory_space<vmem>>, vector<64x128xf32>,
    %slice3A_188 = vector.extract_strided_slice %add3A_82 {offsets = [768, 0], sizes = [64, 128], strides = [1, 1]} : vector<1280x128xf32> to vector<64x128xf32>
    %swap3A_189 = arith.constant 1536 : index
    %swap3A_190 = arith.constant 0 : index
    %swap3A_191 = vector.load %arg6[%swap3A_189, %swap3A_190] : memref<2560x128xf32, #tpu.memory_space<vmem>>, vector<64x128xf32>
    tpu.vector_store %arg6[%swap3A_189, %swap3A_190], %slice3A_188 {strides = array<i32>} : memref<2560x128xf32, #tpu.memory_space<vmem>>, vector<64x128xf32>,
    %slice3A_192 = vector.extract_strided_slice %add3A_92 {offsets = [768, 0], sizes = [64, 128], strides = [1, 1]} : vector<1280x128xf32> to vector<64x128xf32>
    %swap3A_193 = arith.constant 1600 : index
    %swap3A_194 = arith.constant 0 : index
    %swap3A_195 = vector.load %arg6[%swap3A_193, %swap3A_194] : memref<2560x128xf32, #tpu.memory_space<vmem>>, vector<64x128xf32>
    tpu.vector_store %arg6[%swap3A_193, %swap3A_194], %slice3A_192 {strides = array<i32>} : memref<2560x128xf32, #tpu.memory_space<vmem>>, vector<64x128xf32>,
    %slice3A_196 = vector.extract_strided_slice %add3A_82 {offsets = [832, 0], sizes = [64, 128], strides = [1, 1]} : vector<1280x128xf32> to vector<64x128xf32>
    %swap3A_197 = arith.constant 1664 : index
    %swap3A_198 = arith.constant 0 : index
    %swap3A_199 = vector.load %arg6[%swap3A_197, %swap3A_198] : memref<2560x128xf32, #tpu.memory_space<vmem>>, vector<64x128xf32>
    tpu.vector_store %arg6[%swap3A_197, %swap3A_198], %slice3A_196 {strides = array<i32>} : memref<2560x128xf32, #tpu.memory_space<vmem>>, vector<64x128xf32>,
    %slice3A_200 = vector.extract_strided_slice %add3A_92 {offsets = [832, 0], sizes = [64, 128], strides = [1, 1]} : vector<1280x128xf32> to vector<64x128xf32>
    %swap3A_201 = arith.constant 1728 : index
    %swap3A_202 = arith.constant 0 : index
    %swap3A_203 = vector.load %arg6[%swap3A_201, %swap3A_202] : memref<2560x128xf32, #tpu.memory_space<vmem>>, vector<64x128xf32>
    tpu.vector_store %arg6[%swap3A_201, %swap3A_202], %slice3A_200 {strides = array<i32>} : memref<2560x128xf32, #tpu.memory_space<vmem>>, vector<64x128xf32>,
    %slice3A_204 = vector.extract_strided_slice %add3A_82 {offsets = [896, 0], sizes = [64, 128], strides = [1, 1]} : vector<1280x128xf32> to vector<64x128xf32>
    %swap3A_205 = arith.constant 1792 : index
    %swap3A_206 = arith.constant 0 : index
    %swap3A_207 = vector.load %arg6[%swap3A_205, %swap3A_206] : memref<2560x128xf32, #tpu.memory_space<vmem>>, vector<64x128xf32>
    tpu.vector_store %arg6[%swap3A_205, %swap3A_206], %slice3A_204 {strides = array<i32>} : memref<2560x128xf32, #tpu.memory_space<vmem>>, vector<64x128xf32>,
    %slice3A_208 = vector.extract_strided_slice %add3A_92 {offsets = [896, 0], sizes = [64, 128], strides = [1, 1]} : vector<1280x128xf32> to vector<64x128xf32>
    %swap3A_209 = arith.constant 1856 : index
    %swap3A_210 = arith.constant 0 : index
    %swap3A_211 = vector.load %arg6[%swap3A_209, %swap3A_210] : memref<2560x128xf32, #tpu.memory_space<vmem>>, vector<64x128xf32>
    tpu.vector_store %arg6[%swap3A_209, %swap3A_210], %slice3A_208 {strides = array<i32>} : memref<2560x128xf32, #tpu.memory_space<vmem>>, vector<64x128xf32>,
    %slice3A_212 = vector.extract_strided_slice %add3A_82 {offsets = [960, 0], sizes = [64, 128], strides = [1, 1]} : vector<1280x128xf32> to vector<64x128xf32>
    %swap3A_213 = arith.constant 1920 : index
    %swap3A_214 = arith.constant 0 : index
    %swap3A_215 = vector.load %arg6[%swap3A_213, %swap3A_214] : memref<2560x128xf32, #tpu.memory_space<vmem>>, vector<64x128xf32>
    tpu.vector_store %arg6[%swap3A_213, %swap3A_214], %slice3A_212 {strides = array<i32>} : memref<2560x128xf32, #tpu.memory_space<vmem>>, vector<64x128xf32>,
    %slice3A_216 = vector.extract_strided_slice %add3A_92 {offsets = [960, 0], sizes = [64, 128], strides = [1, 1]} : vector<1280x128xf32> to vector<64x128xf32>
    %swap3A_217 = arith.constant 1984 : index
    %swap3A_218 = arith.constant 0 : index
    %swap3A_219 = vector.load %arg6[%swap3A_217, %swap3A_218] : memref<2560x128xf32, #tpu.memory_space<vmem>>, vector<64x128xf32>
    tpu.vector_store %arg6[%swap3A_217, %swap3A_218], %slice3A_216 {strides = array<i32>} : memref<2560x128xf32, #tpu.memory_space<vmem>>, vector<64x128xf32>,
    %slice3A_220 = vector.extract_strided_slice %add3A_82 {offsets = [1024, 0], sizes = [64, 128], strides = [1, 1]} : vector<1280x128xf32> to vector<64x128xf32>
    %swap3A_221 = arith.constant 2048 : index
    %swap3A_222 = arith.constant 0 : index
    %swap3A_223 = vector.load %arg6[%swap3A_221, %swap3A_222] : memref<2560x128xf32, #tpu.memory_space<vmem>>, vector<64x128xf32>
    tpu.vector_store %arg6[%swap3A_221, %swap3A_222], %slice3A_220 {strides = array<i32>} : memref<2560x128xf32, #tpu.memory_space<vmem>>, vector<64x128xf32>,
    %slice3A_224 = vector.extract_strided_slice %add3A_92 {offsets = [1024, 0], sizes = [64, 128], strides = [1, 1]} : vector<1280x128xf32> to vector<64x128xf32>
    %swap3A_225 = arith.constant 2112 : index
    %swap3A_226 = arith.constant 0 : index
    %swap3A_227 = vector.load %arg6[%swap3A_225, %swap3A_226] : memref<2560x128xf32, #tpu.memory_space<vmem>>, vector<64x128xf32>
    tpu.vector_store %arg6[%swap3A_225, %swap3A_226], %slice3A_224 {strides = array<i32>} : memref<2560x128xf32, #tpu.memory_space<vmem>>, vector<64x128xf32>,
    %slice3A_228 = vector.extract_strided_slice %add3A_82 {offsets = [1088, 0], sizes = [64, 128], strides = [1, 1]} : vector<1280x128xf32> to vector<64x128xf32>
    %swap3A_229 = arith.constant 2176 : index
    %swap3A_230 = arith.constant 0 : index
    %swap3A_231 = vector.load %arg6[%swap3A_229, %swap3A_230] : memref<2560x128xf32, #tpu.memory_space<vmem>>, vector<64x128xf32>
    tpu.vector_store %arg6[%swap3A_229, %swap3A_230], %slice3A_228 {strides = array<i32>} : memref<2560x128xf32, #tpu.memory_space<vmem>>, vector<64x128xf32>,
    %slice3A_232 = vector.extract_strided_slice %add3A_92 {offsets = [1088, 0], sizes = [64, 128], strides = [1, 1]} : vector<1280x128xf32> to vector<64x128xf32>
    %swap3A_233 = arith.constant 2240 : index
    %swap3A_234 = arith.constant 0 : index
    %swap3A_235 = vector.load %arg6[%swap3A_233, %swap3A_234] : memref<2560x128xf32, #tpu.memory_space<vmem>>, vector<64x128xf32>
    tpu.vector_store %arg6[%swap3A_233, %swap3A_234], %slice3A_232 {strides = array<i32>} : memref<2560x128xf32, #tpu.memory_space<vmem>>, vector<64x128xf32>,
    %slice3A_236 = vector.extract_strided_slice %add3A_82 {offsets = [1152, 0], sizes = [64, 128], strides = [1, 1]} : vector<1280x128xf32> to vector<64x128xf32>
    %swap3A_237 = arith.constant 2304 : index
    %swap3A_238 = arith.constant 0 : index
    %swap3A_239 = vector.load %arg6[%swap3A_237, %swap3A_238] : memref<2560x128xf32, #tpu.memory_space<vmem>>, vector<64x128xf32>
    tpu.vector_store %arg6[%swap3A_237, %swap3A_238], %slice3A_236 {strides = array<i32>} : memref<2560x128xf32, #tpu.memory_space<vmem>>, vector<64x128xf32>,
    %slice3A_240 = vector.extract_strided_slice %add3A_92 {offsets = [1152, 0], sizes = [64, 128], strides = [1, 1]} : vector<1280x128xf32> to vector<64x128xf32>
    %swap3A_241 = arith.constant 2368 : index
    %swap3A_242 = arith.constant 0 : index
    %swap3A_243 = vector.load %arg6[%swap3A_241, %swap3A_242] : memref<2560x128xf32, #tpu.memory_space<vmem>>, vector<64x128xf32>
    tpu.vector_store %arg6[%swap3A_241, %swap3A_242], %slice3A_240 {strides = array<i32>} : memref<2560x128xf32, #tpu.memory_space<vmem>>, vector<64x128xf32>,
    %slice3A_244 = vector.extract_strided_slice %add3A_82 {offsets = [1216, 0], sizes = [64, 128], strides = [1, 1]} : vector<1280x128xf32> to vector<64x128xf32>
    %swap3A_245 = arith.constant 2432 : index
    %swap3A_246 = arith.constant 0 : index
    %swap3A_247 = vector.load %arg6[%swap3A_245, %swap3A_246] : memref<2560x128xf32, #tpu.memory_space<vmem>>, vector<64x128xf32>
    tpu.vector_store %arg6[%swap3A_245, %swap3A_246], %slice3A_244 {strides = array<i32>} : memref<2560x128xf32, #tpu.memory_space<vmem>>, vector<64x128xf32>,
    %slice3A_248 = vector.extract_strided_slice %add3A_92 {offsets = [1216, 0], sizes = [64, 128], strides = [1, 1]} : vector<1280x128xf32> to vector<64x128xf32>
    %swap3A_249 = arith.constant 2496 : index
    %swap3A_250 = arith.constant 0 : index
    %swap3A_251 = vector.load %arg6[%swap3A_249, %swap3A_250] : memref<2560x128xf32, #tpu.memory_space<vmem>>, vector<64x128xf32>
    tpu.vector_store %arg6[%swap3A_249, %swap3A_250], %slice3A_248 {strides = array<i32>} : memref<2560x128xf32, #tpu.memory_space<vmem>>, vector<64x128xf32>,
    return
  }
  func.func @transform_0(%arg0: i32) -> (i32, i32) {
    %c0_i32 = arith.constant 0 : i32
    %c0_i32_0 = arith.constant 0 : i32
    return %arg0, %c0_i32 : i32, i32
  }
  func.func @transform_1(%arg0: i32) -> (i32, i32) {
    %add3A = arith.constant 0 : i32
    %add3A_0 = arith.addi %arg0, %add3A : i32
    %c0_i32 = arith.constant 0 : i32
    %c0_i32_1 = arith.constant 0 : i32
    return %add3A_0, %c0_i32 : i32, i32
  }
  func.func @transform_2(%arg0: i32) -> (i32, i32) {
    %c0_i32 = arith.constant 0 : i32
    %c0_i32_0 = arith.constant 0 : i32
    %c0_i32_1 = arith.constant 0 : i32
    return %c0_i32, %c0_i32_0 : i32, i32
  }
  func.func @transform_3(%arg0: i32) -> (i32, i32) {
    %c0_i32 = arith.constant 0 : i32
    %c0_i32_0 = arith.constant 0 : i32
    %c0_i32_1 = arith.constant 0 : i32
    return %c0_i32, %c0_i32_0 : i32, i32
  }
  func.func @transform_4(%arg0: i32) -> (i32, i32) {
    %c0_i32 = arith.constant 0 : i32
    %c0_i32_0 = arith.constant 0 : i32
    %c0_i32_1 = arith.constant 0 : i32
    return %c0_i32, %c0_i32_0 : i32, i32
  }
  func.func @transform_5(%arg0: i32) -> (i32, i32) {
    %add3A = arith.constant 0 : i32
    %add3A_0 = arith.addi %arg0, %add3A : i32
    %c0_i32 = arith.constant 0 : i32
    %c0_i32_1 = arith.constant 0 : i32
    return %add3A_0, %c0_i32 : i32, i32
  }
}

module attributes {stable_mosaic.version = 14 : i64} {
  func.func @_edge_body_p1(%arg0: i32, %arg1: memref<1280x128xf32, #tpu.memory_space<vmem>>, %arg2: memref<2560x16xf32, #tpu.memory_space<vmem>>, %arg3: memref<16x128xf32, #tpu.memory_space<vmem>>, %arg4: memref<128x128xf32, #tpu.memory_space<vmem>>, %arg5: memref<1x128xf32, #tpu.memory_space<vmem>>, %arg6: memref<320000x128xf32, #tpu.memory_space<hbm>>, %arg7: memref<2560x128xf32, #tpu.memory_space<vmem>>) attributes {dimension_semantics = [#tpu.dimension_semantics<arbitrary>], iteration_bounds = array<i64: 62>, scalar_prefetch = 0 : i64, scratch_operands = 0 : i64, tpu.core_type = #tpu.core_type<tc>, window_params = [{transform_indices = @transform_0, window_bounds = array<i64: 1280, 128>}, {transform_indices = @transform_1, window_bounds = array<i64: 2560, 16>}, {pipeline_mode = #tpu.pipeline_mode<synchronous>, transform_indices = @transform_2, window_bounds = array<i64: 16, 128>}, {pipeline_mode = #tpu.pipeline_mode<synchronous>, transform_indices = @transform_3, window_bounds = array<i64: 128, 128>}, {pipeline_mode = #tpu.pipeline_mode<synchronous>, transform_indices = @transform_4, window_bounds = array<i64: 1, 128>}, {}, {transform_indices = @transform_6, window_bounds = array<i64: 2560, 128>}]} {
    %get3A = arith.constant 0 : index
    %get3A_0 = arith.constant 0 : index
    %get3A_1 = vector.load %arg1[%get3A, %get3A_0] : memref<1280x128xf32, #tpu.memory_space<vmem>>, vector<1280x128xf32>
    %bitcast_convert_type3A = tpu.bitcast %get3A_1 : vector<1280x128xf32> -> vector<1280x128xi32>
    %shift_left3A = arith.constant 16 : i32
    %shift_left3A_2 = vector.broadcast %shift_left3A : i32 to vector<1280x128xi32>
    %shift_left3A_3 = arith.shli %bitcast_convert_type3A, %shift_left3A_2 : vector<1280x128xi32>
    %bitcast_convert_type3A_4 = tpu.bitcast %shift_left3A_3 : vector<1280x128xi32> -> vector<1280x128xf32>
    %and3A = arith.constant -65536 : i32
    %and3A_5 = vector.broadcast %and3A : i32 to vector<1280x128xi32>
    %and3A_6 = arith.andi %bitcast_convert_type3A, %and3A_5 : vector<1280x128xi32>
    %bitcast_convert_type3A_7 = tpu.bitcast %and3A_6 : vector<1280x128xi32> -> vector<1280x128xf32>
    %get3A_8 = arith.constant 0 : index
    %get3A_9 = arith.constant 0 : index
    %get3A_10 = vector.load %arg2[%get3A_8, %get3A_9] : memref<2560x16xf32, #tpu.memory_space<vmem>>, vector<2560x16xf32>
    %slice3A = vector.extract_strided_slice %get3A_10 {offsets = [0, 0], sizes = [64, 16], strides = [1, 1]} : vector<2560x16xf32> to vector<64x16xf32>
    %slice3A_11 = vector.extract_strided_slice %get3A_10 {offsets = [128, 0], sizes = [64, 16], strides = [1, 1]} : vector<2560x16xf32> to vector<64x16xf32>
    %slice3A_12 = vector.extract_strided_slice %get3A_10 {offsets = [256, 0], sizes = [64, 16], strides = [1, 1]} : vector<2560x16xf32> to vector<64x16xf32>
    %slice3A_13 = vector.extract_strided_slice %get3A_10 {offsets = [384, 0], sizes = [64, 16], strides = [1, 1]} : vector<2560x16xf32> to vector<64x16xf32>
    %slice3A_14 = vector.extract_strided_slice %get3A_10 {offsets = [512, 0], sizes = [64, 16], strides = [1, 1]} : vector<2560x16xf32> to vector<64x16xf32>
    %slice3A_15 = vector.extract_strided_slice %get3A_10 {offsets = [640, 0], sizes = [64, 16], strides = [1, 1]} : vector<2560x16xf32> to vector<64x16xf32>
    %slice3A_16 = vector.extract_strided_slice %get3A_10 {offsets = [768, 0], sizes = [64, 16], strides = [1, 1]} : vector<2560x16xf32> to vector<64x16xf32>
    %slice3A_17 = vector.extract_strided_slice %get3A_10 {offsets = [896, 0], sizes = [64, 16], strides = [1, 1]} : vector<2560x16xf32> to vector<64x16xf32>
    %slice3A_18 = vector.extract_strided_slice %get3A_10 {offsets = [1024, 0], sizes = [64, 16], strides = [1, 1]} : vector<2560x16xf32> to vector<64x16xf32>
    %slice3A_19 = vector.extract_strided_slice %get3A_10 {offsets = [1152, 0], sizes = [64, 16], strides = [1, 1]} : vector<2560x16xf32> to vector<64x16xf32>
    %slice3A_20 = vector.extract_strided_slice %get3A_10 {offsets = [1280, 0], sizes = [64, 16], strides = [1, 1]} : vector<2560x16xf32> to vector<64x16xf32>
    %slice3A_21 = vector.extract_strided_slice %get3A_10 {offsets = [1408, 0], sizes = [64, 16], strides = [1, 1]} : vector<2560x16xf32> to vector<64x16xf32>
    %slice3A_22 = vector.extract_strided_slice %get3A_10 {offsets = [1536, 0], sizes = [64, 16], strides = [1, 1]} : vector<2560x16xf32> to vector<64x16xf32>
    %slice3A_23 = vector.extract_strided_slice %get3A_10 {offsets = [1664, 0], sizes = [64, 16], strides = [1, 1]} : vector<2560x16xf32> to vector<64x16xf32>
    %slice3A_24 = vector.extract_strided_slice %get3A_10 {offsets = [1792, 0], sizes = [64, 16], strides = [1, 1]} : vector<2560x16xf32> to vector<64x16xf32>
    %slice3A_25 = vector.extract_strided_slice %get3A_10 {offsets = [1920, 0], sizes = [64, 16], strides = [1, 1]} : vector<2560x16xf32> to vector<64x16xf32>
    %slice3A_26 = vector.extract_strided_slice %get3A_10 {offsets = [2048, 0], sizes = [64, 16], strides = [1, 1]} : vector<2560x16xf32> to vector<64x16xf32>
    %slice3A_27 = vector.extract_strided_slice %get3A_10 {offsets = [2176, 0], sizes = [64, 16], strides = [1, 1]} : vector<2560x16xf32> to vector<64x16xf32>
    %slice3A_28 = vector.extract_strided_slice %get3A_10 {offsets = [2304, 0], sizes = [64, 16], strides = [1, 1]} : vector<2560x16xf32> to vector<64x16xf32>
    %slice3A_29 = vector.extract_strided_slice %get3A_10 {offsets = [2432, 0], sizes = [64, 16], strides = [1, 1]} : vector<2560x16xf32> to vector<64x16xf32>
    %concatenate3A = tpu.concatenate %slice3A, %slice3A_11, %slice3A_12, %slice3A_13, %slice3A_14, %slice3A_15, %slice3A_16, %slice3A_17, %slice3A_18, %slice3A_19, %slice3A_20, %slice3A_21, %slice3A_22, %slice3A_23, %slice3A_24, %slice3A_25, %slice3A_26, %slice3A_27, %slice3A_28, %slice3A_29 in 0 : vector<64x16xf32>, vector<64x16xf32>, vector<64x16xf32>, vector<64x16xf32>, vector<64x16xf32>, vector<64x16xf32>, vector<64x16xf32>, vector<64x16xf32>, vector<64x16xf32>, vector<64x16xf32>, vector<64x16xf32>, vector<64x16xf32>, vector<64x16xf32>, vector<64x16xf32>, vector<64x16xf32>, vector<64x16xf32>, vector<64x16xf32>, vector<64x16xf32>, vector<64x16xf32>, vector<64x16xf32> -> vector<1280x16xf32>
    %slice3A_30 = vector.extract_strided_slice %get3A_10 {offsets = [64, 0], sizes = [64, 16], strides = [1, 1]} : vector<2560x16xf32> to vector<64x16xf32>
    %slice3A_31 = vector.extract_strided_slice %get3A_10 {offsets = [192, 0], sizes = [64, 16], strides = [1, 1]} : vector<2560x16xf32> to vector<64x16xf32>
    %slice3A_32 = vector.extract_strided_slice %get3A_10 {offsets = [320, 0], sizes = [64, 16], strides = [1, 1]} : vector<2560x16xf32> to vector<64x16xf32>
    %slice3A_33 = vector.extract_strided_slice %get3A_10 {offsets = [448, 0], sizes = [64, 16], strides = [1, 1]} : vector<2560x16xf32> to vector<64x16xf32>
    %slice3A_34 = vector.extract_strided_slice %get3A_10 {offsets = [576, 0], sizes = [64, 16], strides = [1, 1]} : vector<2560x16xf32> to vector<64x16xf32>
    %slice3A_35 = vector.extract_strided_slice %get3A_10 {offsets = [704, 0], sizes = [64, 16], strides = [1, 1]} : vector<2560x16xf32> to vector<64x16xf32>
    %slice3A_36 = vector.extract_strided_slice %get3A_10 {offsets = [832, 0], sizes = [64, 16], strides = [1, 1]} : vector<2560x16xf32> to vector<64x16xf32>
    %slice3A_37 = vector.extract_strided_slice %get3A_10 {offsets = [960, 0], sizes = [64, 16], strides = [1, 1]} : vector<2560x16xf32> to vector<64x16xf32>
    %slice3A_38 = vector.extract_strided_slice %get3A_10 {offsets = [1088, 0], sizes = [64, 16], strides = [1, 1]} : vector<2560x16xf32> to vector<64x16xf32>
    %slice3A_39 = vector.extract_strided_slice %get3A_10 {offsets = [1216, 0], sizes = [64, 16], strides = [1, 1]} : vector<2560x16xf32> to vector<64x16xf32>
    %slice3A_40 = vector.extract_strided_slice %get3A_10 {offsets = [1344, 0], sizes = [64, 16], strides = [1, 1]} : vector<2560x16xf32> to vector<64x16xf32>
    %slice3A_41 = vector.extract_strided_slice %get3A_10 {offsets = [1472, 0], sizes = [64, 16], strides = [1, 1]} : vector<2560x16xf32> to vector<64x16xf32>
    %slice3A_42 = vector.extract_strided_slice %get3A_10 {offsets = [1600, 0], sizes = [64, 16], strides = [1, 1]} : vector<2560x16xf32> to vector<64x16xf32>
    %slice3A_43 = vector.extract_strided_slice %get3A_10 {offsets = [1728, 0], sizes = [64, 16], strides = [1, 1]} : vector<2560x16xf32> to vector<64x16xf32>
    %slice3A_44 = vector.extract_strided_slice %get3A_10 {offsets = [1856, 0], sizes = [64, 16], strides = [1, 1]} : vector<2560x16xf32> to vector<64x16xf32>
    %slice3A_45 = vector.extract_strided_slice %get3A_10 {offsets = [1984, 0], sizes = [64, 16], strides = [1, 1]} : vector<2560x16xf32> to vector<64x16xf32>
    %slice3A_46 = vector.extract_strided_slice %get3A_10 {offsets = [2112, 0], sizes = [64, 16], strides = [1, 1]} : vector<2560x16xf32> to vector<64x16xf32>
    %slice3A_47 = vector.extract_strided_slice %get3A_10 {offsets = [2240, 0], sizes = [64, 16], strides = [1, 1]} : vector<2560x16xf32> to vector<64x16xf32>
    %slice3A_48 = vector.extract_strided_slice %get3A_10 {offsets = [2368, 0], sizes = [64, 16], strides = [1, 1]} : vector<2560x16xf32> to vector<64x16xf32>
    %slice3A_49 = vector.extract_strided_slice %get3A_10 {offsets = [2496, 0], sizes = [64, 16], strides = [1, 1]} : vector<2560x16xf32> to vector<64x16xf32>
    %concatenate3A_50 = tpu.concatenate %slice3A_30, %slice3A_31, %slice3A_32, %slice3A_33, %slice3A_34, %slice3A_35, %slice3A_36, %slice3A_37, %slice3A_38, %slice3A_39, %slice3A_40, %slice3A_41, %slice3A_42, %slice3A_43, %slice3A_44, %slice3A_45, %slice3A_46, %slice3A_47, %slice3A_48, %slice3A_49 in 0 : vector<64x16xf32>, vector<64x16xf32>, vector<64x16xf32>, vector<64x16xf32>, vector<64x16xf32>, vector<64x16xf32>, vector<64x16xf32>, vector<64x16xf32>, vector<64x16xf32>, vector<64x16xf32>, vector<64x16xf32>, vector<64x16xf32>, vector<64x16xf32>, vector<64x16xf32>, vector<64x16xf32>, vector<64x16xf32>, vector<64x16xf32>, vector<64x16xf32>, vector<64x16xf32>, vector<64x16xf32> -> vector<1280x16xf32>
    %get3A_51 = arith.constant 0 : index
    %get3A_52 = arith.constant 0 : index
    %get3A_53 = vector.load %arg3[%get3A_51, %get3A_52] : memref<16x128xf32, #tpu.memory_space<vmem>>, vector<16x128xf32>
    %dot_general3A = arith.constant dense<0.000000e+00> : vector<1280x128xf32>
    %dot_general3A_54 = tpu.matmul %concatenate3A, %get3A_53, %dot_general3A {dimension_numbers = #tpu.dot_dimension_numbers<[1], [0], [0], [1], [0, 0, 1, 1], [], []>, transpose_lhs_hint = false} : vector<1280x16xf32>, vector<16x128xf32>, vector<1280x128xf32> -> vector<1280x128xf32>
    %add3A = arith.addf %bitcast_convert_type3A_4, %dot_general3A_54 : vector<1280x128xf32>
    %get3A_55 = arith.constant 0 : index
    %get3A_56 = arith.constant 0 : index
    %get3A_57 = vector.load %arg3[%get3A_55, %get3A_56] : memref<16x128xf32, #tpu.memory_space<vmem>>, vector<16x128xf32>
    %dot_general3A_58 = arith.constant dense<0.000000e+00> : vector<1280x128xf32>
    %dot_general3A_59 = tpu.matmul %concatenate3A_50, %get3A_57, %dot_general3A_58 {dimension_numbers = #tpu.dot_dimension_numbers<[1], [0], [0], [1], [0, 0, 1, 1], [], []>, transpose_lhs_hint = false} : vector<1280x16xf32>, vector<16x128xf32>, vector<1280x128xf32> -> vector<1280x128xf32>
    %add3A_60 = arith.addf %bitcast_convert_type3A_7, %dot_general3A_59 : vector<1280x128xf32>
    %logistic3A = arith.negf %add3A : vector<1280x128xf32>
    %logistic3A_61 = math.exp %logistic3A : vector<1280x128xf32>
    %logistic3A_62 = arith.constant 1.000000e+00 : f32
    %logistic3A_63 = vector.broadcast %logistic3A_62 : f32 to vector<1280x128xf32>
    %logistic3A_64 = arith.addf %logistic3A_63, %logistic3A_61 : vector<1280x128xf32>
    %logistic3A_65 = arith.divf %logistic3A_63, %logistic3A_64 : vector<1280x128xf32>
    %mul3A = arith.mulf %add3A, %logistic3A_65 : vector<1280x128xf32>
    %logistic3A_66 = arith.negf %add3A_60 : vector<1280x128xf32>
    %logistic3A_67 = math.exp %logistic3A_66 : vector<1280x128xf32>
    %logistic3A_68 = arith.constant 1.000000e+00 : f32
    %logistic3A_69 = vector.broadcast %logistic3A_68 : f32 to vector<1280x128xf32>
    %logistic3A_70 = arith.addf %logistic3A_69, %logistic3A_67 : vector<1280x128xf32>
    %logistic3A_71 = arith.divf %logistic3A_69, %logistic3A_70 : vector<1280x128xf32>
    %mul3A_72 = arith.mulf %add3A_60, %logistic3A_71 : vector<1280x128xf32>
    %get3A_73 = arith.constant 0 : index
    %get3A_74 = arith.constant 0 : index
    %get3A_75 = vector.load %arg4[%get3A_73, %get3A_74] : memref<128x128xf32, #tpu.memory_space<vmem>>, vector<128x128xf32>
    %dot_general3A_76 = arith.constant dense<0.000000e+00> : vector<1280x128xf32>
    %dot_general3A_77 = tpu.matmul %mul3A, %get3A_75, %dot_general3A_76 {dimension_numbers = #tpu.dot_dimension_numbers<[1], [0], [0], [1], [0, 0, 1, 1], [], []>, transpose_lhs_hint = false} : vector<1280x128xf32>, vector<128x128xf32>, vector<1280x128xf32> -> vector<1280x128xf32>
    %get3A_78 = arith.constant 0 : index
    %get3A_79 = arith.constant 0 : index
    %get3A_80 = vector.load %arg5[%get3A_78, %get3A_79] : memref<1x128xf32, #tpu.memory_space<vmem>>, vector<1x128xf32>
    %add3A_81 = vector.broadcast %get3A_80 : vector<1x128xf32> to vector<1280x128xf32>
    %add3A_82 = arith.addf %dot_general3A_77, %add3A_81 : vector<1280x128xf32>
    %get3A_83 = arith.constant 0 : index
    %get3A_84 = arith.constant 0 : index
    %get3A_85 = vector.load %arg4[%get3A_83, %get3A_84] : memref<128x128xf32, #tpu.memory_space<vmem>>, vector<128x128xf32>
    %dot_general3A_86 = arith.constant dense<0.000000e+00> : vector<1280x128xf32>
    %dot_general3A_87 = tpu.matmul %mul3A_72, %get3A_85, %dot_general3A_86 {dimension_numbers = #tpu.dot_dimension_numbers<[1], [0], [0], [1], [0, 0, 1, 1], [], []>, transpose_lhs_hint = false} : vector<1280x128xf32>, vector<128x128xf32>, vector<1280x128xf32> -> vector<1280x128xf32>
    %get3A_88 = arith.constant 0 : index
    %get3A_89 = arith.constant 0 : index
    %get3A_90 = vector.load %arg5[%get3A_88, %get3A_89] : memref<1x128xf32, #tpu.memory_space<vmem>>, vector<1x128xf32>
    %add3A_91 = vector.broadcast %get3A_90 : vector<1x128xf32> to vector<1280x128xf32>
    %add3A_92 = arith.addf %dot_general3A_87, %add3A_91 : vector<1280x128xf32>
    %slice3A_93 = vector.extract_strided_slice %add3A_82 {offsets = [0, 0], sizes = [64, 128], strides = [1, 1]} : vector<1280x128xf32> to vector<64x128xf32>
    %swap3A = arith.constant 0 : index
    %swap3A_94 = arith.constant 0 : index
    %swap3A_95 = vector.load %arg7[%swap3A, %swap3A_94] : memref<2560x128xf32, #tpu.memory_space<vmem>>, vector<64x128xf32>
    tpu.vector_store %arg7[%swap3A, %swap3A_94], %slice3A_93 {strides = array<i32>} : memref<2560x128xf32, #tpu.memory_space<vmem>>, vector<64x128xf32>,
    %slice3A_96 = vector.extract_strided_slice %add3A_92 {offsets = [0, 0], sizes = [64, 128], strides = [1, 1]} : vector<1280x128xf32> to vector<64x128xf32>
    %swap3A_97 = arith.constant 64 : index
    %swap3A_98 = arith.constant 0 : index
    %swap3A_99 = vector.load %arg7[%swap3A_97, %swap3A_98] : memref<2560x128xf32, #tpu.memory_space<vmem>>, vector<64x128xf32>
    tpu.vector_store %arg7[%swap3A_97, %swap3A_98], %slice3A_96 {strides = array<i32>} : memref<2560x128xf32, #tpu.memory_space<vmem>>, vector<64x128xf32>,
    %slice3A_100 = vector.extract_strided_slice %add3A_82 {offsets = [64, 0], sizes = [64, 128], strides = [1, 1]} : vector<1280x128xf32> to vector<64x128xf32>
    %swap3A_101 = arith.constant 128 : index
    %swap3A_102 = arith.constant 0 : index
    %swap3A_103 = vector.load %arg7[%swap3A_101, %swap3A_102] : memref<2560x128xf32, #tpu.memory_space<vmem>>, vector<64x128xf32>
    tpu.vector_store %arg7[%swap3A_101, %swap3A_102], %slice3A_100 {strides = array<i32>} : memref<2560x128xf32, #tpu.memory_space<vmem>>, vector<64x128xf32>,
    %slice3A_104 = vector.extract_strided_slice %add3A_92 {offsets = [64, 0], sizes = [64, 128], strides = [1, 1]} : vector<1280x128xf32> to vector<64x128xf32>
    %swap3A_105 = arith.constant 192 : index
    %swap3A_106 = arith.constant 0 : index
    %swap3A_107 = vector.load %arg7[%swap3A_105, %swap3A_106] : memref<2560x128xf32, #tpu.memory_space<vmem>>, vector<64x128xf32>
    tpu.vector_store %arg7[%swap3A_105, %swap3A_106], %slice3A_104 {strides = array<i32>} : memref<2560x128xf32, #tpu.memory_space<vmem>>, vector<64x128xf32>,
    %slice3A_108 = vector.extract_strided_slice %add3A_82 {offsets = [128, 0], sizes = [64, 128], strides = [1, 1]} : vector<1280x128xf32> to vector<64x128xf32>
    %swap3A_109 = arith.constant 256 : index
    %swap3A_110 = arith.constant 0 : index
    %swap3A_111 = vector.load %arg7[%swap3A_109, %swap3A_110] : memref<2560x128xf32, #tpu.memory_space<vmem>>, vector<64x128xf32>
    tpu.vector_store %arg7[%swap3A_109, %swap3A_110], %slice3A_108 {strides = array<i32>} : memref<2560x128xf32, #tpu.memory_space<vmem>>, vector<64x128xf32>,
    %slice3A_112 = vector.extract_strided_slice %add3A_92 {offsets = [128, 0], sizes = [64, 128], strides = [1, 1]} : vector<1280x128xf32> to vector<64x128xf32>
    %swap3A_113 = arith.constant 320 : index
    %swap3A_114 = arith.constant 0 : index
    %swap3A_115 = vector.load %arg7[%swap3A_113, %swap3A_114] : memref<2560x128xf32, #tpu.memory_space<vmem>>, vector<64x128xf32>
    tpu.vector_store %arg7[%swap3A_113, %swap3A_114], %slice3A_112 {strides = array<i32>} : memref<2560x128xf32, #tpu.memory_space<vmem>>, vector<64x128xf32>,
    %slice3A_116 = vector.extract_strided_slice %add3A_82 {offsets = [192, 0], sizes = [64, 128], strides = [1, 1]} : vector<1280x128xf32> to vector<64x128xf32>
    %swap3A_117 = arith.constant 384 : index
    %swap3A_118 = arith.constant 0 : index
    %swap3A_119 = vector.load %arg7[%swap3A_117, %swap3A_118] : memref<2560x128xf32, #tpu.memory_space<vmem>>, vector<64x128xf32>
    tpu.vector_store %arg7[%swap3A_117, %swap3A_118], %slice3A_116 {strides = array<i32>} : memref<2560x128xf32, #tpu.memory_space<vmem>>, vector<64x128xf32>,
    %slice3A_120 = vector.extract_strided_slice %add3A_92 {offsets = [192, 0], sizes = [64, 128], strides = [1, 1]} : vector<1280x128xf32> to vector<64x128xf32>
    %swap3A_121 = arith.constant 448 : index
    %swap3A_122 = arith.constant 0 : index
    %swap3A_123 = vector.load %arg7[%swap3A_121, %swap3A_122] : memref<2560x128xf32, #tpu.memory_space<vmem>>, vector<64x128xf32>
    tpu.vector_store %arg7[%swap3A_121, %swap3A_122], %slice3A_120 {strides = array<i32>} : memref<2560x128xf32, #tpu.memory_space<vmem>>, vector<64x128xf32>,
    %slice3A_124 = vector.extract_strided_slice %add3A_82 {offsets = [256, 0], sizes = [64, 128], strides = [1, 1]} : vector<1280x128xf32> to vector<64x128xf32>
    %swap3A_125 = arith.constant 512 : index
    %swap3A_126 = arith.constant 0 : index
    %swap3A_127 = vector.load %arg7[%swap3A_125, %swap3A_126] : memref<2560x128xf32, #tpu.memory_space<vmem>>, vector<64x128xf32>
    tpu.vector_store %arg7[%swap3A_125, %swap3A_126], %slice3A_124 {strides = array<i32>} : memref<2560x128xf32, #tpu.memory_space<vmem>>, vector<64x128xf32>,
    %slice3A_128 = vector.extract_strided_slice %add3A_92 {offsets = [256, 0], sizes = [64, 128], strides = [1, 1]} : vector<1280x128xf32> to vector<64x128xf32>
    %swap3A_129 = arith.constant 576 : index
    %swap3A_130 = arith.constant 0 : index
    %swap3A_131 = vector.load %arg7[%swap3A_129, %swap3A_130] : memref<2560x128xf32, #tpu.memory_space<vmem>>, vector<64x128xf32>
    tpu.vector_store %arg7[%swap3A_129, %swap3A_130], %slice3A_128 {strides = array<i32>} : memref<2560x128xf32, #tpu.memory_space<vmem>>, vector<64x128xf32>,
    %slice3A_132 = vector.extract_strided_slice %add3A_82 {offsets = [320, 0], sizes = [64, 128], strides = [1, 1]} : vector<1280x128xf32> to vector<64x128xf32>
    %swap3A_133 = arith.constant 640 : index
    %swap3A_134 = arith.constant 0 : index
    %swap3A_135 = vector.load %arg7[%swap3A_133, %swap3A_134] : memref<2560x128xf32, #tpu.memory_space<vmem>>, vector<64x128xf32>
    tpu.vector_store %arg7[%swap3A_133, %swap3A_134], %slice3A_132 {strides = array<i32>} : memref<2560x128xf32, #tpu.memory_space<vmem>>, vector<64x128xf32>,
    %slice3A_136 = vector.extract_strided_slice %add3A_92 {offsets = [320, 0], sizes = [64, 128], strides = [1, 1]} : vector<1280x128xf32> to vector<64x128xf32>
    %swap3A_137 = arith.constant 704 : index
    %swap3A_138 = arith.constant 0 : index
    %swap3A_139 = vector.load %arg7[%swap3A_137, %swap3A_138] : memref<2560x128xf32, #tpu.memory_space<vmem>>, vector<64x128xf32>
    tpu.vector_store %arg7[%swap3A_137, %swap3A_138], %slice3A_136 {strides = array<i32>} : memref<2560x128xf32, #tpu.memory_space<vmem>>, vector<64x128xf32>,
    %slice3A_140 = vector.extract_strided_slice %add3A_82 {offsets = [384, 0], sizes = [64, 128], strides = [1, 1]} : vector<1280x128xf32> to vector<64x128xf32>
    %swap3A_141 = arith.constant 768 : index
    %swap3A_142 = arith.constant 0 : index
    %swap3A_143 = vector.load %arg7[%swap3A_141, %swap3A_142] : memref<2560x128xf32, #tpu.memory_space<vmem>>, vector<64x128xf32>
    tpu.vector_store %arg7[%swap3A_141, %swap3A_142], %slice3A_140 {strides = array<i32>} : memref<2560x128xf32, #tpu.memory_space<vmem>>, vector<64x128xf32>,
    %slice3A_144 = vector.extract_strided_slice %add3A_92 {offsets = [384, 0], sizes = [64, 128], strides = [1, 1]} : vector<1280x128xf32> to vector<64x128xf32>
    %swap3A_145 = arith.constant 832 : index
    %swap3A_146 = arith.constant 0 : index
    %swap3A_147 = vector.load %arg7[%swap3A_145, %swap3A_146] : memref<2560x128xf32, #tpu.memory_space<vmem>>, vector<64x128xf32>
    tpu.vector_store %arg7[%swap3A_145, %swap3A_146], %slice3A_144 {strides = array<i32>} : memref<2560x128xf32, #tpu.memory_space<vmem>>, vector<64x128xf32>,
    %slice3A_148 = vector.extract_strided_slice %add3A_82 {offsets = [448, 0], sizes = [64, 128], strides = [1, 1]} : vector<1280x128xf32> to vector<64x128xf32>
    %swap3A_149 = arith.constant 896 : index
    %swap3A_150 = arith.constant 0 : index
    %swap3A_151 = vector.load %arg7[%swap3A_149, %swap3A_150] : memref<2560x128xf32, #tpu.memory_space<vmem>>, vector<64x128xf32>
    tpu.vector_store %arg7[%swap3A_149, %swap3A_150], %slice3A_148 {strides = array<i32>} : memref<2560x128xf32, #tpu.memory_space<vmem>>, vector<64x128xf32>,
    %slice3A_152 = vector.extract_strided_slice %add3A_92 {offsets = [448, 0], sizes = [64, 128], strides = [1, 1]} : vector<1280x128xf32> to vector<64x128xf32>
    %swap3A_153 = arith.constant 960 : index
    %swap3A_154 = arith.constant 0 : index
    %swap3A_155 = vector.load %arg7[%swap3A_153, %swap3A_154] : memref<2560x128xf32, #tpu.memory_space<vmem>>, vector<64x128xf32>
    tpu.vector_store %arg7[%swap3A_153, %swap3A_154], %slice3A_152 {strides = array<i32>} : memref<2560x128xf32, #tpu.memory_space<vmem>>, vector<64x128xf32>,
    %slice3A_156 = vector.extract_strided_slice %add3A_82 {offsets = [512, 0], sizes = [64, 128], strides = [1, 1]} : vector<1280x128xf32> to vector<64x128xf32>
    %swap3A_157 = arith.constant 1024 : index
    %swap3A_158 = arith.constant 0 : index
    %swap3A_159 = vector.load %arg7[%swap3A_157, %swap3A_158] : memref<2560x128xf32, #tpu.memory_space<vmem>>, vector<64x128xf32>
    tpu.vector_store %arg7[%swap3A_157, %swap3A_158], %slice3A_156 {strides = array<i32>} : memref<2560x128xf32, #tpu.memory_space<vmem>>, vector<64x128xf32>,
    %slice3A_160 = vector.extract_strided_slice %add3A_92 {offsets = [512, 0], sizes = [64, 128], strides = [1, 1]} : vector<1280x128xf32> to vector<64x128xf32>
    %swap3A_161 = arith.constant 1088 : index
    %swap3A_162 = arith.constant 0 : index
    %swap3A_163 = vector.load %arg7[%swap3A_161, %swap3A_162] : memref<2560x128xf32, #tpu.memory_space<vmem>>, vector<64x128xf32>
    tpu.vector_store %arg7[%swap3A_161, %swap3A_162], %slice3A_160 {strides = array<i32>} : memref<2560x128xf32, #tpu.memory_space<vmem>>, vector<64x128xf32>,
    %slice3A_164 = vector.extract_strided_slice %add3A_82 {offsets = [576, 0], sizes = [64, 128], strides = [1, 1]} : vector<1280x128xf32> to vector<64x128xf32>
    %swap3A_165 = arith.constant 1152 : index
    %swap3A_166 = arith.constant 0 : index
    %swap3A_167 = vector.load %arg7[%swap3A_165, %swap3A_166] : memref<2560x128xf32, #tpu.memory_space<vmem>>, vector<64x128xf32>
    tpu.vector_store %arg7[%swap3A_165, %swap3A_166], %slice3A_164 {strides = array<i32>} : memref<2560x128xf32, #tpu.memory_space<vmem>>, vector<64x128xf32>,
    %slice3A_168 = vector.extract_strided_slice %add3A_92 {offsets = [576, 0], sizes = [64, 128], strides = [1, 1]} : vector<1280x128xf32> to vector<64x128xf32>
    %swap3A_169 = arith.constant 1216 : index
    %swap3A_170 = arith.constant 0 : index
    %swap3A_171 = vector.load %arg7[%swap3A_169, %swap3A_170] : memref<2560x128xf32, #tpu.memory_space<vmem>>, vector<64x128xf32>
    tpu.vector_store %arg7[%swap3A_169, %swap3A_170], %slice3A_168 {strides = array<i32>} : memref<2560x128xf32, #tpu.memory_space<vmem>>, vector<64x128xf32>,
    %slice3A_172 = vector.extract_strided_slice %add3A_82 {offsets = [640, 0], sizes = [64, 128], strides = [1, 1]} : vector<1280x128xf32> to vector<64x128xf32>
    %swap3A_173 = arith.constant 1280 : index
    %swap3A_174 = arith.constant 0 : index
    %swap3A_175 = vector.load %arg7[%swap3A_173, %swap3A_174] : memref<2560x128xf32, #tpu.memory_space<vmem>>, vector<64x128xf32>
    tpu.vector_store %arg7[%swap3A_173, %swap3A_174], %slice3A_172 {strides = array<i32>} : memref<2560x128xf32, #tpu.memory_space<vmem>>, vector<64x128xf32>,
    %slice3A_176 = vector.extract_strided_slice %add3A_92 {offsets = [640, 0], sizes = [64, 128], strides = [1, 1]} : vector<1280x128xf32> to vector<64x128xf32>
    %swap3A_177 = arith.constant 1344 : index
    %swap3A_178 = arith.constant 0 : index
    %swap3A_179 = vector.load %arg7[%swap3A_177, %swap3A_178] : memref<2560x128xf32, #tpu.memory_space<vmem>>, vector<64x128xf32>
    tpu.vector_store %arg7[%swap3A_177, %swap3A_178], %slice3A_176 {strides = array<i32>} : memref<2560x128xf32, #tpu.memory_space<vmem>>, vector<64x128xf32>,
    %slice3A_180 = vector.extract_strided_slice %add3A_82 {offsets = [704, 0], sizes = [64, 128], strides = [1, 1]} : vector<1280x128xf32> to vector<64x128xf32>
    %swap3A_181 = arith.constant 1408 : index
    %swap3A_182 = arith.constant 0 : index
    %swap3A_183 = vector.load %arg7[%swap3A_181, %swap3A_182] : memref<2560x128xf32, #tpu.memory_space<vmem>>, vector<64x128xf32>
    tpu.vector_store %arg7[%swap3A_181, %swap3A_182], %slice3A_180 {strides = array<i32>} : memref<2560x128xf32, #tpu.memory_space<vmem>>, vector<64x128xf32>,
    %slice3A_184 = vector.extract_strided_slice %add3A_92 {offsets = [704, 0], sizes = [64, 128], strides = [1, 1]} : vector<1280x128xf32> to vector<64x128xf32>
    %swap3A_185 = arith.constant 1472 : index
    %swap3A_186 = arith.constant 0 : index
    %swap3A_187 = vector.load %arg7[%swap3A_185, %swap3A_186] : memref<2560x128xf32, #tpu.memory_space<vmem>>, vector<64x128xf32>
    tpu.vector_store %arg7[%swap3A_185, %swap3A_186], %slice3A_184 {strides = array<i32>} : memref<2560x128xf32, #tpu.memory_space<vmem>>, vector<64x128xf32>,
    %slice3A_188 = vector.extract_strided_slice %add3A_82 {offsets = [768, 0], sizes = [64, 128], strides = [1, 1]} : vector<1280x128xf32> to vector<64x128xf32>
    %swap3A_189 = arith.constant 1536 : index
    %swap3A_190 = arith.constant 0 : index
    %swap3A_191 = vector.load %arg7[%swap3A_189, %swap3A_190] : memref<2560x128xf32, #tpu.memory_space<vmem>>, vector<64x128xf32>
    tpu.vector_store %arg7[%swap3A_189, %swap3A_190], %slice3A_188 {strides = array<i32>} : memref<2560x128xf32, #tpu.memory_space<vmem>>, vector<64x128xf32>,
    %slice3A_192 = vector.extract_strided_slice %add3A_92 {offsets = [768, 0], sizes = [64, 128], strides = [1, 1]} : vector<1280x128xf32> to vector<64x128xf32>
    %swap3A_193 = arith.constant 1600 : index
    %swap3A_194 = arith.constant 0 : index
    %swap3A_195 = vector.load %arg7[%swap3A_193, %swap3A_194] : memref<2560x128xf32, #tpu.memory_space<vmem>>, vector<64x128xf32>
    tpu.vector_store %arg7[%swap3A_193, %swap3A_194], %slice3A_192 {strides = array<i32>} : memref<2560x128xf32, #tpu.memory_space<vmem>>, vector<64x128xf32>,
    %slice3A_196 = vector.extract_strided_slice %add3A_82 {offsets = [832, 0], sizes = [64, 128], strides = [1, 1]} : vector<1280x128xf32> to vector<64x128xf32>
    %swap3A_197 = arith.constant 1664 : index
    %swap3A_198 = arith.constant 0 : index
    %swap3A_199 = vector.load %arg7[%swap3A_197, %swap3A_198] : memref<2560x128xf32, #tpu.memory_space<vmem>>, vector<64x128xf32>
    tpu.vector_store %arg7[%swap3A_197, %swap3A_198], %slice3A_196 {strides = array<i32>} : memref<2560x128xf32, #tpu.memory_space<vmem>>, vector<64x128xf32>,
    %slice3A_200 = vector.extract_strided_slice %add3A_92 {offsets = [832, 0], sizes = [64, 128], strides = [1, 1]} : vector<1280x128xf32> to vector<64x128xf32>
    %swap3A_201 = arith.constant 1728 : index
    %swap3A_202 = arith.constant 0 : index
    %swap3A_203 = vector.load %arg7[%swap3A_201, %swap3A_202] : memref<2560x128xf32, #tpu.memory_space<vmem>>, vector<64x128xf32>
    tpu.vector_store %arg7[%swap3A_201, %swap3A_202], %slice3A_200 {strides = array<i32>} : memref<2560x128xf32, #tpu.memory_space<vmem>>, vector<64x128xf32>,
    %slice3A_204 = vector.extract_strided_slice %add3A_82 {offsets = [896, 0], sizes = [64, 128], strides = [1, 1]} : vector<1280x128xf32> to vector<64x128xf32>
    %swap3A_205 = arith.constant 1792 : index
    %swap3A_206 = arith.constant 0 : index
    %swap3A_207 = vector.load %arg7[%swap3A_205, %swap3A_206] : memref<2560x128xf32, #tpu.memory_space<vmem>>, vector<64x128xf32>
    tpu.vector_store %arg7[%swap3A_205, %swap3A_206], %slice3A_204 {strides = array<i32>} : memref<2560x128xf32, #tpu.memory_space<vmem>>, vector<64x128xf32>,
    %slice3A_208 = vector.extract_strided_slice %add3A_92 {offsets = [896, 0], sizes = [64, 128], strides = [1, 1]} : vector<1280x128xf32> to vector<64x128xf32>
    %swap3A_209 = arith.constant 1856 : index
    %swap3A_210 = arith.constant 0 : index
    %swap3A_211 = vector.load %arg7[%swap3A_209, %swap3A_210] : memref<2560x128xf32, #tpu.memory_space<vmem>>, vector<64x128xf32>
    tpu.vector_store %arg7[%swap3A_209, %swap3A_210], %slice3A_208 {strides = array<i32>} : memref<2560x128xf32, #tpu.memory_space<vmem>>, vector<64x128xf32>,
    %slice3A_212 = vector.extract_strided_slice %add3A_82 {offsets = [960, 0], sizes = [64, 128], strides = [1, 1]} : vector<1280x128xf32> to vector<64x128xf32>
    %swap3A_213 = arith.constant 1920 : index
    %swap3A_214 = arith.constant 0 : index
    %swap3A_215 = vector.load %arg7[%swap3A_213, %swap3A_214] : memref<2560x128xf32, #tpu.memory_space<vmem>>, vector<64x128xf32>
    tpu.vector_store %arg7[%swap3A_213, %swap3A_214], %slice3A_212 {strides = array<i32>} : memref<2560x128xf32, #tpu.memory_space<vmem>>, vector<64x128xf32>,
    %slice3A_216 = vector.extract_strided_slice %add3A_92 {offsets = [960, 0], sizes = [64, 128], strides = [1, 1]} : vector<1280x128xf32> to vector<64x128xf32>
    %swap3A_217 = arith.constant 1984 : index
    %swap3A_218 = arith.constant 0 : index
    %swap3A_219 = vector.load %arg7[%swap3A_217, %swap3A_218] : memref<2560x128xf32, #tpu.memory_space<vmem>>, vector<64x128xf32>
    tpu.vector_store %arg7[%swap3A_217, %swap3A_218], %slice3A_216 {strides = array<i32>} : memref<2560x128xf32, #tpu.memory_space<vmem>>, vector<64x128xf32>,
    %slice3A_220 = vector.extract_strided_slice %add3A_82 {offsets = [1024, 0], sizes = [64, 128], strides = [1, 1]} : vector<1280x128xf32> to vector<64x128xf32>
    %swap3A_221 = arith.constant 2048 : index
    %swap3A_222 = arith.constant 0 : index
    %swap3A_223 = vector.load %arg7[%swap3A_221, %swap3A_222] : memref<2560x128xf32, #tpu.memory_space<vmem>>, vector<64x128xf32>
    tpu.vector_store %arg7[%swap3A_221, %swap3A_222], %slice3A_220 {strides = array<i32>} : memref<2560x128xf32, #tpu.memory_space<vmem>>, vector<64x128xf32>,
    %slice3A_224 = vector.extract_strided_slice %add3A_92 {offsets = [1024, 0], sizes = [64, 128], strides = [1, 1]} : vector<1280x128xf32> to vector<64x128xf32>
    %swap3A_225 = arith.constant 2112 : index
    %swap3A_226 = arith.constant 0 : index
    %swap3A_227 = vector.load %arg7[%swap3A_225, %swap3A_226] : memref<2560x128xf32, #tpu.memory_space<vmem>>, vector<64x128xf32>
    tpu.vector_store %arg7[%swap3A_225, %swap3A_226], %slice3A_224 {strides = array<i32>} : memref<2560x128xf32, #tpu.memory_space<vmem>>, vector<64x128xf32>,
    %slice3A_228 = vector.extract_strided_slice %add3A_82 {offsets = [1088, 0], sizes = [64, 128], strides = [1, 1]} : vector<1280x128xf32> to vector<64x128xf32>
    %swap3A_229 = arith.constant 2176 : index
    %swap3A_230 = arith.constant 0 : index
    %swap3A_231 = vector.load %arg7[%swap3A_229, %swap3A_230] : memref<2560x128xf32, #tpu.memory_space<vmem>>, vector<64x128xf32>
    tpu.vector_store %arg7[%swap3A_229, %swap3A_230], %slice3A_228 {strides = array<i32>} : memref<2560x128xf32, #tpu.memory_space<vmem>>, vector<64x128xf32>,
    %slice3A_232 = vector.extract_strided_slice %add3A_92 {offsets = [1088, 0], sizes = [64, 128], strides = [1, 1]} : vector<1280x128xf32> to vector<64x128xf32>
    %swap3A_233 = arith.constant 2240 : index
    %swap3A_234 = arith.constant 0 : index
    %swap3A_235 = vector.load %arg7[%swap3A_233, %swap3A_234] : memref<2560x128xf32, #tpu.memory_space<vmem>>, vector<64x128xf32>
    tpu.vector_store %arg7[%swap3A_233, %swap3A_234], %slice3A_232 {strides = array<i32>} : memref<2560x128xf32, #tpu.memory_space<vmem>>, vector<64x128xf32>,
    %slice3A_236 = vector.extract_strided_slice %add3A_82 {offsets = [1152, 0], sizes = [64, 128], strides = [1, 1]} : vector<1280x128xf32> to vector<64x128xf32>
    %swap3A_237 = arith.constant 2304 : index
    %swap3A_238 = arith.constant 0 : index
    %swap3A_239 = vector.load %arg7[%swap3A_237, %swap3A_238] : memref<2560x128xf32, #tpu.memory_space<vmem>>, vector<64x128xf32>
    tpu.vector_store %arg7[%swap3A_237, %swap3A_238], %slice3A_236 {strides = array<i32>} : memref<2560x128xf32, #tpu.memory_space<vmem>>, vector<64x128xf32>,
    %slice3A_240 = vector.extract_strided_slice %add3A_92 {offsets = [1152, 0], sizes = [64, 128], strides = [1, 1]} : vector<1280x128xf32> to vector<64x128xf32>
    %swap3A_241 = arith.constant 2368 : index
    %swap3A_242 = arith.constant 0 : index
    %swap3A_243 = vector.load %arg7[%swap3A_241, %swap3A_242] : memref<2560x128xf32, #tpu.memory_space<vmem>>, vector<64x128xf32>
    tpu.vector_store %arg7[%swap3A_241, %swap3A_242], %slice3A_240 {strides = array<i32>} : memref<2560x128xf32, #tpu.memory_space<vmem>>, vector<64x128xf32>,
    %slice3A_244 = vector.extract_strided_slice %add3A_82 {offsets = [1216, 0], sizes = [64, 128], strides = [1, 1]} : vector<1280x128xf32> to vector<64x128xf32>
    %swap3A_245 = arith.constant 2432 : index
    %swap3A_246 = arith.constant 0 : index
    %swap3A_247 = vector.load %arg7[%swap3A_245, %swap3A_246] : memref<2560x128xf32, #tpu.memory_space<vmem>>, vector<64x128xf32>
    tpu.vector_store %arg7[%swap3A_245, %swap3A_246], %slice3A_244 {strides = array<i32>} : memref<2560x128xf32, #tpu.memory_space<vmem>>, vector<64x128xf32>,
    %slice3A_248 = vector.extract_strided_slice %add3A_92 {offsets = [1216, 0], sizes = [64, 128], strides = [1, 1]} : vector<1280x128xf32> to vector<64x128xf32>
    %swap3A_249 = arith.constant 2496 : index
    %swap3A_250 = arith.constant 0 : index
    %swap3A_251 = vector.load %arg7[%swap3A_249, %swap3A_250] : memref<2560x128xf32, #tpu.memory_space<vmem>>, vector<64x128xf32>
    tpu.vector_store %arg7[%swap3A_249, %swap3A_250], %slice3A_248 {strides = array<i32>} : memref<2560x128xf32, #tpu.memory_space<vmem>>, vector<64x128xf32>,
    return
  }
  func.func @transform_0(%arg0: i32) -> (i32, i32) {
    %c0_i32 = arith.constant 0 : i32
    %c0_i32_0 = arith.constant 0 : i32
    return %arg0, %c0_i32 : i32, i32
  }
  func.func @transform_1(%arg0: i32) -> (i32, i32) {
    %add3A = arith.constant 62 : i32
    %add3A_0 = arith.addi %arg0, %add3A : i32
    %c0_i32 = arith.constant 0 : i32
    %c0_i32_1 = arith.constant 0 : i32
    return %add3A_0, %c0_i32 : i32, i32
  }
  func.func @transform_2(%arg0: i32) -> (i32, i32) {
    %c0_i32 = arith.constant 0 : i32
    %c0_i32_0 = arith.constant 0 : i32
    %c0_i32_1 = arith.constant 0 : i32
    return %c0_i32, %c0_i32_0 : i32, i32
  }
  func.func @transform_3(%arg0: i32) -> (i32, i32) {
    %c0_i32 = arith.constant 0 : i32
    %c0_i32_0 = arith.constant 0 : i32
    %c0_i32_1 = arith.constant 0 : i32
    return %c0_i32, %c0_i32_0 : i32, i32
  }
  func.func @transform_4(%arg0: i32) -> (i32, i32) {
    %c0_i32 = arith.constant 0 : i32
    %c0_i32_0 = arith.constant 0 : i32
    %c0_i32_1 = arith.constant 0 : i32
    return %c0_i32, %c0_i32_0 : i32, i32
  }
  func.func @transform_6(%arg0: i32) -> (i32, i32) {
    %add3A = arith.constant 62 : i32
    %add3A_0 = arith.addi %arg0, %add3A : i32
    %c0_i32 = arith.constant 0 : i32
    %c0_i32_1 = arith.constant 0 : i32
    return %add3A_0, %c0_i32 : i32, i32
  }
}

module attributes {stable_mosaic.version = 14 : i64} {
  func.func @_node_body(%arg0: i32, %arg1: memref<1000x128xf32, #tpu.memory_space<vmem>>, %arg2: memref<1000x128xf32, #tpu.memory_space<vmem>>, %arg3: memref<1000x128xf32, #tpu.memory_space<vmem>>, %arg4: memref<128x128xf32, #tpu.memory_space<vmem>>, %arg5: memref<128x128xf32, #tpu.memory_space<vmem>>, %arg6: memref<1x128xf32, #tpu.memory_space<vmem>>, %arg7: memref<128x128xf32, #tpu.memory_space<vmem>>, %arg8: memref<1x128xf32, #tpu.memory_space<vmem>>, %arg9: memref<128x64xf32, #tpu.memory_space<vmem>>, %arg10: memref<1x64xf32, #tpu.memory_space<vmem>>, %arg11: memref<1000x64xf32, #tpu.memory_space<vmem>>) attributes {dimension_semantics = [#tpu.dimension_semantics<arbitrary>], iteration_bounds = array<i64: 10>, scalar_prefetch = 0 : i64, scratch_operands = 0 : i64, tpu.core_type = #tpu.core_type<tc>, window_params = [{transform_indices = @transform_0, window_bounds = array<i64: 1000, 128>}, {transform_indices = @transform_1, window_bounds = array<i64: 1000, 128>}, {transform_indices = @transform_2, window_bounds = array<i64: 1000, 128>}, {pipeline_mode = #tpu.pipeline_mode<synchronous>, transform_indices = @transform_3, window_bounds = array<i64: 128, 128>}, {pipeline_mode = #tpu.pipeline_mode<synchronous>, transform_indices = @transform_4, window_bounds = array<i64: 128, 128>}, {pipeline_mode = #tpu.pipeline_mode<synchronous>, transform_indices = @transform_5, window_bounds = array<i64: 1, 128>}, {pipeline_mode = #tpu.pipeline_mode<synchronous>, transform_indices = @transform_6, window_bounds = array<i64: 128, 128>}, {pipeline_mode = #tpu.pipeline_mode<synchronous>, transform_indices = @transform_7, window_bounds = array<i64: 1, 128>}, {pipeline_mode = #tpu.pipeline_mode<synchronous>, transform_indices = @transform_8, window_bounds = array<i64: 128, 64>}, {pipeline_mode = #tpu.pipeline_mode<synchronous>, transform_indices = @transform_9, window_bounds = array<i64: 1, 64>}, {transform_indices = @transform_10, window_bounds = array<i64: 1000, 64>}]} {
    %get3A = arith.constant 0 : index
    %get3A_0 = arith.constant 0 : index
    %get3A_1 = vector.load %arg2[%get3A, %get3A_0] : memref<1000x128xf32, #tpu.memory_space<vmem>>, vector<1000x128xf32>
    %get3A_2 = arith.constant 0 : index
    %get3A_3 = arith.constant 0 : index
    %get3A_4 = vector.load %arg3[%get3A_2, %get3A_3] : memref<1000x128xf32, #tpu.memory_space<vmem>>, vector<1000x128xf32>
    %add3A = arith.addf %get3A_1, %get3A_4 : vector<1000x128xf32>
    %get3A_5 = arith.constant 0 : index
    %get3A_6 = arith.constant 0 : index
    %get3A_7 = vector.load %arg1[%get3A_5, %get3A_6] : memref<1000x128xf32, #tpu.memory_space<vmem>>, vector<1000x128xf32>
    %get3A_8 = arith.constant 0 : index
    %get3A_9 = arith.constant 0 : index
    %get3A_10 = vector.load %arg4[%get3A_8, %get3A_9] : memref<128x128xf32, #tpu.memory_space<vmem>>, vector<128x128xf32>
    %dot_general3A = arith.constant dense<0.000000e+00> : vector<1000x128xf32>
    %dot_general3A_11 = tpu.matmul %get3A_7, %get3A_10, %dot_general3A {dimension_numbers = #tpu.dot_dimension_numbers<[1], [0], [0], [1], [0, 0, 1, 1], [], []>, transpose_lhs_hint = false} : vector<1000x128xf32>, vector<128x128xf32>, vector<1000x128xf32> -> vector<1000x128xf32>
    %get3A_12 = arith.constant 0 : index
    %get3A_13 = arith.constant 0 : index
    %get3A_14 = vector.load %arg5[%get3A_12, %get3A_13] : memref<128x128xf32, #tpu.memory_space<vmem>>, vector<128x128xf32>
    %dot_general3A_15 = arith.constant dense<0.000000e+00> : vector<1000x128xf32>
    %dot_general3A_16 = tpu.matmul %add3A, %get3A_14, %dot_general3A_15 {dimension_numbers = #tpu.dot_dimension_numbers<[1], [0], [0], [1], [0, 0, 1, 1], [], []>, transpose_lhs_hint = false} : vector<1000x128xf32>, vector<128x128xf32>, vector<1000x128xf32> -> vector<1000x128xf32>
    %add3A_17 = arith.addf %dot_general3A_11, %dot_general3A_16 : vector<1000x128xf32>
    %get3A_18 = arith.constant 0 : index
    %get3A_19 = arith.constant 0 : index
    %get3A_20 = vector.load %arg6[%get3A_18, %get3A_19] : memref<1x128xf32, #tpu.memory_space<vmem>>, vector<1x128xf32>
    %add3A_21 = vector.broadcast %get3A_20 : vector<1x128xf32> to vector<1000x128xf32>
    %add3A_22 = arith.addf %add3A_17, %add3A_21 : vector<1000x128xf32>
    %logistic3A = arith.negf %add3A_22 : vector<1000x128xf32>
    %logistic3A_23 = math.exp %logistic3A : vector<1000x128xf32>
    %logistic3A_24 = arith.constant 1.000000e+00 : f32
    %logistic3A_25 = vector.broadcast %logistic3A_24 : f32 to vector<1000x128xf32>
    %logistic3A_26 = arith.addf %logistic3A_25, %logistic3A_23 : vector<1000x128xf32>
    %logistic3A_27 = arith.divf %logistic3A_25, %logistic3A_26 : vector<1000x128xf32>
    %mul3A = arith.mulf %add3A_22, %logistic3A_27 : vector<1000x128xf32>
    %get3A_28 = arith.constant 0 : index
    %get3A_29 = arith.constant 0 : index
    %get3A_30 = vector.load %arg7[%get3A_28, %get3A_29] : memref<128x128xf32, #tpu.memory_space<vmem>>, vector<128x128xf32>
    %dot_general3A_31 = arith.constant dense<0.000000e+00> : vector<1000x128xf32>
    %dot_general3A_32 = tpu.matmul %mul3A, %get3A_30, %dot_general3A_31 {dimension_numbers = #tpu.dot_dimension_numbers<[1], [0], [0], [1], [0, 0, 1, 1], [], []>, transpose_lhs_hint = false} : vector<1000x128xf32>, vector<128x128xf32>, vector<1000x128xf32> -> vector<1000x128xf32>
    %get3A_33 = arith.constant 0 : index
    %get3A_34 = arith.constant 0 : index
    %get3A_35 = vector.load %arg8[%get3A_33, %get3A_34] : memref<1x128xf32, #tpu.memory_space<vmem>>, vector<1x128xf32>
    %add3A_36 = vector.broadcast %get3A_35 : vector<1x128xf32> to vector<1000x128xf32>
    %add3A_37 = arith.addf %dot_general3A_32, %add3A_36 : vector<1000x128xf32>
    %get3A_38 = arith.constant 0 : index
    %get3A_39 = arith.constant 0 : index
    %get3A_40 = vector.load %arg9[%get3A_38, %get3A_39] : memref<128x64xf32, #tpu.memory_space<vmem>>, vector<128x64xf32>
    %dot_general3A_41 = arith.constant dense<0.000000e+00> : vector<1000x64xf32>
    %dot_general3A_42 = tpu.matmul %add3A_37, %get3A_40, %dot_general3A_41 {dimension_numbers = #tpu.dot_dimension_numbers<[1], [0], [0], [1], [0, 0, 1, 1], [], []>, transpose_lhs_hint = false} : vector<1000x128xf32>, vector<128x64xf32>, vector<1000x64xf32> -> vector<1000x64xf32>
    %get3A_43 = arith.constant 0 : index
    %get3A_44 = arith.constant 0 : index
    %get3A_45 = vector.load %arg10[%get3A_43, %get3A_44] : memref<1x64xf32, #tpu.memory_space<vmem>>, vector<1x64xf32>
    %add3A_46 = vector.broadcast %get3A_45 : vector<1x64xf32> to vector<1000x64xf32>
    %add3A_47 = arith.addf %dot_general3A_42, %add3A_46 : vector<1000x64xf32>
    %swap3A = arith.constant 0 : index
    %swap3A_48 = arith.constant 0 : index
    %swap3A_49 = vector.load %arg11[%swap3A, %swap3A_48] : memref<1000x64xf32, #tpu.memory_space<vmem>>, vector<1000x64xf32>
    tpu.vector_store %arg11[%swap3A, %swap3A_48], %add3A_47 {strides = array<i32>} : memref<1000x64xf32, #tpu.memory_space<vmem>>, vector<1000x64xf32>,
    return
  }
  func.func @transform_0(%arg0: i32) -> (i32, i32) {
    %c0_i32 = arith.constant 0 : i32
    %c0_i32_0 = arith.constant 0 : i32
    return %arg0, %c0_i32 : i32, i32
  }
  func.func @transform_1(%arg0: i32) -> (i32, i32) {
    %c0_i32 = arith.constant 0 : i32
    %c0_i32_0 = arith.constant 0 : i32
    return %arg0, %c0_i32 : i32, i32
  }
  func.func @transform_2(%arg0: i32) -> (i32, i32) {
    %c0_i32 = arith.constant 0 : i32
    %c0_i32_0 = arith.constant 0 : i32
    return %arg0, %c0_i32 : i32, i32
  }
  func.func @transform_3(%arg0: i32) -> (i32, i32) {
    %c0_i32 = arith.constant 0 : i32
    %c0_i32_0 = arith.constant 0 : i32
    %c0_i32_1 = arith.constant 0 : i32
    return %c0_i32, %c0_i32_0 : i32, i32
  }
  func.func @transform_4(%arg0: i32) -> (i32, i32) {
    %c0_i32 = arith.constant 0 : i32
    %c0_i32_0 = arith.constant 0 : i32
    %c0_i32_1 = arith.constant 0 : i32
    return %c0_i32, %c0_i32_0 : i32, i32
  }
  func.func @transform_5(%arg0: i32) -> (i32, i32) {
    %c0_i32 = arith.constant 0 : i32
    %c0_i32_0 = arith.constant 0 : i32
    %c0_i32_1 = arith.constant 0 : i32
    return %c0_i32, %c0_i32_0 : i32, i32
  }
  func.func @transform_6(%arg0: i32) -> (i32, i32) {
    %c0_i32 = arith.constant 0 : i32
    %c0_i32_0 = arith.constant 0 : i32
    %c0_i32_1 = arith.constant 0 : i32
    return %c0_i32, %c0_i32_0 : i32, i32
  }
  func.func @transform_7(%arg0: i32) -> (i32, i32) {
    %c0_i32 = arith.constant 0 : i32
    %c0_i32_0 = arith.constant 0 : i32
    %c0_i32_1 = arith.constant 0 : i32
    return %c0_i32, %c0_i32_0 : i32, i32
  }
  func.func @transform_8(%arg0: i32) -> (i32, i32) {
    %c0_i32 = arith.constant 0 : i32
    %c0_i32_0 = arith.constant 0 : i32
    %c0_i32_1 = arith.constant 0 : i32
    return %c0_i32, %c0_i32_0 : i32, i32
  }
  func.func @transform_9(%arg0: i32) -> (i32, i32) {
    %c0_i32 = arith.constant 0 : i32
    %c0_i32_0 = arith.constant 0 : i32
    %c0_i32_1 = arith.constant 0 : i32
    return %c0_i32, %c0_i32_0 : i32, i32
  }
  func.func @transform_10(%arg0: i32) -> (i32, i32) {
    %c0_i32 = arith.constant 0 : i32
    %c0_i32_0 = arith.constant 0 : i32
    return %arg0, %c0_i32 : i32, i32
  }
}

</mosaic_0001>

<sc_bundles>
// kernel: kernel.12.cloned.1.call-start
scs
__scs_entry_jumppad:
0x0: {  	(pc) =	sbr.rel $0x88, $3  }
0x1: {  	(tag) =	ssettag $0x0;
	lr =	simm.s32 $0x1  }
0x2: {  	[smem:$0x3F94] =	sst lr;
	_ =	strace $0xD0000000  }
0x3: {  	_ = 	snop  }
0x4: {  	_ = 	snop  }
0x5: {  	_ = 	snop  }
0x6: {  	_ = 	snop  }
0x7: {  	_ = 	snop  }
__scs_overlays_trampoline_lowered:
0x8: {  	[smem:$0x3FA3] =	sst s0  }
0x9: {  	[smem:$0x3FA4] =	sst s1  }
0xa: {  	[smem:$0x3FA5] =	sst s2  }
0xb: {  	[smem:$0x3FA6] =	sst s3  }
0xc: {  	[smem:$0x3FA7] =	sst s4  }
0xd: {  	[smem:$0x3FA8] =	sst s5  }
0xe: {  	[smem:$0x3FA9] =	sst s6  }
0xf: {  	[smem:$0x3FAA] =	sst s7  }
0x10: {  	[smem:$0x3FAB] =	sst s8  }
0x11: {  	[smem:$0x3FAC] =	sst s9;
	s0 =	simm.s32 @!p0 $0x0  }
0x12: {  	s1 =	sld [smem:$0x3F92];
	s0 =	simm.s32 @p0 $0x1  }
0x13: {  	[smem:$0x3FAD] =	sst s0;
	s0 =	simm.s32 @!p1 $0x0  }
0x14: {  	s2 =	sld [smem:$0x3F91];
	s0 =	simm.s32 @p1 $0x1  }
0x15: {  	[smem:$0x3FAE] =	sst s0;
	s0 =	simm.s32 @!p2 $0x0  }
0x16: {  	s3 =	sld [smem:$0x3FDB];
	s0 =	simm.s32 @p2 $0x1  }
0x17: {  	s4 =	simm.s32 $0x1BF5;
	[smem:$0x3FB0] =	sst s0  }
0x18: {  	s0 =	sld [smem:$0x3F93];
	_ =	swait.ge [sflag:s4], $0x0  }
0x19: {  	s7 =	sld [smem:$0x3F94]  }
0x1a: {  	s8 =	sadd.s32 $0xFFFFE003, lr  }
0x1b: {  	s9 =	sadd.s32 $0xFFFFFEF7, lr;
	s5 =	simm.s32 $0xFFFFFFFF;
	p2 =	slt.u32 s8, $0xFFFFF086  }
0x1c: {  	p1 =	slt.u32 s9, $0xF7A;
	s5 =	simm.s32 @!p2 $0x0  }
0x1d: {  	s5 =	simm.s32 @p1 $0x1;
	p0 =	seq.s32 s7, s2  }
0x1e: {  	s7 =	smul.u32 @!p0 $0xF7A, s2;
	p2 =	seq.s32 @!p0 s5, $0x0  }
0x1f: {  	s9 =	smul.u32 $0xF7A, s1;
	s8 =	simm.s32 @!p0 $0x1BF5;
	p2 =	por !p2, p0  }
0x20: {  	[sflag:s8] =	ssyncset.s32 @!p0 $0xFFFFF086;
	s6 =	sadd.s32 @!p0 s3, s7;
	s7 =	simm.s32 @!p0 $0x108  }
0x21: {  	s3 =	sadd.s32 s3, s9;
	s6 =	sadd.s32 @!p0 $0x88, s6;
	s7 =	simm.s32 @p2 $0x1082  }
0x22: {  	[simem:s7], [sflag:s8] =	dma.local @!p0 [hbm:s6], $0xF7A  }
0x23: {  	s9 =	sor.u32 $0xD0000000, s2;
	s6 =	simm.s32 $0x108;
	_ =	swait.ge @!p0 [sflag:s8], $0x0  }
0x24: {  	s3 =	sadd.s32 $0x88, s3;
	s6 =	simm.s32 @!p1 $0x1082;
	[sflag:s4] =	ssyncset.s32 $0xFFFFF086  }
0x25: {  	[simem:s6], [sflag:s4] =	dma.local [hbm:s3], $0xF7A  }
0x26: {  	[smem:$0x3F94] =	sst s1;
	(tag) =	ssettag s2;
	_ =	strace s9  }
0x27: {  	s1 =	sld [smem:$0x3FA4]  }
0x28: {  	s2 =	sld [smem:$0x3FA5]  }
0x29: {  	s4 =	sld [smem:$0x3FA7]  }
0x2a: {  	p0 =	seq.s32 s5, $0x0;
	s5 =	sld [smem:$0x3FA8]  }
0x2b: {  	s6 =	sld [smem:$0x3FA9]  }
0x2c: {  	s7 =	sld [smem:$0x3FAA]  }
0x2d: {  	s3 =	simm.s32 $0x108;
	s8 =	sld [smem:$0x3FAB]  }
0x2e: {  	s3 =	simm.s32 @!p0 $0x1082;
	s9 =	sld [smem:$0x3FAC]  }
0x2f: {  	lr =	sadd.s32 s0, s3;
	s0 =	sld [smem:$0x3FA3]  }
0x30: {  	s3 =	sld [smem:$0x3FA6]  }
0x31: {  	[smem:$0x3FAF] =	sst s10  }
0x32: {  	s10 =	sld [smem:$0x3FAD];
	_ =	sdelay $0x3  }
0x33: {  	p0 =	seq.s32 s10, $0x1;
	s10 =	sld [smem:$0x3FAF];
	_ =	sdelay $0x3  }
0x34: {  	[smem:$0x3FAF] =	sst s10  }
0x35: {  	s10 =	sld [smem:$0x3FAE];
	_ =	sdelay $0x3  }
0x36: {  	p1 =	seq.s32 s10, $0x1;
	s10 =	sld [smem:$0x3FAF];
	_ =	sdelay $0x3  }
0x37: {  	[smem:$0x3FAF] =	sst s10  }
0x38: {  	s10 =	sld [smem:$0x3FB0]  }
0x39: {  	_ = 	snop;
	(pc) =	sbr.ind lr, $3  }
0x3a: {  	_ = 	snop  }
0x3b: {  	_ = 	snop  }
0x3c: {  	p2 =	seq.s32 s10, $0x1;
	s10 =	sld [smem:$0x3FAF]  }
0x3d: {  	_ =	shalt  }
0x3e: {  	_ =	shalt  }
0x3f: {  	_ =	shalt  }
0x40: {  	_ =	shalt  }
0x41: {  	_ =	shalt  }
0x42: {  	_ =	shalt  }
0x43: {  	_ =	shalt  }
0x44: {  	_ =	shalt  }
0x45: {  	_ =	shalt  }
0x46: {  	_ =	shalt  }
0x47: {  	_ =	shalt  }
0x48: {  	_ =	shalt  }
0x49: {  	_ =	shalt  }
0x4a: {  	_ =	shalt  }
0x4b: {  	_ =	shalt  }
0x4c: {  	_ =	shalt  }
0x4d: {  	_ =	shalt  }
0x4e: {  	_ =	shalt  }
0x4f: {  	_ =	shalt  }
0x50: {  	_ =	shalt  }
0x51: {  	_ =	shalt  }
0x52: {  	_ =	shalt  }
0x53: {  	_ =	shalt  }
0x54: {  	_ =	shalt  }
0x55: {  	_ =	shalt  }
0x56: {  	_ =	shalt  }
0x57: {  	_ =	shalt  }
0x58: {  	_ =	shalt  }
0x59: {  	_ =	shalt  }
0x5a: {  	_ =	shalt  }
0x5b: {  	_ =	shalt  }
0x5c: {  	_ =	shalt  }
0x5d: {  	_ =	shalt  }
0x5e: {  	_ =	shalt  }
0x5f: {  	_ =	shalt  }
0x60: {  	_ =	shalt  }
0x61: {  	_ =	shalt  }
0x62: {  	_ =	shalt  }
0x63: {  	_ =	shalt  }
0x64: {  	_ =	shalt  }
0x65: {  	_ =	shalt  }
0x66: {  	_ =	shalt  }
0x67: {  	_ =	shalt  }
0x68: {  	_ =	shalt  }
0x69: {  	_ =	shalt  }
0x6a: {  	_ =	shalt  }
0x6b: {  	_ =	shalt  }
0x6c: {  	_ =	shalt  }
0x6d: {  	_ =	shalt  }
0x6e: {  	_ =	shalt  }
0x6f: {  	_ =	shalt  }
0x70: {  	_ =	shalt  }
0x71: {  	_ =	shalt  }
0x72: {  	_ =	shalt  }
0x73: {  	_ =	shalt  }
0x74: {  	_ =	shalt  }
0x75: {  	_ =	shalt  }
0x76: {  	_ =	shalt  }
0x77: {  	_ =	shalt  }
0x78: {  	_ =	shalt  }
0x79: {  	_ =	shalt  }
0x7a: {  	_ =	shalt  }
0x7b: {  	_ =	shalt  }
0x7c: {  	_ =	shalt  }
0x7d: {  	_ =	shalt  }
0x7e: {  	_ =	shalt  }
0x7f: {  	_ =	shalt  }
0x80: {  	_ =	shalt  }
0x81: {  	_ =	shalt  }
0x82: {  	_ =	shalt  }
0x83: {  	_ =	shalt  }
0x84: {  	_ =	shalt  }
0x85: {  	_ =	shalt  }
0x86: {  	_ =	shalt  }
0x87: {  	_ =	shalt  }
.Lfunc_end0:
.L_simem_size_0:
called_computation.1_lowered:
.L_overlay_start_0:
0x88: {  	s2 =	sld [smem:$0x3FD9]  }
0x89: {  	s3 =	sld [smem:$0x3FFE];
	_ =	sdelay $0x1  }
0x8a: {  	s1 =	srdreg.scid  }
0x8b: {  	s0 =	sand.u32 $0x1, s1  }
0x8c: {  	s15 =	sshll.u32 s0, $0xA;
	s2 =	sadd.s32 s3, s2  }
0x8d: {  	s2 =	sadd.s32 s2, s15  }
0x8e: {  	[smem:$0x3FBB] =	sst s2  }
0x8f: {  	_ = 	snop  }
0x90: {  	s2 =	sld [smem:$0x3FD0];
	_ =	sdelay $0x2  }
0x91: {  	s16 =	simm.s32 $0xB;
	s4 =	simm.s32 $0x10  }
0x92: {  	[smem:s4], [sflag:s16] =	dma.local [hbm:s2], $0x1  }
0x93: {  	_ =	swait.eq [sflag:s16], $0x1  }
0x94: {  	[sflag:s16] =	ssyncset.done $0x0  }
0x95: {  	[sflag:s16] =	ssyncadd.s32 $0xFFFFFFFF  }
0x96: {  	s17 =	sld [smem:$0x10];
	(tm) =	ssettm $0x1  }
0x97: {  	s18 =	sld [smem:$0x3FFB];
	_ =	sdelay $0x3  }
0x98: {  	_ =	strace s18  }
0x99: {  	s2 =	sld [smem:$0x3FFC];
	_ =	sdelay $0x3  }
0x9a: {  	_ =	strace s2  }
0x9b: {  	s2 =	sld [smem:$0x3FFD];
	_ =	sdelay $0x3  }
0x9c: {  	_ =	strace s2  }
0x9d: {  	_ =	strace $0x8FFFFFFF  }
0x9e: {  	s19 =	sld [smem:$0x3FDB];
	_ =	sdelay $0x1  }
0x9f: {  	s20 =	simm.s32 $_scs_section_size  }
0xa0: {  	s5 =	simm.s32 $_size__tile_overlayer_lowered;
	s6 =	simm.s32 $_tile_overlayer_lowered  }
0xa1: {  	s7 =	simm.s32 $0x1BFF;
	s21 =	sshll.u32 s6, $0x1;
	s4 =	sadd.s32 s20, s19  }
0xa2: {  	s22 =	simm.s32 $0x0;
	s5 =	sshll.u32 s5, $0x1;
	s6 =	sadd.s32 s21, s4  }
0xa3: {  	[timem:s22], [sflag:s7] =	dma.local [hbm:s6], s5  }
0xa4: {  	_ =	swait.ge [sflag:s7], s5  }
0xa5: {  	s5 =	ssub.s32 $0x0, s5;
	[sflag:s7] =	ssyncset.done $0x0  }
0xa6: {  	[sflag:s7] =	ssyncadd.s32 s5;
	_ =	sdelay $0x1  }
0xa7: {  	s23 =	simm.s32 $0x1B8B  }
0xa8: {  	_ =	swait.ge [sflag:s23], $0x1  }
0xa9: {  	[sflag:s23] =	ssyncset.done $0x0  }
0xaa: {  	[sflag:s23] =	ssyncadd.s32 $0xFFFFFFFF  }
0xab: {  	s5 =	sld [smem:$0x0]  }
0xac: {  	s6 =	sand.u32 $0xFFFFFFFE, s1  }
0xad: {  	p0 =	sne.s32 s1, s6  }
0xae: {  	s6 =	sshll.u32 @p0 s6, $0xE  }
0xaf: {  	s6 =	sadd.s32 @p0 $0x11B8D, s6;
	s7 =	sshll.u32 @p0 s5, $0x11  }
0xb0: {  	s6 =	sor.u32 @p0 s7, s6  }
0xb1: {  	[sflag:s6] =	ssyncadd.remote.s32 @p0 $0x1;
	_ =	sdelay $0x1  }
0xb2: {  	s6 =	simm.s32 @p0 $0x1B8D  }
0xb3: {  	_ =	swait.eq @p0 [sflag:s6], $0x1  }
0xb4: {  	[sflag:s6] =	ssyncadd.s32 @p0 $0xFFFFFFFF  }
0xb5: {  	s7 =	sshll.u32 @!p0 s1, $0xE  }
0xb6: {  	s7 =	sor.u32 @!p0 $0x4000, s7;
	s6 =	simm.s32 @!p0 $0x1B8D  }
0xb7: {  	s5 =	sshll.u32 @!p0 s5, $0x11;
	s7 =	sadd.s32 @!p0 $0x11B8D, s7;
	_ =	swait.eq @!p0 [sflag:s6], $0x1  }
0xb8: {  	s5 =	sor.u32 @!p0 s5, s7;
	[sflag:s6] =	ssyncadd.s32 @!p0 $0xFFFFFFFF  }
0xb9: {  	s25 =	simm.s32 $0x1B8E;
	s24 =	sld [smem:$0x3FFE];
	[sflag:s5] =	ssyncadd.remote.s32 @!p0 $0x1  }
0xba: {  	s26 =	simm.s32 $execute0_lowered;
	[smem:$0x3FD2] =	sst s25  }
0xbb: {  	s6 =	sshll.u32 s26, $0x1;
	_ =	strace $0x80000049;
	[dreg:$0x1] =	wrdreg $0xFFFFFFFF  }
0xbc: {  	s28 =	simm.s32 $_size_execute0_lowered;
	s4 =	sadd.s32 s4, s6;
	[dreg:$0x0] =	wrdreg $0x0  }
0xbd: {  	s6 =	sshll.u32 s28, $0x1;
	[dreg:$0x2] =	wrdreg s4  }
0xbe: {  	[dreg:$0x3] =	wrdreg s6  }
0xbf: {  	[dreg:$0x4] =	wrdreg $0xC0  }
0xc0: {  	_ =	task [dreg:s22], $0x5FFFF  }
0xc1: {  	[dreg:$0x1] =	wrdreg $0xFFFFFFFF  }
0xc2: {  	[dreg:$0x0] =	wrdreg $0x60  }
0xc3: {  	[dreg:$0x2] =	wrdreg s17  }
0xc4: {  	[dreg:$0x3] =	wrdreg s24  }
0xc5: {  	[dreg:$0x4] =	wrdreg $0xA  }
0xc6: {  	_ =	task.clear_ibuf [dreg:s22], $0x5FFFF;
	_ =	strace $0x90000049  }
0xc7: {  	s29 =	simm.s32 $0xA;
	_ =	strace $0x8000004B  }
0xc8: {  	_ =	swait.ge [sflag:s29], $0x1  }
0xc9: {  	[sflag:s29] =	ssyncadd.s32 $0xFFFFFFFF  }
0xca: {  	_ =	strace $0x9000004B  }
0xcb: {  	_ =	sfence  }
0xcc: {  	s30 =	sld [smem:$0x0];
	_ =	sdelay $0x2  }
0xcd: {  	s31 =	sshll.u32 s1, $0xD;
	s1 =	sshrl.u32 s1, $0x2  }
0xce: {  	s4 =	sand.u32 $0x4000, s31;
	s1 =	sadd.s32 s1, s30  }
0xcf: {  	s0 =	sor.u32 s4, s0;
	s1 =	sshll.u32 s1, $0x11  }
0xd0: {  	s0 =	sor.u32 s1, s0  }
0xd1: {  	s0 =	sadd.s32 $0x8F2B, s0  }
0xd2: {  	[sflag:s0] =	ssyncadd.remote.s32 $0x1  }
0xd3: {  	_ =	sfence.sel $0xFFFF  }
0xd4: {  	[dreg:$0x0] =	wrdreg $0xFFFFFFFF;
	(pc) =	sbr.abs _section_cstart, $3  }
0xd5: {  	[dreg:$0x1] =	wrdreg $0xFFFFFFFF  }
0xd6: {  	_ =	task.clear_ibuf [dreg:s22], $0x2FFFF;
	_ =	strace $0x9FFFFFFF  }
0xd7: {  	(tm) =	ssettm $0x7FFFFFFF  }
tec
execute0_lowered:
.L_overlay_start_1:
0x0: {  	(tag) =	ssettag $0x1  }
0x1: {  	s1 =	rddreg [dreg:$0x0]  }
0x2: {  	s0 =	rddreg [dreg:$0x1];
	s3 =	simm.s32 $0x0  }
0x3: {  	s2 =	srdreg.scid;
	s5 =	stileid.u32;
	s16 =	simm.s32 $0x3  }
0x4: {  	s17 =	simm.s32 $0x80;
	s20 =	simm.s32 $0xA100;
	s21 =	simm.s32 $0xA180  }
0x5: {  	s22 =	simm.s32 $0xA200;
	s23 =	simm.s32 $0xE200;
	s24 =	simm.s32 $0x1  }
0x6: {  	s25 =	simm.s32 $0x8100;
	s26 =	simm.s32 $0x2;
	s28 =	simm.s32 $0x12200  }
0x7: {  	s29 =	simm.s32 $0x0;
	[smem:$0x7FF] =	sst s3;
	s4 =	sadd.s32 $0x3C00, s0  }
0x8: {  	s2 =	sand.u32 $0x1, s2;
	s6 =	sshll.u32 s5, $0x1;
	s5 =	sadd.s32 $0xDA00, s0  }
0x9: {  	s7 =	sadd.s32 $0x16D400, s0;
	_ =	strace $0x8000004A;
	s8 =	ssub.s32 $0x2, s2  }
.Ltmp0:
0xa: {  	s6 =	sor.u32 s2, s6;
	s31 =	sshrl.u32 s8, $0x1;
	(pc) =	sbr.rel .LBB2_1-.Ltmp0, $4  }
0xb: {  	s2 =	sshll.u32 s6, $0x4;
	s12 =	sadd.s32 $0x522, s6;
	s13 =	sadd.s32 $0x502, s6  }
0xc: {  	s14 =	sadd.s32 $0x542, s6;
	s0 =	ssub.s32 s8, s31;
	s9 =	sadd.s32 $0x4E20, s2  }
0xd: {  	s2 =	sadd.s32 $0x5020, s2;
	s8 =	sadd.s32 s1, s9;
	s9 =	sadd.s32 s4, s9  }
0xe: {  	s10 =	sadd.s32 s1, s2;
	s11 =	sadd.s32 s4, s2;
	s15 =	smax.u32 s0, $0x1  }
.LBB2_9:
0xf: {  	s29 =	sadd.s32 $0x1, s29  }
0x10: {  	p0 =	sne.s32 s29, s15  }
.Ltmp1:
0x11: {  	_ = 	snop;
	(pc) =	sbr.rel @!p0 .LBB2_10-.Ltmp1, $1  }
0x12: {  	_ =	sdelay $0x3  }
.LBB2_1:
0x13: {  	[tilespmem:s3], [sflag:$0x3] =	stream.linear.gather [hbm4b:s8+s3], $0x80, $0x38;
	[tilespmem:$0x14200] =	vst v63  }
0x14: {  	_ =	swait.ge [sflag:s16], $0x80  }
0x15: {  	[sflag:s16] =	ssyncset.done $0x0  }
0x16: {  	[sflag:s16] =	ssyncadd.s32 $0xFFFFFF80  }
0x17: {  	[tilespmem:s17], [sflag:$0x3] =	stream.linear.gather [hbm4b:s9+s3], $0x80, $0x38;
	[tilespmem:$0x14200] =	vst v63  }
0x18: {  	_ =	swait.ge [sflag:s16], $0x80  }
0x19: {  	[sflag:s16] =	ssyncset.done $0x0  }
0x1a: {  	s0 =	simm.s32 $0x100;
	[sflag:s16] =	ssyncadd.s32 $0xFFFFFF80  }
0x1b: {  	[tilespmem:s0], [sflag:$0x1] =	stream.indirect.gather [hbm4b:s5+s17], $0x80, s3, s17, $0xb8;
	[tilespmem:$0x14200] =	vst v63  }
0x1c: {  	s31 =	simm.s32 $0x4100  }
0x1d: {  	[tilespmem:s31], [sflag:$0x1] =	stream.indirect.gather [hbm4b:s5+s17], $0x80, s17, s17, $0xb8;
	[tilespmem:$0x14200] =	vst v63  }
0x1e: {  	_ = 	snop  }
0x1f: {  	[tilespmem:s20], [sflag:$0x3] =	stream.linear.gather [hbm4b:s10+s3], $0x80, $0x38;
	[tilespmem:$0x14200] =	vst v63  }
0x20: {  	_ =	swait.ge [sflag:s16], $0x80  }
0x21: {  	[sflag:s16] =	ssyncset.done $0x0  }
0x22: {  	[sflag:s16] =	ssyncadd.s32 $0xFFFFFF80  }
0x23: {  	[tilespmem:s21], [sflag:$0x3] =	stream.linear.gather [hbm4b:s11+s3], $0x80, $0x38;
	[tilespmem:$0x14200] =	vst v63  }
0x24: {  	_ =	swait.ge [sflag:s16], $0x80  }
.Ltmp2:
0x25: {  	[sflag:s16] =	ssyncset.done $0x0;
	(pc) =	sbr.rel .LBB2_2-.Ltmp2, $4  }
0x26: {  	[sflag:s16] =	ssyncadd.s32 $0xFFFFFF80  }
0x27: {  	[tilespmem:s22], [sflag:$0x2] =	stream.indirect.gather [hbm4b:s5+s17], $0x80, s20, s17, $0xb8;
	[tilespmem:$0x14200] =	vst v63  }
0x28: {  	s30 =	simm.s32 $0x0  }
0x29: {  	[tilespmem:s23], [sflag:$0x2] =	stream.indirect.gather [hbm4b:s5+s17], $0x80, s21, s17, $0xb8;
	[tilespmem:$0x14200] =	vst v63  }
.LBB2_8:
0x2a: {  	s0 =	sadd.s32 s31, s14  }
0x2b: {  	p0 =	sgt.u32 s0, $0x9C3  }
0x2c: {  	s0 =	sshll.u32 @!p0 s0, $0x4  }
0x2d: {  	s18 =	simm.s32 @!p0 $0x0;
	s19 =	simm.s32 @!p0 $0xA100;
	s2 =	sadd.s32 @!p0 s1, s0  }
0x2e: {  	[tilespmem:s19], [sflag:$0x3] =	stream.linear.gather @!p0 [hbm4b:s2+s18], $0x80, $0x38;
	[tilespmem:$0x14200] =	vst v63  }
0x2f: {  	s2 =	simm.s32 @!p0 $0x3  }
0x30: {  	_ =	swait.ge @!p0 [sflag:s2], $0x80  }
0x31: {  	[sflag:s2] =	ssyncset.done @!p0 $0x0  }
0x32: {  	s31 =	simm.s32 @!p0 $0xA180;
	s0 =	sadd.s32 @!p0 s4, s0;
	[sflag:s2] =	ssyncadd.s32 @!p0 $0xFFFFFF80  }
0x33: {  	[tilespmem:s31], [sflag:$0x3] =	stream.linear.gather @!p0 [hbm4b:s0+s18], $0x80, $0x38;
	[tilespmem:$0x14200] =	vst v63  }
0x34: {  	_ =	swait.ge @!p0 [sflag:s2], $0x80  }
0x35: {  	[sflag:s2] =	ssyncset.done @!p0 $0x0  }
0x36: {  	s0 =	simm.s32 @!p0 $0x80;
	[sflag:s2] =	ssyncadd.s32 @!p0 $0xFFFFFF80;
	s2 =	simm.s32 @!p0 $0xA200  }
0x37: {  	[tilespmem:s2], [sflag:$0x2] =	stream.indirect.gather @!p0 [hbm4b:s5+s0], $0x80, s19, s0, $0xb8;
	[tilespmem:$0x14200] =	vst v63  }
0x38: {  	s30 =	sadd.s32 $0x1, s30;
	s2 =	simm.s32 @!p0 $0xE200  }
0x39: {  	[tilespmem:s2], [sflag:$0x2] =	stream.indirect.gather @!p0 [hbm4b:s5+s0], $0x80, s31, s0, $0xb8;
	[tilespmem:$0x14200] =	vst v63  }
0x3a: {  	p0 =	sne.s32 s30, $0x14  }
.Ltmp3:
0x3b: {  	_ = 	snop;
	(pc) =	sbr.rel @!p0 .LBB2_9-.Ltmp3, $1  }
0x3c: {  	_ =	sdelay $0x3  }
.LBB2_2:
0x3d: {  	_ =	swait.ge [sflag:s24], $0x4000  }
0x3e: {  	[sflag:s24] =	ssyncset.done $0x0  }
0x3f: {  	[sflag:s24] =	ssyncadd.s32 $0xFFFFC000  }
0x40: {  	_ =	swait.ge [sflag:s24], $0x4000  }
0x41: {  	[sflag:s24] =	ssyncset.done $0x0  }
0x42: {  	s0 =	simm.s32 $0x0;
	[sflag:s24] =	ssyncadd.s32 $0xFFFFC000  }
0x43: {  	v0 =	vld [tilespmem:s0+$0x170]  }
0x44: {  	v1 =	vld [tilespmem:s0+$0x4170]  }
0x45: {  	v2 =	vld [tilespmem:s0+$0x2170]  }
0x46: {  	v3 =	vld [tilespmem:s0+$0x6170]  }
0x47: {  	v4 =	vld [tilespmem:s0+$0x100]  }
0x48: {  	v5 =	vld [tilespmem:s0+$0x4100]  }
0x49: {  	v6 =	vld [tilespmem:s0+$0x2100]  }
0x4a: {  	v7 =	vld [tilespmem:s0+$0x6100];
	v0 =	vshll.u32 v0, $0x10  }
0x4b: {  	v8 =	vld [tilespmem:s0+$0x110];
	v1 =	vand.u32 $0xFFFF0000, v1;
	v2 =	vshll.u32 v2, $0x10;
	v3 =	vand.u32 $0xFFFF0000, v3  }
0x4c: {  	v0 =	vadd.f32 v1, v0;
	v1 =	vadd.f32 v3, v2;
	v2 =	vld [tilespmem:s0+$0x2110]  }
0x4d: {  	v4 =	vshll.u32 v4, $0x10;
	v3 =	vld [tilespmem:s0+$0x6110]  }
0x4e: {  	v9 =	vld [tilespmem:s0+$0x4110];
	v5 =	vand.u32 $0xFFFF0000, v5;
	v0 =	vadd.s32 $0x8000, v0;
	v1 =	vadd.s32 $0x8000, v1  }
0x4f: {  	v10 =	vld [tilespmem:s0+$0x120];
	v4 =	vadd.f32 v5, v4;
	v0 =	vshrl.u32 v0, $0x10;
	v1 =	vand.u32 $0xFFFF0000, v1  }
0x50: {  	v5 =	vld [tilespmem:s0+$0x6120];
	v0 =	vor.u32 v0, v1  }
0x51: {  	v11 =	vld [tilespmem:s0+$0x4120];
	v4 =	vadd.s32 $0x8000, v4;
	[tilespmem:s0+$0x8170] =	vst v0;
	v0 =	vshll.u32 v6, $0x10;
	v6 =	vand.u32 $0xFFFF0000, v7  }
0x52: {  	v1 =	vld [tilespmem:s0+$0x2120];
	v7 =	vshll.u32 v8, $0x10;
	v2 =	vshll.u32 v2, $0x10;
	v3 =	vand.u32 $0xFFFF0000, v3  }
0x53: {  	v8 =	vld [tilespmem:s0+$0x130];
	v0 =	vadd.f32 v6, v0;
	v6 =	vand.u32 $0xFFFF0000, v9;
	v2 =	vadd.f32 v3, v2  }
0x54: {  	v4 =	vshrl.u32 v4, $0x10;
	v9 =	vld [tilespmem:s0+$0x2130];
	v6 =	vadd.f32 v6, v7  }
0x55: {  	v5 =	vand.u32 $0xFFFF0000, v5;
	v3 =	vld [tilespmem:s0+$0x6130];
	v0 =	vadd.s32 $0x8000, v0;
	v2 =	vadd.s32 $0x8000, v2  }
0x56: {  	v7 =	vld [tilespmem:s0+$0x4130];
	v0 =	vand.u32 $0xFFFF0000, v0;
	v6 =	vadd.s32 $0x8000, v6;
	v2 =	vand.u32 $0xFFFF0000, v2  }
0x57: {  	v1 =	vshll.u32 v1, $0x10;
	v0 =	vor.u32 v4, v0;
	v4 =	vld [tilespmem:s0+$0x140];
	v6 =	vshrl.u32 v6, $0x10  }
0x58: {  	[tilespmem:s0+$0x8100] =	vst v0;
	v0 =	vshll.u32 v10, $0x10;
	v10 =	vand.u32 $0xFFFF0000, v11;
	v2 =	vor.u32 v6, v2;
	v6 =	vld [tilespmem:s0+$0x2140]  }
0x59: {  	v1 =	vadd.f32 v5, v1;
	v0 =	vadd.f32 v10, v0;
	v10 =	vld [tilespmem:s0+$0x4140]  }
0x5a: {  	v5 =	vshll.u32 v8, $0x10;
	v9 =	vshll.u32 v9, $0x10;
	v3 =	vand.u32 $0xFFFF0000, v3;
	[tilespmem:s0+$0x8110] =	vst v2;
	v2 =	vld [tilespmem:s0+$0x6140]  }
0x5b: {  	v8 =	vld [tilespmem:s0+$0x150];
	v7 =	vand.u32 $0xFFFF0000, v7;
	v1 =	vadd.s32 $0x8000, v1;
	v0 =	vadd.s32 $0x8000, v0  }
0x5c: {  	v5 =	vadd.f32 v7, v5;
	v1 =	vand.u32 $0xFFFF0000, v1;
	v7 =	vld [tilespmem:s0+$0x4150];
	v0 =	vshrl.u32 v0, $0x10  }
0x5d: {  	v0 =	vor.u32 v0, v1;
	v1 =	vadd.f32 v3, v9  }
0x5e: {  	v11 =	vld [tilespmem:s0+$0x2150];
	v3 =	vshll.u32 v4, $0x10;
	v6 =	vshll.u32 v6, $0x10;
	[tilespmem:s0+$0x8120] =	vst v0;
	v0 =	vadd.s32 $0x8000, v5  }
0x5f: {  	v4 =	vand.u32 $0xFFFF0000, v10;
	v5 =	vld [tilespmem:s0+$0x6150];
	v2 =	vand.u32 $0xFFFF0000, v2;
	v0 =	vshrl.u32 v0, $0x10  }
0x60: {  	v1 =	vadd.s32 $0x8000, v1;
	v3 =	vadd.f32 v4, v3;
	v4 =	vld [tilespmem:s0+$0x160];
	v2 =	vadd.f32 v2, v6  }
0x61: {  	v10 =	vld [tilespmem:s0+$0x4160];
	v6 =	vshll.u32 v8, $0x10;
	v7 =	vand.u32 $0xFFFF0000, v7;
	v1 =	vand.u32 $0xFFFF0000, v1  }
0x62: {  	v6 =	vadd.f32 v7, v6;
	v1 =	vor.u32 v0, v1;
	v0 =	vld [tilespmem:s0+$0x2160];
	v3 =	vadd.s32 $0x8000, v3  }
0x63: {  	s2 =	simm.s32 $0x80;
	v7 =	vshll.u32 v11, $0x10;
	[tilespmem:s0+$0x8130] =	vst v1;
	v8 =	vshrl.u32 v3, $0x10;
	v1 =	vld [tilespmem:s0+$0x6160]  }
0x64: {  	v3 =	vadd.s32 $0x8000, v2;
	v6 =	vadd.s32 $0x8000, v6;
	v2 =	vld [tilespmem:s2+$0x170];
	v5 =	vand.u32 $0xFFFF0000, v5  }
0x65: {  	v9 =	vand.u32 $0xFFFF0000, v3;
	v3 =	vld [tilespmem:s2+$0x4170];
	v7 =	vadd.f32 v5, v7;
	v5 =	vshll.u32 v4, $0x10  }
0x66: {  	s31 =	sshll.u32 s30, $0x6;
	s18 =	simm.s32 $0x400;
	v4 =	vld [tilespmem:s2+$0x2170];
	v9 =	vor.u32 v8, v9;
	v8 =	vshrl.u32 v6, $0x10;
	v6 =	vand.u32 $0xFFFF0000, v10  }
.LBB2_3:
0x67: {  	p0 =	sne.s32 s18, $0x7E00;
	v10 =	vld [tilespmem:s2+$0x6170];
	[tilespmem:s0+$0x8140] =	vst v9;
	v7 =	vadd.s32 $0x8000, v7;
	v5 =	vadd.f32 v6, v5;
	v0 =	vshll.u32 v0, $0x10  }
0x68: {  	v6 =	vld [tilespmem:s2+$0x100];
	v7 =	vand.u32 $0xFFFF0000, v7;
	v1 =	vand.u32 $0xFFFF0000, v1  }
0x69: {  	v9 =	vld [tilespmem:s2+$0x4100];
	v7 =	vor.u32 v8, v7;
	v0 =	vadd.f32 v1, v0;
	v1 =	vadd.s32 $0x8000, v5  }
0x6a: {  	v5 =	vld [tilespmem:s2+$0x2100];
	[tilespmem:s0+$0x8150] =	vst v7;
	v1 =	vshrl.u32 v1, $0x10  }
0x6b: {  	v2 =	vshll.u32 v2, $0x10;
	v7 =	vld [tilespmem:s2+$0x6100];
	v0 =	vadd.s32 $0x8000, v0  }
0x6c: {  	v3 =	vand.u32 $0xFFFF0000, v3;
	v4 =	vshll.u32 v4, $0x10;
	v8 =	vld [tilespmem:s2+$0x110];
	v10 =	vand.u32 $0xFFFF0000, v10  }
0x6d: {  	v2 =	vadd.f32 v3, v2;
	v6 =	vshll.u32 v6, $0x10;
	v11 =	vld [tilespmem:s2+$0x4110];
	v3 =	vadd.f32 v10, v4  }
0x6e: {  	v0 =	vand.u32 $0xFFFF0000, v0;
	v4 =	vand.u32 $0xFFFF0000, v9;
	v9 =	vld [tilespmem:s2+$0x2110]  }
0x6f: {  	v2 =	vadd.s32 $0x8000, v2;
	v5 =	vshll.u32 v5, $0x10;
	v10 =	vld [tilespmem:s2+$0x6110];
	v3 =	vadd.s32 $0x8000, v3  }
0x70: {  	v2 =	vshrl.u32 v2, $0x10;
	v7 =	vand.u32 $0xFFFF0000, v7;
	v12 =	vld [tilespmem:s2+$0x120];
	v3 =	vand.u32 $0xFFFF0000, v3  }
0x71: {  	v4 =	vadd.f32 v4, v6;
	v6 =	vshll.u32 v8, $0x10;
	v8 =	vld [tilespmem:s2+$0x4120];
	v2 =	vor.u32 v2, v3  }
0x72: {  	v0 =	vor.u32 v1, v0;
	v3 =	vadd.f32 v7, v5;
	v5 =	vand.u32 $0xFFFF0000, v11;
	v7 =	vld [tilespmem:s2+$0x2120];
	[tilespmem:s2+$0x8170] =	vst v2  }
0x73: {  	v1 =	vadd.s32 $0x8000, v4;
	v2 =	vadd.f32 v5, v6;
	v4 =	vshll.u32 v9, $0x10;
	v5 =	vld [tilespmem:s2+$0x6120];
	[tilespmem:s0+$0x8160] =	vst v0;
	s0 =	smov.u32 s2  }
0x74: {  	v0 =	vshrl.u32 v1, $0x10;
	v1 =	vadd.s32 $0x8000, v3;
	v3 =	vand.u32 $0xFFFF0000, v10;
	v6 =	vld [tilespmem:s0+$0x130]  }
0x75: {  	v3 =	vadd.f32 v3, v4;
	v2 =	vadd.s32 $0x8000, v2;
	v4 =	vshll.u32 v12, $0x10;
	v9 =	vld [tilespmem:s0+$0x4130]  }
0x76: {  	v1 =	vand.u32 $0xFFFF0000, v1;
	v2 =	vshrl.u32 v2, $0x10;
	v8 =	vand.u32 $0xFFFF0000, v8;
	v10 =	vld [tilespmem:s0+$0x2130]  }
0x77: {  	v3 =	vadd.s32 $0x8000, v3;
	v4 =	vadd.f32 v8, v4;
	v7 =	vshll.u32 v7, $0x10;
	v8 =	vld [tilespmem:s0+$0x6130]  }
0x78: {  	v0 =	vor.u32 v0, v1;
	v1 =	vand.u32 $0xFFFF0000, v3;
	v3 =	vand.u32 $0xFFFF0000, v5;
	v5 =	vld [tilespmem:s0+$0x140]  }
0x79: {  	[tilespmem:s0+$0x8100] =	vst v0;
	v0 =	vadd.f32 v3, v7;
	v3 =	vadd.s32 $0x8000, v4;
	v4 =	vshll.u32 v6, $0x10;
	v6 =	vld [tilespmem:s0+$0x4140]  }
0x7a: {  	v1 =	vor.u32 v2, v1;
	v2 =	vshrl.u32 v3, $0x10;
	v3 =	vand.u32 $0xFFFF0000, v9;
	v7 =	vld [tilespmem:s0+$0x2140]  }
0x7b: {  	[tilespmem:s0+$0x8110] =	vst v1;
	v0 =	vadd.s32 $0x8000, v0;
	v1 =	vadd.f32 v3, v4;
	v3 =	vshll.u32 v10, $0x10;
	v4 =	vld [tilespmem:s0+$0x6140]  }
0x7c: {  	v0 =	vand.u32 $0xFFFF0000, v0;
	v8 =	vand.u32 $0xFFFF0000, v8;
	v9 =	vld [tilespmem:s0+$0x150]  }
0x7d: {  	v3 =	vadd.f32 v8, v3;
	v1 =	vadd.s32 $0x8000, v1;
	v5 =	vshll.u32 v5, $0x10;
	v8 =	vld [tilespmem:s0+$0x4150]  }
0x7e: {  	v0 =	vor.u32 v2, v0;
	v1 =	vshrl.u32 v1, $0x10;
	v2 =	vand.u32 $0xFFFF0000, v6;
	v6 =	vld [tilespmem:s0+$0x2150]  }
0x7f: {  	[tilespmem:s0+$0x8120] =	vst v0;
	v0 =	vadd.s32 $0x8000, v3;
	v2 =	vadd.f32 v2, v5;
	v3 =	vshll.u32 v7, $0x10;
	v5 =	vld [tilespmem:s0+$0x6150]  }
0x80: {  	v0 =	vand.u32 $0xFFFF0000, v0;
	v4 =	vand.u32 $0xFFFF0000, v4;
	v10 =	vld [tilespmem:s0+$0x160]  }
0x81: {  	v3 =	vadd.f32 v4, v3;
	v2 =	vadd.s32 $0x8000, v2;
	v4 =	vshll.u32 v9, $0x10;
	v11 =	vld [tilespmem:s0+$0x4160]  }
.Ltmp4:
0x82: {  	v1 =	vor.u32 v1, v0;
	v9 =	vshrl.u32 v2, $0x10;
	v2 =	vand.u32 $0xFFFF0000, v8;
	v0 =	vld [tilespmem:s0+$0x2160];
	(pc) =	sbr.rel @p0 .LBB2_3-.Ltmp4, $4  }
0x83: {  	s2 =	sshra.s32 s18, $0x2;
	[tilespmem:s0+$0x8130] =	vst v1;
	v3 =	vadd.s32 $0x8000, v3;
	v4 =	vadd.f32 v2, v4;
	v6 =	vshll.u32 v6, $0x10;
	v1 =	vld [tilespmem:s0+$0x6160]  }
0x84: {  	v2 =	vld [tilespmem:s2+$0x170];
	v8 =	vand.u32 $0xFFFF0000, v3;
	v5 =	vand.u32 $0xFFFF0000, v5  }
0x85: {  	v3 =	vld [tilespmem:s2+$0x4170];
	v7 =	vadd.f32 v5, v6;
	v6 =	vadd.s32 $0x8000, v4;
	v5 =	vshll.u32 v10, $0x10  }
0x86: {  	s18 =	sadd.s32 $0x200, s18;
	v9 =	vor.u32 v9, v8;
	v4 =	vld [tilespmem:s2+$0x2170];
	v8 =	vshrl.u32 v6, $0x10;
	v6 =	vand.u32 $0xFFFF0000, v11  }
0x87: {  	v10 =	vld [tilespmem:s2+$0x6170];
	[tilespmem:s0+$0x8140] =	vst v9;
	v7 =	vadd.s32 $0x8000, v7  }
0x88: {  	v9 =	vld [tilespmem:s2+$0x100];
	v7 =	vand.u32 $0xFFFF0000, v7  }
0x89: {  	v11 =	vld [tilespmem:s2+$0x4100];
	v7 =	vor.u32 v8, v7  }
0x8a: {  	v20 =	vld [tilespmem:s2+$0x2100];
	[tilespmem:s0+$0x8150] =	vst v7  }
0x8b: {  	v5 =	vadd.f32 v6, v5;
	v0 =	vshll.u32 v0, $0x10;
	v2 =	vshll.u32 v2, $0x10;
	v7 =	vld [tilespmem:s2+$0x6100]  }
0x8c: {  	v3 =	vand.u32 $0xFFFF0000, v3;
	v12 =	vld [tilespmem:s2+$0x110];
	v4 =	vshll.u32 v4, $0x10;
	v10 =	vand.u32 $0xFFFF0000, v10  }
0x8d: {  	v1 =	vand.u32 $0xFFFF0000, v1;
	v13 =	vld [tilespmem:s2+$0x4110];
	v2 =	vadd.f32 v3, v2;
	v21 =	vadd.f32 v10, v4  }
0x8e: {  	v0 =	vadd.f32 v1, v0;
	v22 =	vld [tilespmem:s2+$0x2110]  }
0x8f: {  	v5 =	vadd.s32 $0x8000, v5;
	v23 =	vld [tilespmem:s2+$0x6110];
	v24 =	vadd.s32 $0x8000, v2;
	v25 =	vadd.s32 $0x8000, v21  }
0x90: {  	v26 =	vld [tilespmem:s2+$0x120];
	v0 =	vadd.s32 $0x8000, v0;
	v1 =	vshrl.u32 v24, $0x10;
	v2 =	vand.u32 $0xFFFF0000, v25  }
0x91: {  	v29 =	vshrl.u32 v5, $0x10;
	v27 =	vld [tilespmem:s2+$0x4120];
	v0 =	vand.u32 $0xFFFF0000, v0;
	v1 =	vor.u32 v1, v2  }
0x92: {  	v28 =	vld [tilespmem:s2+$0x2120];
	v0 =	vor.u32 v29, v0;
	[tilespmem:s2+$0x8170] =	vst v1  }
0x93: {  	v32 =	vld [tilespmem:s2+$0x6120];
	[tilespmem:s0+$0x8160] =	vst v0  }
0x94: {  	v35 =	vld [tilespmem:s2+$0x130]  }
0x95: {  	v30 =	vshll.u32 v9, $0x10;
	v31 =	vand.u32 $0xFFFF0000, v11;
	v36 =	vld [tilespmem:s2+$0x4130]  }
0x96: {  	v8 =	vshll.u32 v20, $0x10;
	v5 =	vadd.f32 v31, v30;
	v37 =	vld [tilespmem:s2+$0x2130]  }
0x97: {  	v7 =	vand.u32 $0xFFFF0000, v7;
	v33 =	vshll.u32 v12, $0x10;
	v34 =	vand.u32 $0xFFFF0000, v13;
	v39 =	vld [tilespmem:s2+$0x6130]  }
0x98: {  	v5 =	vadd.s32 $0x8000, v5;
	v4 =	vshll.u32 v22, $0x10;
	v6 =	vand.u32 $0xFFFF0000, v23;
	v40 =	vld [tilespmem:s2+$0x140]  }
0x99: {  	v3 =	vshll.u32 v26, $0x10;
	v41 =	vand.u32 $0xFFFF0000, v27;
	v7 =	vadd.f32 v7, v8;
	v42 =	vld [tilespmem:s2+$0x4140]  }
0x9a: {  	v5 =	vshrl.u32 v5, $0x10;
	v4 =	vadd.f32 v6, v4;
	v2 =	vshll.u32 v28, $0x10;
	v43 =	vld [tilespmem:s2+$0x2140]  }
0x9b: {  	v3 =	vadd.f32 v41, v3;
	v1 =	vand.u32 $0xFFFF0000, v32;
	v0 =	vadd.f32 v34, v33;
	v44 =	vld [tilespmem:s2+$0x6140]  }
0x9c: {  	v7 =	vadd.s32 $0x8000, v7;
	v4 =	vadd.s32 $0x8000, v4;
	v1 =	vadd.f32 v1, v2;
	v47 =	vld [tilespmem:s2+$0x150]  }
0x9d: {  	v45 =	vadd.s32 $0x8000, v3;
	v38 =	vand.u32 $0xFFFF0000, v7;
	v4 =	vand.u32 $0xFFFF0000, v4;
	v48 =	vld [tilespmem:s2+$0x4150]  }
0x9e: {  	v2 =	vshrl.u32 v45, $0x10;
	v49 =	vld [tilespmem:s2+$0x2150];
	v0 =	vadd.s32 $0x8000, v0;
	v1 =	vadd.s32 $0x8000, v1  }
0x9f: {  	v50 =	vld [tilespmem:s2+$0x6150];
	v5 =	vor.u32 v5, v38;
	v0 =	vshrl.u32 v0, $0x10;
	v1 =	vand.u32 $0xFFFF0000, v1  }
0xa0: {  	v51 =	vld [tilespmem:s2+$0x160];
	v0 =	vor.u32 v0, v4;
	v1 =	vor.u32 v2, v1;
	v46 =	vshll.u32 v35, $0x10  }
0xa1: {  	v52 =	vld [tilespmem:s2+$0x4160];
	v8 =	vand.u32 $0xFFFF0000, v36;
	v11 =	vshll.u32 v37, $0x10;
	v7 =	vand.u32 $0xFFFF0000, v39  }
0xa2: {  	[tilespmem:s2+$0x8100] =	vst v5;
	v6 =	vshll.u32 v40, $0x10;
	v10 =	vand.u32 $0xFFFF0000, v42;
	v4 =	vshll.u32 v43, $0x10  }
0xa3: {  	[tilespmem:s2+$0x8110] =	vst v0;
	v0 =	vand.u32 $0xFFFF0000, v44;
	v5 =	vshll.u32 v47, $0x10;
	v56 =	vand.u32 $0xFFFF0000, v48  }
0xa4: {  	v53 =	vld [tilespmem:s2+$0x2160];
	[tilespmem:s2+$0x8120] =	vst v1;
	v2 =	vshll.u32 v49, $0x10;
	v1 =	vand.u32 $0xFFFF0000, v50;
	v3 =	vadd.f32 v8, v46  }
0xa5: {  	v54 =	vld [tilespmem:s2+$0x6160];
	v57 =	vshll.u32 v51, $0x10;
	v7 =	vadd.f32 v7, v11;
	v6 =	vadd.f32 v10, v6  }
0xa6: {  	v58 =	vand.u32 $0xFFFF0000, v52;
	v0 =	vadd.f32 v0, v4;
	v5 =	vadd.f32 v56, v5  }
0xa7: {  	v1 =	vadd.f32 v1, v2;
	v3 =	vadd.s32 $0x8000, v3;
	v7 =	vadd.s32 $0x8000, v7  }
0xa8: {  	v2 =	vadd.f32 v58, v57;
	v3 =	vshrl.u32 v3, $0x10;
	v7 =	vand.u32 $0xFFFF0000, v7  }
0xa9: {  	v55 =	vadd.s32 $0x8000, v6;
	v0 =	vadd.s32 $0x8000, v0;
	v3 =	vor.u32 v3, v7  }
0xaa: {  	v5 =	vadd.s32 $0x8000, v5;
	v7 =	vshll.u32 v53, $0x10;
	[tilespmem:s2+$0x8130] =	vst v3;
	v3 =	vand.u32 $0xFFFF0000, v54  }
0xab: {  	v1 =	vadd.s32 $0x8000, v1;
	v2 =	vadd.s32 $0x8000, v2;
	v3 =	vadd.f32 v3, v7  }
0xac: {  	v4 =	vshrl.u32 v55, $0x10;
	v0 =	vand.u32 $0xFFFF0000, v0;
	v59 =	vshrl.u32 v5, $0x10  }
0xad: {  	v1 =	vand.u32 $0xFFFF0000, v1;
	v0 =	vor.u32 v4, v0;
	v3 =	vadd.s32 $0x8000, v3  }
0xae: {  	s19 =	sor.u32 s6, s31;
	v61 =	vshrl.u32 v2, $0x10;
	v60 =	vor.u32 v59, v1;
	[tilespmem:s2+$0x8140] =	vst v0;
	v62 =	vand.u32 $0xFFFF0000, v3  }
0xaf: {  	s0 =	sshll.u32 s19, $0xA;
	[tilespmem:s2+$0x8150] =	vst v60;
	v63 =	vor.u32 v61, v62  }
0xb0: {  	s0 =	sadd.s32 s7, s0;
	[tilespmem:s2+$0x8160] =	vst v63  }
0xb1: {  	[hbm4b:s0+s3] =	stream.linear.scatter [tilespmem:s25], [sflag:$0x3], $0x2000, $0x38;
	[tilespmem:$0x14200] =	vst v63  }
0xb2: {  	s0 =	sadd.s32 s31, s12  }
0xb3: {  	_ =	swait.ge [sflag:s16], $0x2000;
	p0 =	sgt.u32 s0, $0x9C3  }
0xb4: {  	[sflag:s16] =	ssyncset.done $0x0;
	s0 =	sshll.u32 @!p0 s0, $0x4  }
0xb5: {  	s18 =	simm.s32 @!p0 $0x0;
	[sflag:s16] =	ssyncadd.s32 $0xFFFFE000;
	s2 =	sadd.s32 @!p0 s1, s0  }
0xb6: {  	[tilespmem:s18], [sflag:$0x3] =	stream.linear.gather @!p0 [hbm4b:s2+s18], $0x80, $0x38;
	[tilespmem:$0x14200] =	vst v63  }
0xb7: {  	s2 =	simm.s32 @!p0 $0x3  }
0xb8: {  	_ =	swait.ge @!p0 [sflag:s2], $0x80  }
0xb9: {  	[sflag:s2] =	ssyncset.done @!p0 $0x0  }
0xba: {  	s19 =	simm.s32 @!p0 $0x80;
	s0 =	sadd.s32 @!p0 s4, s0;
	[sflag:s2] =	ssyncadd.s32 @!p0 $0xFFFFFF80  }
0xbb: {  	[tilespmem:s19], [sflag:$0x3] =	stream.linear.gather @!p0 [hbm4b:s0+s18], $0x80, $0x38;
	[tilespmem:$0x14200] =	vst v63  }
0xbc: {  	_ =	swait.ge @!p0 [sflag:s2], $0x80  }
0xbd: {  	[sflag:s2] =	ssyncset.done @!p0 $0x0  }
0xbe: {  	s0 =	simm.s32 @!p0 $0x100;
	[sflag:s2] =	ssyncadd.s32 @!p0 $0xFFFFFF80  }
0xbf: {  	[tilespmem:s0], [sflag:$0x1] =	stream.indirect.gather @!p0 [hbm4b:s5+s19], $0x80, s18, s19, $0xb8;
	[tilespmem:$0x14200] =	vst v63  }
0xc0: {  	s0 =	simm.s32 @!p0 $0x4100  }
0xc1: {  	[tilespmem:s0], [sflag:$0x1] =	stream.indirect.gather @!p0 [hbm4b:s5+s19], $0x80, s19, s19, $0xb8;
	[tilespmem:$0x14200] =	vst v63  }
0xc2: {  	s0 =	sadd.s32 s31, s13  }
0xc3: {  	p0 =	sgt.u32 s0, $0x9C3  }
.Ltmp5:
0xc4: {  	_ = 	snop;
	(pc) =	sbr.rel @p0 .LBB2_8-.Ltmp5, $1  }
0xc5: {  	_ =	sdelay $0x3  }
0xc6: {  	_ =	swait.ge [sflag:s26], $0x4000  }
0xc7: {  	[sflag:s26] =	ssyncset.done $0x0  }
0xc8: {  	[sflag:s26] =	ssyncadd.s32 $0xFFFFC000  }
0xc9: {  	_ =	swait.ge [sflag:s26], $0x4000  }
0xca: {  	[sflag:s26] =	ssyncset.done $0x0  }
0xcb: {  	s2 =	simm.s32 $0x0;
	[sflag:s26] =	ssyncadd.s32 $0xFFFFC000  }
0xcc: {  	v0 =	vld [tilespmem:s2+$0xA270]  }
0xcd: {  	v1 =	vld [tilespmem:s2+$0xE270]  }
0xce: {  	v2 =	vld [tilespmem:s2+$0xC270]  }
0xcf: {  	v3 =	vld [tilespmem:s2+$0x10270]  }
0xd0: {  	v4 =	vld [tilespmem:s2+$0xA200]  }
0xd1: {  	v5 =	vld [tilespmem:s2+$0xE200]  }
0xd2: {  	v6 =	vld [tilespmem:s2+$0xC200]  }
0xd3: {  	v7 =	vld [tilespmem:s2+$0x10200];
	v0 =	vshll.u32 v0, $0x10  }
0xd4: {  	v8 =	vld [tilespmem:s2+$0xA210];
	v1 =	vand.u32 $0xFFFF0000, v1;
	v2 =	vshll.u32 v2, $0x10;
	v3 =	vand.u32 $0xFFFF0000, v3  }
0xd5: {  	v0 =	vadd.f32 v1, v0;
	v1 =	vadd.f32 v3, v2;
	v2 =	vld [tilespmem:s2+$0xC210]  }
0xd6: {  	v4 =	vshll.u32 v4, $0x10;
	v3 =	vld [tilespmem:s2+$0x10210]  }
0xd7: {  	v9 =	vld [tilespmem:s2+$0xE210];
	v5 =	vand.u32 $0xFFFF0000, v5;
	v0 =	vadd.s32 $0x8000, v0;
	v1 =	vadd.s32 $0x8000, v1  }
0xd8: {  	v10 =	vld [tilespmem:s2+$0xA220];
	v4 =	vadd.f32 v5, v4;
	v0 =	vshrl.u32 v0, $0x10;
	v1 =	vand.u32 $0xFFFF0000, v1  }
0xd9: {  	v5 =	vld [tilespmem:s2+$0x10220];
	v0 =	vor.u32 v0, v1  }
0xda: {  	v11 =	vld [tilespmem:s2+$0xE220];
	v4 =	vadd.s32 $0x8000, v4;
	[tilespmem:s2+$0x12270] =	vst v0;
	v0 =	vshll.u32 v6, $0x10;
	v6 =	vand.u32 $0xFFFF0000, v7  }
0xdb: {  	v1 =	vld [tilespmem:s2+$0xC220];
	v7 =	vshll.u32 v8, $0x10;
	v2 =	vshll.u32 v2, $0x10;
	v3 =	vand.u32 $0xFFFF0000, v3  }
0xdc: {  	v8 =	vld [tilespmem:s2+$0xA230];
	v0 =	vadd.f32 v6, v0;
	v6 =	vand.u32 $0xFFFF0000, v9;
	v2 =	vadd.f32 v3, v2  }
0xdd: {  	v4 =	vshrl.u32 v4, $0x10;
	v9 =	vld [tilespmem:s2+$0xC230];
	v6 =	vadd.f32 v6, v7  }
0xde: {  	v5 =	vand.u32 $0xFFFF0000, v5;
	v3 =	vld [tilespmem:s2+$0x10230];
	v0 =	vadd.s32 $0x8000, v0;
	v2 =	vadd.s32 $0x8000, v2  }
0xdf: {  	v7 =	vld [tilespmem:s2+$0xE230];
	v0 =	vand.u32 $0xFFFF0000, v0;
	v6 =	vadd.s32 $0x8000, v6;
	v2 =	vand.u32 $0xFFFF0000, v2  }
0xe0: {  	v1 =	vshll.u32 v1, $0x10;
	v0 =	vor.u32 v4, v0;
	v4 =	vld [tilespmem:s2+$0xA240];
	v6 =	vshrl.u32 v6, $0x10  }
0xe1: {  	[tilespmem:s2+$0x12200] =	vst v0;
	v0 =	vshll.u32 v10, $0x10;
	v10 =	vand.u32 $0xFFFF0000, v11;
	v2 =	vor.u32 v6, v2;
	v6 =	vld [tilespmem:s2+$0xC240]  }
0xe2: {  	v1 =	vadd.f32 v5, v1;
	v0 =	vadd.f32 v10, v0;
	v10 =	vld [tilespmem:s2+$0xE240]  }
0xe3: {  	v5 =	vshll.u32 v8, $0x10;
	v9 =	vshll.u32 v9, $0x10;
	v3 =	vand.u32 $0xFFFF0000, v3;
	[tilespmem:s2+$0x12210] =	vst v2;
	v2 =	vld [tilespmem:s2+$0x10240]  }
0xe4: {  	v8 =	vld [tilespmem:s2+$0xA250];
	v7 =	vand.u32 $0xFFFF0000, v7;
	v1 =	vadd.s32 $0x8000, v1;
	v0 =	vadd.s32 $0x8000, v0  }
0xe5: {  	v5 =	vadd.f32 v7, v5;
	v1 =	vand.u32 $0xFFFF0000, v1;
	v7 =	vld [tilespmem:s2+$0xE250];
	v0 =	vshrl.u32 v0, $0x10  }
0xe6: {  	v0 =	vor.u32 v0, v1;
	v1 =	vadd.f32 v3, v9  }
0xe7: {  	v11 =	vld [tilespmem:s2+$0xC250];
	v3 =	vshll.u32 v4, $0x10;
	v6 =	vshll.u32 v6, $0x10;
	[tilespmem:s2+$0x12220] =	vst v0;
	v0 =	vadd.s32 $0x8000, v5  }
0xe8: {  	v4 =	vand.u32 $0xFFFF0000, v10;
	v5 =	vld [tilespmem:s2+$0x10250];
	v2 =	vand.u32 $0xFFFF0000, v2;
	v0 =	vshrl.u32 v0, $0x10  }
0xe9: {  	v1 =	vadd.s32 $0x8000, v1;
	v3 =	vadd.f32 v4, v3;
	v4 =	vld [tilespmem:s2+$0xA260];
	v2 =	vadd.f32 v2, v6  }
0xea: {  	v10 =	vld [tilespmem:s2+$0xE260];
	v6 =	vshll.u32 v8, $0x10;
	v7 =	vand.u32 $0xFFFF0000, v7;
	v1 =	vand.u32 $0xFFFF0000, v1  }
0xeb: {  	v6 =	vadd.f32 v7, v6;
	v1 =	vor.u32 v0, v1;
	v0 =	vld [tilespmem:s2+$0xC260];
	v3 =	vadd.s32 $0x8000, v3  }
0xec: {  	s18 =	simm.s32 $0x80;
	v7 =	vshll.u32 v11, $0x10;
	[tilespmem:s2+$0x12230] =	vst v1;
	v8 =	vshrl.u32 v3, $0x10;
	v1 =	vld [tilespmem:s2+$0x10260]  }
0xed: {  	v3 =	vadd.s32 $0x8000, v2;
	v6 =	vadd.s32 $0x8000, v6;
	v2 =	vld [tilespmem:s18+$0xA270];
	v5 =	vand.u32 $0xFFFF0000, v5  }
0xee: {  	v9 =	vand.u32 $0xFFFF0000, v3;
	v3 =	vld [tilespmem:s18+$0xE270];
	v7 =	vadd.f32 v5, v7;
	v5 =	vshll.u32 v4, $0x10  }
0xef: {  	s19 =	simm.s32 $0x400;
	v4 =	vld [tilespmem:s18+$0xC270];
	v9 =	vor.u32 v8, v9;
	v8 =	vshrl.u32 v6, $0x10;
	v6 =	vand.u32 $0xFFFF0000, v10  }
.LBB2_6:
0xf0: {  	p0 =	sne.s32 s19, $0x7E00;
	v10 =	vld [tilespmem:s18+$0x10270];
	[tilespmem:s2+$0x12240] =	vst v9;
	v7 =	vadd.s32 $0x8000, v7;
	v5 =	vadd.f32 v6, v5;
	v0 =	vshll.u32 v0, $0x10  }
0xf1: {  	v6 =	vld [tilespmem:s18+$0xA200];
	v7 =	vand.u32 $0xFFFF0000, v7;
	v1 =	vand.u32 $0xFFFF0000, v1  }
0xf2: {  	v9 =	vld [tilespmem:s18+$0xE200];
	v7 =	vor.u32 v8, v7;
	v0 =	vadd.f32 v1, v0;
	v1 =	vadd.s32 $0x8000, v5  }
0xf3: {  	v5 =	vld [tilespmem:s18+$0xC200];
	[tilespmem:s2+$0x12250] =	vst v7;
	v1 =	vshrl.u32 v1, $0x10  }
0xf4: {  	v2 =	vshll.u32 v2, $0x10;
	v7 =	vld [tilespmem:s18+$0x10200];
	v0 =	vadd.s32 $0x8000, v0  }
0xf5: {  	v3 =	vand.u32 $0xFFFF0000, v3;
	v4 =	vshll.u32 v4, $0x10;
	v8 =	vld [tilespmem:s18+$0xA210];
	v10 =	vand.u32 $0xFFFF0000, v10  }
0xf6: {  	v2 =	vadd.f32 v3, v2;
	v6 =	vshll.u32 v6, $0x10;
	v11 =	vld [tilespmem:s18+$0xE210];
	v3 =	vadd.f32 v10, v4  }
0xf7: {  	v0 =	vand.u32 $0xFFFF0000, v0;
	v4 =	vand.u32 $0xFFFF0000, v9;
	v9 =	vld [tilespmem:s18+$0xC210]  }
0xf8: {  	v2 =	vadd.s32 $0x8000, v2;
	v5 =	vshll.u32 v5, $0x10;
	v10 =	vld [tilespmem:s18+$0x10210];
	v3 =	vadd.s32 $0x8000, v3  }
0xf9: {  	v2 =	vshrl.u32 v2, $0x10;
	v7 =	vand.u32 $0xFFFF0000, v7;
	v12 =	vld [tilespmem:s18+$0xA220];
	v3 =	vand.u32 $0xFFFF0000, v3  }
0xfa: {  	v4 =	vadd.f32 v4, v6;
	v6 =	vshll.u32 v8, $0x10;
	v8 =	vld [tilespmem:s18+$0xE220];
	v2 =	vor.u32 v2, v3  }
0xfb: {  	v0 =	vor.u32 v1, v0;
	v3 =	vadd.f32 v7, v5;
	v5 =	vand.u32 $0xFFFF0000, v11;
	v7 =	vld [tilespmem:s18+$0xC220];
	[tilespmem:s18+$0x12270] =	vst v2  }
0xfc: {  	v1 =	vadd.s32 $0x8000, v4;
	v2 =	vadd.f32 v5, v6;
	v4 =	vshll.u32 v9, $0x10;
	v5 =	vld [tilespmem:s18+$0x10220];
	[tilespmem:s2+$0x12260] =	vst v0;
	s2 =	smov.u32 s18  }
0xfd: {  	v0 =	vshrl.u32 v1, $0x10;
	v1 =	vadd.s32 $0x8000, v3;
	v3 =	vand.u32 $0xFFFF0000, v10;
	v6 =	vld [tilespmem:s2+$0xA230]  }
0xfe: {  	v3 =	vadd.f32 v3, v4;
	v2 =	vadd.s32 $0x8000, v2;
	v4 =	vshll.u32 v12, $0x10;
	v9 =	vld [tilespmem:s2+$0xE230]  }
0xff: {  	v1 =	vand.u32 $0xFFFF0000, v1;
	v2 =	vshrl.u32 v2, $0x10;
	v8 =	vand.u32 $0xFFFF0000, v8;
	v10 =	vld [tilespmem:s2+$0xC230]  }
0x100: {  	v3 =	vadd.s32 $0x8000, v3;
	v4 =	vadd.f32 v8, v4;
	v7 =	vshll.u32 v7, $0x10;
	v8 =	vld [tilespmem:s2+$0x10230]  }
0x101: {  	v0 =	vor.u32 v0, v1;
	v1 =	vand.u32 $0xFFFF0000, v3;
	v3 =	vand.u32 $0xFFFF0000, v5;
	v5 =	vld [tilespmem:s2+$0xA240]  }
0x102: {  	[tilespmem:s2+$0x12200] =	vst v0;
	v0 =	vadd.f32 v3, v7;
	v3 =	vadd.s32 $0x8000, v4;
	v4 =	vshll.u32 v6, $0x10;
	v6 =	vld [tilespmem:s2+$0xE240]  }
0x103: {  	v1 =	vor.u32 v2, v1;
	v2 =	vshrl.u32 v3, $0x10;
	v3 =	vand.u32 $0xFFFF0000, v9;
	v7 =	vld [tilespmem:s2+$0xC240]  }
0x104: {  	[tilespmem:s2+$0x12210] =	vst v1;
	v0 =	vadd.s32 $0x8000, v0;
	v1 =	vadd.f32 v3, v4;
	v3 =	vshll.u32 v10, $0x10;
	v4 =	vld [tilespmem:s2+$0x10240]  }
0x105: {  	v0 =	vand.u32 $0xFFFF0000, v0;
	v8 =	vand.u32 $0xFFFF0000, v8;
	v9 =	vld [tilespmem:s2+$0xA250]  }
0x106: {  	v3 =	vadd.f32 v8, v3;
	v1 =	vadd.s32 $0x8000, v1;
	v5 =	vshll.u32 v5, $0x10;
	v8 =	vld [tilespmem:s2+$0xE250]  }
0x107: {  	v0 =	vor.u32 v2, v0;
	v1 =	vshrl.u32 v1, $0x10;
	v2 =	vand.u32 $0xFFFF0000, v6;
	v6 =	vld [tilespmem:s2+$0xC250]  }
0x108: {  	[tilespmem:s2+$0x12220] =	vst v0;
	v0 =	vadd.s32 $0x8000, v3;
	v2 =	vadd.f32 v2, v5;
	v3 =	vshll.u32 v7, $0x10;
	v5 =	vld [tilespmem:s2+$0x10250]  }
0x109: {  	v0 =	vand.u32 $0xFFFF0000, v0;
	v4 =	vand.u32 $0xFFFF0000, v4;
	v10 =	vld [tilespmem:s2+$0xA260]  }
0x10a: {  	v3 =	vadd.f32 v4, v3;
	v2 =	vadd.s32 $0x8000, v2;
	v4 =	vshll.u32 v9, $0x10;
	v11 =	vld [tilespmem:s2+$0xE260]  }
.Ltmp6:
0x10b: {  	v1 =	vor.u32 v1, v0;
	v9 =	vshrl.u32 v2, $0x10;
	v2 =	vand.u32 $0xFFFF0000, v8;
	v0 =	vld [tilespmem:s2+$0xC260];
	(pc) =	sbr.rel @p0 .LBB2_6-.Ltmp6, $4  }
0x10c: {  	s18 =	sshra.s32 s19, $0x2;
	[tilespmem:s2+$0x12230] =	vst v1;
	v3 =	vadd.s32 $0x8000, v3;
	v4 =	vadd.f32 v2, v4;
	v6 =	vshll.u32 v6, $0x10;
	v1 =	vld [tilespmem:s2+$0x10260]  }
0x10d: {  	v2 =	vld [tilespmem:s18+$0xA270];
	v8 =	vand.u32 $0xFFFF0000, v3;
	v5 =	vand.u32 $0xFFFF0000, v5  }
0x10e: {  	v3 =	vld [tilespmem:s18+$0xE270];
	v7 =	vadd.f32 v5, v6;
	v6 =	vadd.s32 $0x8000, v4;
	v5 =	vshll.u32 v10, $0x10  }
0x10f: {  	s19 =	sadd.s32 $0x200, s19;
	v9 =	vor.u32 v9, v8;
	v4 =	vld [tilespmem:s18+$0xC270];
	v8 =	vshrl.u32 v6, $0x10;
	v6 =	vand.u32 $0xFFFF0000, v11  }
0x110: {  	v10 =	vld [tilespmem:s18+$0x10270];
	[tilespmem:s2+$0x12240] =	vst v9;
	v7 =	vadd.s32 $0x8000, v7  }
0x111: {  	v9 =	vld [tilespmem:s18+$0xA200];
	v7 =	vand.u32 $0xFFFF0000, v7  }
0x112: {  	v11 =	vld [tilespmem:s18+$0xE200];
	v7 =	vor.u32 v8, v7  }
0x113: {  	v20 =	vld [tilespmem:s18+$0xC200];
	[tilespmem:s2+$0x12250] =	vst v7  }
0x114: {  	v5 =	vadd.f32 v6, v5;
	v0 =	vshll.u32 v0, $0x10;
	v2 =	vshll.u32 v2, $0x10;
	v7 =	vld [tilespmem:s18+$0x10200]  }
0x115: {  	v3 =	vand.u32 $0xFFFF0000, v3;
	v12 =	vld [tilespmem:s18+$0xA210];
	v4 =	vshll.u32 v4, $0x10;
	v10 =	vand.u32 $0xFFFF0000, v10  }
0x116: {  	v1 =	vand.u32 $0xFFFF0000, v1;
	v13 =	vld [tilespmem:s18+$0xE210];
	v2 =	vadd.f32 v3, v2;
	v21 =	vadd.f32 v10, v4  }
0x117: {  	v0 =	vadd.f32 v1, v0;
	v22 =	vld [tilespmem:s18+$0xC210]  }
0x118: {  	v5 =	vadd.s32 $0x8000, v5;
	v23 =	vld [tilespmem:s18+$0x10210];
	v24 =	vadd.s32 $0x8000, v2;
	v25 =	vadd.s32 $0x8000, v21  }
0x119: {  	v26 =	vld [tilespmem:s18+$0xA220];
	v0 =	vadd.s32 $0x8000, v0;
	v1 =	vshrl.u32 v24, $0x10;
	v2 =	vand.u32 $0xFFFF0000, v25  }
0x11a: {  	v29 =	vshrl.u32 v5, $0x10;
	v27 =	vld [tilespmem:s18+$0xE220];
	v0 =	vand.u32 $0xFFFF0000, v0;
	v1 =	vor.u32 v1, v2  }
0x11b: {  	v28 =	vld [tilespmem:s18+$0xC220];
	v0 =	vor.u32 v29, v0;
	[tilespmem:s18+$0x12270] =	vst v1  }
0x11c: {  	v32 =	vld [tilespmem:s18+$0x10220];
	[tilespmem:s2+$0x12260] =	vst v0  }
0x11d: {  	v35 =	vld [tilespmem:s18+$0xA230]  }
0x11e: {  	v30 =	vshll.u32 v9, $0x10;
	v31 =	vand.u32 $0xFFFF0000, v11;
	v36 =	vld [tilespmem:s18+$0xE230]  }
0x11f: {  	v8 =	vshll.u32 v20, $0x10;
	v5 =	vadd.f32 v31, v30;
	v37 =	vld [tilespmem:s18+$0xC230]  }
0x120: {  	v7 =	vand.u32 $0xFFFF0000, v7;
	v33 =	vshll.u32 v12, $0x10;
	v34 =	vand.u32 $0xFFFF0000, v13;
	v39 =	vld [tilespmem:s18+$0x10230]  }
0x121: {  	v5 =	vadd.s32 $0x8000, v5;
	v4 =	vshll.u32 v22, $0x10;
	v6 =	vand.u32 $0xFFFF0000, v23;
	v40 =	vld [tilespmem:s18+$0xA240]  }
0x122: {  	v3 =	vshll.u32 v26, $0x10;
	v41 =	vand.u32 $0xFFFF0000, v27;
	v7 =	vadd.f32 v7, v8;
	v42 =	vld [tilespmem:s18+$0xE240]  }
0x123: {  	v5 =	vshrl.u32 v5, $0x10;
	v4 =	vadd.f32 v6, v4;
	v2 =	vshll.u32 v28, $0x10;
	v43 =	vld [tilespmem:s18+$0xC240]  }
0x124: {  	v3 =	vadd.f32 v41, v3;
	v1 =	vand.u32 $0xFFFF0000, v32;
	v0 =	vadd.f32 v34, v33;
	v44 =	vld [tilespmem:s18+$0x10240]  }
0x125: {  	v7 =	vadd.s32 $0x8000, v7;
	v4 =	vadd.s32 $0x8000, v4;
	v1 =	vadd.f32 v1, v2;
	v47 =	vld [tilespmem:s18+$0xA250]  }
0x126: {  	v45 =	vadd.s32 $0x8000, v3;
	v38 =	vand.u32 $0xFFFF0000, v7;
	v4 =	vand.u32 $0xFFFF0000, v4;
	v48 =	vld [tilespmem:s18+$0xE250]  }
0x127: {  	v2 =	vshrl.u32 v45, $0x10;
	v49 =	vld [tilespmem:s18+$0xC250];
	v0 =	vadd.s32 $0x8000, v0;
	v1 =	vadd.s32 $0x8000, v1  }
0x128: {  	v50 =	vld [tilespmem:s18+$0x10250];
	v5 =	vor.u32 v5, v38;
	v0 =	vshrl.u32 v0, $0x10;
	v1 =	vand.u32 $0xFFFF0000, v1  }
0x129: {  	v51 =	vld [tilespmem:s18+$0xA260];
	v0 =	vor.u32 v0, v4;
	v1 =	vor.u32 v2, v1;
	v46 =	vshll.u32 v35, $0x10  }
0x12a: {  	v52 =	vld [tilespmem:s18+$0xE260];
	v8 =	vand.u32 $0xFFFF0000, v36;
	v11 =	vshll.u32 v37, $0x10;
	v7 =	vand.u32 $0xFFFF0000, v39  }
0x12b: {  	[tilespmem:s18+$0x12200] =	vst v5;
	v6 =	vshll.u32 v40, $0x10;
	v10 =	vand.u32 $0xFFFF0000, v42;
	v4 =	vshll.u32 v43, $0x10  }
0x12c: {  	[tilespmem:s18+$0x12210] =	vst v0;
	v0 =	vand.u32 $0xFFFF0000, v44;
	v5 =	vshll.u32 v47, $0x10;
	v56 =	vand.u32 $0xFFFF0000, v48  }
0x12d: {  	v53 =	vld [tilespmem:s18+$0xC260];
	[tilespmem:s18+$0x12220] =	vst v1;
	v2 =	vshll.u32 v49, $0x10;
	v1 =	vand.u32 $0xFFFF0000, v50;
	v3 =	vadd.f32 v8, v46  }
0x12e: {  	v54 =	vld [tilespmem:s18+$0x10260];
	v57 =	vshll.u32 v51, $0x10;
	v7 =	vadd.f32 v7, v11;
	v6 =	vadd.f32 v10, v6  }
0x12f: {  	v58 =	vand.u32 $0xFFFF0000, v52;
	v0 =	vadd.f32 v0, v4;
	v5 =	vadd.f32 v56, v5  }
0x130: {  	v1 =	vadd.f32 v1, v2;
	v3 =	vadd.s32 $0x8000, v3;
	v7 =	vadd.s32 $0x8000, v7  }
0x131: {  	v2 =	vadd.f32 v58, v57;
	v3 =	vshrl.u32 v3, $0x10;
	v7 =	vand.u32 $0xFFFF0000, v7  }
0x132: {  	v55 =	vadd.s32 $0x8000, v6;
	v0 =	vadd.s32 $0x8000, v0;
	v3 =	vor.u32 v3, v7  }
0x133: {  	v5 =	vadd.s32 $0x8000, v5;
	v7 =	vshll.u32 v53, $0x10;
	[tilespmem:s18+$0x12230] =	vst v3;
	v3 =	vand.u32 $0xFFFF0000, v54  }
0x134: {  	v1 =	vadd.s32 $0x8000, v1;
	v2 =	vadd.s32 $0x8000, v2;
	v3 =	vadd.f32 v3, v7  }
0x135: {  	v4 =	vshrl.u32 v55, $0x10;
	v0 =	vand.u32 $0xFFFF0000, v0;
	v59 =	vshrl.u32 v5, $0x10  }
0x136: {  	s0 =	sshll.u32 s0, $0xD;
	v1 =	vand.u32 $0xFFFF0000, v1;
	v0 =	vor.u32 v4, v0;
	v3 =	vadd.s32 $0x8000, v3  }
0x137: {  	s0 =	sadd.s32 $0xFF63C000, s0;
	v61 =	vshrl.u32 v2, $0x10;
	v60 =	vor.u32 v59, v1;
	[tilespmem:s18+$0x12240] =	vst v0;
	v62 =	vand.u32 $0xFFFF0000, v3  }
0x138: {  	s0 =	sshrl.u32 s0, $0x3;
	[tilespmem:s18+$0x12250] =	vst v60;
	v63 =	vor.u32 v61, v62  }
.Ltmp7:
0x139: {  	s0 =	sadd.s32 s7, s0;
	[tilespmem:s18+$0x12260] =	vst v63;
	(pc) =	sbr.rel .LBB2_8-.Ltmp7, $4  }
0x13a: {  	[hbm4b:s0+s3] =	stream.linear.scatter [tilespmem:s28], [sflag:$0x3], $0x2000, $0x38;
	[tilespmem:$0x14200] =	vst v63  }
0x13b: {  	_ =	swait.ge [sflag:s16], $0x2000  }
0x13c: {  	[sflag:s16] =	ssyncset.done $0x0  }
0x13d: {  	[sflag:s16] =	ssyncadd.s32 $0xFFFFE000  }
.LBB2_10:
0x13e: {  	_ =	sfence.sel $0x180000  }
0x13f: {  	[bflag:$0x0] =	sbarrier.arrive $0xFFFF  }
0x140: {  	_ =	strace $0x9000004A  }
0x141: {  	s0 =	stileid.u32;
	[bflag:$0x2] =	sbarrier.arrive $0xFFFF  }
0x142: {  	p0 =	sne.s32 s0, $0x0;
	s0 =	rddreg [dreg:$0x2]  }
0x143: {  	s0 =	sadd.s32 @!p0 $0x100000, s0  }
0x144: {  	[sflag:s0] =	ssyncadd.tile.s32 @!p0 $0x1;
	_ =	shalt  }
.Lfunc_end2:
_tile_overlayer_lowered:
.L_overlay_start_2:
0x145: {  	(tag) =	ssettag $0x2  }
0x146: {  	s0 =	rddreg [dreg:$0x0];
	s2 =	stileid.u32  }
0x147: {  	s1 =	rddreg [dreg:$0x1];
	p0 =	sne.s32 s2, $0x0  }
0x148: {  	s3 =	rddreg [dreg:$0x2];
	[bflag:$0x3] =	sbarrier.arrive $0xFFFF;
	s2 =	simm.s32 @!p0 $0x1C03  }
0x149: {  	[timem:s3], [sflag:s2] =	dma.local @!p0 [hbm:s0], s1  }
0x14a: {  	s0 =	simm.s32 @!p0 $0x3  }
0x14b: {  	_ =	swait.ge @!p0 [sflag:s0], s1  }
0x14c: {  	s1 =	ssub.s32 @!p0 $0x0, s1;
	[sflag:s0] =	ssyncset.done @!p0 $0x0  }
0x14d: {  	[sflag:s0] =	ssyncadd.s32 @!p0 s1  }
0x14e: {  	[bflag:$0x3] =	sbarrier.arrive $0xFFFF  }
0x14f: {  	_ =	shalt  }

// kernel: kernel.15.cloned.1.call-start
scs
__scs_entry_jumppad:
0x0: {  	(pc) =	sbr.rel $0x88, $3  }
0x1: {  	(tag) =	ssettag $0x0;
	lr =	simm.s32 $0x1  }
0x2: {  	[smem:$0x3F94] =	sst lr;
	_ =	strace $0xD0000000  }
0x3: {  	_ = 	snop  }
0x4: {  	_ = 	snop  }
0x5: {  	_ = 	snop  }
0x6: {  	_ = 	snop  }
0x7: {  	_ = 	snop  }
__scs_overlays_trampoline_lowered:
0x8: {  	[smem:$0x3FA3] =	sst s0  }
0x9: {  	[smem:$0x3FA4] =	sst s1  }
0xa: {  	[smem:$0x3FA5] =	sst s2  }
0xb: {  	[smem:$0x3FA6] =	sst s3  }
0xc: {  	[smem:$0x3FA7] =	sst s4  }
0xd: {  	[smem:$0x3FA8] =	sst s5  }
0xe: {  	[smem:$0x3FA9] =	sst s6  }
0xf: {  	[smem:$0x3FAA] =	sst s7  }
0x10: {  	[smem:$0x3FAB] =	sst s8  }
0x11: {  	[smem:$0x3FAC] =	sst s9;
	s0 =	simm.s32 @!p0 $0x0  }
0x12: {  	s1 =	sld [smem:$0x3F92];
	s0 =	simm.s32 @p0 $0x1  }
0x13: {  	[smem:$0x3FAD] =	sst s0;
	s0 =	simm.s32 @!p1 $0x0  }
0x14: {  	s2 =	sld [smem:$0x3F91];
	s0 =	simm.s32 @p1 $0x1  }
0x15: {  	[smem:$0x3FAE] =	sst s0;
	s0 =	simm.s32 @!p2 $0x0  }
0x16: {  	s3 =	sld [smem:$0x3FDB];
	s0 =	simm.s32 @p2 $0x1  }
0x17: {  	s4 =	simm.s32 $0x1BF5;
	[smem:$0x3FB0] =	sst s0  }
0x18: {  	s0 =	sld [smem:$0x3F93];
	_ =	swait.ge [sflag:s4], $0x0  }
0x19: {  	s7 =	sld [smem:$0x3F94]  }
0x1a: {  	s8 =	sadd.s32 $0xFFFFE003, lr  }
0x1b: {  	s9 =	sadd.s32 $0xFFFFFEF7, lr;
	s5 =	simm.s32 $0xFFFFFFFF;
	p2 =	slt.u32 s8, $0xFFFFF086  }
0x1c: {  	p1 =	slt.u32 s9, $0xF7A;
	s5 =	simm.s32 @!p2 $0x0  }
0x1d: {  	s5 =	simm.s32 @p1 $0x1;
	p0 =	seq.s32 s7, s2  }
0x1e: {  	s7 =	smul.u32 @!p0 $0xF7A, s2;
	p2 =	seq.s32 @!p0 s5, $0x0  }
0x1f: {  	s9 =	smul.u32 $0xF7A, s1;
	s8 =	simm.s32 @!p0 $0x1BF5;
	p2 =	por !p2, p0  }
0x20: {  	[sflag:s8] =	ssyncset.s32 @!p0 $0xFFFFF086;
	s6 =	sadd.s32 @!p0 s3, s7;
	s7 =	simm.s32 @!p0 $0x108  }
0x21: {  	s3 =	sadd.s32 s3, s9;
	s6 =	sadd.s32 @!p0 $0x88, s6;
	s7 =	simm.s32 @p2 $0x1082  }
0x22: {  	[simem:s7], [sflag:s8] =	dma.local @!p0 [hbm:s6], $0xF7A  }
0x23: {  	s9 =	sor.u32 $0xD0000000, s2;
	s6 =	simm.s32 $0x108;
	_ =	swait.ge @!p0 [sflag:s8], $0x0  }
0x24: {  	s3 =	sadd.s32 $0x88, s3;
	s6 =	simm.s32 @!p1 $0x1082;
	[sflag:s4] =	ssyncset.s32 $0xFFFFF086  }
0x25: {  	[simem:s6], [sflag:s4] =	dma.local [hbm:s3], $0xF7A  }
0x26: {  	[smem:$0x3F94] =	sst s1;
	(tag) =	ssettag s2;
	_ =	strace s9  }
0x27: {  	s1 =	sld [smem:$0x3FA4]  }
0x28: {  	s2 =	sld [smem:$0x3FA5]  }
0x29: {  	s4 =	sld [smem:$0x3FA7]  }
0x2a: {  	p0 =	seq.s32 s5, $0x0;
	s5 =	sld [smem:$0x3FA8]  }
0x2b: {  	s6 =	sld [smem:$0x3FA9]  }
0x2c: {  	s7 =	sld [smem:$0x3FAA]  }
0x2d: {  	s3 =	simm.s32 $0x108;
	s8 =	sld [smem:$0x3FAB]  }
0x2e: {  	s3 =	simm.s32 @!p0 $0x1082;
	s9 =	sld [smem:$0x3FAC]  }
0x2f: {  	lr =	sadd.s32 s0, s3;
	s0 =	sld [smem:$0x3FA3]  }
0x30: {  	s3 =	sld [smem:$0x3FA6]  }
0x31: {  	[smem:$0x3FAF] =	sst s10  }
0x32: {  	s10 =	sld [smem:$0x3FAD];
	_ =	sdelay $0x3  }
0x33: {  	p0 =	seq.s32 s10, $0x1;
	s10 =	sld [smem:$0x3FAF];
	_ =	sdelay $0x3  }
0x34: {  	[smem:$0x3FAF] =	sst s10  }
0x35: {  	s10 =	sld [smem:$0x3FAE];
	_ =	sdelay $0x3  }
0x36: {  	p1 =	seq.s32 s10, $0x1;
	s10 =	sld [smem:$0x3FAF];
	_ =	sdelay $0x3  }
0x37: {  	[smem:$0x3FAF] =	sst s10  }
0x38: {  	s10 =	sld [smem:$0x3FB0]  }
0x39: {  	_ = 	snop;
	(pc) =	sbr.ind lr, $3  }
0x3a: {  	_ = 	snop  }
0x3b: {  	_ = 	snop  }
0x3c: {  	p2 =	seq.s32 s10, $0x1;
	s10 =	sld [smem:$0x3FAF]  }
0x3d: {  	_ =	shalt  }
0x3e: {  	_ =	shalt  }
0x3f: {  	_ =	shalt  }
0x40: {  	_ =	shalt  }
0x41: {  	_ =	shalt  }
0x42: {  	_ =	shalt  }
0x43: {  	_ =	shalt  }
0x44: {  	_ =	shalt  }
0x45: {  	_ =	shalt  }
0x46: {  	_ =	shalt  }
0x47: {  	_ =	shalt  }
0x48: {  	_ =	shalt  }
0x49: {  	_ =	shalt  }
0x4a: {  	_ =	shalt  }
0x4b: {  	_ =	shalt  }
0x4c: {  	_ =	shalt  }
0x4d: {  	_ =	shalt  }
0x4e: {  	_ =	shalt  }
0x4f: {  	_ =	shalt  }
0x50: {  	_ =	shalt  }
0x51: {  	_ =	shalt  }
0x52: {  	_ =	shalt  }
0x53: {  	_ =	shalt  }
0x54: {  	_ =	shalt  }
0x55: {  	_ =	shalt  }
0x56: {  	_ =	shalt  }
0x57: {  	_ =	shalt  }
0x58: {  	_ =	shalt  }
0x59: {  	_ =	shalt  }
0x5a: {  	_ =	shalt  }
0x5b: {  	_ =	shalt  }
0x5c: {  	_ =	shalt  }
0x5d: {  	_ =	shalt  }
0x5e: {  	_ =	shalt  }
0x5f: {  	_ =	shalt  }
0x60: {  	_ =	shalt  }
0x61: {  	_ =	shalt  }
0x62: {  	_ =	shalt  }
0x63: {  	_ =	shalt  }
0x64: {  	_ =	shalt  }
0x65: {  	_ =	shalt  }
0x66: {  	_ =	shalt  }
0x67: {  	_ =	shalt  }
0x68: {  	_ =	shalt  }
0x69: {  	_ =	shalt  }
0x6a: {  	_ =	shalt  }
0x6b: {  	_ =	shalt  }
0x6c: {  	_ =	shalt  }
0x6d: {  	_ =	shalt  }
0x6e: {  	_ =	shalt  }
0x6f: {  	_ =	shalt  }
0x70: {  	_ =	shalt  }
0x71: {  	_ =	shalt  }
0x72: {  	_ =	shalt  }
0x73: {  	_ =	shalt  }
0x74: {  	_ =	shalt  }
0x75: {  	_ =	shalt  }
0x76: {  	_ =	shalt  }
0x77: {  	_ =	shalt  }
0x78: {  	_ =	shalt  }
0x79: {  	_ =	shalt  }
0x7a: {  	_ =	shalt  }
0x7b: {  	_ =	shalt  }
0x7c: {  	_ =	shalt  }
0x7d: {  	_ =	shalt  }
0x7e: {  	_ =	shalt  }
0x7f: {  	_ =	shalt  }
0x80: {  	_ =	shalt  }
0x81: {  	_ =	shalt  }
0x82: {  	_ =	shalt  }
0x83: {  	_ =	shalt  }
0x84: {  	_ =	shalt  }
0x85: {  	_ =	shalt  }
0x86: {  	_ =	shalt  }
0x87: {  	_ =	shalt  }
.Lfunc_end0:
.L_simem_size_0:
called_computation.2_lowered:
.L_overlay_start_0:
0x88: {  	s2 =	sld [smem:$0x3FD9]  }
0x89: {  	s3 =	sld [smem:$0x3FFE];
	_ =	sdelay $0x1  }
0x8a: {  	s1 =	srdreg.scid  }
0x8b: {  	s0 =	sand.u32 $0x1, s1  }
0x8c: {  	s14 =	sshll.u32 s0, $0xA;
	s2 =	sadd.s32 s3, s2  }
0x8d: {  	s2 =	sadd.s32 s2, s14  }
0x8e: {  	[smem:$0x3FBB] =	sst s2  }
0x8f: {  	_ = 	snop  }
0x90: {  	s2 =	sld [smem:$0x3FD0];
	_ =	sdelay $0x2  }
0x91: {  	s15 =	simm.s32 $0xB;
	s4 =	simm.s32 $0x10  }
0x92: {  	[smem:s4], [sflag:s15] =	dma.local [hbm:s2], $0x1  }
0x93: {  	_ =	swait.eq [sflag:s15], $0x1  }
0x94: {  	[sflag:s15] =	ssyncset.done $0x0  }
0x95: {  	[sflag:s15] =	ssyncadd.s32 $0xFFFFFFFF  }
0x96: {  	s16 =	sld [smem:$0x11];
	(tm) =	ssettm $0x1  }
0x97: {  	s17 =	sld [smem:$0x3FFB];
	_ =	sdelay $0x3  }
0x98: {  	_ =	strace s17  }
0x99: {  	s3 =	sld [smem:$0x3FFC];
	_ =	sdelay $0x3  }
0x9a: {  	_ =	strace s3  }
0x9b: {  	s3 =	sld [smem:$0x3FFD];
	_ =	sdelay $0x3  }
0x9c: {  	_ =	strace s3  }
0x9d: {  	_ =	strace $0x8FFFFFFF  }
0x9e: {  	s18 =	sld [smem:$0x3FDB];
	_ =	sdelay $0x1  }
0x9f: {  	s19 =	simm.s32 $_scs_section_size  }
0xa0: {  	s5 =	simm.s32 $_size__tile_overlayer_lowered;
	s6 =	simm.s32 $_tile_overlayer_lowered  }
0xa1: {  	s22 =	simm.s32 $0x1BFF;
	s21 =	sshll.u32 s6, $0x1;
	s3 =	sadd.s32 s19, s18  }
0xa2: {  	s7 =	simm.s32 $0x0;
	s20 =	sshll.u32 s5, $0x1;
	s5 =	sadd.s32 s21, s3  }
0xa3: {  	[timem:s7], [sflag:s22] =	dma.local [hbm:s5], s20  }
0xa4: {  	_ =	swait.ge [sflag:s22], s20  }
0xa5: {  	s4 =	ssub.s32 $0x0, s20;
	[sflag:s22] =	ssyncset.done $0x0  }
0xa6: {  	[sflag:s22] =	ssyncadd.s32 s4;
	_ =	sdelay $0x1  }
0xa7: {  	s23 =	simm.s32 $0x1B8B  }
0xa8: {  	_ =	swait.ge [sflag:s23], $0x1  }
0xa9: {  	[sflag:s23] =	ssyncset.done $0x0  }
0xaa: {  	s25 =	simm.s32 $0x1B8E;
	s24 =	sld [smem:$0x3FFE];
	[sflag:s23] =	ssyncadd.s32 $0xFFFFFFFF  }
0xab: {  	s26 =	simm.s32 $execute0_lowered;
	[smem:$0x3FD2] =	sst s25  }
0xac: {  	s5 =	sshll.u32 s26, $0x1;
	_ =	strace $0x8000004C;
	[dreg:$0x1] =	wrdreg $0xFFFFFFFF  }
0xad: {  	s28 =	simm.s32 $_size_execute0_lowered;
	s3 =	sadd.s32 s3, s5;
	[dreg:$0x0] =	wrdreg $0x0  }
0xae: {  	s5 =	sshll.u32 s28, $0x1;
	[dreg:$0x2] =	wrdreg s3  }
0xaf: {  	[dreg:$0x3] =	wrdreg s5  }
0xb0: {  	[dreg:$0x4] =	wrdreg $0xC0  }
0xb1: {  	_ =	task [dreg:s7], $0x5FFFF  }
0xb2: {  	[dreg:$0x1] =	wrdreg $0xFFFFFFFF  }
0xb3: {  	[dreg:$0x0] =	wrdreg $0x60  }
0xb4: {  	[dreg:$0x2] =	wrdreg s24  }
0xb5: {  	[dreg:$0x3] =	wrdreg s16  }
0xb6: {  	[dreg:$0x4] =	wrdreg $0x81000  }
0xb7: {  	[dreg:$0x5] =	wrdreg $0x9  }
0xb8: {  	_ =	task.clear_ibuf [dreg:s7], $0x6FFFF;
	_ =	strace $0x9000004C  }
0xb9: {  	s29 =	simm.s32 $0x9;
	_ =	strace $0x8000004E  }
0xba: {  	_ =	swait.ge [sflag:s29], $0x1  }
0xbb: {  	[sflag:s29] =	ssyncadd.s32 $0xFFFFFFFF  }
0xbc: {  	_ =	strace $0x9000004E  }
0xbd: {  	_ =	sfence  }
0xbe: {  	s30 =	sld [smem:$0x0];
	_ =	sdelay $0x2  }
0xbf: {  	s31 =	sshll.u32 s1, $0xD;
	s1 =	sshrl.u32 s1, $0x2  }
0xc0: {  	s3 =	sand.u32 $0x4000, s31;
	s1 =	sadd.s32 s1, s30  }
0xc1: {  	s0 =	sor.u32 s3, s0;
	s1 =	sshll.u32 s1, $0x11  }
0xc2: {  	s0 =	sor.u32 s1, s0  }
0xc3: {  	s0 =	sadd.s32 $0x8F2B, s0  }
0xc4: {  	[sflag:s0] =	ssyncadd.remote.s32 $0x1  }
0xc5: {  	_ =	sfence.sel $0xFFFF  }
0xc6: {  	[dreg:$0x0] =	wrdreg $0xFFFFFFFF;
	(pc) =	sbr.abs _section_cstart, $3  }
0xc7: {  	[dreg:$0x1] =	wrdreg $0xFFFFFFFF  }
0xc8: {  	_ =	task.clear_ibuf [dreg:s7], $0x2FFFF;
	_ =	strace $0x9FFFFFFF  }
0xc9: {  	(tm) =	ssettm $0x7FFFFFFF  }
tec
execute0_lowered:
.L_overlay_start_1:
0x0: {  	(tag) =	ssettag $0x1  }
0x1: {  	s0 =	rddreg [dreg:$0x0]  }
0x2: {  	s2 =	rddreg [dreg:$0x1]  }
0x3: {  	s1 =	rddreg [dreg:$0x2]  }
0x4: {  	s3 =	srdreg.scid;
	s23 =	stileid.u32  }
0x5: {  	s28 =	simm.s32 $0x1;
	s29 =	simm.s32 $0x2;
	s30 =	simm.s32 $0x0  }
0x6: {  	s13 =	sadd.s32 $0x3C00, s0;
	s21 =	sand.u32 $0x1, s3;
	s7 =	smul.u32 $0x14000, s23  }
0x7: {  	s0 =	sadd.s32 $0xDA00, s0;
	s22 =	sshll.u32 s23, $0x1;
	s15 =	smul.u32 $0x50000, s23  }
0x8: {  	s26 =	sshll.u32 s23, $0x5;
	s23 =	sshll.u32 s23, $0xC;
	s3 =	ssub.s32 $0x2, s21  }
0x9: {  	s10 =	sor.u32 s21, s22;
	s31 =	sshll.u32 s21, $0xB;
	s22 =	sor.u32 $0x9C0, s22  }
0xa: {  	s4 =	sshrl.u32 s3, $0x1;
	s16 =	sadd.s32 $0x4000, s7;
	s17 =	sadd.s32 $0x8000, s7  }
0xb: {  	s11 =	sshll.u32 s10, $0x4;
	s18 =	sadd.s32 $0xC000, s7;
	s19 =	sadd.s32 $0x10000, s7  }
0xc: {  	s12 =	sshll.u32 s10, $0xB;
	s5 =	sor.u32 $0x20, s10;
	s15 =	sshrl.u32 s15, $0x2  }
0xd: {  	p1 =	sgt.u32 s22, $0x9C3;
	s20 =	ssub.s32 s3, s4;
	s3 =	sadd.s32 s13, s11  }
0xe: {  	s11 =	smul.u32 $0x140000, s21;
	s14 =	sadd.s32 s2, s12;
	s6 =	sshll.u32 s5, $0x4  }
0xf: {  	s8 =	sshll.u32 s5, $0xB;
	s15 =	sadd.s32 s15, s1;
	[dreg:$0x4] =	wrdreg s3  }
0x10: {  	s21 =	sshll.u32 s21, $0x4;
	[dreg:$0x5] =	wrdreg s14;
	s5 =	sadd.s32 s13, s6  }
0x11: {  	s6 =	sadd.s32 s2, s8;
	s20 =	smax.u32 s20, $0x1;
	s7 =	sadd.s32 s7, s11  }
0x12: {  	s24 =	sadd.s32 s11, s16;
	s9 =	sadd.s32 s11, s17;
	s12 =	sadd.s32 s11, s18  }
0x13: {  	s11 =	sadd.s32 s11, s19;
	s16 =	sadd.s32 s16, s1;
	s17 =	sadd.s32 s17, s1  }
0x14: {  	s18 =	sadd.s32 s18, s1;
	s19 =	sadd.s32 s19, s1;
	s7 =	sshrl.u32 s7, $0x3  }
0x15: {  	s8 =	sshrl.u32 s24, $0x3;
	s9 =	sshrl.u32 s9, $0x3;
	s12 =	sshrl.u32 s12, $0x3  }
0x16: {  	s24 =	sor.u32 $0x9C0, s10;
	s11 =	sshrl.u32 s11, $0x3;
	s7 =	sadd.s32 s0, s7  }
0x17: {  	s8 =	sadd.s32 s0, s8;
	s9 =	sadd.s32 s0, s9;
	s10 =	sadd.s32 s0, s12  }
0x18: {  	s25 =	sshll.u32 s24, $0x4;
	s11 =	sadd.s32 s0, s11;
	s14 =	sshll.u32 s24, $0xB  }
0x19: {  	s0 =	sadd.s32 s26, s13;
	p0 =	sgt.u32 s24, $0x9C3;
	s24 =	simm.s32 $0x3  }
0x1a: {  	s26 =	simm.s32 $0x4100;
	s12 =	sadd.s32 s13, s25;
	s13 =	sadd.s32 s2, s14  }
0x1b: {  	s2 =	sadd.s32 s23, s2;
	s14 =	simm.s32 $0x0;
	s21 =	sadd.s32 s21, s0  }
0x1c: {  	s23 =	simm.s32 $0x80;
	[smem:$0x7FF] =	sst s14;
	s2 =	sadd.s32 s31, s2  }
0x1d: {  	v0 =	vimm.f32 $0.0e+00;
	s25 =	simm.s32 $0x4080;
	_ =	strace $0x8000004D;
	s2 =	sadd.s32 $0x30000, s2  }
.LBB2_1:
0x1e: {  	s0 =	simm.s32 $0x0;
	s22 =	simm.s32 $0x200  }
.LBB2_2:
0x1f: {  	p2 =	sne.s32 s22, $0xFE00;
	[tilespmem:s0+$0xF0] =	vst v0  }
0x20: {  	[tilespmem:s0+$0x80] =	vst v0  }
0x21: {  	[tilespmem:s0+$0x90] =	vst v0  }
.Ltmp0:
0x22: {  	[tilespmem:s0+$0xA0] =	vst v0;
	(pc) =	sbr.rel @p2 .LBB2_2-.Ltmp0, $4  }
0x23: {  	[tilespmem:s0+$0xB0] =	vst v0  }
0x24: {  	[tilespmem:s0+$0xC0] =	vst v0  }
0x25: {  	[tilespmem:s0+$0xD0] =	vst v0  }
0x26: {  	[tilespmem:s0+$0xE0] =	vst v0;
	s0 =	sshra.s32 s22, $0x2;
	s22 =	sadd.s32 $0x200, s22  }
0x27: {  	[tilespmem:s0+$0xF0] =	vst v0  }
0x28: {  	[tilespmem:s0+$0x80] =	vst v0  }
0x29: {  	[tilespmem:s0+$0x90] =	vst v0  }
0x2a: {  	[tilespmem:s0+$0xA0] =	vst v0  }
0x2b: {  	[tilespmem:s0+$0xB0] =	vst v0  }
0x2c: {  	[tilespmem:s0+$0xC0] =	vst v0  }
0x2d: {  	[tilespmem:s0+$0xD0] =	vst v0  }
0x2e: {  	[tilespmem:s0+$0xE0] =	vst v0  }
0x2f: {  	[spmem:s15] =	stream.linear.scatter [tilespmem:s23], [sflag:$0x3], $0x4000, $0x38;
	[tilespmem:$0x1C100] =	vst v63  }
0x30: {  	_ =	swait.ge [sflag:s24], $0x4000  }
0x31: {  	[sflag:s24] =	ssyncset.done $0x0  }
0x32: {  	[sflag:s24] =	ssyncadd.s32 $0xFFFFC000  }
0x33: {  	[spmem:s16] =	stream.linear.scatter [tilespmem:s23], [sflag:$0x3], $0x4000, $0x38;
	[tilespmem:$0x1C100] =	vst v63  }
0x34: {  	_ =	swait.ge [sflag:s24], $0x4000  }
0x35: {  	[sflag:s24] =	ssyncset.done $0x0  }
0x36: {  	[sflag:s24] =	ssyncadd.s32 $0xFFFFC000  }
0x37: {  	[spmem:s17] =	stream.linear.scatter [tilespmem:s23], [sflag:$0x3], $0x4000, $0x38;
	[tilespmem:$0x1C100] =	vst v63  }
0x38: {  	_ =	swait.ge [sflag:s24], $0x4000  }
0x39: {  	[sflag:s24] =	ssyncset.done $0x0  }
0x3a: {  	[sflag:s24] =	ssyncadd.s32 $0xFFFFC000  }
0x3b: {  	[spmem:s18] =	stream.linear.scatter [tilespmem:s23], [sflag:$0x3], $0x4000, $0x38;
	[tilespmem:$0x1C100] =	vst v63  }
0x3c: {  	_ =	swait.ge [sflag:s24], $0x4000  }
0x3d: {  	[sflag:s24] =	ssyncset.done $0x0  }
0x3e: {  	[sflag:s24] =	ssyncadd.s32 $0xFFFFC000  }
0x3f: {  	[spmem:s19] =	stream.linear.scatter [tilespmem:s23], [sflag:$0x3], $0x4000, $0x38;
	[tilespmem:$0x1C100] =	vst v63  }
0x40: {  	_ =	swait.ge [sflag:s24], $0x4000  }
0x41: {  	[sflag:s24] =	ssyncset.done $0x0  }
0x42: {  	[sflag:s24] =	ssyncadd.s32 $0xFFFFC000  }
0x43: {  	[bflag:$0x0] =	sbarrier.arrive $0xFFFF  }
0x44: {  	s4 =	simm.s32 $0x0;
	s3 =	rddreg [dreg:$0x4]  }
0x45: {  	[tilespmem:s4], [sflag:$0x3] =	stream.linear.gather [hbm4b:s3+s4], $0x80, $0x38;
	[tilespmem:$0x1C100] =	vst v63  }
0x46: {  	_ =	swait.ge [sflag:s24], $0x80  }
0x47: {  	[sflag:s24] =	ssyncset.done $0x0  }
0x48: {  	s22 =	rddreg [dreg:$0x5];
	[sflag:s24] =	ssyncadd.s32 $0xFFFFFF80  }
0x49: {  	[tilespmem:s23], [sflag:$0x1] =	stream.linear.gather [hbm4b:s22+s4], $0x4000, $0x38;
	[tilespmem:$0x1C100] =	vst v63  }
0x4a: {  	_ = 	snop  }
0x4b: {  	[tilespmem:s25], [sflag:$0x3] =	stream.linear.gather [hbm4b:s5+s4], $0x80, $0x38;
	[tilespmem:$0x1C100] =	vst v63  }
0x4c: {  	_ =	swait.ge [sflag:s24], $0x80  }
0x4d: {  	[sflag:s24] =	ssyncset.done $0x0  }
0x4e: {  	[sflag:s24] =	ssyncadd.s32 $0xFFFFFF80  }
0x4f: {  	[tilespmem:s26], [sflag:$0x2] =	stream.linear.gather [hbm4b:s6+s4], $0x4000, $0x38;
	[tilespmem:$0x1C100] =	vst v63  }
0x50: {  	_ =	swait.ge [sflag:s28], $0x4000  }
0x51: {  	[sflag:s28] =	ssyncset.done $0x0  }
0x52: {  	[sflag:s28] =	ssyncadd.s32 $0xFFFFC000  }
0x53: {  	[spmem:s1] =	stream.indirect.scatter.add.f32 [tilespmem:s23], [sflag:$0x3], $0x80, s14, s23, $0xb8;
	[tilespmem:$0x1C100] =	vst v63  }
0x54: {  	_ =	swait.ge [sflag:s24], $0x4000  }
0x55: {  	s3 =	sadd.s32 $0x0, s21;
	[sflag:s24] =	ssyncset.done $0x0  }
0x56: {  	s22 =	sadd.s32 $0x400, s3;
	[sflag:s24] =	ssyncadd.s32 $0xFFFFC000  }
0x57: {  	[tilespmem:s14], [sflag:$0x3] =	stream.linear.gather [hbm4b:s22+s14], $0x80, $0x38;
	[tilespmem:$0x1C100] =	vst v63  }
0x58: {  	_ =	swait.ge [sflag:s24], $0x80  }
0x59: {  	[sflag:s24] =	ssyncset.done $0x0  }
0x5a: {  	s4 =	sadd.s32 $0xFFFF0000, s2;
	[sflag:s24] =	ssyncadd.s32 $0xFFFFFF80  }
0x5b: {  	[tilespmem:s23], [sflag:$0x1] =	stream.linear.gather [hbm4b:s4+s14], $0x4000, $0x38;
	[tilespmem:$0x1C100] =	vst v63  }
0x5c: {  	_ =	swait.ge [sflag:s29], $0x4000  }
0x5d: {  	[sflag:s29] =	ssyncset.done $0x0  }
0x5e: {  	[sflag:s29] =	ssyncadd.s32 $0xFFFFC000  }
0x5f: {  	[spmem:s1] =	stream.indirect.scatter.add.f32 [tilespmem:s26], [sflag:$0x3], $0x80, s25, s23, $0xb8;
	[tilespmem:$0x1C100] =	vst v63  }
0x60: {  	_ =	swait.ge [sflag:s24], $0x4000  }
0x61: {  	[sflag:s24] =	ssyncset.done $0x0  }
0x62: {  	s0 =	sadd.s32 $0x600, s3;
	[sflag:s24] =	ssyncadd.s32 $0xFFFFC000  }
0x63: {  	[tilespmem:s25], [sflag:$0x3] =	stream.linear.gather [hbm4b:s0+s14], $0x80, $0x38;
	[tilespmem:$0x1C100] =	vst v63  }
0x64: {  	_ =	swait.ge [sflag:s24], $0x80  }
0x65: {  	s31 =	simm.s32 $0x400;
	[sflag:s24] =	ssyncset.done $0x0  }
0x66: {  	s22 =	smov.u32 s2;
	s0 =	sadd.s32 $0x20000, s2;
	[sflag:s24] =	ssyncadd.s32 $0xFFFFFF80  }
.LBB2_4:
0x67: {  	[tilespmem:s26], [sflag:$0x2] =	stream.linear.gather [hbm4b:s22+s14], $0x4000, $0x38;
	[tilespmem:$0x1C100] =	vst v63  }
0x68: {  	s3 =	smov.u32 s31;
	s22 =	smov.u32 s0  }
0x69: {  	p2 =	sne.s32 s31, $0x9400;
	s31 =	sadd.s32 $0x400, s31;
	_ =	swait.ge [sflag:s28], $0x4000  }
0x6a: {  	[sflag:s28] =	ssyncset.done $0x0  }
0x6b: {  	[sflag:s28] =	ssyncadd.s32 $0xFFFFC000  }
0x6c: {  	[spmem:s1] =	stream.indirect.scatter.add.f32 [tilespmem:s23], [sflag:$0x3], $0x80, s14, s23, $0xb8;
	[tilespmem:$0x1C100] =	vst v63  }
0x6d: {  	_ =	swait.ge [sflag:s24], $0x4000  }
0x6e: {  	s3 =	sadd.s32 s3, s21;
	[sflag:s24] =	ssyncset.done $0x0  }
0x6f: {  	s4 =	sadd.s32 $0x400, s3;
	[sflag:s24] =	ssyncadd.s32 $0xFFFFC000  }
0x70: {  	[tilespmem:s14], [sflag:$0x3] =	stream.linear.gather [hbm4b:s4+s14], $0x80, $0x38;
	[tilespmem:$0x1C100] =	vst v63  }
0x71: {  	_ =	swait.ge [sflag:s24], $0x80  }
0x72: {  	[sflag:s24] =	ssyncset.done $0x0  }
0x73: {  	s4 =	sadd.s32 $0xFFFF0000, s0;
	[sflag:s24] =	ssyncadd.s32 $0xFFFFFF80  }
0x74: {  	[tilespmem:s23], [sflag:$0x1] =	stream.linear.gather [hbm4b:s4+s14], $0x4000, $0x38;
	[tilespmem:$0x1C100] =	vst v63  }
0x75: {  	_ =	swait.ge [sflag:s29], $0x4000  }
0x76: {  	[sflag:s29] =	ssyncset.done $0x0  }
0x77: {  	[sflag:s29] =	ssyncadd.s32 $0xFFFFC000  }
0x78: {  	[spmem:s1] =	stream.indirect.scatter.add.f32 [tilespmem:s26], [sflag:$0x3], $0x80, s25, s23, $0xb8;
	[tilespmem:$0x1C100] =	vst v63  }
0x79: {  	_ =	swait.ge [sflag:s24], $0x4000  }
0x7a: {  	[sflag:s24] =	ssyncset.done $0x0  }
.Ltmp1:
0x7b: {  	s3 =	sadd.s32 $0x600, s3;
	[sflag:s24] =	ssyncadd.s32 $0xFFFFC000;
	(pc) =	sbr.rel @p2 .LBB2_4-.Ltmp1, $4  }
0x7c: {  	[tilespmem:s25], [sflag:$0x3] =	stream.linear.gather [hbm4b:s3+s14], $0x80, $0x38;
	[tilespmem:$0x1C100] =	vst v63  }
0x7d: {  	_ =	swait.ge [sflag:s24], $0x80  }
0x7e: {  	[sflag:s24] =	ssyncset.done $0x0  }
0x7f: {  	s0 =	sadd.s32 $0x20000, s0;
	[sflag:s24] =	ssyncadd.s32 $0xFFFFFF80  }
0x80: {  	[tilespmem:s26], [sflag:$0x2] =	stream.linear.gather [hbm4b:s22+s14], $0x4000, $0x38;
	[tilespmem:$0x1C100] =	vst v63  }
0x81: {  	_ =	swait.ge [sflag:s28], $0x4000  }
0x82: {  	[sflag:s28] =	ssyncset.done $0x0  }
0x83: {  	[sflag:s28] =	ssyncadd.s32 $0xFFFFC000  }
0x84: {  	[spmem:s1] =	stream.indirect.scatter.add.f32 [tilespmem:s23], [sflag:$0x3], $0x80, s14, s23, $0xb8;
	[tilespmem:$0x1C100] =	vst v63  }
0x85: {  	_ =	swait.ge [sflag:s24], $0x4000  }
0x86: {  	[sflag:s24] =	ssyncset.done $0x0  }
0x87: {  	s0 =	simm.s32 @!p0 $0x0;
	s3 =	simm.s32 @!p0 $0x3;
	[sflag:s24] =	ssyncadd.s32 $0xFFFFC000  }
0x88: {  	[tilespmem:s0], [sflag:$0x3] =	stream.linear.gather @!p0 [hbm4b:s12+s0], $0x80, $0x38;
	[tilespmem:$0x1C100] =	vst v63  }
0x89: {  	_ =	swait.ge @!p0 [sflag:s3], $0x80  }
0x8a: {  	[sflag:s3] =	ssyncset.done @!p0 $0x0  }
0x8b: {  	[sflag:s3] =	ssyncadd.s32 @!p0 $0xFFFFFF80;
	s3 =	simm.s32 @!p0 $0x80  }
0x8c: {  	[tilespmem:s3], [sflag:$0x1] =	stream.linear.gather @!p0 [hbm4b:s13+s0], $0x4000, $0x38;
	[tilespmem:$0x1C100] =	vst v63  }
0x8d: {  	_ =	swait.ge [sflag:s29], $0x4000  }
0x8e: {  	[sflag:s29] =	ssyncset.done $0x0  }
0x8f: {  	[sflag:s29] =	ssyncadd.s32 $0xFFFFC000  }
0x90: {  	[spmem:s1] =	stream.indirect.scatter.add.f32 [tilespmem:s26], [sflag:$0x3], $0x80, s25, s23, $0xb8;
	[tilespmem:$0x1C100] =	vst v63  }
0x91: {  	_ =	swait.ge [sflag:s24], $0x4000  }
0x92: {  	[sflag:s24] =	ssyncset.done $0x0  }
0x93: {  	s0 =	simm.s32 @!p1 $0x1;
	[sflag:s24] =	ssyncadd.s32 $0xFFFFC000  }
0x94: {  	_ =	swait.ge @!p1 [sflag:s0], $0x4000  }
0x95: {  	[sflag:s0] =	ssyncset.done @!p1 $0x0  }
0x96: {  	s3 =	simm.s32 @!p1 $0x80;
	[sflag:s0] =	ssyncadd.s32 @!p1 $0xFFFFC000;
	s0 =	simm.s32 @!p1 $0x0  }
0x97: {  	[spmem:s1] =	stream.indirect.scatter.add.f32 @!p1 [tilespmem:s3], [sflag:$0x3], $0x80, s0, s3, $0xb8;
	[tilespmem:$0x1C100] =	vst v63  }
0x98: {  	s0 =	simm.s32 @!p1 $0x3  }
0x99: {  	_ =	swait.ge @!p1 [sflag:s0], $0x4000  }
0x9a: {  	s4 =	stileid.u32;
	[sflag:s0] =	ssyncset.done @!p1 $0x0  }
0x9b: {  	[sflag:s0] =	ssyncadd.s32 @!p1 $0xFFFFC000;
	s0 =	sshll.u32 s4, $0x6  }
0x9c: {  	s22 =	sshrl.u32 s15, $0x3;
	[bflag:$0x0] =	sbarrier.arrive $0xFFFF;
	s0 =	sor.u32 $0x1C03, s0  }
0x9d: {  	[hbm:s7], [sflag:s0] =	dma.local [spmem:s22], $0x800  }
0x9e: {  	_ =	swait.ge [sflag:s24], $0x800  }
0x9f: {  	[sflag:s24] =	ssyncset.done $0x0  }
0xa0: {  	s31 =	sshrl.u32 s16, $0x3;
	[sflag:s24] =	ssyncadd.s32 $0xFFFFF800  }
0xa1: {  	[hbm:s8], [sflag:s0] =	dma.local [spmem:s31], $0x800  }
0xa2: {  	_ =	swait.ge [sflag:s24], $0x800  }
0xa3: {  	[sflag:s24] =	ssyncset.done $0x0  }
0xa4: {  	s4 =	sshrl.u32 s17, $0x3;
	[sflag:s24] =	ssyncadd.s32 $0xFFFFF800  }
0xa5: {  	[hbm:s9], [sflag:s0] =	dma.local [spmem:s4], $0x800  }
0xa6: {  	_ =	swait.ge [sflag:s24], $0x800  }
0xa7: {  	[sflag:s24] =	ssyncset.done $0x0  }
0xa8: {  	s22 =	sshrl.u32 s18, $0x3;
	[sflag:s24] =	ssyncadd.s32 $0xFFFFF800  }
0xa9: {  	[hbm:s10], [sflag:s0] =	dma.local [spmem:s22], $0x800  }
0xaa: {  	s30 =	sadd.s32 $0x1, s30;
	_ =	swait.ge [sflag:s24], $0x800  }
0xab: {  	p2 =	sne.s32 s30, s20;
	[sflag:s24] =	ssyncset.done $0x0  }
.Ltmp2:
0xac: {  	s31 =	sshrl.u32 s19, $0x3;
	[sflag:s24] =	ssyncadd.s32 $0xFFFFF800;
	(pc) =	sbr.rel @p2 .LBB2_1-.Ltmp2, $4  }
0xad: {  	[hbm:s11], [sflag:s0] =	dma.local [spmem:s31], $0x800  }
0xae: {  	_ =	swait.ge [sflag:s24], $0x800  }
0xaf: {  	[sflag:s24] =	ssyncset.done $0x0  }
0xb0: {  	[sflag:s24] =	ssyncadd.s32 $0xFFFFF800  }
0xb1: {  	_ =	sfence.sel $0x180000  }
0xb2: {  	[bflag:$0x0] =	sbarrier.arrive $0xFFFF  }
0xb3: {  	_ =	strace $0x9000004D  }
0xb4: {  	s0 =	stileid.u32;
	[bflag:$0x2] =	sbarrier.arrive $0xFFFF  }
0xb5: {  	p0 =	sne.s32 s0, $0x0;
	s0 =	rddreg [dreg:$0x3]  }
0xb6: {  	s0 =	sadd.s32 @!p0 $0x100000, s0  }
0xb7: {  	[sflag:s0] =	ssyncadd.tile.s32 @!p0 $0x1;
	_ =	shalt  }
.Lfunc_end2:
_tile_overlayer_lowered:
.L_overlay_start_2:
0xb8: {  	(tag) =	ssettag $0x2  }
0xb9: {  	s0 =	rddreg [dreg:$0x0];
	s2 =	stileid.u32  }
0xba: {  	s1 =	rddreg [dreg:$0x1];
	p0 =	sne.s32 s2, $0x0  }
0xbb: {  	s3 =	rddreg [dreg:$0x2];
	[bflag:$0x3] =	sbarrier.arrive $0xFFFF;
	s2 =	simm.s32 @!p0 $0x1C03  }
0xbc: {  	[timem:s3], [sflag:s2] =	dma.local @!p0 [hbm:s0], s1  }
0xbd: {  	s0 =	simm.s32 @!p0 $0x3  }
0xbe: {  	_ =	swait.ge @!p0 [sflag:s0], s1  }
0xbf: {  	s1 =	ssub.s32 @!p0 $0x0, s1;
	[sflag:s0] =	ssyncset.done @!p0 $0x0  }
0xc0: {  	[sflag:s0] =	ssyncadd.s32 @!p0 s1  }
0xc1: {  	[bflag:$0x3] =	sbarrier.arrive $0xFFFF  }
0xc2: {  	_ =	shalt  }

// kernel: kernel.9.cloned.1.call-start
scs
__scs_entry_jumppad:
0x0: {  	(pc) =	sbr.rel $0x88, $3  }
0x1: {  	(tag) =	ssettag $0x0;
	lr =	simm.s32 $0x1  }
0x2: {  	[smem:$0x3F94] =	sst lr;
	_ =	strace $0xD0000000  }
0x3: {  	_ = 	snop  }
0x4: {  	_ = 	snop  }
0x5: {  	_ = 	snop  }
0x6: {  	_ = 	snop  }
0x7: {  	_ = 	snop  }
__scs_overlays_trampoline_lowered:
0x8: {  	[smem:$0x3FA3] =	sst s0  }
0x9: {  	[smem:$0x3FA4] =	sst s1  }
0xa: {  	[smem:$0x3FA5] =	sst s2  }
0xb: {  	[smem:$0x3FA6] =	sst s3  }
0xc: {  	[smem:$0x3FA7] =	sst s4  }
0xd: {  	[smem:$0x3FA8] =	sst s5  }
0xe: {  	[smem:$0x3FA9] =	sst s6  }
0xf: {  	[smem:$0x3FAA] =	sst s7  }
0x10: {  	[smem:$0x3FAB] =	sst s8  }
0x11: {  	[smem:$0x3FAC] =	sst s9;
	s0 =	simm.s32 @!p0 $0x0  }
0x12: {  	s1 =	sld [smem:$0x3F92];
	s0 =	simm.s32 @p0 $0x1  }
0x13: {  	[smem:$0x3FAD] =	sst s0;
	s0 =	simm.s32 @!p1 $0x0  }
0x14: {  	s2 =	sld [smem:$0x3F91];
	s0 =	simm.s32 @p1 $0x1  }
0x15: {  	[smem:$0x3FAE] =	sst s0;
	s0 =	simm.s32 @!p2 $0x0  }
0x16: {  	s3 =	sld [smem:$0x3FDB];
	s0 =	simm.s32 @p2 $0x1  }
0x17: {  	s4 =	simm.s32 $0x1BF5;
	[smem:$0x3FB0] =	sst s0  }
0x18: {  	s0 =	sld [smem:$0x3F93];
	_ =	swait.ge [sflag:s4], $0x0  }
0x19: {  	s7 =	sld [smem:$0x3F94]  }
0x1a: {  	s8 =	sadd.s32 $0xFFFFE003, lr  }
0x1b: {  	s9 =	sadd.s32 $0xFFFFFEF7, lr;
	s5 =	simm.s32 $0xFFFFFFFF;
	p2 =	slt.u32 s8, $0xFFFFF086  }
0x1c: {  	p1 =	slt.u32 s9, $0xF7A;
	s5 =	simm.s32 @!p2 $0x0  }
0x1d: {  	s5 =	simm.s32 @p1 $0x1;
	p0 =	seq.s32 s7, s2  }
0x1e: {  	s7 =	smul.u32 @!p0 $0xF7A, s2;
	p2 =	seq.s32 @!p0 s5, $0x0  }
0x1f: {  	s9 =	smul.u32 $0xF7A, s1;
	s8 =	simm.s32 @!p0 $0x1BF5;
	p2 =	por !p2, p0  }
0x20: {  	[sflag:s8] =	ssyncset.s32 @!p0 $0xFFFFF086;
	s6 =	sadd.s32 @!p0 s3, s7;
	s7 =	simm.s32 @!p0 $0x108  }
0x21: {  	s3 =	sadd.s32 s3, s9;
	s6 =	sadd.s32 @!p0 $0x88, s6;
	s7 =	simm.s32 @p2 $0x1082  }
0x22: {  	[simem:s7], [sflag:s8] =	dma.local @!p0 [hbm:s6], $0xF7A  }
0x23: {  	s9 =	sor.u32 $0xD0000000, s2;
	s6 =	simm.s32 $0x108;
	_ =	swait.ge @!p0 [sflag:s8], $0x0  }
0x24: {  	s3 =	sadd.s32 $0x88, s3;
	s6 =	simm.s32 @!p1 $0x1082;
	[sflag:s4] =	ssyncset.s32 $0xFFFFF086  }
0x25: {  	[simem:s6], [sflag:s4] =	dma.local [hbm:s3], $0xF7A  }
0x26: {  	[smem:$0x3F94] =	sst s1;
	(tag) =	ssettag s2;
	_ =	strace s9  }
0x27: {  	s1 =	sld [smem:$0x3FA4]  }
0x28: {  	s2 =	sld [smem:$0x3FA5]  }
0x29: {  	s4 =	sld [smem:$0x3FA7]  }
0x2a: {  	p0 =	seq.s32 s5, $0x0;
	s5 =	sld [smem:$0x3FA8]  }
0x2b: {  	s6 =	sld [smem:$0x3FA9]  }
0x2c: {  	s7 =	sld [smem:$0x3FAA]  }
0x2d: {  	s3 =	simm.s32 $0x108;
	s8 =	sld [smem:$0x3FAB]  }
0x2e: {  	s3 =	simm.s32 @!p0 $0x1082;
	s9 =	sld [smem:$0x3FAC]  }
0x2f: {  	lr =	sadd.s32 s0, s3;
	s0 =	sld [smem:$0x3FA3]  }
0x30: {  	s3 =	sld [smem:$0x3FA6]  }
0x31: {  	[smem:$0x3FAF] =	sst s10  }
0x32: {  	s10 =	sld [smem:$0x3FAD];
	_ =	sdelay $0x3  }
0x33: {  	p0 =	seq.s32 s10, $0x1;
	s10 =	sld [smem:$0x3FAF];
	_ =	sdelay $0x3  }
0x34: {  	[smem:$0x3FAF] =	sst s10  }
0x35: {  	s10 =	sld [smem:$0x3FAE];
	_ =	sdelay $0x3  }
0x36: {  	p1 =	seq.s32 s10, $0x1;
	s10 =	sld [smem:$0x3FAF];
	_ =	sdelay $0x3  }
0x37: {  	[smem:$0x3FAF] =	sst s10  }
0x38: {  	s10 =	sld [smem:$0x3FB0]  }
0x39: {  	_ = 	snop;
	(pc) =	sbr.ind lr, $3  }
0x3a: {  	_ = 	snop  }
0x3b: {  	_ = 	snop  }
0x3c: {  	p2 =	seq.s32 s10, $0x1;
	s10 =	sld [smem:$0x3FAF]  }
0x3d: {  	_ =	shalt  }
0x3e: {  	_ =	shalt  }
0x3f: {  	_ =	shalt  }
0x40: {  	_ =	shalt  }
0x41: {  	_ =	shalt  }
0x42: {  	_ =	shalt  }
0x43: {  	_ =	shalt  }
0x44: {  	_ =	shalt  }
0x45: {  	_ =	shalt  }
0x46: {  	_ =	shalt  }
0x47: {  	_ =	shalt  }
0x48: {  	_ =	shalt  }
0x49: {  	_ =	shalt  }
0x4a: {  	_ =	shalt  }
0x4b: {  	_ =	shalt  }
0x4c: {  	_ =	shalt  }
0x4d: {  	_ =	shalt  }
0x4e: {  	_ =	shalt  }
0x4f: {  	_ =	shalt  }
0x50: {  	_ =	shalt  }
0x51: {  	_ =	shalt  }
0x52: {  	_ =	shalt  }
0x53: {  	_ =	shalt  }
0x54: {  	_ =	shalt  }
0x55: {  	_ =	shalt  }
0x56: {  	_ =	shalt  }
0x57: {  	_ =	shalt  }
0x58: {  	_ =	shalt  }
0x59: {  	_ =	shalt  }
0x5a: {  	_ =	shalt  }
0x5b: {  	_ =	shalt  }
0x5c: {  	_ =	shalt  }
0x5d: {  	_ =	shalt  }
0x5e: {  	_ =	shalt  }
0x5f: {  	_ =	shalt  }
0x60: {  	_ =	shalt  }
0x61: {  	_ =	shalt  }
0x62: {  	_ =	shalt  }
0x63: {  	_ =	shalt  }
0x64: {  	_ =	shalt  }
0x65: {  	_ =	shalt  }
0x66: {  	_ =	shalt  }
0x67: {  	_ =	shalt  }
0x68: {  	_ =	shalt  }
0x69: {  	_ =	shalt  }
0x6a: {  	_ =	shalt  }
0x6b: {  	_ =	shalt  }
0x6c: {  	_ =	shalt  }
0x6d: {  	_ =	shalt  }
0x6e: {  	_ =	shalt  }
0x6f: {  	_ =	shalt  }
0x70: {  	_ =	shalt  }
0x71: {  	_ =	shalt  }
0x72: {  	_ =	shalt  }
0x73: {  	_ =	shalt  }
0x74: {  	_ =	shalt  }
0x75: {  	_ =	shalt  }
0x76: {  	_ =	shalt  }
0x77: {  	_ =	shalt  }
0x78: {  	_ =	shalt  }
0x79: {  	_ =	shalt  }
0x7a: {  	_ =	shalt  }
0x7b: {  	_ =	shalt  }
0x7c: {  	_ =	shalt  }
0x7d: {  	_ =	shalt  }
0x7e: {  	_ =	shalt  }
0x7f: {  	_ =	shalt  }
0x80: {  	_ =	shalt  }
0x81: {  	_ =	shalt  }
0x82: {  	_ =	shalt  }
0x83: {  	_ =	shalt  }
0x84: {  	_ =	shalt  }
0x85: {  	_ =	shalt  }
0x86: {  	_ =	shalt  }
0x87: {  	_ =	shalt  }
.Lfunc_end0:
.L_simem_size_0:
called_computation_lowered:
.L_overlay_start_0:
0x88: {  	s2 =	sld [smem:$0x3FD9]  }
0x89: {  	s3 =	sld [smem:$0x3FFE];
	_ =	sdelay $0x1  }
0x8a: {  	s1 =	srdreg.scid  }
0x8b: {  	s0 =	sand.u32 $0x1, s1  }
0x8c: {  	s14 =	sshll.u32 s0, $0xA;
	s2 =	sadd.s32 s3, s2  }
0x8d: {  	s2 =	sadd.s32 s2, s14  }
0x8e: {  	[smem:$0x3FBB] =	sst s2  }
0x8f: {  	_ = 	snop  }
0x90: {  	s2 =	sld [smem:$0x3FD0];
	_ =	sdelay $0x2  }
0x91: {  	s15 =	simm.s32 $0xB;
	s4 =	simm.s32 $0x10  }
0x92: {  	[smem:s4], [sflag:s15] =	dma.local [hbm:s2], $0x1  }
0x93: {  	_ =	swait.eq [sflag:s15], $0x1  }
0x94: {  	[sflag:s15] =	ssyncset.done $0x0  }
0x95: {  	[sflag:s15] =	ssyncadd.s32 $0xFFFFFFFF  }
0x96: {  	s16 =	sld [smem:$0x10];
	(tm) =	ssettm $0x1  }
0x97: {  	s17 =	sld [smem:$0x3FFB];
	_ =	sdelay $0x3  }
0x98: {  	_ =	strace s17  }
0x99: {  	s3 =	sld [smem:$0x3FFC];
	_ =	sdelay $0x3  }
0x9a: {  	_ =	strace s3  }
0x9b: {  	s3 =	sld [smem:$0x3FFD];
	_ =	sdelay $0x3  }
0x9c: {  	_ =	strace s3  }
0x9d: {  	_ =	strace $0x8FFFFFFF  }
0x9e: {  	s18 =	sld [smem:$0x3FDB];
	_ =	sdelay $0x1  }
0x9f: {  	s19 =	simm.s32 $_scs_section_size  }
0xa0: {  	s5 =	simm.s32 $_size__tile_overlayer_lowered;
	s6 =	simm.s32 $_tile_overlayer_lowered  }
0xa1: {  	s22 =	simm.s32 $0x1BFF;
	s21 =	sshll.u32 s6, $0x1;
	s3 =	sadd.s32 s19, s18  }
0xa2: {  	s7 =	simm.s32 $0x0;
	s20 =	sshll.u32 s5, $0x1;
	s5 =	sadd.s32 s21, s3  }
0xa3: {  	[timem:s7], [sflag:s22] =	dma.local [hbm:s5], s20  }
0xa4: {  	_ =	swait.ge [sflag:s22], s20  }
0xa5: {  	s4 =	ssub.s32 $0x0, s20;
	[sflag:s22] =	ssyncset.done $0x0  }
0xa6: {  	[sflag:s22] =	ssyncadd.s32 s4;
	_ =	sdelay $0x1  }
0xa7: {  	s23 =	simm.s32 $0x1B8B  }
0xa8: {  	_ =	swait.ge [sflag:s23], $0x1  }
0xa9: {  	[sflag:s23] =	ssyncset.done $0x0  }
0xaa: {  	s25 =	simm.s32 $0x1B8E;
	s24 =	sld [smem:$0x3FFE];
	[sflag:s23] =	ssyncadd.s32 $0xFFFFFFFF  }
0xab: {  	s26 =	simm.s32 $execute0_lowered;
	[smem:$0x3FD2] =	sst s25  }
0xac: {  	s5 =	sshll.u32 s26, $0x1;
	_ =	strace $0x80000046;
	[dreg:$0x1] =	wrdreg $0xFFFFFFFF  }
0xad: {  	s28 =	simm.s32 $_size_execute0_lowered;
	s3 =	sadd.s32 s3, s5;
	[dreg:$0x0] =	wrdreg $0x0  }
0xae: {  	s5 =	sshll.u32 s28, $0x1;
	[dreg:$0x2] =	wrdreg s3  }
0xaf: {  	[dreg:$0x3] =	wrdreg s5  }
0xb0: {  	[dreg:$0x4] =	wrdreg $0xC0  }
0xb1: {  	_ =	task [dreg:s7], $0x5FFFF  }
0xb2: {  	[dreg:$0x1] =	wrdreg $0xFFFFFFFF  }
0xb3: {  	[dreg:$0x0] =	wrdreg $0x60  }
0xb4: {  	[dreg:$0x2] =	wrdreg s16  }
0xb5: {  	[dreg:$0x3] =	wrdreg s24  }
0xb6: {  	[dreg:$0x4] =	wrdreg $0x9  }
0xb7: {  	_ =	task.clear_ibuf [dreg:s7], $0x5FFFF;
	_ =	strace $0x90000046  }
0xb8: {  	s29 =	simm.s32 $0x9;
	_ =	strace $0x80000048  }
0xb9: {  	_ =	swait.ge [sflag:s29], $0x1  }
0xba: {  	[sflag:s29] =	ssyncadd.s32 $0xFFFFFFFF  }
0xbb: {  	_ =	strace $0x90000048  }
0xbc: {  	_ =	sfence  }
0xbd: {  	s30 =	sld [smem:$0x0];
	_ =	sdelay $0x2  }
0xbe: {  	s31 =	sshll.u32 s1, $0xD;
	s1 =	sshrl.u32 s1, $0x2  }
0xbf: {  	s3 =	sand.u32 $0x4000, s31;
	s1 =	sadd.s32 s1, s30  }
0xc0: {  	s0 =	sor.u32 s3, s0;
	s1 =	sshll.u32 s1, $0x11  }
0xc1: {  	s0 =	sor.u32 s1, s0  }
0xc2: {  	s0 =	sadd.s32 $0x8F2B, s0  }
0xc3: {  	[sflag:s0] =	ssyncadd.remote.s32 $0x1  }
0xc4: {  	_ =	sfence.sel $0xFFFF  }
0xc5: {  	[dreg:$0x0] =	wrdreg $0xFFFFFFFF;
	(pc) =	sbr.abs _section_cstart, $3  }
0xc6: {  	[dreg:$0x1] =	wrdreg $0xFFFFFFFF  }
0xc7: {  	_ =	task.clear_ibuf [dreg:s7], $0x2FFFF;
	_ =	strace $0x9FFFFFFF  }
0xc8: {  	(tm) =	ssettm $0x7FFFFFFF  }
0xc9: {  	_ =	shalt  }
tec
execute0_lowered:
.L_overlay_start_1:
0x0: {  	(tag) =	ssettag $0x1  }
0x1: {  	s1 =	rddreg [dreg:$0x0]  }
0x2: {  	s0 =	rddreg [dreg:$0x1];
	s3 =	simm.s32 $0x0;
	s2 =	srdreg.scid  }
0x3: {  	s5 =	stileid.u32;
	s15 =	simm.s32 $0x3;
	s16 =	simm.s32 $0x80  }
0x4: {  	s19 =	simm.s32 $0xA100;
	s20 =	simm.s32 $0xA180;
	s21 =	simm.s32 $0xA200  }
0x5: {  	s22 =	simm.s32 $0xE200;
	s23 =	simm.s32 $0x1;
	s24 =	simm.s32 $0x8100  }
0x6: {  	s25 =	simm.s32 $0x2;
	s26 =	simm.s32 $0x12200;
	s28 =	simm.s32 $0x0  }
0x7: {  	[smem:$0x7FF] =	sst s3;
	s2 =	sand.u32 $0x1, s2;
	s4 =	sadd.s32 $0x3C00, s0  }
0x8: {  	s6 =	sshll.u32 s5, $0x1;
	s5 =	sadd.s32 $0xDA00, s0;
	s7 =	sadd.s32 $0x34C00, s0  }
.Ltmp0:
0x9: {  	s8 =	ssub.s32 $0x2, s2;
	s6 =	sor.u32 s2, s6;
	(pc) =	sbr.rel .LBB2_1-.Ltmp0, $4  }
0xa: {  	_ =	strace $0x80000047;
	s9 =	sshrl.u32 s8, $0x1;
	s2 =	sshll.u32 s6, $0x4  }
0xb: {  	s12 =	sor.u32 $0x40, s6;
	s13 =	sor.u32 $0x60, s6;
	s31 =	ssub.s32 s8, s9  }
0xc: {  	s8 =	sadd.s32 s1, s2;
	s9 =	sadd.s32 s4, s2;
	s2 =	sor.u32 $0x200, s2  }
0xd: {  	s10 =	sadd.s32 s1, s2;
	s11 =	sadd.s32 s4, s2;
	s14 =	smax.u32 s31, $0x1  }
.LBB2_9:
0xe: {  	s28 =	sadd.s32 $0x1, s28  }
0xf: {  	p0 =	sne.s32 s28, s14  }
.Ltmp1:
0x10: {  	_ = 	snop;
	(pc) =	sbr.rel @!p0 .LBB2_10-.Ltmp1, $1  }
0x11: {  	_ =	sdelay $0x3  }
.LBB2_1:
0x12: {  	[tilespmem:s3], [sflag:$0x3] =	stream.linear.gather [hbm4b:s8+s3], $0x80, $0x38;
	[tilespmem:$0x14200] =	vst v63  }
0x13: {  	_ =	swait.ge [sflag:s15], $0x80  }
0x14: {  	[sflag:s15] =	ssyncset.done $0x0  }
0x15: {  	[sflag:s15] =	ssyncadd.s32 $0xFFFFFF80  }
0x16: {  	[tilespmem:s16], [sflag:$0x3] =	stream.linear.gather [hbm4b:s9+s3], $0x80, $0x38;
	[tilespmem:$0x14200] =	vst v63  }
0x17: {  	_ =	swait.ge [sflag:s15], $0x80  }
0x18: {  	[sflag:s15] =	ssyncset.done $0x0  }
0x19: {  	s0 =	simm.s32 $0x100;
	[sflag:s15] =	ssyncadd.s32 $0xFFFFFF80  }
0x1a: {  	[tilespmem:s0], [sflag:$0x1] =	stream.indirect.gather [hbm4b:s5+s16], $0x80, s3, s16, $0xb8;
	[tilespmem:$0x14200] =	vst v63  }
0x1b: {  	s31 =	simm.s32 $0x4100  }
0x1c: {  	[tilespmem:s31], [sflag:$0x1] =	stream.indirect.gather [hbm4b:s5+s16], $0x80, s16, s16, $0xb8;
	[tilespmem:$0x14200] =	vst v63  }
0x1d: {  	_ = 	snop  }
0x1e: {  	[tilespmem:s19], [sflag:$0x3] =	stream.linear.gather [hbm4b:s10+s3], $0x80, $0x38;
	[tilespmem:$0x14200] =	vst v63  }
0x1f: {  	_ =	swait.ge [sflag:s15], $0x80  }
0x20: {  	[sflag:s15] =	ssyncset.done $0x0  }
0x21: {  	[sflag:s15] =	ssyncadd.s32 $0xFFFFFF80  }
0x22: {  	[tilespmem:s20], [sflag:$0x3] =	stream.linear.gather [hbm4b:s11+s3], $0x80, $0x38;
	[tilespmem:$0x14200] =	vst v63  }
0x23: {  	_ =	swait.ge [sflag:s15], $0x80  }
.Ltmp2:
0x24: {  	[sflag:s15] =	ssyncset.done $0x0;
	(pc) =	sbr.rel .LBB2_2-.Ltmp2, $4  }
0x25: {  	[sflag:s15] =	ssyncadd.s32 $0xFFFFFF80  }
0x26: {  	[tilespmem:s21], [sflag:$0x2] =	stream.indirect.gather [hbm4b:s5+s16], $0x80, s19, s16, $0xb8;
	[tilespmem:$0x14200] =	vst v63  }
0x27: {  	s29 =	simm.s32 $0x0  }
0x28: {  	[tilespmem:s22], [sflag:$0x2] =	stream.indirect.gather [hbm4b:s5+s16], $0x80, s20, s16, $0xb8;
	[tilespmem:$0x14200] =	vst v63  }
.LBB2_8:
0x29: {  	s0 =	sadd.s32 s13, s30  }
0x2a: {  	p0 =	sgt.u32 s0, $0x4E1  }
0x2b: {  	s0 =	sshll.u32 @!p0 s0, $0x4  }
0x2c: {  	s17 =	simm.s32 @!p0 $0x0;
	s18 =	simm.s32 @!p0 $0xA100;
	s2 =	sadd.s32 @!p0 s1, s0  }
0x2d: {  	[tilespmem:s18], [sflag:$0x3] =	stream.linear.gather @!p0 [hbm4b:s2+s17], $0x80, $0x38;
	[tilespmem:$0x14200] =	vst v63  }
0x2e: {  	s2 =	simm.s32 @!p0 $0x3  }
0x2f: {  	_ =	swait.ge @!p0 [sflag:s2], $0x80  }
0x30: {  	[sflag:s2] =	ssyncset.done @!p0 $0x0  }
0x31: {  	s30 =	simm.s32 @!p0 $0xA180;
	s0 =	sadd.s32 @!p0 s4, s0;
	[sflag:s2] =	ssyncadd.s32 @!p0 $0xFFFFFF80  }
0x32: {  	[tilespmem:s30], [sflag:$0x3] =	stream.linear.gather @!p0 [hbm4b:s0+s17], $0x80, $0x38;
	[tilespmem:$0x14200] =	vst v63  }
0x33: {  	_ =	swait.ge @!p0 [sflag:s2], $0x80  }
0x34: {  	[sflag:s2] =	ssyncset.done @!p0 $0x0  }
0x35: {  	s0 =	simm.s32 @!p0 $0x80;
	[sflag:s2] =	ssyncadd.s32 @!p0 $0xFFFFFF80;
	s2 =	simm.s32 @!p0 $0xA200  }
0x36: {  	[tilespmem:s2], [sflag:$0x2] =	stream.indirect.gather @!p0 [hbm4b:s5+s0], $0x80, s18, s0, $0xb8;
	[tilespmem:$0x14200] =	vst v63  }
0x37: {  	s29 =	sadd.s32 $0x1, s29;
	s2 =	simm.s32 @!p0 $0xE200  }
0x38: {  	[tilespmem:s2], [sflag:$0x2] =	stream.indirect.gather @!p0 [hbm4b:s5+s0], $0x80, s30, s0, $0xb8;
	[tilespmem:$0x14200] =	vst v63  }
0x39: {  	p0 =	sne.s32 s29, $0x14  }
.Ltmp3:
0x3a: {  	_ = 	snop;
	(pc) =	sbr.rel @!p0 .LBB2_9-.Ltmp3, $1  }
0x3b: {  	_ =	sdelay $0x3  }
.LBB2_2:
0x3c: {  	_ =	swait.ge [sflag:s23], $0x4000  }
0x3d: {  	[sflag:s23] =	ssyncset.done $0x0  }
0x3e: {  	[sflag:s23] =	ssyncadd.s32 $0xFFFFC000  }
0x3f: {  	_ =	swait.ge [sflag:s23], $0x4000  }
0x40: {  	[sflag:s23] =	ssyncset.done $0x0  }
0x41: {  	s0 =	simm.s32 $0x0;
	[sflag:s23] =	ssyncadd.s32 $0xFFFFC000  }
0x42: {  	v0 =	vld [tilespmem:s0+$0x170]  }
0x43: {  	v1 =	vld [tilespmem:s0+$0x4170]  }
0x44: {  	v2 =	vld [tilespmem:s0+$0x2170]  }
0x45: {  	v3 =	vld [tilespmem:s0+$0x6170]  }
0x46: {  	v4 =	vld [tilespmem:s0+$0x100]  }
0x47: {  	v5 =	vld [tilespmem:s0+$0x4100]  }
0x48: {  	v6 =	vld [tilespmem:s0+$0x2100]  }
0x49: {  	v7 =	vld [tilespmem:s0+$0x6100];
	v0 =	vshll.u32 v0, $0x10  }
0x4a: {  	v8 =	vld [tilespmem:s0+$0x110];
	v1 =	vand.u32 $0xFFFF0000, v1;
	v2 =	vshll.u32 v2, $0x10;
	v3 =	vand.u32 $0xFFFF0000, v3  }
0x4b: {  	v0 =	vadd.f32 v1, v0;
	v1 =	vadd.f32 v3, v2;
	v2 =	vld [tilespmem:s0+$0x2110]  }
0x4c: {  	v4 =	vshll.u32 v4, $0x10;
	v3 =	vld [tilespmem:s0+$0x6110]  }
0x4d: {  	v9 =	vld [tilespmem:s0+$0x4110];
	v5 =	vand.u32 $0xFFFF0000, v5;
	v0 =	vadd.s32 $0x8000, v0;
	v1 =	vadd.s32 $0x8000, v1  }
0x4e: {  	v10 =	vld [tilespmem:s0+$0x120];
	v4 =	vadd.f32 v5, v4;
	v0 =	vshrl.u32 v0, $0x10;
	v1 =	vand.u32 $0xFFFF0000, v1  }
0x4f: {  	v5 =	vld [tilespmem:s0+$0x6120];
	v0 =	vor.u32 v0, v1  }
0x50: {  	v11 =	vld [tilespmem:s0+$0x4120];
	v4 =	vadd.s32 $0x8000, v4;
	[tilespmem:s0+$0x8170] =	vst v0;
	v0 =	vshll.u32 v6, $0x10;
	v6 =	vand.u32 $0xFFFF0000, v7  }
0x51: {  	v1 =	vld [tilespmem:s0+$0x2120];
	v7 =	vshll.u32 v8, $0x10;
	v2 =	vshll.u32 v2, $0x10;
	v3 =	vand.u32 $0xFFFF0000, v3  }
0x52: {  	v8 =	vld [tilespmem:s0+$0x130];
	v0 =	vadd.f32 v6, v0;
	v6 =	vand.u32 $0xFFFF0000, v9;
	v2 =	vadd.f32 v3, v2  }
0x53: {  	v4 =	vshrl.u32 v4, $0x10;
	v9 =	vld [tilespmem:s0+$0x2130];
	v6 =	vadd.f32 v6, v7  }
0x54: {  	v5 =	vand.u32 $0xFFFF0000, v5;
	v3 =	vld [tilespmem:s0+$0x6130];
	v0 =	vadd.s32 $0x8000, v0;
	v2 =	vadd.s32 $0x8000, v2  }
0x55: {  	v7 =	vld [tilespmem:s0+$0x4130];
	v0 =	vand.u32 $0xFFFF0000, v0;
	v6 =	vadd.s32 $0x8000, v6;
	v2 =	vand.u32 $0xFFFF0000, v2  }
0x56: {  	v1 =	vshll.u32 v1, $0x10;
	v0 =	vor.u32 v4, v0;
	v4 =	vld [tilespmem:s0+$0x140];
	v6 =	vshrl.u32 v6, $0x10  }
0x57: {  	[tilespmem:s0+$0x8100] =	vst v0;
	v0 =	vshll.u32 v10, $0x10;
	v10 =	vand.u32 $0xFFFF0000, v11;
	v2 =	vor.u32 v6, v2;
	v6 =	vld [tilespmem:s0+$0x2140]  }
0x58: {  	v1 =	vadd.f32 v5, v1;
	v0 =	vadd.f32 v10, v0;
	v10 =	vld [tilespmem:s0+$0x4140]  }
0x59: {  	v5 =	vshll.u32 v8, $0x10;
	v9 =	vshll.u32 v9, $0x10;
	v3 =	vand.u32 $0xFFFF0000, v3;
	[tilespmem:s0+$0x8110] =	vst v2;
	v2 =	vld [tilespmem:s0+$0x6140]  }
0x5a: {  	v8 =	vld [tilespmem:s0+$0x150];
	v7 =	vand.u32 $0xFFFF0000, v7;
	v1 =	vadd.s32 $0x8000, v1;
	v0 =	vadd.s32 $0x8000, v0  }
0x5b: {  	v5 =	vadd.f32 v7, v5;
	v1 =	vand.u32 $0xFFFF0000, v1;
	v7 =	vld [tilespmem:s0+$0x4150];
	v0 =	vshrl.u32 v0, $0x10  }
0x5c: {  	v0 =	vor.u32 v0, v1;
	v1 =	vadd.f32 v3, v9  }
0x5d: {  	v11 =	vld [tilespmem:s0+$0x2150];
	v3 =	vshll.u32 v4, $0x10;
	v6 =	vshll.u32 v6, $0x10;
	[tilespmem:s0+$0x8120] =	vst v0;
	v0 =	vadd.s32 $0x8000, v5  }
0x5e: {  	v4 =	vand.u32 $0xFFFF0000, v10;
	v5 =	vld [tilespmem:s0+$0x6150];
	v2 =	vand.u32 $0xFFFF0000, v2;
	v0 =	vshrl.u32 v0, $0x10  }
0x5f: {  	v1 =	vadd.s32 $0x8000, v1;
	v3 =	vadd.f32 v4, v3;
	v4 =	vld [tilespmem:s0+$0x160];
	v2 =	vadd.f32 v2, v6  }
0x60: {  	v10 =	vld [tilespmem:s0+$0x4160];
	v6 =	vshll.u32 v8, $0x10;
	v7 =	vand.u32 $0xFFFF0000, v7;
	v1 =	vand.u32 $0xFFFF0000, v1  }
0x61: {  	v6 =	vadd.f32 v7, v6;
	v1 =	vor.u32 v0, v1;
	v0 =	vld [tilespmem:s0+$0x2160];
	v3 =	vadd.s32 $0x8000, v3  }
0x62: {  	s2 =	simm.s32 $0x80;
	v7 =	vshll.u32 v11, $0x10;
	[tilespmem:s0+$0x8130] =	vst v1;
	v8 =	vshrl.u32 v3, $0x10;
	v1 =	vld [tilespmem:s0+$0x6160]  }
0x63: {  	v3 =	vadd.s32 $0x8000, v2;
	v6 =	vadd.s32 $0x8000, v6;
	v2 =	vld [tilespmem:s2+$0x170];
	v5 =	vand.u32 $0xFFFF0000, v5  }
0x64: {  	s30 =	sshll.u32 s29, $0x6;
	v9 =	vand.u32 $0xFFFF0000, v3;
	v3 =	vld [tilespmem:s2+$0x4170];
	v7 =	vadd.f32 v5, v7;
	v5 =	vshll.u32 v4, $0x10  }
0x65: {  	s17 =	simm.s32 $0x400;
	s31 =	sor.u32 s6, s30;
	v4 =	vld [tilespmem:s2+$0x2170];
	v9 =	vor.u32 v8, v9;
	v8 =	vshrl.u32 v6, $0x10;
	v6 =	vand.u32 $0xFFFF0000, v10  }
.LBB2_3:
0x66: {  	p0 =	sne.s32 s17, $0x7E00;
	v10 =	vld [tilespmem:s2+$0x6170];
	[tilespmem:s0+$0x8140] =	vst v9;
	v7 =	vadd.s32 $0x8000, v7;
	v5 =	vadd.f32 v6, v5;
	v0 =	vshll.u32 v0, $0x10  }
0x67: {  	v6 =	vld [tilespmem:s2+$0x100];
	v7 =	vand.u32 $0xFFFF0000, v7;
	v1 =	vand.u32 $0xFFFF0000, v1  }
0x68: {  	v9 =	vld [tilespmem:s2+$0x4100];
	v7 =	vor.u32 v8, v7;
	v0 =	vadd.f32 v1, v0;
	v1 =	vadd.s32 $0x8000, v5  }
0x69: {  	v5 =	vld [tilespmem:s2+$0x2100];
	[tilespmem:s0+$0x8150] =	vst v7;
	v1 =	vshrl.u32 v1, $0x10  }
0x6a: {  	v2 =	vshll.u32 v2, $0x10;
	v7 =	vld [tilespmem:s2+$0x6100];
	v0 =	vadd.s32 $0x8000, v0  }
0x6b: {  	v3 =	vand.u32 $0xFFFF0000, v3;
	v4 =	vshll.u32 v4, $0x10;
	v8 =	vld [tilespmem:s2+$0x110];
	v10 =	vand.u32 $0xFFFF0000, v10  }
0x6c: {  	v2 =	vadd.f32 v3, v2;
	v6 =	vshll.u32 v6, $0x10;
	v11 =	vld [tilespmem:s2+$0x4110];
	v3 =	vadd.f32 v10, v4  }
0x6d: {  	v0 =	vand.u32 $0xFFFF0000, v0;
	v4 =	vand.u32 $0xFFFF0000, v9;
	v9 =	vld [tilespmem:s2+$0x2110]  }
0x6e: {  	v2 =	vadd.s32 $0x8000, v2;
	v5 =	vshll.u32 v5, $0x10;
	v10 =	vld [tilespmem:s2+$0x6110];
	v3 =	vadd.s32 $0x8000, v3  }
0x6f: {  	v2 =	vshrl.u32 v2, $0x10;
	v7 =	vand.u32 $0xFFFF0000, v7;
	v12 =	vld [tilespmem:s2+$0x120];
	v3 =	vand.u32 $0xFFFF0000, v3  }
0x70: {  	v4 =	vadd.f32 v4, v6;
	v6 =	vshll.u32 v8, $0x10;
	v8 =	vld [tilespmem:s2+$0x4120];
	v2 =	vor.u32 v2, v3  }
0x71: {  	v0 =	vor.u32 v1, v0;
	v3 =	vadd.f32 v7, v5;
	v5 =	vand.u32 $0xFFFF0000, v11;
	v7 =	vld [tilespmem:s2+$0x2120];
	[tilespmem:s2+$0x8170] =	vst v2  }
0x72: {  	v1 =	vadd.s32 $0x8000, v4;
	v2 =	vadd.f32 v5, v6;
	v4 =	vshll.u32 v9, $0x10;
	v5 =	vld [tilespmem:s2+$0x6120];
	[tilespmem:s0+$0x8160] =	vst v0;
	s0 =	smov.u32 s2  }
0x73: {  	v0 =	vshrl.u32 v1, $0x10;
	v1 =	vadd.s32 $0x8000, v3;
	v3 =	vand.u32 $0xFFFF0000, v10;
	v6 =	vld [tilespmem:s0+$0x130]  }
0x74: {  	v3 =	vadd.f32 v3, v4;
	v2 =	vadd.s32 $0x8000, v2;
	v4 =	vshll.u32 v12, $0x10;
	v9 =	vld [tilespmem:s0+$0x4130]  }
0x75: {  	v1 =	vand.u32 $0xFFFF0000, v1;
	v2 =	vshrl.u32 v2, $0x10;
	v8 =	vand.u32 $0xFFFF0000, v8;
	v10 =	vld [tilespmem:s0+$0x2130]  }
0x76: {  	v3 =	vadd.s32 $0x8000, v3;
	v4 =	vadd.f32 v8, v4;
	v7 =	vshll.u32 v7, $0x10;
	v8 =	vld [tilespmem:s0+$0x6130]  }
0x77: {  	v0 =	vor.u32 v0, v1;
	v1 =	vand.u32 $0xFFFF0000, v3;
	v3 =	vand.u32 $0xFFFF0000, v5;
	v5 =	vld [tilespmem:s0+$0x140]  }
0x78: {  	[tilespmem:s0+$0x8100] =	vst v0;
	v0 =	vadd.f32 v3, v7;
	v3 =	vadd.s32 $0x8000, v4;
	v4 =	vshll.u32 v6, $0x10;
	v6 =	vld [tilespmem:s0+$0x4140]  }
0x79: {  	v1 =	vor.u32 v2, v1;
	v2 =	vshrl.u32 v3, $0x10;
	v3 =	vand.u32 $0xFFFF0000, v9;
	v7 =	vld [tilespmem:s0+$0x2140]  }
0x7a: {  	[tilespmem:s0+$0x8110] =	vst v1;
	v0 =	vadd.s32 $0x8000, v0;
	v1 =	vadd.f32 v3, v4;
	v3 =	vshll.u32 v10, $0x10;
	v4 =	vld [tilespmem:s0+$0x6140]  }
0x7b: {  	v0 =	vand.u32 $0xFFFF0000, v0;
	v8 =	vand.u32 $0xFFFF0000, v8;
	v9 =	vld [tilespmem:s0+$0x150]  }
0x7c: {  	v3 =	vadd.f32 v8, v3;
	v1 =	vadd.s32 $0x8000, v1;
	v5 =	vshll.u32 v5, $0x10;
	v8 =	vld [tilespmem:s0+$0x4150]  }
0x7d: {  	v0 =	vor.u32 v2, v0;
	v1 =	vshrl.u32 v1, $0x10;
	v2 =	vand.u32 $0xFFFF0000, v6;
	v6 =	vld [tilespmem:s0+$0x2150]  }
0x7e: {  	[tilespmem:s0+$0x8120] =	vst v0;
	v0 =	vadd.s32 $0x8000, v3;
	v2 =	vadd.f32 v2, v5;
	v3 =	vshll.u32 v7, $0x10;
	v5 =	vld [tilespmem:s0+$0x6150]  }
0x7f: {  	v0 =	vand.u32 $0xFFFF0000, v0;
	v4 =	vand.u32 $0xFFFF0000, v4;
	v10 =	vld [tilespmem:s0+$0x160]  }
0x80: {  	v3 =	vadd.f32 v4, v3;
	v2 =	vadd.s32 $0x8000, v2;
	v4 =	vshll.u32 v9, $0x10;
	v11 =	vld [tilespmem:s0+$0x4160]  }
.Ltmp4:
0x81: {  	v1 =	vor.u32 v1, v0;
	v9 =	vshrl.u32 v2, $0x10;
	v2 =	vand.u32 $0xFFFF0000, v8;
	v0 =	vld [tilespmem:s0+$0x2160];
	(pc) =	sbr.rel @p0 .LBB2_3-.Ltmp4, $4  }
0x82: {  	s2 =	sshra.s32 s17, $0x2;
	[tilespmem:s0+$0x8130] =	vst v1;
	v3 =	vadd.s32 $0x8000, v3;
	v4 =	vadd.f32 v2, v4;
	v6 =	vshll.u32 v6, $0x10;
	v1 =	vld [tilespmem:s0+$0x6160]  }
0x83: {  	v2 =	vld [tilespmem:s2+$0x170];
	v8 =	vand.u32 $0xFFFF0000, v3;
	v5 =	vand.u32 $0xFFFF0000, v5  }
0x84: {  	v3 =	vld [tilespmem:s2+$0x4170];
	v7 =	vadd.f32 v5, v6;
	v6 =	vadd.s32 $0x8000, v4;
	v5 =	vshll.u32 v10, $0x10  }
0x85: {  	s17 =	sadd.s32 $0x200, s17;
	v9 =	vor.u32 v9, v8;
	v4 =	vld [tilespmem:s2+$0x2170];
	v8 =	vshrl.u32 v6, $0x10;
	v6 =	vand.u32 $0xFFFF0000, v11  }
0x86: {  	v10 =	vld [tilespmem:s2+$0x6170];
	[tilespmem:s0+$0x8140] =	vst v9;
	v7 =	vadd.s32 $0x8000, v7  }
0x87: {  	v9 =	vld [tilespmem:s2+$0x100];
	v7 =	vand.u32 $0xFFFF0000, v7  }
0x88: {  	v11 =	vld [tilespmem:s2+$0x4100];
	v7 =	vor.u32 v8, v7  }
0x89: {  	v20 =	vld [tilespmem:s2+$0x2100];
	[tilespmem:s0+$0x8150] =	vst v7  }
0x8a: {  	v5 =	vadd.f32 v6, v5;
	v0 =	vshll.u32 v0, $0x10;
	v2 =	vshll.u32 v2, $0x10;
	v7 =	vld [tilespmem:s2+$0x6100]  }
0x8b: {  	v3 =	vand.u32 $0xFFFF0000, v3;
	v12 =	vld [tilespmem:s2+$0x110];
	v4 =	vshll.u32 v4, $0x10;
	v10 =	vand.u32 $0xFFFF0000, v10  }
0x8c: {  	v1 =	vand.u32 $0xFFFF0000, v1;
	v13 =	vld [tilespmem:s2+$0x4110];
	v2 =	vadd.f32 v3, v2;
	v21 =	vadd.f32 v10, v4  }
0x8d: {  	v0 =	vadd.f32 v1, v0;
	v22 =	vld [tilespmem:s2+$0x2110]  }
0x8e: {  	v5 =	vadd.s32 $0x8000, v5;
	v23 =	vld [tilespmem:s2+$0x6110];
	v24 =	vadd.s32 $0x8000, v2;
	v25 =	vadd.s32 $0x8000, v21  }
0x8f: {  	v26 =	vld [tilespmem:s2+$0x120];
	v0 =	vadd.s32 $0x8000, v0;
	v1 =	vshrl.u32 v24, $0x10;
	v2 =	vand.u32 $0xFFFF0000, v25  }
0x90: {  	v29 =	vshrl.u32 v5, $0x10;
	v27 =	vld [tilespmem:s2+$0x4120];
	v0 =	vand.u32 $0xFFFF0000, v0;
	v1 =	vor.u32 v1, v2  }
0x91: {  	v28 =	vld [tilespmem:s2+$0x2120];
	v0 =	vor.u32 v29, v0;
	[tilespmem:s2+$0x8170] =	vst v1  }
0x92: {  	v32 =	vld [tilespmem:s2+$0x6120];
	[tilespmem:s0+$0x8160] =	vst v0  }
0x93: {  	v35 =	vld [tilespmem:s2+$0x130]  }
0x94: {  	v30 =	vshll.u32 v9, $0x10;
	v31 =	vand.u32 $0xFFFF0000, v11;
	v36 =	vld [tilespmem:s2+$0x4130]  }
0x95: {  	v8 =	vshll.u32 v20, $0x10;
	v5 =	vadd.f32 v31, v30;
	v37 =	vld [tilespmem:s2+$0x2130]  }
0x96: {  	v7 =	vand.u32 $0xFFFF0000, v7;
	v33 =	vshll.u32 v12, $0x10;
	v34 =	vand.u32 $0xFFFF0000, v13;
	v39 =	vld [tilespmem:s2+$0x6130]  }
0x97: {  	v5 =	vadd.s32 $0x8000, v5;
	v4 =	vshll.u32 v22, $0x10;
	v6 =	vand.u32 $0xFFFF0000, v23;
	v40 =	vld [tilespmem:s2+$0x140]  }
0x98: {  	v3 =	vshll.u32 v26, $0x10;
	v41 =	vand.u32 $0xFFFF0000, v27;
	v7 =	vadd.f32 v7, v8;
	v42 =	vld [tilespmem:s2+$0x4140]  }
0x99: {  	v5 =	vshrl.u32 v5, $0x10;
	v4 =	vadd.f32 v6, v4;
	v2 =	vshll.u32 v28, $0x10;
	v43 =	vld [tilespmem:s2+$0x2140]  }
0x9a: {  	v3 =	vadd.f32 v41, v3;
	v1 =	vand.u32 $0xFFFF0000, v32;
	v0 =	vadd.f32 v34, v33;
	v44 =	vld [tilespmem:s2+$0x6140]  }
0x9b: {  	v7 =	vadd.s32 $0x8000, v7;
	v4 =	vadd.s32 $0x8000, v4;
	v1 =	vadd.f32 v1, v2;
	v47 =	vld [tilespmem:s2+$0x150]  }
0x9c: {  	v45 =	vadd.s32 $0x8000, v3;
	v38 =	vand.u32 $0xFFFF0000, v7;
	v4 =	vand.u32 $0xFFFF0000, v4;
	v48 =	vld [tilespmem:s2+$0x4150]  }
0x9d: {  	v2 =	vshrl.u32 v45, $0x10;
	v49 =	vld [tilespmem:s2+$0x2150];
	v0 =	vadd.s32 $0x8000, v0;
	v1 =	vadd.s32 $0x8000, v1  }
0x9e: {  	v50 =	vld [tilespmem:s2+$0x6150];
	v5 =	vor.u32 v5, v38;
	v0 =	vshrl.u32 v0, $0x10;
	v1 =	vand.u32 $0xFFFF0000, v1  }
0x9f: {  	v51 =	vld [tilespmem:s2+$0x160];
	v0 =	vor.u32 v0, v4;
	v1 =	vor.u32 v2, v1;
	v46 =	vshll.u32 v35, $0x10  }
0xa0: {  	v52 =	vld [tilespmem:s2+$0x4160];
	v8 =	vand.u32 $0xFFFF0000, v36;
	v11 =	vshll.u32 v37, $0x10;
	v7 =	vand.u32 $0xFFFF0000, v39  }
0xa1: {  	[tilespmem:s2+$0x8100] =	vst v5;
	v6 =	vshll.u32 v40, $0x10;
	v10 =	vand.u32 $0xFFFF0000, v42;
	v4 =	vshll.u32 v43, $0x10  }
0xa2: {  	[tilespmem:s2+$0x8110] =	vst v0;
	v0 =	vand.u32 $0xFFFF0000, v44;
	v5 =	vshll.u32 v47, $0x10;
	v56 =	vand.u32 $0xFFFF0000, v48  }
0xa3: {  	v53 =	vld [tilespmem:s2+$0x2160];
	[tilespmem:s2+$0x8120] =	vst v1;
	v2 =	vshll.u32 v49, $0x10;
	v1 =	vand.u32 $0xFFFF0000, v50;
	v3 =	vadd.f32 v8, v46  }
0xa4: {  	v54 =	vld [tilespmem:s2+$0x6160];
	v57 =	vshll.u32 v51, $0x10;
	v7 =	vadd.f32 v7, v11;
	v6 =	vadd.f32 v10, v6  }
0xa5: {  	v58 =	vand.u32 $0xFFFF0000, v52;
	v0 =	vadd.f32 v0, v4;
	v5 =	vadd.f32 v56, v5  }
0xa6: {  	v1 =	vadd.f32 v1, v2;
	v3 =	vadd.s32 $0x8000, v3;
	v7 =	vadd.s32 $0x8000, v7  }
0xa7: {  	v2 =	vadd.f32 v58, v57;
	v3 =	vshrl.u32 v3, $0x10;
	v7 =	vand.u32 $0xFFFF0000, v7  }
0xa8: {  	v55 =	vadd.s32 $0x8000, v6;
	v0 =	vadd.s32 $0x8000, v0;
	v3 =	vor.u32 v3, v7  }
0xa9: {  	v5 =	vadd.s32 $0x8000, v5;
	v7 =	vshll.u32 v53, $0x10;
	[tilespmem:s2+$0x8130] =	vst v3;
	v3 =	vand.u32 $0xFFFF0000, v54  }
0xaa: {  	v1 =	vadd.s32 $0x8000, v1;
	v2 =	vadd.s32 $0x8000, v2;
	v3 =	vadd.f32 v3, v7  }
0xab: {  	v4 =	vshrl.u32 v55, $0x10;
	v0 =	vand.u32 $0xFFFF0000, v0;
	v59 =	vshrl.u32 v5, $0x10  }
0xac: {  	v1 =	vand.u32 $0xFFFF0000, v1;
	v0 =	vor.u32 v4, v0;
	v3 =	vadd.s32 $0x8000, v3  }
0xad: {  	v61 =	vshrl.u32 v2, $0x10;
	v60 =	vor.u32 v59, v1;
	[tilespmem:s2+$0x8140] =	vst v0;
	v62 =	vand.u32 $0xFFFF0000, v3  }
0xae: {  	s18 =	sshll.u32 s31, $0xA;
	[tilespmem:s2+$0x8150] =	vst v60;
	v63 =	vor.u32 v61, v62  }
0xaf: {  	s0 =	sadd.s32 s7, s18;
	[tilespmem:s2+$0x8160] =	vst v63  }
0xb0: {  	[hbm4b:s0+s3] =	stream.linear.scatter [tilespmem:s24], [sflag:$0x3], $0x2000, $0x38;
	[tilespmem:$0x14200] =	vst v63  }
0xb1: {  	s0 =	sadd.s32 s12, s30  }
0xb2: {  	_ =	swait.ge [sflag:s15], $0x2000;
	p0 =	sgt.u32 s0, $0x4E1  }
0xb3: {  	[sflag:s15] =	ssyncset.done $0x0;
	s0 =	sshll.u32 @!p0 s0, $0x4  }
0xb4: {  	s17 =	simm.s32 @!p0 $0x0;
	[sflag:s15] =	ssyncadd.s32 $0xFFFFE000;
	s2 =	sadd.s32 @!p0 s1, s0  }
0xb5: {  	[tilespmem:s17], [sflag:$0x3] =	stream.linear.gather @!p0 [hbm4b:s2+s17], $0x80, $0x38;
	[tilespmem:$0x14200] =	vst v63  }
0xb6: {  	s2 =	simm.s32 @!p0 $0x3  }
0xb7: {  	_ =	swait.ge @!p0 [sflag:s2], $0x80  }
0xb8: {  	[sflag:s2] =	ssyncset.done @!p0 $0x0  }
0xb9: {  	s18 =	simm.s32 @!p0 $0x80;
	s0 =	sadd.s32 @!p0 s4, s0;
	[sflag:s2] =	ssyncadd.s32 @!p0 $0xFFFFFF80  }
0xba: {  	[tilespmem:s18], [sflag:$0x3] =	stream.linear.gather @!p0 [hbm4b:s0+s17], $0x80, $0x38;
	[tilespmem:$0x14200] =	vst v63  }
0xbb: {  	_ =	swait.ge @!p0 [sflag:s2], $0x80  }
0xbc: {  	[sflag:s2] =	ssyncset.done @!p0 $0x0  }
0xbd: {  	s0 =	simm.s32 @!p0 $0x100;
	[sflag:s2] =	ssyncadd.s32 @!p0 $0xFFFFFF80  }
0xbe: {  	[tilespmem:s0], [sflag:$0x1] =	stream.indirect.gather @!p0 [hbm4b:s5+s18], $0x80, s17, s18, $0xb8;
	[tilespmem:$0x14200] =	vst v63  }
0xbf: {  	s31 =	sor.u32 $0x20, s31;
	s0 =	simm.s32 @!p0 $0x4100  }
0xc0: {  	[tilespmem:s0], [sflag:$0x1] =	stream.indirect.gather @!p0 [hbm4b:s5+s18], $0x80, s18, s18, $0xb8;
	[tilespmem:$0x14200] =	vst v63  }
0xc1: {  	p0 =	sgt.u32 s31, $0x4E1  }
.Ltmp5:
0xc2: {  	_ = 	snop;
	(pc) =	sbr.rel @p0 .LBB2_8-.Ltmp5, $1  }
0xc3: {  	_ =	sdelay $0x3  }
0xc4: {  	_ =	swait.ge [sflag:s25], $0x4000  }
0xc5: {  	[sflag:s25] =	ssyncset.done $0x0  }
0xc6: {  	[sflag:s25] =	ssyncadd.s32 $0xFFFFC000  }
0xc7: {  	_ =	swait.ge [sflag:s25], $0x4000  }
0xc8: {  	[sflag:s25] =	ssyncset.done $0x0  }
0xc9: {  	s0 =	simm.s32 $0x0;
	[sflag:s25] =	ssyncadd.s32 $0xFFFFC000  }
0xca: {  	v0 =	vld [tilespmem:s0+$0xA270]  }
0xcb: {  	v1 =	vld [tilespmem:s0+$0xE270]  }
0xcc: {  	v2 =	vld [tilespmem:s0+$0xC270]  }
0xcd: {  	v3 =	vld [tilespmem:s0+$0x10270]  }
0xce: {  	v4 =	vld [tilespmem:s0+$0xA200]  }
0xcf: {  	v5 =	vld [tilespmem:s0+$0xE200]  }
0xd0: {  	v6 =	vld [tilespmem:s0+$0xC200]  }
0xd1: {  	v7 =	vld [tilespmem:s0+$0x10200];
	v0 =	vshll.u32 v0, $0x10  }
0xd2: {  	v8 =	vld [tilespmem:s0+$0xA210];
	v1 =	vand.u32 $0xFFFF0000, v1;
	v2 =	vshll.u32 v2, $0x10;
	v3 =	vand.u32 $0xFFFF0000, v3  }
0xd3: {  	v0 =	vadd.f32 v1, v0;
	v1 =	vadd.f32 v3, v2;
	v2 =	vld [tilespmem:s0+$0xC210]  }
0xd4: {  	v4 =	vshll.u32 v4, $0x10;
	v3 =	vld [tilespmem:s0+$0x10210]  }
0xd5: {  	v9 =	vld [tilespmem:s0+$0xE210];
	v5 =	vand.u32 $0xFFFF0000, v5;
	v0 =	vadd.s32 $0x8000, v0;
	v1 =	vadd.s32 $0x8000, v1  }
0xd6: {  	v10 =	vld [tilespmem:s0+$0xA220];
	v4 =	vadd.f32 v5, v4;
	v0 =	vshrl.u32 v0, $0x10;
	v1 =	vand.u32 $0xFFFF0000, v1  }
0xd7: {  	v5 =	vld [tilespmem:s0+$0x10220];
	v0 =	vor.u32 v0, v1  }
0xd8: {  	v11 =	vld [tilespmem:s0+$0xE220];
	v4 =	vadd.s32 $0x8000, v4;
	[tilespmem:s0+$0x12270] =	vst v0;
	v0 =	vshll.u32 v6, $0x10;
	v6 =	vand.u32 $0xFFFF0000, v7  }
0xd9: {  	v1 =	vld [tilespmem:s0+$0xC220];
	v7 =	vshll.u32 v8, $0x10;
	v2 =	vshll.u32 v2, $0x10;
	v3 =	vand.u32 $0xFFFF0000, v3  }
0xda: {  	v8 =	vld [tilespmem:s0+$0xA230];
	v0 =	vadd.f32 v6, v0;
	v6 =	vand.u32 $0xFFFF0000, v9;
	v2 =	vadd.f32 v3, v2  }
0xdb: {  	v4 =	vshrl.u32 v4, $0x10;
	v9 =	vld [tilespmem:s0+$0xC230];
	v6 =	vadd.f32 v6, v7  }
0xdc: {  	v5 =	vand.u32 $0xFFFF0000, v5;
	v3 =	vld [tilespmem:s0+$0x10230];
	v0 =	vadd.s32 $0x8000, v0;
	v2 =	vadd.s32 $0x8000, v2  }
0xdd: {  	v7 =	vld [tilespmem:s0+$0xE230];
	v0 =	vand.u32 $0xFFFF0000, v0;
	v6 =	vadd.s32 $0x8000, v6;
	v2 =	vand.u32 $0xFFFF0000, v2  }
0xde: {  	v1 =	vshll.u32 v1, $0x10;
	v0 =	vor.u32 v4, v0;
	v4 =	vld [tilespmem:s0+$0xA240];
	v6 =	vshrl.u32 v6, $0x10  }
0xdf: {  	[tilespmem:s0+$0x12200] =	vst v0;
	v0 =	vshll.u32 v10, $0x10;
	v10 =	vand.u32 $0xFFFF0000, v11;
	v2 =	vor.u32 v6, v2;
	v6 =	vld [tilespmem:s0+$0xC240]  }
0xe0: {  	v1 =	vadd.f32 v5, v1;
	v0 =	vadd.f32 v10, v0;
	v10 =	vld [tilespmem:s0+$0xE240]  }
0xe1: {  	v5 =	vshll.u32 v8, $0x10;
	v9 =	vshll.u32 v9, $0x10;
	v3 =	vand.u32 $0xFFFF0000, v3;
	[tilespmem:s0+$0x12210] =	vst v2;
	v2 =	vld [tilespmem:s0+$0x10240]  }
0xe2: {  	v8 =	vld [tilespmem:s0+$0xA250];
	v7 =	vand.u32 $0xFFFF0000, v7;
	v1 =	vadd.s32 $0x8000, v1;
	v0 =	vadd.s32 $0x8000, v0  }
0xe3: {  	v5 =	vadd.f32 v7, v5;
	v1 =	vand.u32 $0xFFFF0000, v1;
	v7 =	vld [tilespmem:s0+$0xE250];
	v0 =	vshrl.u32 v0, $0x10  }
0xe4: {  	v0 =	vor.u32 v0, v1;
	v1 =	vadd.f32 v3, v9  }
0xe5: {  	v11 =	vld [tilespmem:s0+$0xC250];
	v3 =	vshll.u32 v4, $0x10;
	v6 =	vshll.u32 v6, $0x10;
	[tilespmem:s0+$0x12220] =	vst v0;
	v0 =	vadd.s32 $0x8000, v5  }
0xe6: {  	v4 =	vand.u32 $0xFFFF0000, v10;
	v5 =	vld [tilespmem:s0+$0x10250];
	v2 =	vand.u32 $0xFFFF0000, v2;
	v0 =	vshrl.u32 v0, $0x10  }
0xe7: {  	v1 =	vadd.s32 $0x8000, v1;
	v3 =	vadd.f32 v4, v3;
	v4 =	vld [tilespmem:s0+$0xA260];
	v2 =	vadd.f32 v2, v6  }
0xe8: {  	v10 =	vld [tilespmem:s0+$0xE260];
	v6 =	vshll.u32 v8, $0x10;
	v7 =	vand.u32 $0xFFFF0000, v7;
	v1 =	vand.u32 $0xFFFF0000, v1  }
0xe9: {  	v6 =	vadd.f32 v7, v6;
	v1 =	vor.u32 v0, v1;
	v0 =	vld [tilespmem:s0+$0xC260];
	v3 =	vadd.s32 $0x8000, v3  }
0xea: {  	s2 =	simm.s32 $0x80;
	v7 =	vshll.u32 v11, $0x10;
	[tilespmem:s0+$0x12230] =	vst v1;
	v8 =	vshrl.u32 v3, $0x10;
	v1 =	vld [tilespmem:s0+$0x10260]  }
0xeb: {  	v3 =	vadd.s32 $0x8000, v2;
	v6 =	vadd.s32 $0x8000, v6;
	v2 =	vld [tilespmem:s2+$0xA270];
	v5 =	vand.u32 $0xFFFF0000, v5  }
0xec: {  	v9 =	vand.u32 $0xFFFF0000, v3;
	v3 =	vld [tilespmem:s2+$0xE270];
	v7 =	vadd.f32 v5, v7;
	v5 =	vshll.u32 v4, $0x10  }
0xed: {  	s17 =	simm.s32 $0x400;
	v4 =	vld [tilespmem:s2+$0xC270];
	v9 =	vor.u32 v8, v9;
	v8 =	vshrl.u32 v6, $0x10;
	v6 =	vand.u32 $0xFFFF0000, v10  }
.LBB2_6:
0xee: {  	p0 =	sne.s32 s17, $0x7E00;
	v10 =	vld [tilespmem:s2+$0x10270];
	[tilespmem:s0+$0x12240] =	vst v9;
	v7 =	vadd.s32 $0x8000, v7;
	v5 =	vadd.f32 v6, v5;
	v0 =	vshll.u32 v0, $0x10  }
0xef: {  	v6 =	vld [tilespmem:s2+$0xA200];
	v7 =	vand.u32 $0xFFFF0000, v7;
	v1 =	vand.u32 $0xFFFF0000, v1  }
0xf0: {  	v9 =	vld [tilespmem:s2+$0xE200];
	v7 =	vor.u32 v8, v7;
	v0 =	vadd.f32 v1, v0;
	v1 =	vadd.s32 $0x8000, v5  }
0xf1: {  	v5 =	vld [tilespmem:s2+$0xC200];
	[tilespmem:s0+$0x12250] =	vst v7;
	v1 =	vshrl.u32 v1, $0x10  }
0xf2: {  	v2 =	vshll.u32 v2, $0x10;
	v7 =	vld [tilespmem:s2+$0x10200];
	v0 =	vadd.s32 $0x8000, v0  }
0xf3: {  	v3 =	vand.u32 $0xFFFF0000, v3;
	v4 =	vshll.u32 v4, $0x10;
	v8 =	vld [tilespmem:s2+$0xA210];
	v10 =	vand.u32 $0xFFFF0000, v10  }
0xf4: {  	v2 =	vadd.f32 v3, v2;
	v6 =	vshll.u32 v6, $0x10;
	v11 =	vld [tilespmem:s2+$0xE210];
	v3 =	vadd.f32 v10, v4  }
0xf5: {  	v0 =	vand.u32 $0xFFFF0000, v0;
	v4 =	vand.u32 $0xFFFF0000, v9;
	v9 =	vld [tilespmem:s2+$0xC210]  }
0xf6: {  	v2 =	vadd.s32 $0x8000, v2;
	v5 =	vshll.u32 v5, $0x10;
	v10 =	vld [tilespmem:s2+$0x10210];
	v3 =	vadd.s32 $0x8000, v3  }
0xf7: {  	v2 =	vshrl.u32 v2, $0x10;
	v7 =	vand.u32 $0xFFFF0000, v7;
	v12 =	vld [tilespmem:s2+$0xA220];
	v3 =	vand.u32 $0xFFFF0000, v3  }
0xf8: {  	v4 =	vadd.f32 v4, v6;
	v6 =	vshll.u32 v8, $0x10;
	v8 =	vld [tilespmem:s2+$0xE220];
	v2 =	vor.u32 v2, v3  }
0xf9: {  	v0 =	vor.u32 v1, v0;
	v3 =	vadd.f32 v7, v5;
	v5 =	vand.u32 $0xFFFF0000, v11;
	v7 =	vld [tilespmem:s2+$0xC220];
	[tilespmem:s2+$0x12270] =	vst v2  }
0xfa: {  	v1 =	vadd.s32 $0x8000, v4;
	v2 =	vadd.f32 v5, v6;
	v4 =	vshll.u32 v9, $0x10;
	v5 =	vld [tilespmem:s2+$0x10220];
	[tilespmem:s0+$0x12260] =	vst v0;
	s0 =	smov.u32 s2  }
0xfb: {  	v0 =	vshrl.u32 v1, $0x10;
	v1 =	vadd.s32 $0x8000, v3;
	v3 =	vand.u32 $0xFFFF0000, v10;
	v6 =	vld [tilespmem:s0+$0xA230]  }
0xfc: {  	v3 =	vadd.f32 v3, v4;
	v2 =	vadd.s32 $0x8000, v2;
	v4 =	vshll.u32 v12, $0x10;
	v9 =	vld [tilespmem:s0+$0xE230]  }
0xfd: {  	v1 =	vand.u32 $0xFFFF0000, v1;
	v2 =	vshrl.u32 v2, $0x10;
	v8 =	vand.u32 $0xFFFF0000, v8;
	v10 =	vld [tilespmem:s0+$0xC230]  }
0xfe: {  	v3 =	vadd.s32 $0x8000, v3;
	v4 =	vadd.f32 v8, v4;
	v7 =	vshll.u32 v7, $0x10;
	v8 =	vld [tilespmem:s0+$0x10230]  }
0xff: {  	v0 =	vor.u32 v0, v1;
	v1 =	vand.u32 $0xFFFF0000, v3;
	v3 =	vand.u32 $0xFFFF0000, v5;
	v5 =	vld [tilespmem:s0+$0xA240]  }
0x100: {  	[tilespmem:s0+$0x12200] =	vst v0;
	v0 =	vadd.f32 v3, v7;
	v3 =	vadd.s32 $0x8000, v4;
	v4 =	vshll.u32 v6, $0x10;
	v6 =	vld [tilespmem:s0+$0xE240]  }
0x101: {  	v1 =	vor.u32 v2, v1;
	v2 =	vshrl.u32 v3, $0x10;
	v3 =	vand.u32 $0xFFFF0000, v9;
	v7 =	vld [tilespmem:s0+$0xC240]  }
0x102: {  	[tilespmem:s0+$0x12210] =	vst v1;
	v0 =	vadd.s32 $0x8000, v0;
	v1 =	vadd.f32 v3, v4;
	v3 =	vshll.u32 v10, $0x10;
	v4 =	vld [tilespmem:s0+$0x10240]  }
0x103: {  	v0 =	vand.u32 $0xFFFF0000, v0;
	v8 =	vand.u32 $0xFFFF0000, v8;
	v9 =	vld [tilespmem:s0+$0xA250]  }
0x104: {  	v3 =	vadd.f32 v8, v3;
	v1 =	vadd.s32 $0x8000, v1;
	v5 =	vshll.u32 v5, $0x10;
	v8 =	vld [tilespmem:s0+$0xE250]  }
0x105: {  	v0 =	vor.u32 v2, v0;
	v1 =	vshrl.u32 v1, $0x10;
	v2 =	vand.u32 $0xFFFF0000, v6;
	v6 =	vld [tilespmem:s0+$0xC250]  }
0x106: {  	[tilespmem:s0+$0x12220] =	vst v0;
	v0 =	vadd.s32 $0x8000, v3;
	v2 =	vadd.f32 v2, v5;
	v3 =	vshll.u32 v7, $0x10;
	v5 =	vld [tilespmem:s0+$0x10250]  }
0x107: {  	v0 =	vand.u32 $0xFFFF0000, v0;
	v4 =	vand.u32 $0xFFFF0000, v4;
	v10 =	vld [tilespmem:s0+$0xA260]  }
0x108: {  	v3 =	vadd.f32 v4, v3;
	v2 =	vadd.s32 $0x8000, v2;
	v4 =	vshll.u32 v9, $0x10;
	v11 =	vld [tilespmem:s0+$0xE260]  }
.Ltmp6:
0x109: {  	v1 =	vor.u32 v1, v0;
	v9 =	vshrl.u32 v2, $0x10;
	v2 =	vand.u32 $0xFFFF0000, v8;
	v0 =	vld [tilespmem:s0+$0xC260];
	(pc) =	sbr.rel @p0 .LBB2_6-.Ltmp6, $4  }
0x10a: {  	s2 =	sshra.s32 s17, $0x2;
	[tilespmem:s0+$0x12230] =	vst v1;
	v3 =	vadd.s32 $0x8000, v3;
	v4 =	vadd.f32 v2, v4;
	v6 =	vshll.u32 v6, $0x10;
	v1 =	vld [tilespmem:s0+$0x10260]  }
0x10b: {  	v2 =	vld [tilespmem:s2+$0xA270];
	v8 =	vand.u32 $0xFFFF0000, v3;
	v5 =	vand.u32 $0xFFFF0000, v5  }
0x10c: {  	v3 =	vld [tilespmem:s2+$0xE270];
	v7 =	vadd.f32 v5, v6;
	v6 =	vadd.s32 $0x8000, v4;
	v5 =	vshll.u32 v10, $0x10  }
0x10d: {  	s17 =	sadd.s32 $0x200, s17;
	v9 =	vor.u32 v9, v8;
	v4 =	vld [tilespmem:s2+$0xC270];
	v8 =	vshrl.u32 v6, $0x10;
	v6 =	vand.u32 $0xFFFF0000, v11  }
0x10e: {  	v10 =	vld [tilespmem:s2+$0x10270];
	[tilespmem:s0+$0x12240] =	vst v9;
	v7 =	vadd.s32 $0x8000, v7  }
0x10f: {  	v9 =	vld [tilespmem:s2+$0xA200];
	v7 =	vand.u32 $0xFFFF0000, v7  }
0x110: {  	v11 =	vld [tilespmem:s2+$0xE200];
	v7 =	vor.u32 v8, v7  }
0x111: {  	v20 =	vld [tilespmem:s2+$0xC200];
	[tilespmem:s0+$0x12250] =	vst v7  }
0x112: {  	v5 =	vadd.f32 v6, v5;
	v0 =	vshll.u32 v0, $0x10;
	v2 =	vshll.u32 v2, $0x10;
	v7 =	vld [tilespmem:s2+$0x10200]  }
0x113: {  	v3 =	vand.u32 $0xFFFF0000, v3;
	v12 =	vld [tilespmem:s2+$0xA210];
	v4 =	vshll.u32 v4, $0x10;
	v10 =	vand.u32 $0xFFFF0000, v10  }
0x114: {  	v1 =	vand.u32 $0xFFFF0000, v1;
	v13 =	vld [tilespmem:s2+$0xE210];
	v2 =	vadd.f32 v3, v2;
	v21 =	vadd.f32 v10, v4  }
0x115: {  	v0 =	vadd.f32 v1, v0;
	v22 =	vld [tilespmem:s2+$0xC210]  }
0x116: {  	v5 =	vadd.s32 $0x8000, v5;
	v23 =	vld [tilespmem:s2+$0x10210];
	v24 =	vadd.s32 $0x8000, v2;
	v25 =	vadd.s32 $0x8000, v21  }
0x117: {  	v26 =	vld [tilespmem:s2+$0xA220];
	v0 =	vadd.s32 $0x8000, v0;
	v1 =	vshrl.u32 v24, $0x10;
	v2 =	vand.u32 $0xFFFF0000, v25  }
0x118: {  	v29 =	vshrl.u32 v5, $0x10;
	v27 =	vld [tilespmem:s2+$0xE220];
	v0 =	vand.u32 $0xFFFF0000, v0;
	v1 =	vor.u32 v1, v2  }
0x119: {  	v28 =	vld [tilespmem:s2+$0xC220];
	v0 =	vor.u32 v29, v0;
	[tilespmem:s2+$0x12270] =	vst v1  }
0x11a: {  	v32 =	vld [tilespmem:s2+$0x10220];
	[tilespmem:s0+$0x12260] =	vst v0  }
0x11b: {  	v35 =	vld [tilespmem:s2+$0xA230]  }
0x11c: {  	v30 =	vshll.u32 v9, $0x10;
	v31 =	vand.u32 $0xFFFF0000, v11;
	v36 =	vld [tilespmem:s2+$0xE230]  }
0x11d: {  	v8 =	vshll.u32 v20, $0x10;
	v5 =	vadd.f32 v31, v30;
	v37 =	vld [tilespmem:s2+$0xC230]  }
0x11e: {  	v7 =	vand.u32 $0xFFFF0000, v7;
	v33 =	vshll.u32 v12, $0x10;
	v34 =	vand.u32 $0xFFFF0000, v13;
	v39 =	vld [tilespmem:s2+$0x10230]  }
0x11f: {  	v5 =	vadd.s32 $0x8000, v5;
	v4 =	vshll.u32 v22, $0x10;
	v6 =	vand.u32 $0xFFFF0000, v23;
	v40 =	vld [tilespmem:s2+$0xA240]  }
0x120: {  	v3 =	vshll.u32 v26, $0x10;
	v41 =	vand.u32 $0xFFFF0000, v27;
	v7 =	vadd.f32 v7, v8;
	v42 =	vld [tilespmem:s2+$0xE240]  }
0x121: {  	v5 =	vshrl.u32 v5, $0x10;
	v4 =	vadd.f32 v6, v4;
	v2 =	vshll.u32 v28, $0x10;
	v43 =	vld [tilespmem:s2+$0xC240]  }
0x122: {  	v3 =	vadd.f32 v41, v3;
	v1 =	vand.u32 $0xFFFF0000, v32;
	v0 =	vadd.f32 v34, v33;
	v44 =	vld [tilespmem:s2+$0x10240]  }
0x123: {  	v7 =	vadd.s32 $0x8000, v7;
	v4 =	vadd.s32 $0x8000, v4;
	v1 =	vadd.f32 v1, v2;
	v47 =	vld [tilespmem:s2+$0xA250]  }
0x124: {  	v45 =	vadd.s32 $0x8000, v3;
	v38 =	vand.u32 $0xFFFF0000, v7;
	v4 =	vand.u32 $0xFFFF0000, v4;
	v48 =	vld [tilespmem:s2+$0xE250]  }
0x125: {  	v2 =	vshrl.u32 v45, $0x10;
	v49 =	vld [tilespmem:s2+$0xC250];
	v0 =	vadd.s32 $0x8000, v0;
	v1 =	vadd.s32 $0x8000, v1  }
0x126: {  	v50 =	vld [tilespmem:s2+$0x10250];
	v5 =	vor.u32 v5, v38;
	v0 =	vshrl.u32 v0, $0x10;
	v1 =	vand.u32 $0xFFFF0000, v1  }
0x127: {  	v51 =	vld [tilespmem:s2+$0xA260];
	v0 =	vor.u32 v0, v4;
	v1 =	vor.u32 v2, v1;
	v46 =	vshll.u32 v35, $0x10  }
0x128: {  	v52 =	vld [tilespmem:s2+$0xE260];
	v8 =	vand.u32 $0xFFFF0000, v36;
	v11 =	vshll.u32 v37, $0x10;
	v7 =	vand.u32 $0xFFFF0000, v39  }
0x129: {  	[tilespmem:s2+$0x12200] =	vst v5;
	v6 =	vshll.u32 v40, $0x10;
	v10 =	vand.u32 $0xFFFF0000, v42;
	v4 =	vshll.u32 v43, $0x10  }
0x12a: {  	[tilespmem:s2+$0x12210] =	vst v0;
	v0 =	vand.u32 $0xFFFF0000, v44;
	v5 =	vshll.u32 v47, $0x10;
	v56 =	vand.u32 $0xFFFF0000, v48  }
0x12b: {  	v53 =	vld [tilespmem:s2+$0xC260];
	[tilespmem:s2+$0x12220] =	vst v1;
	v2 =	vshll.u32 v49, $0x10;
	v1 =	vand.u32 $0xFFFF0000, v50;
	v3 =	vadd.f32 v8, v46  }
0x12c: {  	v54 =	vld [tilespmem:s2+$0x10260];
	v57 =	vshll.u32 v51, $0x10;
	v7 =	vadd.f32 v7, v11;
	v6 =	vadd.f32 v10, v6  }
0x12d: {  	v58 =	vand.u32 $0xFFFF0000, v52;
	v0 =	vadd.f32 v0, v4;
	v5 =	vadd.f32 v56, v5  }
0x12e: {  	v1 =	vadd.f32 v1, v2;
	v3 =	vadd.s32 $0x8000, v3;
	v7 =	vadd.s32 $0x8000, v7  }
0x12f: {  	v2 =	vadd.f32 v58, v57;
	v3 =	vshrl.u32 v3, $0x10;
	v7 =	vand.u32 $0xFFFF0000, v7  }
0x130: {  	v55 =	vadd.s32 $0x8000, v6;
	v0 =	vadd.s32 $0x8000, v0;
	v3 =	vor.u32 v3, v7  }
0x131: {  	v5 =	vadd.s32 $0x8000, v5;
	v7 =	vshll.u32 v53, $0x10;
	[tilespmem:s2+$0x12230] =	vst v3;
	v3 =	vand.u32 $0xFFFF0000, v54  }
0x132: {  	v1 =	vadd.s32 $0x8000, v1;
	v2 =	vadd.s32 $0x8000, v2;
	v3 =	vadd.f32 v3, v7  }
0x133: {  	v4 =	vshrl.u32 v55, $0x10;
	v0 =	vand.u32 $0xFFFF0000, v0;
	v59 =	vshrl.u32 v5, $0x10  }
0x134: {  	v1 =	vand.u32 $0xFFFF0000, v1;
	v0 =	vor.u32 v4, v0;
	v3 =	vadd.s32 $0x8000, v3  }
0x135: {  	v61 =	vshrl.u32 v2, $0x10;
	v60 =	vor.u32 v59, v1;
	[tilespmem:s2+$0x12240] =	vst v0;
	v62 =	vand.u32 $0xFFFF0000, v3  }
0x136: {  	s31 =	sshll.u32 s31, $0xA;
	[tilespmem:s2+$0x12250] =	vst v60;
	v63 =	vor.u32 v61, v62  }
.Ltmp7:
0x137: {  	s0 =	sadd.s32 s7, s31;
	[tilespmem:s2+$0x12260] =	vst v63;
	(pc) =	sbr.rel .LBB2_8-.Ltmp7, $4  }
0x138: {  	[hbm4b:s0+s3] =	stream.linear.scatter [tilespmem:s26], [sflag:$0x3], $0x2000, $0x38;
	[tilespmem:$0x14200] =	vst v63  }
0x139: {  	_ =	swait.ge [sflag:s15], $0x2000  }
0x13a: {  	[sflag:s15] =	ssyncset.done $0x0  }
0x13b: {  	[sflag:s15] =	ssyncadd.s32 $0xFFFFE000  }
.LBB2_10:
0x13c: {  	_ =	sfence.sel $0x180000  }
0x13d: {  	[bflag:$0x0] =	sbarrier.arrive $0xFFFF  }
0x13e: {  	_ =	strace $0x90000047  }
0x13f: {  	s0 =	stileid.u32;
	[bflag:$0x2] =	sbarrier.arrive $0xFFFF  }
0x140: {  	p0 =	sne.s32 s0, $0x0;
	s0 =	rddreg [dreg:$0x2]  }
0x141: {  	s0 =	sadd.s32 @!p0 $0x100000, s0  }
0x142: {  	[sflag:s0] =	ssyncadd.tile.s32 @!p0 $0x1;
	_ =	shalt  }
.Lfunc_end2:
_tile_overlayer_lowered:
.L_overlay_start_2:
0x143: {  	(tag) =	ssettag $0x2  }
0x144: {  	s0 =	rddreg [dreg:$0x0];
	s2 =	stileid.u32  }
0x145: {  	s1 =	rddreg [dreg:$0x1];
	p0 =	sne.s32 s2, $0x0  }
0x146: {  	s3 =	rddreg [dreg:$0x2];
	[bflag:$0x3] =	sbarrier.arrive $0xFFFF;
	s2 =	simm.s32 @!p0 $0x1C03  }
0x147: {  	[timem:s3], [sflag:s2] =	dma.local @!p0 [hbm:s0], s1  }
0x148: {  	s0 =	simm.s32 @!p0 $0x3  }
0x149: {  	_ =	swait.ge @!p0 [sflag:s0], s1  }
0x14a: {  	s1 =	ssub.s32 @!p0 $0x0, s1;
	[sflag:s0] =	ssyncset.done @!p0 $0x0  }
0x14b: {  	[sflag:s0] =	ssyncadd.s32 @!p0 s1  }
0x14c: {  	[bflag:$0x3] =	sbarrier.arrive $0xFFFF  }
0x14d: {  	_ =	shalt  }

</sc_bundles>
